<compile_context>
chip_gen: v7x
topology: tpu7x:2x2x1
jax: 0.10.2.dev20260603
libtpu: 0.0.44.dev20260713+nightly
codegen_flags: <defaults>
</compile_context>

<pallas_src>
import functools

import jax
import jax.numpy as jnp
from jax import lax
from jax.experimental import pallas as pl
from jax.experimental.pallas import tpu as pltpu
from jax.experimental.pallas import tpu_sc as plsc

EPS = 1e-8
NC, NS = 2, 16
NW = NC * NS
CHUNK = 128
PKW = 256
CNT_COL = 48

_f32 = jnp.float32


def _dot(a, b):
    return jnp.dot(a, b, preferred_element_type=_f32)


def _vnorm_sq(v3):
    vx, vy, vz = v3
    return jnp.clip(vx * vx + vy * vy + vz * vz, EPS, None)


def _vec_gate(v3):
    g = jax.nn.sigmoid(jnp.sqrt(_vnorm_sq(v3)))
    return [c * g for c in v3]


def _layernorm_sv(w, b, s, v3):
    mu = jnp.mean(s, axis=1, keepdims=True)
    var = jnp.mean((s - mu) * (s - mu), axis=1, keepdims=True)
    s = (s - mu) / jnp.sqrt(var + 1e-5) * w + b
    denom = jnp.sqrt(jnp.mean(_vnorm_sq(v3), axis=1, keepdims=True))
    return s, [c / denom for c in v3]



def _prep_input_wts(p):
    return (p['wh'].T, p['ws_w'][:, :6].T, p['ws_w'][:, 6:].T,
            p['ws_b'][None, :], p['wv'].T)


def _prep_edge_wts(c):
    p0, p1, p2 = c['msg0'], c['msg1'], c['msg2']
    wh, W = p0['wh'], p0['ws_w']
    return (wh[:, :16].T, wh[:, 16:17].T, wh[:, 17:].T,
            W[:, :128].T, W[:, 128:160].T, W[:, 160:288].T, W[:, 288:].T,
            p0['ws_b'][None, :], p0['wv'].T,
            p1['wh'].T, p1['ws_w'][:, :128].T, p1['ws_w'][:, 128:].T,
            p1['ws_b'][None, :], p1['wv'].T,
            p2['wh'].T, p2['ws_w'][:, :128].T, p2['ws_w'][:, 128:].T,
            p2['ws_b'][None, :], p2['wv'].T)


def _prep_node_wts(lp):
    f0, f1 = lp['ff0'], lp['ff1']
    return (lp['norm0']['w'][None, :], lp['norm0']['b'][None, :],
            f0['wh'].T, f0['ws_w'][:, :128].T, f0['ws_w'][:, 128:].T,
            f0['ws_b'][None, :], f0['wv'].T,
            f1['wh'].T, f1['ws_w'][:, :512].T, f1['ws_w'][:, 512:].T,
            f1['ws_b'][None, :], f1['wv'].T,
            lp['norm1']['w'][None, :], lp['norm1']['b'][None, :])



def _input_math(xs, xv3, wts):
    whT, wsAT, wsBT, b, wvT = wts
    vh = [_dot(c, whT) for c in xv3]
    vn = jnp.sqrt(_vnorm_sq(vh))
    s = jax.nn.relu(_dot(xs, wsAT) + _dot(vn, wsBT) + b)
    v = _vec_gate([_dot(c, wvT) for c in vh])
    return s, v


def _edge_math(sS, sD, eS, vS3, vD3, eV3, wts):
    (whAT, whB, whCT, W1T, W2T, W3T, W4T, b0, wv0T,
     wh1T, wsA1T, wsB1T, b1, wv1T,
     wh2T, wsA2T, wsB2T, b2, wv2T) = wts
    vh = [_dot(vS3[k], whAT) + eV3[k] * whB + _dot(vD3[k], whCT)
          for k in range(3)]
    vn = jnp.sqrt(_vnorm_sq(vh))
    s = _dot(sS, W1T) + _dot(eS, W2T) + _dot(sD, W3T) + _dot(vn, W4T) + b0
    s = jax.nn.relu(s)
    v = _vec_gate([_dot(c, wv0T) for c in vh])
    vh = [_dot(c, wh1T) for c in v]
    vn = jnp.sqrt(_vnorm_sq(vh))
    s = jax.nn.relu(_dot(s, wsA1T) + _dot(vn, wsB1T) + b1)
    v = _vec_gate([_dot(c, wv1T) for c in vh])
    vh = [_dot(c, wh2T) for c in v]
    vn = jnp.sqrt(_vnorm_sq(vh))
    s = _dot(s, wsA2T) + _dot(vn, wsB2T) + b2
    v = [_dot(c, wv2T) for c in vh]
    return s, v


def _node_math(s, v3, agg_s, agg_v, wts, fin):
    (n0w, n0b, wh0T, wsA0T, wsB0T, b0, wv0T,
     wh1T, wsA1T, wsB1T, b1, wv1T, n1w, n1b) = wts
    cnt = jnp.maximum(agg_v[:, CNT_COL:CNT_COL + 1], 1.0)
    s = s + agg_s / cnt
    v3 = [v3[k] + agg_v[:, 16 * k:16 * k + 16] / cnt for k in range(3)]
    s, v3 = _layernorm_sv(n0w, n0b, s, v3)
    vh = [_dot(c, wh0T) for c in v3]
    vn = jnp.sqrt(_vnorm_sq(vh))
    fs = jax.nn.relu(_dot(s, wsA0T) + _dot(vn, wsB0T) + b0)
    fv = _vec_gate([_dot(c, wv0T) for c in vh])
    vh = [_dot(c, wh1T) for c in fv]
    vn = jnp.sqrt(_vnorm_sq(vh))
    fs = _dot(fs, wsA1T) + _dot(vn, wsB1T) + b1
    fv = [_dot(c, wv1T) for c in vh]
    s, v3 = _layernorm_sv(n1w, n1b, s + fs, [v3[k] + fv[k] for k in range(3)])
    if fin is not None:
        s, v3 = _layernorm_sv(fin[0], fin[1], s, v3)
    return s, v3



def _full_spec(a):
    nd = a.ndim
    return pl.BlockSpec(a.shape, lambda i, _nd=nd: (0,) * _nd)


def _row_spec(nrows, ncols):
    return pl.BlockSpec((nrows, ncols), lambda i: (i, 0))


def _pack(s, v):
    pad = jnp.zeros((s.shape[0], PKW - 176), _f32)
    return jnp.concatenate([s] + v + [pad], axis=1)


def _call_input_tc(xs, xv9, wts):
    N = xs.shape[0]
    B = 2000
    nw = len(wts)

    def body(*refs):
        xs_r, xv_r = refs[0], refs[1]
        w = [r[...] for r in refs[2:2 + nw]]
        p_o = refs[2 + nw]
        xv3 = [xv_r[:, 3 * k:3 * k + 3] for k in range(3)]
        s, v = _input_math(xs_r[...], xv3, w)
        p_o[...] = _pack(s, v)

    return pl.pallas_call(
        body,
        grid=(N // B,),
        in_specs=[_row_spec(B, 6), _row_spec(B, 9)] + [_full_spec(w) for w in wts],
        out_specs=[_row_spec(B, PKW)],
        out_shape=[jax.ShapeDtypeStruct((N, PKW), _f32)],
    )(xs, xv9, *wts)[0]


def _call_edge_tc(A, B_, eS, eV3, wts):
    E = A.shape[0]
    B = 640
    nw = len(wts)

    def body(*refs):
        A_r, B_r, eS_r, eV_r = refs[:4]
        w = [r[...] for r in refs[4:4 + nw]]
        ms_o, mv_o = refs[4 + nw], refs[5 + nw]
        sS = A_r[:, :128]
        sD = B_r[:, :128]
        vS3 = [A_r[:, 128 + 16 * k:144 + 16 * k] for k in range(3)]
        vD3 = [B_r[:, 128 + 16 * k:144 + 16 * k] for k in range(3)]
        eV = [eV_r[:, k:k + 1] for k in range(3)]
        s, v = _edge_math(sS, sD, eS_r[...], vS3, vD3, eV, w)
        ones = jnp.ones((s.shape[0], 1), _f32)
        pad = jnp.zeros((s.shape[0], 128 - CNT_COL - 1), _f32)
        ms_o[...] = s
        mv_o[...] = jnp.concatenate(v + [ones, pad], axis=1)

    return pl.pallas_call(
        body,
        grid=(E // B,),
        in_specs=[_row_spec(B, PKW), _row_spec(B, PKW), _row_spec(B, 32),
                  _row_spec(B, 3)]
                 + [_full_spec(w) for w in wts],
        out_specs=[_row_spec(B, 128), _row_spec(B, 128)],
        out_shape=[jax.ShapeDtypeStruct((E, 128), _f32),
                   jax.ShapeDtypeStruct((E, 128), _f32)],
    )(A, B_, eS, eV3, *wts)


def _call_node_tc(pk, parts_s, parts_v, wts, fin):
    N = pk.shape[0]
    B = 2000
    nw = len(wts)
    fwts = list(fin) if fin is not None else []
    nf = len(fwts)

    def body(*refs):
        p_r, ps_r, pv_r = refs[:3]
        w = [r[...] for r in refs[3:3 + nw]]
        f = [r[...] for r in refs[3 + nw:3 + nw + nf]]
        p_o = refs[3 + nw + nf]
        s = p_r[:, :128]
        v3 = [p_r[:, 128 + 16 * k:144 + 16 * k] for k in range(3)]
        agg_s = ps_r[0] + ps_r[1]
        agg_v = pv_r[0] + pv_r[1]
        so, vo = _node_math(s, v3, agg_s, agg_v, w, f if nf else None)
        p_o[...] = _pack(so, vo)

    return pl.pallas_call(
        body,
        grid=(N // B,),
        in_specs=[_row_spec(B, PKW),
                  pl.BlockSpec((2, B, 128), lambda i: (0, i, 0)),
                  pl.BlockSpec((2, B, 128), lambda i: (0, i, 0))]
                 + [_full_spec(w) for w in list(wts) + fwts],
        out_specs=[_row_spec(B, PKW)],
        out_shape=[jax.ShapeDtypeStruct((N, PKW), _f32)],
    )(pk, parts_s, parts_v, *wts, *fwts)[0]



def _sc_mesh():
    return plsc.VectorSubcoreMesh(core_axis_name="c", subcore_axis_name="s",
                                  num_cores=NC, num_subcores=NS)


def _sub_rows(n_nodes, sid):
    per = (n_nodes // NS) // 8 * 8
    last = n_nodes - (NS - 1) * per
    return per, last


def _sc_gather(pk_tab, src, dst):
    E = src.shape[0]
    nfull = E // (NW * CHUNK)
    rem_chunks = (E - nfull * NW * CHUNK) // CHUNK

    @functools.partial(
        pl.kernel,
        out_type=(jax.ShapeDtypeStruct((E, PKW), _f32),
                  jax.ShapeDtypeStruct((E, PKW), _f32)),
        mesh=_sc_mesh(),
        scratch_types=[pltpu.VMEM((CHUNK,), jnp.int32),
                       pltpu.VMEM((CHUNK,), jnp.int32),
                       pltpu.VMEM((CHUNK, PKW), _f32),
                       pltpu.VMEM((CHUNK, PKW), _f32),
                       pltpu.SemaphoreType.DMA],
    )
    def gather_k(pk_hbm, src_hbm, dst_hbm, A_o, B_o,
                 idx_s, idx_d, buf_a, buf_b, sem):
        wid = lax.axis_index("s") * NC + lax.axis_index("c")

        def do_chunk(base):
            pltpu.sync_copy(src_hbm.at[pl.ds(base, CHUNK)], idx_s)
            pltpu.sync_copy(dst_hbm.at[pl.ds(base, CHUNK)], idx_d)
            d0 = pltpu.async_copy(pk_hbm.at[idx_s], buf_a, sem)
            d1 = pltpu.async_copy(pk_hbm.at[idx_d], buf_b, sem)
            d0.wait(); d1.wait()
            pltpu.sync_copy(buf_a, A_o.at[pl.ds(base, CHUNK)])
            pltpu.sync_copy(buf_b, B_o.at[pl.ds(base, CHUNK)])

        def loop_body(j, carry):
            do_chunk((j * NW + wid) * CHUNK)
            return carry

        lax.fori_loop(0, nfull, loop_body, 0)
        if rem_chunks:
            @pl.when(wid < rem_chunks)
            def _():
                do_chunk((nfull * NW + wid) * CHUNK)

    return gather_k(pk_tab, src, dst)


def _sc_scatter2(ms, mv, dst, zeros_blk, n_nodes):
    E = dst.shape[0]
    nfull = E // (NW * CHUNK)
    rem_chunks = (E - nfull * NW * CHUNK) // CHUNK
    per, last = _sub_rows(n_nodes, None)

    @functools.partial(
        pl.kernel,
        out_type=(jax.ShapeDtypeStruct((NC, n_nodes, 128), _f32),
                  jax.ShapeDtypeStruct((NC, n_nodes, 128), _f32)),
        mesh=_sc_mesh(),
        scratch_types=[pltpu.VMEM((CHUNK,), jnp.int32),
                       pltpu.VMEM((CHUNK, 128), _f32),
                       pltpu.VMEM_SHARED((n_nodes, 128), _f32),
                       pltpu.SemaphoreType.DMA],
    )
    def scatter_k(ms_hbm, mv_hbm, dst_hbm, zero_hbm, outs_hbm, outv_hbm,
                  idx_v, buf, acc, sem):
        cid = lax.axis_index("c")
        sid = lax.axis_index("s")
        wid = sid * NC + cid

        def my_rows(fn):
            @pl.when(sid < NS - 1)
            def _():
                fn(sid * per, per)

            @pl.when(sid == NS - 1)
            def _():
                fn(sid * per, last)

        def zero_own(lo, n):
            pltpu.sync_copy(zero_hbm.at[pl.ds(0, n)], acc.at[pl.ds(lo, n)])

        def scatter_pass(msg_hbm):
            def do_chunk(base):
                pltpu.sync_copy(dst_hbm.at[pl.ds(base, CHUNK)], idx_v)
                pltpu.sync_copy(msg_hbm.at[pl.ds(base, CHUNK)], buf)
                pltpu.sync_copy(buf, acc.at[idx_v], add=True)

            def loop_body(j, carry):
                do_chunk((j * NW + wid) * CHUNK)
                return carry

            lax.fori_loop(0, nfull, loop_body, 0)
            if rem_chunks:
                @pl.when(wid < rem_chunks)
                def _():
                    do_chunk((nfull * NW + wid) * CHUNK)

        my_rows(zero_own)
        plsc.subcore_barrier()
        scatter_pass(ms_hbm)
        plsc.subcore_barrier()

        def drain_s(lo, n):
            pltpu.sync_copy(acc.at[pl.ds(lo, n)], outs_hbm.at[cid, pl.ds(lo, n)])
            zero_own(lo, n)

        my_rows(drain_s)
        plsc.subcore_barrier()
        scatter_pass(mv_hbm)
        plsc.subcore_barrier()

        def drain_v(lo, n):
            pltpu.sync_copy(acc.at[pl.ds(lo, n)], outv_hbm.at[cid, pl.ds(lo, n)])

        my_rows(drain_v)

    return scatter_k(ms, mv, dst, zeros_blk)



def kernel(x_s, x_v, edge_index, edge_s, edge_v, params):
    N = x_s.shape[0]
    src, dst = edge_index[0], edge_index[1]
    xv9 = jnp.transpose(x_v, (0, 2, 1)).reshape(N, 9)
    ev3 = edge_v[:, 0, :]
    _, zlast = _sub_rows(N, None)
    zeros_blk = jnp.zeros((zlast, 128), _f32)

    pk = _call_input_tc(x_s, xv9, _prep_input_wts(params['input_proj']))
    n_layers = len(params['layers'])
    for li, lp in enumerate(params['layers']):
        A, B_ = _sc_gather(pk, src, dst)
        ms, mv = _call_edge_tc(A, B_, edge_s, ev3, _prep_edge_wts(lp['conv']))
        parts_s, parts_v = _sc_scatter2(ms, mv, dst, zeros_blk, N)
        fin = None
        if li == n_layers - 1:
            fn = params['final_norm']
            fin = (fn['w'][None, :], fn['b'][None, :])
        pk = _call_node_tc(pk, parts_s, parts_v, _prep_node_wts(lp), fin)

    s = pk[:, :128]
    v = jnp.stack([pk[:, 128:144], pk[:, 144:160], pk[:, 160:176]], axis=-1)
    return s, v

# --- scband reference (transcript-rebuilt; emitter-appended) ---
"""Pipeline reference for scband-gvpgraph-encoder-hybrid-5592047420123 (READ-ONLY COPY).

The authoritative reference and input builder live on the scoring server;
editing this copy changes nothing except your own understanding.
"""

import jax, jax.numpy as jnp
import numpy as np

N_NODES = 10000
N_EDGES = 160000
NODE_DIMS = (6, 3)
EDGE_DIMS = (32, 1)
HID = (128, 16)
NUM_LAYERS = 2
EPS = 1e-8


def _norm_no_nan(x, axis=-1, keepdims=False, sqrt=True):
    out = jnp.clip(jnp.sum(jnp.square(x), axis=axis, keepdims=keepdims), EPS, None)
    return jnp.sqrt(out) if sqrt else out


def _init_gvp(key, si, vi, so, vo):
    h = max(vi, vo)
    k1, k2, k3 = jax.random.split(key, 3)
    return {
        'wh': jax.random.normal(k1, (h, vi), jnp.float32) / np.sqrt(vi),
        'ws_w': jax.random.normal(k2, (so, si + h), jnp.float32) / np.sqrt(si + h),
        'ws_b': jnp.zeros((so,), jnp.float32),
        'wv': jax.random.normal(k3, (vo, h), jnp.float32) / np.sqrt(h),
    }


def _init_ln(so):
    return {'w': jnp.ones((so,), jnp.float32), 'b': jnp.zeros((so,), jnp.float32)}


def _gvp_apply(p, s, v, act=True):
    # v: [n, vi, 3]; wh: [h, vi]
    vh = jnp.einsum('nic,hi->nhc', v, p['wh'])
    vn = _norm_no_nan(vh, axis=-1)
    s_out = jnp.concatenate([s, vn], axis=-1) @ p['ws_w'].T + p['ws_b']
    v_out = jnp.einsum('nhc,oh->noc', vh, p['wv'])
    if act:
        s_out = jax.nn.relu(s_out)
        v_out = v_out * jax.nn.sigmoid(_norm_no_nan(v_out, axis=-1, keepdims=True))
    return s_out, v_out


def _layernorm(p, s, v):
    mu = jnp.mean(s, axis=-1, keepdims=True)
    var = jnp.var(s, axis=-1, keepdims=True)
    s_out = (s - mu) / jnp.sqrt(var + 1e-5) * p['w'] + p['b']
    vn = _norm_no_nan(v, axis=-1, keepdims=True, sqrt=False)
    vn = jnp.sqrt(jnp.mean(vn, axis=-2, keepdims=True))
    return s_out, v / vn


def _conv(p, s, v, edge_index, edge_s, edge_v):
    src, dst = edge_index[0], edge_index[1]
    ms = jnp.concatenate([s[src], edge_s, s[dst]], axis=-1)
    mv = jnp.concatenate([v[src], edge_v, v[dst]], axis=-2)
    ms, mv = _gvp_apply(p['msg0'], ms, mv, act=True)
    ms, mv = _gvp_apply(p['msg1'], ms, mv, act=True)
    ms, mv = _gvp_apply(p['msg2'], ms, mv, act=False)
    n = s.shape[0]
    cnt = jnp.clip(jax.ops.segment_sum(jnp.ones((ms.shape[0],), jnp.float32), dst, num_segments=n), 1.0, None)
    agg_s = jax.ops.segment_sum(ms, dst, num_segments=n) / cnt[:, None]
    agg_v = jax.ops.segment_sum(mv, dst, num_segments=n) / cnt[:, None, None]
    return agg_s, agg_v


def _layer(p, s, v, edge_index, edge_s, edge_v):
    # dropout is identity in eval mode
    dhs, dhv = _conv(p['conv'], s, v, edge_index, edge_s, edge_v)
    s, v = _layernorm(p['norm0'], s + dhs, v + dhv)
    fs, fv = _gvp_apply(p['ff0'], s, v, act=True)
    fs, fv = _gvp_apply(p['ff1'], fs, fv, act=False)
    s, v = _layernorm(p['norm1'], s + fs, v + fv)
    return s, v


def _encoder(params, x_s, x_v, edge_index, edge_s, edge_v):
    s, v = _gvp_apply(params['input_proj'], x_s, x_v, act=True)
    for lp in params['layers']:
        s, v = _layer(lp, s, v, edge_index, edge_s, edge_v)
    s, v = _layernorm(params['final_norm'], s, v)
    return s, v


def setup_inputs(seed: int = 0) -> dict:
    key = jax.random.key(seed)
    ks = jax.random.split(key, 6)
    x_s = jax.random.normal(ks[0], (N_NODES, NODE_DIMS[0]), jnp.float32)
    x_v = jax.random.normal(ks[1], (N_NODES, NODE_DIMS[1], 3), jnp.float32)
    edge_index = jax.random.randint(ks[2], (2, N_EDGES), 0, N_NODES, jnp.int32)
    edge_s = jax.random.normal(ks[3], (N_EDGES, EDGE_DIMS[0]), jnp.float32)
    edge_v = jax.random.normal(ks[4], (N_EDGES, EDGE_DIMS[1], 3), jnp.float32)
    si, vi = HID
    se, ve = EDGE_DIMS
    pk = jax.random.split(ks[5], 1 + 5 * NUM_LAYERS)
    params = {'input_proj': _init_gvp(pk[0], NODE_DIMS[0], NODE_DIMS[1], si, vi)}
    layers = []
    idx = 1
    for _ in range(NUM_LAYERS):
        lp = {
            'conv': {
                'msg0': _init_gvp(pk[idx], 2 * si + se, 2 * vi + ve, si, vi),
                'msg1': _init_gvp(pk[idx + 1], si, vi, si, vi),
                'msg2': _init_gvp(pk[idx + 2], si, vi, si, vi),
            },
            'norm0': _init_ln(si),
            'norm1': _init_ln(si),
            'ff0': _init_gvp(pk[idx + 3], si, vi, 4 * si, 2 * vi),
            'ff1': _init_gvp(pk[idx + 4], 4 * si, 2 * vi, si, vi),
        }
        idx += 5
        layers.append(lp)
    params['layers'] = layers
    params['final_norm'] = _init_ln(si)
    return {'x_s': x_s, 'x_v': x_v, 'edge_index': edge_index, 'edge_s': edge_s, 'edge_v': edge_v, 'params': params}


def reference(x_s, x_v, edge_index, edge_s, edge_v, params):
    return _encoder(params, x_s, x_v, edge_index, edge_s, edge_v)

if __name__ == "__main__":
    import jax
    _d = setup_inputs()
    print(jax.jit(kernel)(*tuple(_d.values())))

</pallas_src>

<mosaic_0001>
#map = affine_map<(d0, d1) -> (0, 0)>
#map1 = affine_map<(d0, d1) -> (0)>
module attributes {stable_mosaic.version = 14 : i64} {
  func.func @gather_k(%arg0: i32, %arg1: i32, %arg2: memref<10000x256xf32, #tpu.memory_space<hbm>>, %arg3: memref<160000xi32, #tpu.memory_space<hbm>>, %arg4: memref<160000xi32, #tpu.memory_space<hbm>>, %arg5: memref<160000x256xf32, #tpu.memory_space<hbm>>, %arg6: memref<160000x256xf32, #tpu.memory_space<hbm>>, %arg7: memref<128xi32, #tpu.memory_space<vmem>>, %arg8: memref<128xi32, #tpu.memory_space<vmem>>, %arg9: memref<128x256xf32, #tpu.memory_space<vmem>>, %arg10: memref<128x256xf32, #tpu.memory_space<vmem>>, %arg11: memref<!tpu.dma_semaphore, #tpu.memory_space<semaphore_mem>>) attributes {dimension_semantics = [#tpu.dimension_semantics<core_parallel>, #tpu.dimension_semantics<subcore_parallel>], iteration_bounds = array<i64: 2, 16>, scalar_prefetch = 0 : i64, scratch_operands = 5 : i64, tpu.core_type = #tpu.core_type<sc_vector_subcore>, window_params = [{transform_indices = #map}, {transform_indices = #map1}, {transform_indices = #map1}, {transform_indices = #map}, {transform_indices = #map}]} {
    %mul3A = arith.constant 2 : i32
    %mul3A_0 = arith.muli %arg1, %mul3A : i32
    %add3A = arith.addi %mul3A_0, %arg0 : i32
    %scan3A = arith.constant 0 : i32
    %scan3A_1 = arith.constant 0 : i32
    %scan3A_2 = arith.constant 39 : i32
    %scan3A_3 = arith.addi %scan3A_1, %scan3A_2 : i32
    %scan3A_4 = arith.constant 1 : i32
    scf.for %scan3A_8 = %scan3A_1 to %scan3A_3 step %scan3A_4  : i32 {
      %mul3A_9 = arith.constant 32 : i32
      %mul3A_10 = arith.muli %scan3A_8, %mul3A_9 : i32
      %add3A_11 = arith.addi %mul3A_10, %add3A : i32
      %mul3A_12 = arith.constant 128 : i32
      %mul3A_13 = arith.muli %add3A_11, %mul3A_12 : i32
      "tpu.region"() ({
        %run_scoped3A = tpu.sem_alloc : memref<!tpu.dma_semaphore, #tpu.memory_space<semaphore_mem>>
        %dma_start3A_24 = tpu.memref_slice %arg3[%mul3A_13] : memref<160000xi32, #tpu.memory_space<hbm>> -> memref<128xi32, #tpu.memory_space<hbm>>
        %dma_start3A_25 = tpu.memref_slice %arg3[%mul3A_13] : memref<160000xi32, #tpu.memory_space<hbm>> -> memref<128xi32, #tpu.memory_space<hbm>>
        tpu.enqueue_dma source(%dma_start3A_25 : memref<128xi32, #tpu.memory_space<hbm>>) target(%arg7 : memref<128xi32, #tpu.memory_space<vmem>>) target_semaphore(%run_scoped3A : memref<!tpu.dma_semaphore, #tpu.memory_space<semaphore_mem>>)
        %dma_wait3A_26 = tpu.memref_slice %arg3[%mul3A_13] : memref<160000xi32, #tpu.memory_space<hbm>> -> memref<128xi32, #tpu.memory_space<hbm>>
        %dma_wait3A_27 = tpu.memref_slice %arg3[%mul3A_13] : memref<160000xi32, #tpu.memory_space<hbm>> -> memref<128xi32, #tpu.memory_space<hbm>>
        tpu.wait_dma2 semaphore(%run_scoped3A : memref<!tpu.dma_semaphore, #tpu.memory_space<semaphore_mem>>) src(%dma_wait3A_27 : memref<128xi32, #tpu.memory_space<hbm>>) dst(%arg7 : memref<128xi32, #tpu.memory_space<vmem>>)
        tpu.yield
      }) : () -> ()
      "tpu.region"() ({
        %run_scoped3A = tpu.sem_alloc : memref<!tpu.dma_semaphore, #tpu.memory_space<semaphore_mem>>
        %dma_start3A_24 = tpu.memref_slice %arg4[%mul3A_13] : memref<160000xi32, #tpu.memory_space<hbm>> -> memref<128xi32, #tpu.memory_space<hbm>>
        %dma_start3A_25 = tpu.memref_slice %arg4[%mul3A_13] : memref<160000xi32, #tpu.memory_space<hbm>> -> memref<128xi32, #tpu.memory_space<hbm>>
        tpu.enqueue_dma source(%dma_start3A_25 : memref<128xi32, #tpu.memory_space<hbm>>) target(%arg8 : memref<128xi32, #tpu.memory_space<vmem>>) target_semaphore(%run_scoped3A : memref<!tpu.dma_semaphore, #tpu.memory_space<semaphore_mem>>)
        %dma_wait3A_26 = tpu.memref_slice %arg4[%mul3A_13] : memref<160000xi32, #tpu.memory_space<hbm>> -> memref<128xi32, #tpu.memory_space<hbm>>
        %dma_wait3A_27 = tpu.memref_slice %arg4[%mul3A_13] : memref<160000xi32, #tpu.memory_space<hbm>> -> memref<128xi32, #tpu.memory_space<hbm>>
        tpu.wait_dma2 semaphore(%run_scoped3A : memref<!tpu.dma_semaphore, #tpu.memory_space<semaphore_mem>>) src(%dma_wait3A_27 : memref<128xi32, #tpu.memory_space<hbm>>) dst(%arg8 : memref<128xi32, #tpu.memory_space<vmem>>)
        tpu.yield
      }) : () -> ()
      %dma_start3A = arith.constant 0 : i32
      %dma_start3A_14 = arith.constant 0 : i32
      %dma_start3A_15 = tpu.memref_slice %arg2[%dma_start3A, %dma_start3A_14] : memref<10000x256xf32, #tpu.memory_space<hbm>> -> memref<10000x256xf32, #tpu.memory_space<hbm>>
      tpu.enqueue_indirect_dma source(%dma_start3A_15 : memref<10000x256xf32, #tpu.memory_space<hbm>>) target(%arg9 : memref<128x256xf32, #tpu.memory_space<vmem>>) offsets(%arg7 : memref<128xi32, #tpu.memory_space<vmem>>) semaphore(%arg11 : memref<!tpu.dma_semaphore, #tpu.memory_space<semaphore_mem>>)
      %dma_start3A_16 = arith.constant 0 : i32
      %dma_start3A_17 = arith.constant 0 : i32
      %dma_start3A_18 = tpu.memref_slice %arg2[%dma_start3A_16, %dma_start3A_17] : memref<10000x256xf32, #tpu.memory_space<hbm>> -> memref<10000x256xf32, #tpu.memory_space<hbm>>
      tpu.enqueue_indirect_dma source(%dma_start3A_18 : memref<10000x256xf32, #tpu.memory_space<hbm>>) target(%arg10 : memref<128x256xf32, #tpu.memory_space<vmem>>) offsets(%arg8 : memref<128xi32, #tpu.memory_space<vmem>>) semaphore(%arg11 : memref<!tpu.dma_semaphore, #tpu.memory_space<semaphore_mem>>)
      %dma_wait3A = arith.constant 0 : i32
      %dma_wait3A_19 = arith.constant 0 : i32
      %dma_wait3A_20 = tpu.memref_slice %arg2[%dma_wait3A, %dma_wait3A_19] : memref<10000x256xf32, #tpu.memory_space<hbm>> -> memref<10000x256xf32, #tpu.memory_space<hbm>>
      tpu.wait_indirect_dma semaphore(%arg11 : memref<!tpu.dma_semaphore, #tpu.memory_space<semaphore_mem>>) src(%dma_wait3A_20 : memref<10000x256xf32, #tpu.memory_space<hbm>>) dst(%arg9 : memref<128x256xf32, #tpu.memory_space<vmem>>)
      %dma_wait3A_21 = arith.constant 0 : i32
      %dma_wait3A_22 = arith.constant 0 : i32
      %dma_wait3A_23 = tpu.memref_slice %arg2[%dma_wait3A_21, %dma_wait3A_22] : memref<10000x256xf32, #tpu.memory_space<hbm>> -> memref<10000x256xf32, #tpu.memory_space<hbm>>
      tpu.wait_indirect_dma semaphore(%arg11 : memref<!tpu.dma_semaphore, #tpu.memory_space<semaphore_mem>>) src(%dma_wait3A_23 : memref<10000x256xf32, #tpu.memory_space<hbm>>) dst(%arg10 : memref<128x256xf32, #tpu.memory_space<vmem>>)
      "tpu.region"() ({
        %run_scoped3A = tpu.sem_alloc : memref<!tpu.dma_semaphore, #tpu.memory_space<semaphore_mem>>
        %dma_start3A_24 = arith.constant 0 : i32
        %dma_start3A_25 = tpu.memref_slice %arg5[%mul3A_13, %dma_start3A_24] : memref<160000x256xf32, #tpu.memory_space<hbm>> -> memref<128x256xf32, #tpu.memory_space<hbm>>
        %dma_start3A_26 = arith.constant 0 : i32
        %dma_start3A_27 = tpu.memref_slice %arg5[%mul3A_13, %dma_start3A_26] : memref<160000x256xf32, #tpu.memory_space<hbm>> -> memref<128x256xf32, #tpu.memory_space<hbm>>
        tpu.enqueue_dma source(%arg9 : memref<128x256xf32, #tpu.memory_space<vmem>>) target(%dma_start3A_27 : memref<128x256xf32, #tpu.memory_space<hbm>>) target_semaphore(%run_scoped3A : memref<!tpu.dma_semaphore, #tpu.memory_space<semaphore_mem>>)
        %dma_wait3A_28 = arith.constant 0 : i32
        %dma_wait3A_29 = tpu.memref_slice %arg5[%mul3A_13, %dma_wait3A_28] : memref<160000x256xf32, #tpu.memory_space<hbm>> -> memref<128x256xf32, #tpu.memory_space<hbm>>
        %dma_wait3A_30 = arith.constant 0 : i32
        %dma_wait3A_31 = tpu.memref_slice %arg5[%mul3A_13, %dma_wait3A_30] : memref<160000x256xf32, #tpu.memory_space<hbm>> -> memref<128x256xf32, #tpu.memory_space<hbm>>
        tpu.wait_dma2 semaphore(%run_scoped3A : memref<!tpu.dma_semaphore, #tpu.memory_space<semaphore_mem>>) src(%arg9 : memref<128x256xf32, #tpu.memory_space<vmem>>) dst(%dma_wait3A_31 : memref<128x256xf32, #tpu.memory_space<hbm>>)
        tpu.yield
      }) : () -> ()
      "tpu.region"() ({
        %run_scoped3A = tpu.sem_alloc : memref<!tpu.dma_semaphore, #tpu.memory_space<semaphore_mem>>
        %dma_start3A_24 = arith.constant 0 : i32
        %dma_start3A_25 = tpu.memref_slice %arg6[%mul3A_13, %dma_start3A_24] : memref<160000x256xf32, #tpu.memory_space<hbm>> -> memref<128x256xf32, #tpu.memory_space<hbm>>
        %dma_start3A_26 = arith.constant 0 : i32
        %dma_start3A_27 = tpu.memref_slice %arg6[%mul3A_13, %dma_start3A_26] : memref<160000x256xf32, #tpu.memory_space<hbm>> -> memref<128x256xf32, #tpu.memory_space<hbm>>
        tpu.enqueue_dma source(%arg10 : memref<128x256xf32, #tpu.memory_space<vmem>>) target(%dma_start3A_27 : memref<128x256xf32, #tpu.memory_space<hbm>>) target_semaphore(%run_scoped3A : memref<!tpu.dma_semaphore, #tpu.memory_space<semaphore_mem>>)
        %dma_wait3A_28 = arith.constant 0 : i32
        %dma_wait3A_29 = tpu.memref_slice %arg6[%mul3A_13, %dma_wait3A_28] : memref<160000x256xf32, #tpu.memory_space<hbm>> -> memref<128x256xf32, #tpu.memory_space<hbm>>
        %dma_wait3A_30 = arith.constant 0 : i32
        %dma_wait3A_31 = tpu.memref_slice %arg6[%mul3A_13, %dma_wait3A_30] : memref<160000x256xf32, #tpu.memory_space<hbm>> -> memref<128x256xf32, #tpu.memory_space<hbm>>
        tpu.wait_dma2 semaphore(%run_scoped3A : memref<!tpu.dma_semaphore, #tpu.memory_space<semaphore_mem>>) src(%arg10 : memref<128x256xf32, #tpu.memory_space<vmem>>) dst(%dma_wait3A_31 : memref<128x256xf32, #tpu.memory_space<hbm>>)
        tpu.yield
      }) : () -> ()
    }
    %scan3A_5 = arith.constant 39 : i32
    %lt3A = arith.constant 2 : i32
    %lt3A_6 = arith.cmpi slt, %add3A, %lt3A : i32
    %convert_element_type3A = arith.extui %lt3A_6 : i1 to i32
    %cond3A = arith.constant 0 : i32
    %cond3A_7 = arith.cmpi ne, %convert_element_type3A, %cond3A : i32
    scf.if %cond3A_7 {
      %add3A_8 = arith.constant 1248 : i32
      %add3A_9 = arith.addi %add3A_8, %add3A : i32
      %mul3A_10 = arith.constant 128 : i32
      %mul3A_11 = arith.muli %add3A_9, %mul3A_10 : i32
      "tpu.region"() ({
        %run_scoped3A = tpu.sem_alloc : memref<!tpu.dma_semaphore, #tpu.memory_space<semaphore_mem>>
        %dma_start3A_22 = tpu.memref_slice %arg3[%mul3A_11] : memref<160000xi32, #tpu.memory_space<hbm>> -> memref<128xi32, #tpu.memory_space<hbm>>
        %dma_start3A_23 = tpu.memref_slice %arg3[%mul3A_11] : memref<160000xi32, #tpu.memory_space<hbm>> -> memref<128xi32, #tpu.memory_space<hbm>>
        tpu.enqueue_dma source(%dma_start3A_23 : memref<128xi32, #tpu.memory_space<hbm>>) target(%arg7 : memref<128xi32, #tpu.memory_space<vmem>>) target_semaphore(%run_scoped3A : memref<!tpu.dma_semaphore, #tpu.memory_space<semaphore_mem>>)
        %dma_wait3A_24 = tpu.memref_slice %arg3[%mul3A_11] : memref<160000xi32, #tpu.memory_space<hbm>> -> memref<128xi32, #tpu.memory_space<hbm>>
        %dma_wait3A_25 = tpu.memref_slice %arg3[%mul3A_11] : memref<160000xi32, #tpu.memory_space<hbm>> -> memref<128xi32, #tpu.memory_space<hbm>>
        tpu.wait_dma2 semaphore(%run_scoped3A : memref<!tpu.dma_semaphore, #tpu.memory_space<semaphore_mem>>) src(%dma_wait3A_25 : memref<128xi32, #tpu.memory_space<hbm>>) dst(%arg7 : memref<128xi32, #tpu.memory_space<vmem>>)
        tpu.yield
      }) : () -> ()
      "tpu.region"() ({
        %run_scoped3A = tpu.sem_alloc : memref<!tpu.dma_semaphore, #tpu.memory_space<semaphore_mem>>
        %dma_start3A_22 = tpu.memref_slice %arg4[%mul3A_11] : memref<160000xi32, #tpu.memory_space<hbm>> -> memref<128xi32, #tpu.memory_space<hbm>>
        %dma_start3A_23 = tpu.memref_slice %arg4[%mul3A_11] : memref<160000xi32, #tpu.memory_space<hbm>> -> memref<128xi32, #tpu.memory_space<hbm>>
        tpu.enqueue_dma source(%dma_start3A_23 : memref<128xi32, #tpu.memory_space<hbm>>) target(%arg8 : memref<128xi32, #tpu.memory_space<vmem>>) target_semaphore(%run_scoped3A : memref<!tpu.dma_semaphore, #tpu.memory_space<semaphore_mem>>)
        %dma_wait3A_24 = tpu.memref_slice %arg4[%mul3A_11] : memref<160000xi32, #tpu.memory_space<hbm>> -> memref<128xi32, #tpu.memory_space<hbm>>
        %dma_wait3A_25 = tpu.memref_slice %arg4[%mul3A_11] : memref<160000xi32, #tpu.memory_space<hbm>> -> memref<128xi32, #tpu.memory_space<hbm>>
        tpu.wait_dma2 semaphore(%run_scoped3A : memref<!tpu.dma_semaphore, #tpu.memory_space<semaphore_mem>>) src(%dma_wait3A_25 : memref<128xi32, #tpu.memory_space<hbm>>) dst(%arg8 : memref<128xi32, #tpu.memory_space<vmem>>)
        tpu.yield
      }) : () -> ()
      %dma_start3A = arith.constant 0 : i32
      %dma_start3A_12 = arith.constant 0 : i32
      %dma_start3A_13 = tpu.memref_slice %arg2[%dma_start3A, %dma_start3A_12] : memref<10000x256xf32, #tpu.memory_space<hbm>> -> memref<10000x256xf32, #tpu.memory_space<hbm>>
      tpu.enqueue_indirect_dma source(%dma_start3A_13 : memref<10000x256xf32, #tpu.memory_space<hbm>>) target(%arg9 : memref<128x256xf32, #tpu.memory_space<vmem>>) offsets(%arg7 : memref<128xi32, #tpu.memory_space<vmem>>) semaphore(%arg11 : memref<!tpu.dma_semaphore, #tpu.memory_space<semaphore_mem>>)
      %dma_start3A_14 = arith.constant 0 : i32
      %dma_start3A_15 = arith.constant 0 : i32
      %dma_start3A_16 = tpu.memref_slice %arg2[%dma_start3A_14, %dma_start3A_15] : memref<10000x256xf32, #tpu.memory_space<hbm>> -> memref<10000x256xf32, #tpu.memory_space<hbm>>
      tpu.enqueue_indirect_dma source(%dma_start3A_16 : memref<10000x256xf32, #tpu.memory_space<hbm>>) target(%arg10 : memref<128x256xf32, #tpu.memory_space<vmem>>) offsets(%arg8 : memref<128xi32, #tpu.memory_space<vmem>>) semaphore(%arg11 : memref<!tpu.dma_semaphore, #tpu.memory_space<semaphore_mem>>)
      %dma_wait3A = arith.constant 0 : i32
      %dma_wait3A_17 = arith.constant 0 : i32
      %dma_wait3A_18 = tpu.memref_slice %arg2[%dma_wait3A, %dma_wait3A_17] : memref<10000x256xf32, #tpu.memory_space<hbm>> -> memref<10000x256xf32, #tpu.memory_space<hbm>>
      tpu.wait_indirect_dma semaphore(%arg11 : memref<!tpu.dma_semaphore, #tpu.memory_space<semaphore_mem>>) src(%dma_wait3A_18 : memref<10000x256xf32, #tpu.memory_space<hbm>>) dst(%arg9 : memref<128x256xf32, #tpu.memory_space<vmem>>)
      %dma_wait3A_19 = arith.constant 0 : i32
      %dma_wait3A_20 = arith.constant 0 : i32
      %dma_wait3A_21 = tpu.memref_slice %arg2[%dma_wait3A_19, %dma_wait3A_20] : memref<10000x256xf32, #tpu.memory_space<hbm>> -> memref<10000x256xf32, #tpu.memory_space<hbm>>
      tpu.wait_indirect_dma semaphore(%arg11 : memref<!tpu.dma_semaphore, #tpu.memory_space<semaphore_mem>>) src(%dma_wait3A_21 : memref<10000x256xf32, #tpu.memory_space<hbm>>) dst(%arg10 : memref<128x256xf32, #tpu.memory_space<vmem>>)
      "tpu.region"() ({
        %run_scoped3A = tpu.sem_alloc : memref<!tpu.dma_semaphore, #tpu.memory_space<semaphore_mem>>
        %dma_start3A_22 = arith.constant 0 : i32
        %dma_start3A_23 = tpu.memref_slice %arg5[%mul3A_11, %dma_start3A_22] : memref<160000x256xf32, #tpu.memory_space<hbm>> -> memref<128x256xf32, #tpu.memory_space<hbm>>
        %dma_start3A_24 = arith.constant 0 : i32
        %dma_start3A_25 = tpu.memref_slice %arg5[%mul3A_11, %dma_start3A_24] : memref<160000x256xf32, #tpu.memory_space<hbm>> -> memref<128x256xf32, #tpu.memory_space<hbm>>
        tpu.enqueue_dma source(%arg9 : memref<128x256xf32, #tpu.memory_space<vmem>>) target(%dma_start3A_25 : memref<128x256xf32, #tpu.memory_space<hbm>>) target_semaphore(%run_scoped3A : memref<!tpu.dma_semaphore, #tpu.memory_space<semaphore_mem>>)
        %dma_wait3A_26 = arith.constant 0 : i32
        %dma_wait3A_27 = tpu.memref_slice %arg5[%mul3A_11, %dma_wait3A_26] : memref<160000x256xf32, #tpu.memory_space<hbm>> -> memref<128x256xf32, #tpu.memory_space<hbm>>
        %dma_wait3A_28 = arith.constant 0 : i32
        %dma_wait3A_29 = tpu.memref_slice %arg5[%mul3A_11, %dma_wait3A_28] : memref<160000x256xf32, #tpu.memory_space<hbm>> -> memref<128x256xf32, #tpu.memory_space<hbm>>
        tpu.wait_dma2 semaphore(%run_scoped3A : memref<!tpu.dma_semaphore, #tpu.memory_space<semaphore_mem>>) src(%arg9 : memref<128x256xf32, #tpu.memory_space<vmem>>) dst(%dma_wait3A_29 : memref<128x256xf32, #tpu.memory_space<hbm>>)
        tpu.yield
      }) : () -> ()
      "tpu.region"() ({
        %run_scoped3A = tpu.sem_alloc : memref<!tpu.dma_semaphore, #tpu.memory_space<semaphore_mem>>
        %dma_start3A_22 = arith.constant 0 : i32
        %dma_start3A_23 = tpu.memref_slice %arg6[%mul3A_11, %dma_start3A_22] : memref<160000x256xf32, #tpu.memory_space<hbm>> -> memref<128x256xf32, #tpu.memory_space<hbm>>
        %dma_start3A_24 = arith.constant 0 : i32
        %dma_start3A_25 = tpu.memref_slice %arg6[%mul3A_11, %dma_start3A_24] : memref<160000x256xf32, #tpu.memory_space<hbm>> -> memref<128x256xf32, #tpu.memory_space<hbm>>
        tpu.enqueue_dma source(%arg10 : memref<128x256xf32, #tpu.memory_space<vmem>>) target(%dma_start3A_25 : memref<128x256xf32, #tpu.memory_space<hbm>>) target_semaphore(%run_scoped3A : memref<!tpu.dma_semaphore, #tpu.memory_space<semaphore_mem>>)
        %dma_wait3A_26 = arith.constant 0 : i32
        %dma_wait3A_27 = tpu.memref_slice %arg6[%mul3A_11, %dma_wait3A_26] : memref<160000x256xf32, #tpu.memory_space<hbm>> -> memref<128x256xf32, #tpu.memory_space<hbm>>
        %dma_wait3A_28 = arith.constant 0 : i32
        %dma_wait3A_29 = tpu.memref_slice %arg6[%mul3A_11, %dma_wait3A_28] : memref<160000x256xf32, #tpu.memory_space<hbm>> -> memref<128x256xf32, #tpu.memory_space<hbm>>
        tpu.wait_dma2 semaphore(%run_scoped3A : memref<!tpu.dma_semaphore, #tpu.memory_space<semaphore_mem>>) src(%arg10 : memref<128x256xf32, #tpu.memory_space<vmem>>) dst(%dma_wait3A_29 : memref<128x256xf32, #tpu.memory_space<hbm>>)
        tpu.yield
      }) : () -> ()
    } else {
    }
    return
  }
}

#map = affine_map<(d0, d1) -> (0, 0)>
#map1 = affine_map<(d0, d1) -> (0)>
module attributes {stable_mosaic.version = 14 : i64} {
  func.func @gather_k(%arg0: i32, %arg1: i32, %arg2: memref<10000x256xf32, #tpu.memory_space<hbm>>, %arg3: memref<160000xi32, #tpu.memory_space<hbm>>, %arg4: memref<160000xi32, #tpu.memory_space<hbm>>, %arg5: memref<160000x256xf32, #tpu.memory_space<hbm>>, %arg6: memref<160000x256xf32, #tpu.memory_space<hbm>>, %arg7: memref<128xi32, #tpu.memory_space<vmem>>, %arg8: memref<128xi32, #tpu.memory_space<vmem>>, %arg9: memref<128x256xf32, #tpu.memory_space<vmem>>, %arg10: memref<128x256xf32, #tpu.memory_space<vmem>>, %arg11: memref<!tpu.dma_semaphore, #tpu.memory_space<semaphore_mem>>) attributes {dimension_semantics = [#tpu.dimension_semantics<core_parallel>, #tpu.dimension_semantics<subcore_parallel>], iteration_bounds = array<i64: 2, 16>, scalar_prefetch = 0 : i64, scratch_operands = 5 : i64, tpu.core_type = #tpu.core_type<sc_vector_subcore>, window_params = [{transform_indices = #map}, {transform_indices = #map1}, {transform_indices = #map1}, {transform_indices = #map}, {transform_indices = #map}]} {
    %mul3A = arith.constant 2 : i32
    %mul3A_0 = arith.muli %arg1, %mul3A : i32
    %add3A = arith.addi %mul3A_0, %arg0 : i32
    %scan3A = arith.constant 0 : i32
    %scan3A_1 = arith.constant 0 : i32
    %scan3A_2 = arith.constant 39 : i32
    %scan3A_3 = arith.addi %scan3A_1, %scan3A_2 : i32
    %scan3A_4 = arith.constant 1 : i32
    scf.for %scan3A_8 = %scan3A_1 to %scan3A_3 step %scan3A_4  : i32 {
      %mul3A_9 = arith.constant 32 : i32
      %mul3A_10 = arith.muli %scan3A_8, %mul3A_9 : i32
      %add3A_11 = arith.addi %mul3A_10, %add3A : i32
      %mul3A_12 = arith.constant 128 : i32
      %mul3A_13 = arith.muli %add3A_11, %mul3A_12 : i32
      "tpu.region"() ({
        %run_scoped3A = tpu.sem_alloc : memref<!tpu.dma_semaphore, #tpu.memory_space<semaphore_mem>>
        %dma_start3A_24 = tpu.memref_slice %arg3[%mul3A_13] : memref<160000xi32, #tpu.memory_space<hbm>> -> memref<128xi32, #tpu.memory_space<hbm>>
        %dma_start3A_25 = tpu.memref_slice %arg3[%mul3A_13] : memref<160000xi32, #tpu.memory_space<hbm>> -> memref<128xi32, #tpu.memory_space<hbm>>
        tpu.enqueue_dma source(%dma_start3A_25 : memref<128xi32, #tpu.memory_space<hbm>>) target(%arg7 : memref<128xi32, #tpu.memory_space<vmem>>) target_semaphore(%run_scoped3A : memref<!tpu.dma_semaphore, #tpu.memory_space<semaphore_mem>>)
        %dma_wait3A_26 = tpu.memref_slice %arg3[%mul3A_13] : memref<160000xi32, #tpu.memory_space<hbm>> -> memref<128xi32, #tpu.memory_space<hbm>>
        %dma_wait3A_27 = tpu.memref_slice %arg3[%mul3A_13] : memref<160000xi32, #tpu.memory_space<hbm>> -> memref<128xi32, #tpu.memory_space<hbm>>
        tpu.wait_dma2 semaphore(%run_scoped3A : memref<!tpu.dma_semaphore, #tpu.memory_space<semaphore_mem>>) src(%dma_wait3A_27 : memref<128xi32, #tpu.memory_space<hbm>>) dst(%arg7 : memref<128xi32, #tpu.memory_space<vmem>>)
        tpu.yield
      }) : () -> ()
      "tpu.region"() ({
        %run_scoped3A = tpu.sem_alloc : memref<!tpu.dma_semaphore, #tpu.memory_space<semaphore_mem>>
        %dma_start3A_24 = tpu.memref_slice %arg4[%mul3A_13] : memref<160000xi32, #tpu.memory_space<hbm>> -> memref<128xi32, #tpu.memory_space<hbm>>
        %dma_start3A_25 = tpu.memref_slice %arg4[%mul3A_13] : memref<160000xi32, #tpu.memory_space<hbm>> -> memref<128xi32, #tpu.memory_space<hbm>>
        tpu.enqueue_dma source(%dma_start3A_25 : memref<128xi32, #tpu.memory_space<hbm>>) target(%arg8 : memref<128xi32, #tpu.memory_space<vmem>>) target_semaphore(%run_scoped3A : memref<!tpu.dma_semaphore, #tpu.memory_space<semaphore_mem>>)
        %dma_wait3A_26 = tpu.memref_slice %arg4[%mul3A_13] : memref<160000xi32, #tpu.memory_space<hbm>> -> memref<128xi32, #tpu.memory_space<hbm>>
        %dma_wait3A_27 = tpu.memref_slice %arg4[%mul3A_13] : memref<160000xi32, #tpu.memory_space<hbm>> -> memref<128xi32, #tpu.memory_space<hbm>>
        tpu.wait_dma2 semaphore(%run_scoped3A : memref<!tpu.dma_semaphore, #tpu.memory_space<semaphore_mem>>) src(%dma_wait3A_27 : memref<128xi32, #tpu.memory_space<hbm>>) dst(%arg8 : memref<128xi32, #tpu.memory_space<vmem>>)
        tpu.yield
      }) : () -> ()
      %dma_start3A = arith.constant 0 : i32
      %dma_start3A_14 = arith.constant 0 : i32
      %dma_start3A_15 = tpu.memref_slice %arg2[%dma_start3A, %dma_start3A_14] : memref<10000x256xf32, #tpu.memory_space<hbm>> -> memref<10000x256xf32, #tpu.memory_space<hbm>>
      tpu.enqueue_indirect_dma source(%dma_start3A_15 : memref<10000x256xf32, #tpu.memory_space<hbm>>) target(%arg9 : memref<128x256xf32, #tpu.memory_space<vmem>>) offsets(%arg7 : memref<128xi32, #tpu.memory_space<vmem>>) semaphore(%arg11 : memref<!tpu.dma_semaphore, #tpu.memory_space<semaphore_mem>>)
      %dma_start3A_16 = arith.constant 0 : i32
      %dma_start3A_17 = arith.constant 0 : i32
      %dma_start3A_18 = tpu.memref_slice %arg2[%dma_start3A_16, %dma_start3A_17] : memref<10000x256xf32, #tpu.memory_space<hbm>> -> memref<10000x256xf32, #tpu.memory_space<hbm>>
      tpu.enqueue_indirect_dma source(%dma_start3A_18 : memref<10000x256xf32, #tpu.memory_space<hbm>>) target(%arg10 : memref<128x256xf32, #tpu.memory_space<vmem>>) offsets(%arg8 : memref<128xi32, #tpu.memory_space<vmem>>) semaphore(%arg11 : memref<!tpu.dma_semaphore, #tpu.memory_space<semaphore_mem>>)
      %dma_wait3A = arith.constant 0 : i32
      %dma_wait3A_19 = arith.constant 0 : i32
      %dma_wait3A_20 = tpu.memref_slice %arg2[%dma_wait3A, %dma_wait3A_19] : memref<10000x256xf32, #tpu.memory_space<hbm>> -> memref<10000x256xf32, #tpu.memory_space<hbm>>
      tpu.wait_indirect_dma semaphore(%arg11 : memref<!tpu.dma_semaphore, #tpu.memory_space<semaphore_mem>>) src(%dma_wait3A_20 : memref<10000x256xf32, #tpu.memory_space<hbm>>) dst(%arg9 : memref<128x256xf32, #tpu.memory_space<vmem>>)
      %dma_wait3A_21 = arith.constant 0 : i32
      %dma_wait3A_22 = arith.constant 0 : i32
      %dma_wait3A_23 = tpu.memref_slice %arg2[%dma_wait3A_21, %dma_wait3A_22] : memref<10000x256xf32, #tpu.memory_space<hbm>> -> memref<10000x256xf32, #tpu.memory_space<hbm>>
      tpu.wait_indirect_dma semaphore(%arg11 : memref<!tpu.dma_semaphore, #tpu.memory_space<semaphore_mem>>) src(%dma_wait3A_23 : memref<10000x256xf32, #tpu.memory_space<hbm>>) dst(%arg10 : memref<128x256xf32, #tpu.memory_space<vmem>>)
      "tpu.region"() ({
        %run_scoped3A = tpu.sem_alloc : memref<!tpu.dma_semaphore, #tpu.memory_space<semaphore_mem>>
        %dma_start3A_24 = arith.constant 0 : i32
        %dma_start3A_25 = tpu.memref_slice %arg5[%mul3A_13, %dma_start3A_24] : memref<160000x256xf32, #tpu.memory_space<hbm>> -> memref<128x256xf32, #tpu.memory_space<hbm>>
        %dma_start3A_26 = arith.constant 0 : i32
        %dma_start3A_27 = tpu.memref_slice %arg5[%mul3A_13, %dma_start3A_26] : memref<160000x256xf32, #tpu.memory_space<hbm>> -> memref<128x256xf32, #tpu.memory_space<hbm>>
        tpu.enqueue_dma source(%arg9 : memref<128x256xf32, #tpu.memory_space<vmem>>) target(%dma_start3A_27 : memref<128x256xf32, #tpu.memory_space<hbm>>) target_semaphore(%run_scoped3A : memref<!tpu.dma_semaphore, #tpu.memory_space<semaphore_mem>>)
        %dma_wait3A_28 = arith.constant 0 : i32
        %dma_wait3A_29 = tpu.memref_slice %arg5[%mul3A_13, %dma_wait3A_28] : memref<160000x256xf32, #tpu.memory_space<hbm>> -> memref<128x256xf32, #tpu.memory_space<hbm>>
        %dma_wait3A_30 = arith.constant 0 : i32
        %dma_wait3A_31 = tpu.memref_slice %arg5[%mul3A_13, %dma_wait3A_30] : memref<160000x256xf32, #tpu.memory_space<hbm>> -> memref<128x256xf32, #tpu.memory_space<hbm>>
        tpu.wait_dma2 semaphore(%run_scoped3A : memref<!tpu.dma_semaphore, #tpu.memory_space<semaphore_mem>>) src(%arg9 : memref<128x256xf32, #tpu.memory_space<vmem>>) dst(%dma_wait3A_31 : memref<128x256xf32, #tpu.memory_space<hbm>>)
        tpu.yield
      }) : () -> ()
      "tpu.region"() ({
        %run_scoped3A = tpu.sem_alloc : memref<!tpu.dma_semaphore, #tpu.memory_space<semaphore_mem>>
        %dma_start3A_24 = arith.constant 0 : i32
        %dma_start3A_25 = tpu.memref_slice %arg6[%mul3A_13, %dma_start3A_24] : memref<160000x256xf32, #tpu.memory_space<hbm>> -> memref<128x256xf32, #tpu.memory_space<hbm>>
        %dma_start3A_26 = arith.constant 0 : i32
        %dma_start3A_27 = tpu.memref_slice %arg6[%mul3A_13, %dma_start3A_26] : memref<160000x256xf32, #tpu.memory_space<hbm>> -> memref<128x256xf32, #tpu.memory_space<hbm>>
        tpu.enqueue_dma source(%arg10 : memref<128x256xf32, #tpu.memory_space<vmem>>) target(%dma_start3A_27 : memref<128x256xf32, #tpu.memory_space<hbm>>) target_semaphore(%run_scoped3A : memref<!tpu.dma_semaphore, #tpu.memory_space<semaphore_mem>>)
        %dma_wait3A_28 = arith.constant 0 : i32
        %dma_wait3A_29 = tpu.memref_slice %arg6[%mul3A_13, %dma_wait3A_28] : memref<160000x256xf32, #tpu.memory_space<hbm>> -> memref<128x256xf32, #tpu.memory_space<hbm>>
        %dma_wait3A_30 = arith.constant 0 : i32
        %dma_wait3A_31 = tpu.memref_slice %arg6[%mul3A_13, %dma_wait3A_30] : memref<160000x256xf32, #tpu.memory_space<hbm>> -> memref<128x256xf32, #tpu.memory_space<hbm>>
        tpu.wait_dma2 semaphore(%run_scoped3A : memref<!tpu.dma_semaphore, #tpu.memory_space<semaphore_mem>>) src(%arg10 : memref<128x256xf32, #tpu.memory_space<vmem>>) dst(%dma_wait3A_31 : memref<128x256xf32, #tpu.memory_space<hbm>>)
        tpu.yield
      }) : () -> ()
    }
    %scan3A_5 = arith.constant 39 : i32
    %lt3A = arith.constant 2 : i32
    %lt3A_6 = arith.cmpi slt, %add3A, %lt3A : i32
    %convert_element_type3A = arith.extui %lt3A_6 : i1 to i32
    %cond3A = arith.constant 0 : i32
    %cond3A_7 = arith.cmpi ne, %convert_element_type3A, %cond3A : i32
    scf.if %cond3A_7 {
      %add3A_8 = arith.constant 1248 : i32
      %add3A_9 = arith.addi %add3A_8, %add3A : i32
      %mul3A_10 = arith.constant 128 : i32
      %mul3A_11 = arith.muli %add3A_9, %mul3A_10 : i32
      "tpu.region"() ({
        %run_scoped3A = tpu.sem_alloc : memref<!tpu.dma_semaphore, #tpu.memory_space<semaphore_mem>>
        %dma_start3A_22 = tpu.memref_slice %arg3[%mul3A_11] : memref<160000xi32, #tpu.memory_space<hbm>> -> memref<128xi32, #tpu.memory_space<hbm>>
        %dma_start3A_23 = tpu.memref_slice %arg3[%mul3A_11] : memref<160000xi32, #tpu.memory_space<hbm>> -> memref<128xi32, #tpu.memory_space<hbm>>
        tpu.enqueue_dma source(%dma_start3A_23 : memref<128xi32, #tpu.memory_space<hbm>>) target(%arg7 : memref<128xi32, #tpu.memory_space<vmem>>) target_semaphore(%run_scoped3A : memref<!tpu.dma_semaphore, #tpu.memory_space<semaphore_mem>>)
        %dma_wait3A_24 = tpu.memref_slice %arg3[%mul3A_11] : memref<160000xi32, #tpu.memory_space<hbm>> -> memref<128xi32, #tpu.memory_space<hbm>>
        %dma_wait3A_25 = tpu.memref_slice %arg3[%mul3A_11] : memref<160000xi32, #tpu.memory_space<hbm>> -> memref<128xi32, #tpu.memory_space<hbm>>
        tpu.wait_dma2 semaphore(%run_scoped3A : memref<!tpu.dma_semaphore, #tpu.memory_space<semaphore_mem>>) src(%dma_wait3A_25 : memref<128xi32, #tpu.memory_space<hbm>>) dst(%arg7 : memref<128xi32, #tpu.memory_space<vmem>>)
        tpu.yield
      }) : () -> ()
      "tpu.region"() ({
        %run_scoped3A = tpu.sem_alloc : memref<!tpu.dma_semaphore, #tpu.memory_space<semaphore_mem>>
        %dma_start3A_22 = tpu.memref_slice %arg4[%mul3A_11] : memref<160000xi32, #tpu.memory_space<hbm>> -> memref<128xi32, #tpu.memory_space<hbm>>
        %dma_start3A_23 = tpu.memref_slice %arg4[%mul3A_11] : memref<160000xi32, #tpu.memory_space<hbm>> -> memref<128xi32, #tpu.memory_space<hbm>>
        tpu.enqueue_dma source(%dma_start3A_23 : memref<128xi32, #tpu.memory_space<hbm>>) target(%arg8 : memref<128xi32, #tpu.memory_space<vmem>>) target_semaphore(%run_scoped3A : memref<!tpu.dma_semaphore, #tpu.memory_space<semaphore_mem>>)
        %dma_wait3A_24 = tpu.memref_slice %arg4[%mul3A_11] : memref<160000xi32, #tpu.memory_space<hbm>> -> memref<128xi32, #tpu.memory_space<hbm>>
        %dma_wait3A_25 = tpu.memref_slice %arg4[%mul3A_11] : memref<160000xi32, #tpu.memory_space<hbm>> -> memref<128xi32, #tpu.memory_space<hbm>>
        tpu.wait_dma2 semaphore(%run_scoped3A : memref<!tpu.dma_semaphore, #tpu.memory_space<semaphore_mem>>) src(%dma_wait3A_25 : memref<128xi32, #tpu.memory_space<hbm>>) dst(%arg8 : memref<128xi32, #tpu.memory_space<vmem>>)
        tpu.yield
      }) : () -> ()
      %dma_start3A = arith.constant 0 : i32
      %dma_start3A_12 = arith.constant 0 : i32
      %dma_start3A_13 = tpu.memref_slice %arg2[%dma_start3A, %dma_start3A_12] : memref<10000x256xf32, #tpu.memory_space<hbm>> -> memref<10000x256xf32, #tpu.memory_space<hbm>>
      tpu.enqueue_indirect_dma source(%dma_start3A_13 : memref<10000x256xf32, #tpu.memory_space<hbm>>) target(%arg9 : memref<128x256xf32, #tpu.memory_space<vmem>>) offsets(%arg7 : memref<128xi32, #tpu.memory_space<vmem>>) semaphore(%arg11 : memref<!tpu.dma_semaphore, #tpu.memory_space<semaphore_mem>>)
      %dma_start3A_14 = arith.constant 0 : i32
      %dma_start3A_15 = arith.constant 0 : i32
      %dma_start3A_16 = tpu.memref_slice %arg2[%dma_start3A_14, %dma_start3A_15] : memref<10000x256xf32, #tpu.memory_space<hbm>> -> memref<10000x256xf32, #tpu.memory_space<hbm>>
      tpu.enqueue_indirect_dma source(%dma_start3A_16 : memref<10000x256xf32, #tpu.memory_space<hbm>>) target(%arg10 : memref<128x256xf32, #tpu.memory_space<vmem>>) offsets(%arg8 : memref<128xi32, #tpu.memory_space<vmem>>) semaphore(%arg11 : memref<!tpu.dma_semaphore, #tpu.memory_space<semaphore_mem>>)
      %dma_wait3A = arith.constant 0 : i32
      %dma_wait3A_17 = arith.constant 0 : i32
      %dma_wait3A_18 = tpu.memref_slice %arg2[%dma_wait3A, %dma_wait3A_17] : memref<10000x256xf32, #tpu.memory_space<hbm>> -> memref<10000x256xf32, #tpu.memory_space<hbm>>
      tpu.wait_indirect_dma semaphore(%arg11 : memref<!tpu.dma_semaphore, #tpu.memory_space<semaphore_mem>>) src(%dma_wait3A_18 : memref<10000x256xf32, #tpu.memory_space<hbm>>) dst(%arg9 : memref<128x256xf32, #tpu.memory_space<vmem>>)
      %dma_wait3A_19 = arith.constant 0 : i32
      %dma_wait3A_20 = arith.constant 0 : i32
      %dma_wait3A_21 = tpu.memref_slice %arg2[%dma_wait3A_19, %dma_wait3A_20] : memref<10000x256xf32, #tpu.memory_space<hbm>> -> memref<10000x256xf32, #tpu.memory_space<hbm>>
      tpu.wait_indirect_dma semaphore(%arg11 : memref<!tpu.dma_semaphore, #tpu.memory_space<semaphore_mem>>) src(%dma_wait3A_21 : memref<10000x256xf32, #tpu.memory_space<hbm>>) dst(%arg10 : memref<128x256xf32, #tpu.memory_space<vmem>>)
      "tpu.region"() ({
        %run_scoped3A = tpu.sem_alloc : memref<!tpu.dma_semaphore, #tpu.memory_space<semaphore_mem>>
        %dma_start3A_22 = arith.constant 0 : i32
        %dma_start3A_23 = tpu.memref_slice %arg5[%mul3A_11, %dma_start3A_22] : memref<160000x256xf32, #tpu.memory_space<hbm>> -> memref<128x256xf32, #tpu.memory_space<hbm>>
        %dma_start3A_24 = arith.constant 0 : i32
        %dma_start3A_25 = tpu.memref_slice %arg5[%mul3A_11, %dma_start3A_24] : memref<160000x256xf32, #tpu.memory_space<hbm>> -> memref<128x256xf32, #tpu.memory_space<hbm>>
        tpu.enqueue_dma source(%arg9 : memref<128x256xf32, #tpu.memory_space<vmem>>) target(%dma_start3A_25 : memref<128x256xf32, #tpu.memory_space<hbm>>) target_semaphore(%run_scoped3A : memref<!tpu.dma_semaphore, #tpu.memory_space<semaphore_mem>>)
        %dma_wait3A_26 = arith.constant 0 : i32
        %dma_wait3A_27 = tpu.memref_slice %arg5[%mul3A_11, %dma_wait3A_26] : memref<160000x256xf32, #tpu.memory_space<hbm>> -> memref<128x256xf32, #tpu.memory_space<hbm>>
        %dma_wait3A_28 = arith.constant 0 : i32
        %dma_wait3A_29 = tpu.memref_slice %arg5[%mul3A_11, %dma_wait3A_28] : memref<160000x256xf32, #tpu.memory_space<hbm>> -> memref<128x256xf32, #tpu.memory_space<hbm>>
        tpu.wait_dma2 semaphore(%run_scoped3A : memref<!tpu.dma_semaphore, #tpu.memory_space<semaphore_mem>>) src(%arg9 : memref<128x256xf32, #tpu.memory_space<vmem>>) dst(%dma_wait3A_29 : memref<128x256xf32, #tpu.memory_space<hbm>>)
        tpu.yield
      }) : () -> ()
      "tpu.region"() ({
        %run_scoped3A = tpu.sem_alloc : memref<!tpu.dma_semaphore, #tpu.memory_space<semaphore_mem>>
        %dma_start3A_22 = arith.constant 0 : i32
        %dma_start3A_23 = tpu.memref_slice %arg6[%mul3A_11, %dma_start3A_22] : memref<160000x256xf32, #tpu.memory_space<hbm>> -> memref<128x256xf32, #tpu.memory_space<hbm>>
        %dma_start3A_24 = arith.constant 0 : i32
        %dma_start3A_25 = tpu.memref_slice %arg6[%mul3A_11, %dma_start3A_24] : memref<160000x256xf32, #tpu.memory_space<hbm>> -> memref<128x256xf32, #tpu.memory_space<hbm>>
        tpu.enqueue_dma source(%arg10 : memref<128x256xf32, #tpu.memory_space<vmem>>) target(%dma_start3A_25 : memref<128x256xf32, #tpu.memory_space<hbm>>) target_semaphore(%run_scoped3A : memref<!tpu.dma_semaphore, #tpu.memory_space<semaphore_mem>>)
        %dma_wait3A_26 = arith.constant 0 : i32
        %dma_wait3A_27 = tpu.memref_slice %arg6[%mul3A_11, %dma_wait3A_26] : memref<160000x256xf32, #tpu.memory_space<hbm>> -> memref<128x256xf32, #tpu.memory_space<hbm>>
        %dma_wait3A_28 = arith.constant 0 : i32
        %dma_wait3A_29 = tpu.memref_slice %arg6[%mul3A_11, %dma_wait3A_28] : memref<160000x256xf32, #tpu.memory_space<hbm>> -> memref<128x256xf32, #tpu.memory_space<hbm>>
        tpu.wait_dma2 semaphore(%run_scoped3A : memref<!tpu.dma_semaphore, #tpu.memory_space<semaphore_mem>>) src(%arg10 : memref<128x256xf32, #tpu.memory_space<vmem>>) dst(%dma_wait3A_29 : memref<128x256xf32, #tpu.memory_space<hbm>>)
        tpu.yield
      }) : () -> ()
    } else {
    }
    return
  }
}

#map = affine_map<(d0, d1) -> (0, 0)>
#map1 = affine_map<(d0, d1) -> (0)>
#map2 = affine_map<(d0, d1) -> (0, 0, 0)>
module attributes {stable_mosaic.version = 14 : i64} {
  func.func @scatter_k(%arg0: i32, %arg1: i32, %arg2: memref<160000x128xf32, #tpu.memory_space<hbm>>, %arg3: memref<160000x128xf32, #tpu.memory_space<hbm>>, %arg4: memref<160000xi32, #tpu.memory_space<hbm>>, %arg5: memref<640x128xf32, #tpu.memory_space<hbm>>, %arg6: memref<2x10000x128xf32, #tpu.memory_space<hbm>>, %arg7: memref<2x10000x128xf32, #tpu.memory_space<hbm>>, %arg8: memref<128xi32, #tpu.memory_space<vmem>>, %arg9: memref<128x128xf32, #tpu.memory_space<vmem>>, %arg10: memref<10000x128xf32, #tpu.memory_space<vmem_shared>>, %arg11: memref<!tpu.dma_semaphore, #tpu.memory_space<semaphore_mem>>) attributes {dimension_semantics = [#tpu.dimension_semantics<core_parallel>, #tpu.dimension_semantics<subcore_parallel>], iteration_bounds = array<i64: 2, 16>, scalar_prefetch = 0 : i64, scratch_operands = 4 : i64, tpu.core_type = #tpu.core_type<sc_vector_subcore>, window_params = [{transform_indices = #map}, {transform_indices = #map}, {transform_indices = #map1}, {transform_indices = #map}, {transform_indices = #map2}, {transform_indices = #map2}]} {
    %mul3A = arith.constant 2 : i32
    %mul3A_0 = arith.muli %arg1, %mul3A : i32
    %add3A = arith.addi %mul3A_0, %arg0 : i32
    %lt3A = arith.constant 15 : i32
    %lt3A_1 = arith.cmpi slt, %arg1, %lt3A : i32
    %convert_element_type3A = arith.extui %lt3A_1 : i1 to i32
    %cond3A = arith.constant 0 : i32
    %cond3A_2 = arith.cmpi ne, %convert_element_type3A, %cond3A : i32
    scf.if %cond3A_2 {
      %mul3A_51 = arith.constant 624 : i32
      %mul3A_52 = arith.muli %arg1, %mul3A_51 : i32
      "tpu.region"() ({
        %run_scoped3A = tpu.sem_alloc : memref<!tpu.dma_semaphore, #tpu.memory_space<semaphore_mem>>
        %dma_start3A = arith.constant 0 : i32
        %dma_start3A_53 = tpu.memref_slice %arg10[%mul3A_52, %dma_start3A] : memref<10000x128xf32, #tpu.memory_space<vmem_shared>> -> memref<624x128xf32, #tpu.memory_space<vmem_shared>>
        %dma_start3A_54 = arith.constant 0 : i32
        %dma_start3A_55 = arith.constant 0 : i32
        %dma_start3A_56 = tpu.memref_slice %arg5[%dma_start3A_54, %dma_start3A_55] : memref<640x128xf32, #tpu.memory_space<hbm>> -> memref<624x128xf32, #tpu.memory_space<hbm>>
        tpu.enqueue_dma source(%dma_start3A_56 : memref<624x128xf32, #tpu.memory_space<hbm>>) target(%dma_start3A_53 : memref<624x128xf32, #tpu.memory_space<vmem_shared>>) target_semaphore(%run_scoped3A : memref<!tpu.dma_semaphore, #tpu.memory_space<semaphore_mem>>)
        %dma_wait3A = arith.constant 0 : i32
        %dma_wait3A_57 = tpu.memref_slice %arg10[%mul3A_52, %dma_wait3A] : memref<10000x128xf32, #tpu.memory_space<vmem_shared>> -> memref<624x128xf32, #tpu.memory_space<vmem_shared>>
        %dma_wait3A_58 = arith.constant 0 : i32
        %dma_wait3A_59 = arith.constant 0 : i32
        %dma_wait3A_60 = tpu.memref_slice %arg5[%dma_wait3A_58, %dma_wait3A_59] : memref<640x128xf32, #tpu.memory_space<hbm>> -> memref<624x128xf32, #tpu.memory_space<hbm>>
        tpu.wait_dma2 semaphore(%run_scoped3A : memref<!tpu.dma_semaphore, #tpu.memory_space<semaphore_mem>>) src(%dma_wait3A_60 : memref<624x128xf32, #tpu.memory_space<hbm>>) dst(%dma_wait3A_57 : memref<624x128xf32, #tpu.memory_space<vmem_shared>>)
        tpu.yield
      }) : () -> ()
    } else {
    }
    %eq3A = arith.constant 15 : i32
    %eq3A_3 = arith.cmpi eq, %arg1, %eq3A : i32
    %convert_element_type3A_4 = arith.extui %eq3A_3 : i1 to i32
    %cond3A_5 = arith.constant 0 : i32
    %cond3A_6 = arith.cmpi ne, %convert_element_type3A_4, %cond3A_5 : i32
    scf.if %cond3A_6 {
      %mul3A_51 = arith.constant 624 : i32
      %mul3A_52 = arith.muli %arg1, %mul3A_51 : i32
      "tpu.region"() ({
        %run_scoped3A = tpu.sem_alloc : memref<!tpu.dma_semaphore, #tpu.memory_space<semaphore_mem>>
        %dma_start3A = arith.constant 0 : i32
        %dma_start3A_53 = tpu.memref_slice %arg10[%mul3A_52, %dma_start3A] : memref<10000x128xf32, #tpu.memory_space<vmem_shared>> -> memref<640x128xf32, #tpu.memory_space<vmem_shared>>
        %dma_start3A_54 = arith.constant 0 : i32
        %dma_start3A_55 = arith.constant 0 : i32
        %dma_start3A_56 = tpu.memref_slice %arg5[%dma_start3A_54, %dma_start3A_55] : memref<640x128xf32, #tpu.memory_space<hbm>> -> memref<640x128xf32, #tpu.memory_space<hbm>>
        tpu.enqueue_dma source(%dma_start3A_56 : memref<640x128xf32, #tpu.memory_space<hbm>>) target(%dma_start3A_53 : memref<640x128xf32, #tpu.memory_space<vmem_shared>>) target_semaphore(%run_scoped3A : memref<!tpu.dma_semaphore, #tpu.memory_space<semaphore_mem>>)
        %dma_wait3A = arith.constant 0 : i32
        %dma_wait3A_57 = tpu.memref_slice %arg10[%mul3A_52, %dma_wait3A] : memref<10000x128xf32, #tpu.memory_space<vmem_shared>> -> memref<640x128xf32, #tpu.memory_space<vmem_shared>>
        %dma_wait3A_58 = arith.constant 0 : i32
        %dma_wait3A_59 = arith.constant 0 : i32
        %dma_wait3A_60 = tpu.memref_slice %arg5[%dma_wait3A_58, %dma_wait3A_59] : memref<640x128xf32, #tpu.memory_space<hbm>> -> memref<640x128xf32, #tpu.memory_space<hbm>>
        tpu.wait_dma2 semaphore(%run_scoped3A : memref<!tpu.dma_semaphore, #tpu.memory_space<semaphore_mem>>) src(%dma_wait3A_60 : memref<640x128xf32, #tpu.memory_space<hbm>>) dst(%dma_wait3A_57 : memref<640x128xf32, #tpu.memory_space<vmem_shared>>)
        tpu.yield
      }) : () -> ()
    } else {
    }
    %barrier3A = arith.constant 0 : index
    tpu.barrier barrier_id(%barrier3A)
    %scan3A = arith.constant 0 : i32
    %scan3A_7 = arith.constant 0 : i32
    %scan3A_8 = arith.constant 39 : i32
    %scan3A_9 = arith.addi %scan3A_7, %scan3A_8 : i32
    %scan3A_10 = arith.constant 1 : i32
    scf.for %scan3A_51 = %scan3A_7 to %scan3A_9 step %scan3A_10  : i32 {
      %mul3A_52 = arith.constant 32 : i32
      %mul3A_53 = arith.muli %scan3A_51, %mul3A_52 : i32
      %add3A_54 = arith.addi %mul3A_53, %add3A : i32
      %mul3A_55 = arith.constant 128 : i32
      %mul3A_56 = arith.muli %add3A_54, %mul3A_55 : i32
      "tpu.region"() ({
        %run_scoped3A = tpu.sem_alloc : memref<!tpu.dma_semaphore, #tpu.memory_space<semaphore_mem>>
        %dma_start3A = tpu.memref_slice %arg4[%mul3A_56] : memref<160000xi32, #tpu.memory_space<hbm>> -> memref<128xi32, #tpu.memory_space<hbm>>
        %dma_start3A_57 = tpu.memref_slice %arg4[%mul3A_56] : memref<160000xi32, #tpu.memory_space<hbm>> -> memref<128xi32, #tpu.memory_space<hbm>>
        tpu.enqueue_dma source(%dma_start3A_57 : memref<128xi32, #tpu.memory_space<hbm>>) target(%arg8 : memref<128xi32, #tpu.memory_space<vmem>>) target_semaphore(%run_scoped3A : memref<!tpu.dma_semaphore, #tpu.memory_space<semaphore_mem>>)
        %dma_wait3A = tpu.memref_slice %arg4[%mul3A_56] : memref<160000xi32, #tpu.memory_space<hbm>> -> memref<128xi32, #tpu.memory_space<hbm>>
        %dma_wait3A_58 = tpu.memref_slice %arg4[%mul3A_56] : memref<160000xi32, #tpu.memory_space<hbm>> -> memref<128xi32, #tpu.memory_space<hbm>>
        tpu.wait_dma2 semaphore(%run_scoped3A : memref<!tpu.dma_semaphore, #tpu.memory_space<semaphore_mem>>) src(%dma_wait3A_58 : memref<128xi32, #tpu.memory_space<hbm>>) dst(%arg8 : memref<128xi32, #tpu.memory_space<vmem>>)
        tpu.yield
      }) : () -> ()
      "tpu.region"() ({
        %run_scoped3A = tpu.sem_alloc : memref<!tpu.dma_semaphore, #tpu.memory_space<semaphore_mem>>
        %dma_start3A = arith.constant 0 : i32
        %dma_start3A_57 = tpu.memref_slice %arg2[%mul3A_56, %dma_start3A] : memref<160000x128xf32, #tpu.memory_space<hbm>> -> memref<128x128xf32, #tpu.memory_space<hbm>>
        %dma_start3A_58 = arith.constant 0 : i32
        %dma_start3A_59 = tpu.memref_slice %arg2[%mul3A_56, %dma_start3A_58] : memref<160000x128xf32, #tpu.memory_space<hbm>> -> memref<128x128xf32, #tpu.memory_space<hbm>>
        tpu.enqueue_dma source(%dma_start3A_59 : memref<128x128xf32, #tpu.memory_space<hbm>>) target(%arg9 : memref<128x128xf32, #tpu.memory_space<vmem>>) target_semaphore(%run_scoped3A : memref<!tpu.dma_semaphore, #tpu.memory_space<semaphore_mem>>)
        %dma_wait3A = arith.constant 0 : i32
        %dma_wait3A_60 = tpu.memref_slice %arg2[%mul3A_56, %dma_wait3A] : memref<160000x128xf32, #tpu.memory_space<hbm>> -> memref<128x128xf32, #tpu.memory_space<hbm>>
        %dma_wait3A_61 = arith.constant 0 : i32
        %dma_wait3A_62 = tpu.memref_slice %arg2[%mul3A_56, %dma_wait3A_61] : memref<160000x128xf32, #tpu.memory_space<hbm>> -> memref<128x128xf32, #tpu.memory_space<hbm>>
        tpu.wait_dma2 semaphore(%run_scoped3A : memref<!tpu.dma_semaphore, #tpu.memory_space<semaphore_mem>>) src(%dma_wait3A_62 : memref<128x128xf32, #tpu.memory_space<hbm>>) dst(%arg9 : memref<128x128xf32, #tpu.memory_space<vmem>>)
        tpu.yield
      }) : () -> ()
      "tpu.region"() ({
        %run_scoped3A = tpu.sem_alloc : memref<!tpu.dma_semaphore, #tpu.memory_space<semaphore_mem>>
        %dma_start3A = arith.constant 0 : i32
        %dma_start3A_57 = arith.constant 0 : i32
        %dma_start3A_58 = tpu.memref_slice %arg10[%dma_start3A, %dma_start3A_57] : memref<10000x128xf32, #tpu.memory_space<vmem_shared>> -> memref<10000x128xf32, #tpu.memory_space<vmem_shared>>
        tpu.enqueue_indirect_dma source(%arg9 : memref<128x128xf32, #tpu.memory_space<vmem>>) target(%dma_start3A_58 : memref<10000x128xf32, #tpu.memory_space<vmem_shared>>) offsets(%arg8 : memref<128xi32, #tpu.memory_space<vmem>>) semaphore(%run_scoped3A : memref<!tpu.dma_semaphore, #tpu.memory_space<semaphore_mem>>) {add = true}
        %dma_wait3A = arith.constant 0 : i32
        %dma_wait3A_59 = arith.constant 0 : i32
        %dma_wait3A_60 = tpu.memref_slice %arg10[%dma_wait3A, %dma_wait3A_59] : memref<10000x128xf32, #tpu.memory_space<vmem_shared>> -> memref<10000x128xf32, #tpu.memory_space<vmem_shared>>
        tpu.wait_indirect_dma semaphore(%run_scoped3A : memref<!tpu.dma_semaphore, #tpu.memory_space<semaphore_mem>>) src(%arg9 : memref<128x128xf32, #tpu.memory_space<vmem>>) dst(%dma_wait3A_60 : memref<10000x128xf32, #tpu.memory_space<vmem_shared>>)
        tpu.yield
      }) : () -> ()
    }
    %scan3A_11 = arith.constant 39 : i32
    %lt3A_12 = arith.constant 2 : i32
    %lt3A_13 = arith.cmpi slt, %add3A, %lt3A_12 : i32
    %convert_element_type3A_14 = arith.extui %lt3A_13 : i1 to i32
    %cond3A_15 = arith.constant 0 : i32
    %cond3A_16 = arith.cmpi ne, %convert_element_type3A_14, %cond3A_15 : i32
    scf.if %cond3A_16 {
      %add3A_51 = arith.constant 1248 : i32
      %add3A_52 = arith.addi %add3A_51, %add3A : i32
      %mul3A_53 = arith.constant 128 : i32
      %mul3A_54 = arith.muli %add3A_52, %mul3A_53 : i32
      "tpu.region"() ({
        %run_scoped3A = tpu.sem_alloc : memref<!tpu.dma_semaphore, #tpu.memory_space<semaphore_mem>>
        %dma_start3A = tpu.memref_slice %arg4[%mul3A_54] : memref<160000xi32, #tpu.memory_space<hbm>> -> memref<128xi32, #tpu.memory_space<hbm>>
        %dma_start3A_55 = tpu.memref_slice %arg4[%mul3A_54] : memref<160000xi32, #tpu.memory_space<hbm>> -> memref<128xi32, #tpu.memory_space<hbm>>
        tpu.enqueue_dma source(%dma_start3A_55 : memref<128xi32, #tpu.memory_space<hbm>>) target(%arg8 : memref<128xi32, #tpu.memory_space<vmem>>) target_semaphore(%run_scoped3A : memref<!tpu.dma_semaphore, #tpu.memory_space<semaphore_mem>>)
        %dma_wait3A = tpu.memref_slice %arg4[%mul3A_54] : memref<160000xi32, #tpu.memory_space<hbm>> -> memref<128xi32, #tpu.memory_space<hbm>>
        %dma_wait3A_56 = tpu.memref_slice %arg4[%mul3A_54] : memref<160000xi32, #tpu.memory_space<hbm>> -> memref<128xi32, #tpu.memory_space<hbm>>
        tpu.wait_dma2 semaphore(%run_scoped3A : memref<!tpu.dma_semaphore, #tpu.memory_space<semaphore_mem>>) src(%dma_wait3A_56 : memref<128xi32, #tpu.memory_space<hbm>>) dst(%arg8 : memref<128xi32, #tpu.memory_space<vmem>>)
        tpu.yield
      }) : () -> ()
      "tpu.region"() ({
        %run_scoped3A = tpu.sem_alloc : memref<!tpu.dma_semaphore, #tpu.memory_space<semaphore_mem>>
        %dma_start3A = arith.constant 0 : i32
        %dma_start3A_55 = tpu.memref_slice %arg2[%mul3A_54, %dma_start3A] : memref<160000x128xf32, #tpu.memory_space<hbm>> -> memref<128x128xf32, #tpu.memory_space<hbm>>
        %dma_start3A_56 = arith.constant 0 : i32
        %dma_start3A_57 = tpu.memref_slice %arg2[%mul3A_54, %dma_start3A_56] : memref<160000x128xf32, #tpu.memory_space<hbm>> -> memref<128x128xf32, #tpu.memory_space<hbm>>
        tpu.enqueue_dma source(%dma_start3A_57 : memref<128x128xf32, #tpu.memory_space<hbm>>) target(%arg9 : memref<128x128xf32, #tpu.memory_space<vmem>>) target_semaphore(%run_scoped3A : memref<!tpu.dma_semaphore, #tpu.memory_space<semaphore_mem>>)
        %dma_wait3A = arith.constant 0 : i32
        %dma_wait3A_58 = tpu.memref_slice %arg2[%mul3A_54, %dma_wait3A] : memref<160000x128xf32, #tpu.memory_space<hbm>> -> memref<128x128xf32, #tpu.memory_space<hbm>>
        %dma_wait3A_59 = arith.constant 0 : i32
        %dma_wait3A_60 = tpu.memref_slice %arg2[%mul3A_54, %dma_wait3A_59] : memref<160000x128xf32, #tpu.memory_space<hbm>> -> memref<128x128xf32, #tpu.memory_space<hbm>>
        tpu.wait_dma2 semaphore(%run_scoped3A : memref<!tpu.dma_semaphore, #tpu.memory_space<semaphore_mem>>) src(%dma_wait3A_60 : memref<128x128xf32, #tpu.memory_space<hbm>>) dst(%arg9 : memref<128x128xf32, #tpu.memory_space<vmem>>)
        tpu.yield
      }) : () -> ()
      "tpu.region"() ({
        %run_scoped3A = tpu.sem_alloc : memref<!tpu.dma_semaphore, #tpu.memory_space<semaphore_mem>>
        %dma_start3A = arith.constant 0 : i32
        %dma_start3A_55 = arith.constant 0 : i32
        %dma_start3A_56 = tpu.memref_slice %arg10[%dma_start3A, %dma_start3A_55] : memref<10000x128xf32, #tpu.memory_space<vmem_shared>> -> memref<10000x128xf32, #tpu.memory_space<vmem_shared>>
        tpu.enqueue_indirect_dma source(%arg9 : memref<128x128xf32, #tpu.memory_space<vmem>>) target(%dma_start3A_56 : memref<10000x128xf32, #tpu.memory_space<vmem_shared>>) offsets(%arg8 : memref<128xi32, #tpu.memory_space<vmem>>) semaphore(%run_scoped3A : memref<!tpu.dma_semaphore, #tpu.memory_space<semaphore_mem>>) {add = true}
        %dma_wait3A = arith.constant 0 : i32
        %dma_wait3A_57 = arith.constant 0 : i32
        %dma_wait3A_58 = tpu.memref_slice %arg10[%dma_wait3A, %dma_wait3A_57] : memref<10000x128xf32, #tpu.memory_space<vmem_shared>> -> memref<10000x128xf32, #tpu.memory_space<vmem_shared>>
        tpu.wait_indirect_dma semaphore(%run_scoped3A : memref<!tpu.dma_semaphore, #tpu.memory_space<semaphore_mem>>) src(%arg9 : memref<128x128xf32, #tpu.memory_space<vmem>>) dst(%dma_wait3A_58 : memref<10000x128xf32, #tpu.memory_space<vmem_shared>>)
        tpu.yield
      }) : () -> ()
    } else {
    }
    %barrier3A_17 = arith.constant 0 : index
    tpu.barrier barrier_id(%barrier3A_17)
    %lt3A_18 = arith.constant 15 : i32
    %lt3A_19 = arith.cmpi slt, %arg1, %lt3A_18 : i32
    %convert_element_type3A_20 = arith.extui %lt3A_19 : i1 to i32
    %cond3A_21 = arith.constant 0 : i32
    %cond3A_22 = arith.cmpi ne, %convert_element_type3A_20, %cond3A_21 : i32
    scf.if %cond3A_22 {
      %mul3A_51 = arith.constant 624 : i32
      %mul3A_52 = arith.muli %arg1, %mul3A_51 : i32
      "tpu.region"() ({
        %run_scoped3A = tpu.sem_alloc : memref<!tpu.dma_semaphore, #tpu.memory_space<semaphore_mem>>
        %dma_start3A = arith.constant 0 : i32
        %dma_start3A_53 = tpu.memref_slice %arg6[%arg0, %mul3A_52, %dma_start3A] : memref<2x10000x128xf32, #tpu.memory_space<hbm>> -> memref<1x624x128xf32, #tpu.memory_space<hbm>>
        %dma_start3A_54 = tpu.memref_squeeze %dma_start3A_53 : memref<1x624x128xf32, #tpu.memory_space<hbm>> -> memref<624x128xf32, #tpu.memory_space<hbm>>
        %dma_start3A_55 = arith.constant 0 : i32
        %dma_start3A_56 = tpu.memref_slice %arg10[%mul3A_52, %dma_start3A_55] : memref<10000x128xf32, #tpu.memory_space<vmem_shared>> -> memref<624x128xf32, #tpu.memory_space<vmem_shared>>
        tpu.enqueue_dma source(%dma_start3A_56 : memref<624x128xf32, #tpu.memory_space<vmem_shared>>) target(%dma_start3A_54 : memref<624x128xf32, #tpu.memory_space<hbm>>) target_semaphore(%run_scoped3A : memref<!tpu.dma_semaphore, #tpu.memory_space<semaphore_mem>>)
        %dma_wait3A = arith.constant 0 : i32
        %dma_wait3A_57 = tpu.memref_slice %arg6[%arg0, %mul3A_52, %dma_wait3A] : memref<2x10000x128xf32, #tpu.memory_space<hbm>> -> memref<1x624x128xf32, #tpu.memory_space<hbm>>
        %dma_wait3A_58 = tpu.memref_squeeze %dma_wait3A_57 : memref<1x624x128xf32, #tpu.memory_space<hbm>> -> memref<624x128xf32, #tpu.memory_space<hbm>>
        %dma_wait3A_59 = arith.constant 0 : i32
        %dma_wait3A_60 = tpu.memref_slice %arg10[%mul3A_52, %dma_wait3A_59] : memref<10000x128xf32, #tpu.memory_space<vmem_shared>> -> memref<624x128xf32, #tpu.memory_space<vmem_shared>>
        tpu.wait_dma2 semaphore(%run_scoped3A : memref<!tpu.dma_semaphore, #tpu.memory_space<semaphore_mem>>) src(%dma_wait3A_60 : memref<624x128xf32, #tpu.memory_space<vmem_shared>>) dst(%dma_wait3A_58 : memref<624x128xf32, #tpu.memory_space<hbm>>)
        tpu.yield
      }) : () -> ()
      "tpu.region"() ({
        %run_scoped3A = tpu.sem_alloc : memref<!tpu.dma_semaphore, #tpu.memory_space<semaphore_mem>>
        %dma_start3A = arith.constant 0 : i32
        %dma_start3A_53 = tpu.memref_slice %arg10[%mul3A_52, %dma_start3A] : memref<10000x128xf32, #tpu.memory_space<vmem_shared>> -> memref<624x128xf32, #tpu.memory_space<vmem_shared>>
        %dma_start3A_54 = arith.constant 0 : i32
        %dma_start3A_55 = arith.constant 0 : i32
        %dma_start3A_56 = tpu.memref_slice %arg5[%dma_start3A_54, %dma_start3A_55] : memref<640x128xf32, #tpu.memory_space<hbm>> -> memref<624x128xf32, #tpu.memory_space<hbm>>
        tpu.enqueue_dma source(%dma_start3A_56 : memref<624x128xf32, #tpu.memory_space<hbm>>) target(%dma_start3A_53 : memref<624x128xf32, #tpu.memory_space<vmem_shared>>) target_semaphore(%run_scoped3A : memref<!tpu.dma_semaphore, #tpu.memory_space<semaphore_mem>>)
        %dma_wait3A = arith.constant 0 : i32
        %dma_wait3A_57 = tpu.memref_slice %arg10[%mul3A_52, %dma_wait3A] : memref<10000x128xf32, #tpu.memory_space<vmem_shared>> -> memref<624x128xf32, #tpu.memory_space<vmem_shared>>
        %dma_wait3A_58 = arith.constant 0 : i32
        %dma_wait3A_59 = arith.constant 0 : i32
        %dma_wait3A_60 = tpu.memref_slice %arg5[%dma_wait3A_58, %dma_wait3A_59] : memref<640x128xf32, #tpu.memory_space<hbm>> -> memref<624x128xf32, #tpu.memory_space<hbm>>
        tpu.wait_dma2 semaphore(%run_scoped3A : memref<!tpu.dma_semaphore, #tpu.memory_space<semaphore_mem>>) src(%dma_wait3A_60 : memref<624x128xf32, #tpu.memory_space<hbm>>) dst(%dma_wait3A_57 : memref<624x128xf32, #tpu.memory_space<vmem_shared>>)
        tpu.yield
      }) : () -> ()
    } else {
    }
    %eq3A_23 = arith.constant 15 : i32
    %eq3A_24 = arith.cmpi eq, %arg1, %eq3A_23 : i32
    %convert_element_type3A_25 = arith.extui %eq3A_24 : i1 to i32
    %cond3A_26 = arith.constant 0 : i32
    %cond3A_27 = arith.cmpi ne, %convert_element_type3A_25, %cond3A_26 : i32
    scf.if %cond3A_27 {
      %mul3A_51 = arith.constant 624 : i32
      %mul3A_52 = arith.muli %arg1, %mul3A_51 : i32
      "tpu.region"() ({
        %run_scoped3A = tpu.sem_alloc : memref<!tpu.dma_semaphore, #tpu.memory_space<semaphore_mem>>
        %dma_start3A = arith.constant 0 : i32
        %dma_start3A_53 = tpu.memref_slice %arg6[%arg0, %mul3A_52, %dma_start3A] : memref<2x10000x128xf32, #tpu.memory_space<hbm>> -> memref<1x640x128xf32, #tpu.memory_space<hbm>>
        %dma_start3A_54 = tpu.memref_squeeze %dma_start3A_53 : memref<1x640x128xf32, #tpu.memory_space<hbm>> -> memref<640x128xf32, #tpu.memory_space<hbm>>
        %dma_start3A_55 = arith.constant 0 : i32
        %dma_start3A_56 = tpu.memref_slice %arg10[%mul3A_52, %dma_start3A_55] : memref<10000x128xf32, #tpu.memory_space<vmem_shared>> -> memref<640x128xf32, #tpu.memory_space<vmem_shared>>
        tpu.enqueue_dma source(%dma_start3A_56 : memref<640x128xf32, #tpu.memory_space<vmem_shared>>) target(%dma_start3A_54 : memref<640x128xf32, #tpu.memory_space<hbm>>) target_semaphore(%run_scoped3A : memref<!tpu.dma_semaphore, #tpu.memory_space<semaphore_mem>>)
        %dma_wait3A = arith.constant 0 : i32
        %dma_wait3A_57 = tpu.memref_slice %arg6[%arg0, %mul3A_52, %dma_wait3A] : memref<2x10000x128xf32, #tpu.memory_space<hbm>> -> memref<1x640x128xf32, #tpu.memory_space<hbm>>
        %dma_wait3A_58 = tpu.memref_squeeze %dma_wait3A_57 : memref<1x640x128xf32, #tpu.memory_space<hbm>> -> memref<640x128xf32, #tpu.memory_space<hbm>>
        %dma_wait3A_59 = arith.constant 0 : i32
        %dma_wait3A_60 = tpu.memref_slice %arg10[%mul3A_52, %dma_wait3A_59] : memref<10000x128xf32, #tpu.memory_space<vmem_shared>> -> memref<640x128xf32, #tpu.memory_space<vmem_shared>>
        tpu.wait_dma2 semaphore(%run_scoped3A : memref<!tpu.dma_semaphore, #tpu.memory_space<semaphore_mem>>) src(%dma_wait3A_60 : memref<640x128xf32, #tpu.memory_space<vmem_shared>>) dst(%dma_wait3A_58 : memref<640x128xf32, #tpu.memory_space<hbm>>)
        tpu.yield
      }) : () -> ()
      "tpu.region"() ({
        %run_scoped3A = tpu.sem_alloc : memref<!tpu.dma_semaphore, #tpu.memory_space<semaphore_mem>>
        %dma_start3A = arith.constant 0 : i32
        %dma_start3A_53 = tpu.memref_slice %arg10[%mul3A_52, %dma_start3A] : memref<10000x128xf32, #tpu.memory_space<vmem_shared>> -> memref<640x128xf32, #tpu.memory_space<vmem_shared>>
        %dma_start3A_54 = arith.constant 0 : i32
        %dma_start3A_55 = arith.constant 0 : i32
        %dma_start3A_56 = tpu.memref_slice %arg5[%dma_start3A_54, %dma_start3A_55] : memref<640x128xf32, #tpu.memory_space<hbm>> -> memref<640x128xf32, #tpu.memory_space<hbm>>
        tpu.enqueue_dma source(%dma_start3A_56 : memref<640x128xf32, #tpu.memory_space<hbm>>) target(%dma_start3A_53 : memref<640x128xf32, #tpu.memory_space<vmem_shared>>) target_semaphore(%run_scoped3A : memref<!tpu.dma_semaphore, #tpu.memory_space<semaphore_mem>>)
        %dma_wait3A = arith.constant 0 : i32
        %dma_wait3A_57 = tpu.memref_slice %arg10[%mul3A_52, %dma_wait3A] : memref<10000x128xf32, #tpu.memory_space<vmem_shared>> -> memref<640x128xf32, #tpu.memory_space<vmem_shared>>
        %dma_wait3A_58 = arith.constant 0 : i32
        %dma_wait3A_59 = arith.constant 0 : i32
        %dma_wait3A_60 = tpu.memref_slice %arg5[%dma_wait3A_58, %dma_wait3A_59] : memref<640x128xf32, #tpu.memory_space<hbm>> -> memref<640x128xf32, #tpu.memory_space<hbm>>
        tpu.wait_dma2 semaphore(%run_scoped3A : memref<!tpu.dma_semaphore, #tpu.memory_space<semaphore_mem>>) src(%dma_wait3A_60 : memref<640x128xf32, #tpu.memory_space<hbm>>) dst(%dma_wait3A_57 : memref<640x128xf32, #tpu.memory_space<vmem_shared>>)
        tpu.yield
      }) : () -> ()
    } else {
    }
    %barrier3A_28 = arith.constant 0 : index
    tpu.barrier barrier_id(%barrier3A_28)
    %scan3A_29 = arith.constant 0 : i32
    %scan3A_30 = arith.constant 0 : i32
    %scan3A_31 = arith.constant 39 : i32
    %scan3A_32 = arith.addi %scan3A_30, %scan3A_31 : i32
    %scan3A_33 = arith.constant 1 : i32
    scf.for %scan3A_51 = %scan3A_30 to %scan3A_32 step %scan3A_33  : i32 {
      %mul3A_52 = arith.constant 32 : i32
      %mul3A_53 = arith.muli %scan3A_51, %mul3A_52 : i32
      %add3A_54 = arith.addi %mul3A_53, %add3A : i32
      %mul3A_55 = arith.constant 128 : i32
      %mul3A_56 = arith.muli %add3A_54, %mul3A_55 : i32
      "tpu.region"() ({
        %run_scoped3A = tpu.sem_alloc : memref<!tpu.dma_semaphore, #tpu.memory_space<semaphore_mem>>
        %dma_start3A = tpu.memref_slice %arg4[%mul3A_56] : memref<160000xi32, #tpu.memory_space<hbm>> -> memref<128xi32, #tpu.memory_space<hbm>>
        %dma_start3A_57 = tpu.memref_slice %arg4[%mul3A_56] : memref<160000xi32, #tpu.memory_space<hbm>> -> memref<128xi32, #tpu.memory_space<hbm>>
        tpu.enqueue_dma source(%dma_start3A_57 : memref<128xi32, #tpu.memory_space<hbm>>) target(%arg8 : memref<128xi32, #tpu.memory_space<vmem>>) target_semaphore(%run_scoped3A : memref<!tpu.dma_semaphore, #tpu.memory_space<semaphore_mem>>)
        %dma_wait3A = tpu.memref_slice %arg4[%mul3A_56] : memref<160000xi32, #tpu.memory_space<hbm>> -> memref<128xi32, #tpu.memory_space<hbm>>
        %dma_wait3A_58 = tpu.memref_slice %arg4[%mul3A_56] : memref<160000xi32, #tpu.memory_space<hbm>> -> memref<128xi32, #tpu.memory_space<hbm>>
        tpu.wait_dma2 semaphore(%run_scoped3A : memref<!tpu.dma_semaphore, #tpu.memory_space<semaphore_mem>>) src(%dma_wait3A_58 : memref<128xi32, #tpu.memory_space<hbm>>) dst(%arg8 : memref<128xi32, #tpu.memory_space<vmem>>)
        tpu.yield
      }) : () -> ()
      "tpu.region"() ({
        %run_scoped3A = tpu.sem_alloc : memref<!tpu.dma_semaphore, #tpu.memory_space<semaphore_mem>>
        %dma_start3A = arith.constant 0 : i32
        %dma_start3A_57 = tpu.memref_slice %arg3[%mul3A_56, %dma_start3A] : memref<160000x128xf32, #tpu.memory_space<hbm>> -> memref<128x128xf32, #tpu.memory_space<hbm>>
        %dma_start3A_58 = arith.constant 0 : i32
        %dma_start3A_59 = tpu.memref_slice %arg3[%mul3A_56, %dma_start3A_58] : memref<160000x128xf32, #tpu.memory_space<hbm>> -> memref<128x128xf32, #tpu.memory_space<hbm>>
        tpu.enqueue_dma source(%dma_start3A_59 : memref<128x128xf32, #tpu.memory_space<hbm>>) target(%arg9 : memref<128x128xf32, #tpu.memory_space<vmem>>) target_semaphore(%run_scoped3A : memref<!tpu.dma_semaphore, #tpu.memory_space<semaphore_mem>>)
        %dma_wait3A = arith.constant 0 : i32
        %dma_wait3A_60 = tpu.memref_slice %arg3[%mul3A_56, %dma_wait3A] : memref<160000x128xf32, #tpu.memory_space<hbm>> -> memref<128x128xf32, #tpu.memory_space<hbm>>
        %dma_wait3A_61 = arith.constant 0 : i32
        %dma_wait3A_62 = tpu.memref_slice %arg3[%mul3A_56, %dma_wait3A_61] : memref<160000x128xf32, #tpu.memory_space<hbm>> -> memref<128x128xf32, #tpu.memory_space<hbm>>
        tpu.wait_dma2 semaphore(%run_scoped3A : memref<!tpu.dma_semaphore, #tpu.memory_space<semaphore_mem>>) src(%dma_wait3A_62 : memref<128x128xf32, #tpu.memory_space<hbm>>) dst(%arg9 : memref<128x128xf32, #tpu.memory_space<vmem>>)
        tpu.yield
      }) : () -> ()
      "tpu.region"() ({
        %run_scoped3A = tpu.sem_alloc : memref<!tpu.dma_semaphore, #tpu.memory_space<semaphore_mem>>
        %dma_start3A = arith.constant 0 : i32
        %dma_start3A_57 = arith.constant 0 : i32
        %dma_start3A_58 = tpu.memref_slice %arg10[%dma_start3A, %dma_start3A_57] : memref<10000x128xf32, #tpu.memory_space<vmem_shared>> -> memref<10000x128xf32, #tpu.memory_space<vmem_shared>>
        tpu.enqueue_indirect_dma source(%arg9 : memref<128x128xf32, #tpu.memory_space<vmem>>) target(%dma_start3A_58 : memref<10000x128xf32, #tpu.memory_space<vmem_shared>>) offsets(%arg8 : memref<128xi32, #tpu.memory_space<vmem>>) semaphore(%run_scoped3A : memref<!tpu.dma_semaphore, #tpu.memory_space<semaphore_mem>>) {add = true}
        %dma_wait3A = arith.constant 0 : i32
        %dma_wait3A_59 = arith.constant 0 : i32
        %dma_wait3A_60 = tpu.memref_slice %arg10[%dma_wait3A, %dma_wait3A_59] : memref<10000x128xf32, #tpu.memory_space<vmem_shared>> -> memref<10000x128xf32, #tpu.memory_space<vmem_shared>>
        tpu.wait_indirect_dma semaphore(%run_scoped3A : memref<!tpu.dma_semaphore, #tpu.memory_space<semaphore_mem>>) src(%arg9 : memref<128x128xf32, #tpu.memory_space<vmem>>) dst(%dma_wait3A_60 : memref<10000x128xf32, #tpu.memory_space<vmem_shared>>)
        tpu.yield
      }) : () -> ()
    }
    %scan3A_34 = arith.constant 39 : i32
    %lt3A_35 = arith.constant 2 : i32
    %lt3A_36 = arith.cmpi slt, %add3A, %lt3A_35 : i32
    %convert_element_type3A_37 = arith.extui %lt3A_36 : i1 to i32
    %cond3A_38 = arith.constant 0 : i32
    %cond3A_39 = arith.cmpi ne, %convert_element_type3A_37, %cond3A_38 : i32
    scf.if %cond3A_39 {
      %add3A_51 = arith.constant 1248 : i32
      %add3A_52 = arith.addi %add3A_51, %add3A : i32
      %mul3A_53 = arith.constant 128 : i32
      %mul3A_54 = arith.muli %add3A_52, %mul3A_53 : i32
      "tpu.region"() ({
        %run_scoped3A = tpu.sem_alloc : memref<!tpu.dma_semaphore, #tpu.memory_space<semaphore_mem>>
        %dma_start3A = tpu.memref_slice %arg4[%mul3A_54] : memref<160000xi32, #tpu.memory_space<hbm>> -> memref<128xi32, #tpu.memory_space<hbm>>
        %dma_start3A_55 = tpu.memref_slice %arg4[%mul3A_54] : memref<160000xi32, #tpu.memory_space<hbm>> -> memref<128xi32, #tpu.memory_space<hbm>>
        tpu.enqueue_dma source(%dma_start3A_55 : memref<128xi32, #tpu.memory_space<hbm>>) target(%arg8 : memref<128xi32, #tpu.memory_space<vmem>>) target_semaphore(%run_scoped3A : memref<!tpu.dma_semaphore, #tpu.memory_space<semaphore_mem>>)
        %dma_wait3A = tpu.memref_slice %arg4[%mul3A_54] : memref<160000xi32, #tpu.memory_space<hbm>> -> memref<128xi32, #tpu.memory_space<hbm>>
        %dma_wait3A_56 = tpu.memref_slice %arg4[%mul3A_54] : memref<160000xi32, #tpu.memory_space<hbm>> -> memref<128xi32, #tpu.memory_space<hbm>>
        tpu.wait_dma2 semaphore(%run_scoped3A : memref<!tpu.dma_semaphore, #tpu.memory_space<semaphore_mem>>) src(%dma_wait3A_56 : memref<128xi32, #tpu.memory_space<hbm>>) dst(%arg8 : memref<128xi32, #tpu.memory_space<vmem>>)
        tpu.yield
      }) : () -> ()
      "tpu.region"() ({
        %run_scoped3A = tpu.sem_alloc : memref<!tpu.dma_semaphore, #tpu.memory_space<semaphore_mem>>
        %dma_start3A = arith.constant 0 : i32
        %dma_start3A_55 = tpu.memref_slice %arg3[%mul3A_54, %dma_start3A] : memref<160000x128xf32, #tpu.memory_space<hbm>> -> memref<128x128xf32, #tpu.memory_space<hbm>>
        %dma_start3A_56 = arith.constant 0 : i32
        %dma_start3A_57 = tpu.memref_slice %arg3[%mul3A_54, %dma_start3A_56] : memref<160000x128xf32, #tpu.memory_space<hbm>> -> memref<128x128xf32, #tpu.memory_space<hbm>>
        tpu.enqueue_dma source(%dma_start3A_57 : memref<128x128xf32, #tpu.memory_space<hbm>>) target(%arg9 : memref<128x128xf32, #tpu.memory_space<vmem>>) target_semaphore(%run_scoped3A : memref<!tpu.dma_semaphore, #tpu.memory_space<semaphore_mem>>)
        %dma_wait3A = arith.constant 0 : i32
        %dma_wait3A_58 = tpu.memref_slice %arg3[%mul3A_54, %dma_wait3A] : memref<160000x128xf32, #tpu.memory_space<hbm>> -> memref<128x128xf32, #tpu.memory_space<hbm>>
        %dma_wait3A_59 = arith.constant 0 : i32
        %dma_wait3A_60 = tpu.memref_slice %arg3[%mul3A_54, %dma_wait3A_59] : memref<160000x128xf32, #tpu.memory_space<hbm>> -> memref<128x128xf32, #tpu.memory_space<hbm>>
        tpu.wait_dma2 semaphore(%run_scoped3A : memref<!tpu.dma_semaphore, #tpu.memory_space<semaphore_mem>>) src(%dma_wait3A_60 : memref<128x128xf32, #tpu.memory_space<hbm>>) dst(%arg9 : memref<128x128xf32, #tpu.memory_space<vmem>>)
        tpu.yield
      }) : () -> ()
      "tpu.region"() ({
        %run_scoped3A = tpu.sem_alloc : memref<!tpu.dma_semaphore, #tpu.memory_space<semaphore_mem>>
        %dma_start3A = arith.constant 0 : i32
        %dma_start3A_55 = arith.constant 0 : i32
        %dma_start3A_56 = tpu.memref_slice %arg10[%dma_start3A, %dma_start3A_55] : memref<10000x128xf32, #tpu.memory_space<vmem_shared>> -> memref<10000x128xf32, #tpu.memory_space<vmem_shared>>
        tpu.enqueue_indirect_dma source(%arg9 : memref<128x128xf32, #tpu.memory_space<vmem>>) target(%dma_start3A_56 : memref<10000x128xf32, #tpu.memory_space<vmem_shared>>) offsets(%arg8 : memref<128xi32, #tpu.memory_space<vmem>>) semaphore(%run_scoped3A : memref<!tpu.dma_semaphore, #tpu.memory_space<semaphore_mem>>) {add = true}
        %dma_wait3A = arith.constant 0 : i32
        %dma_wait3A_57 = arith.constant 0 : i32
        %dma_wait3A_58 = tpu.memref_slice %arg10[%dma_wait3A, %dma_wait3A_57] : memref<10000x128xf32, #tpu.memory_space<vmem_shared>> -> memref<10000x128xf32, #tpu.memory_space<vmem_shared>>
        tpu.wait_indirect_dma semaphore(%run_scoped3A : memref<!tpu.dma_semaphore, #tpu.memory_space<semaphore_mem>>) src(%arg9 : memref<128x128xf32, #tpu.memory_space<vmem>>) dst(%dma_wait3A_58 : memref<10000x128xf32, #tpu.memory_space<vmem_shared>>)
        tpu.yield
      }) : () -> ()
    } else {
    }
    %barrier3A_40 = arith.constant 0 : index
    tpu.barrier barrier_id(%barrier3A_40)
    %lt3A_41 = arith.constant 15 : i32
    %lt3A_42 = arith.cmpi slt, %arg1, %lt3A_41 : i32
    %convert_element_type3A_43 = arith.extui %lt3A_42 : i1 to i32
    %cond3A_44 = arith.constant 0 : i32
    %cond3A_45 = arith.cmpi ne, %convert_element_type3A_43, %cond3A_44 : i32
    scf.if %cond3A_45 {
      %mul3A_51 = arith.constant 624 : i32
      %mul3A_52 = arith.muli %arg1, %mul3A_51 : i32
      "tpu.region"() ({
        %run_scoped3A = tpu.sem_alloc : memref<!tpu.dma_semaphore, #tpu.memory_space<semaphore_mem>>
        %dma_start3A = arith.constant 0 : i32
        %dma_start3A_53 = tpu.memref_slice %arg7[%arg0, %mul3A_52, %dma_start3A] : memref<2x10000x128xf32, #tpu.memory_space<hbm>> -> memref<1x624x128xf32, #tpu.memory_space<hbm>>
        %dma_start3A_54 = tpu.memref_squeeze %dma_start3A_53 : memref<1x624x128xf32, #tpu.memory_space<hbm>> -> memref<624x128xf32, #tpu.memory_space<hbm>>
        %dma_start3A_55 = arith.constant 0 : i32
        %dma_start3A_56 = tpu.memref_slice %arg10[%mul3A_52, %dma_start3A_55] : memref<10000x128xf32, #tpu.memory_space<vmem_shared>> -> memref<624x128xf32, #tpu.memory_space<vmem_shared>>
        tpu.enqueue_dma source(%dma_start3A_56 : memref<624x128xf32, #tpu.memory_space<vmem_shared>>) target(%dma_start3A_54 : memref<624x128xf32, #tpu.memory_space<hbm>>) target_semaphore(%run_scoped3A : memref<!tpu.dma_semaphore, #tpu.memory_space<semaphore_mem>>)
        %dma_wait3A = arith.constant 0 : i32
        %dma_wait3A_57 = tpu.memref_slice %arg7[%arg0, %mul3A_52, %dma_wait3A] : memref<2x10000x128xf32, #tpu.memory_space<hbm>> -> memref<1x624x128xf32, #tpu.memory_space<hbm>>
        %dma_wait3A_58 = tpu.memref_squeeze %dma_wait3A_57 : memref<1x624x128xf32, #tpu.memory_space<hbm>> -> memref<624x128xf32, #tpu.memory_space<hbm>>
        %dma_wait3A_59 = arith.constant 0 : i32
        %dma_wait3A_60 = tpu.memref_slice %arg10[%mul3A_52, %dma_wait3A_59] : memref<10000x128xf32, #tpu.memory_space<vmem_shared>> -> memref<624x128xf32, #tpu.memory_space<vmem_shared>>
        tpu.wait_dma2 semaphore(%run_scoped3A : memref<!tpu.dma_semaphore, #tpu.memory_space<semaphore_mem>>) src(%dma_wait3A_60 : memref<624x128xf32, #tpu.memory_space<vmem_shared>>) dst(%dma_wait3A_58 : memref<624x128xf32, #tpu.memory_space<hbm>>)
        tpu.yield
      }) : () -> ()
    } else {
    }
    %eq3A_46 = arith.constant 15 : i32
    %eq3A_47 = arith.cmpi eq, %arg1, %eq3A_46 : i32
    %convert_element_type3A_48 = arith.extui %eq3A_47 : i1 to i32
    %cond3A_49 = arith.constant 0 : i32
    %cond3A_50 = arith.cmpi ne, %convert_element_type3A_48, %cond3A_49 : i32
    scf.if %cond3A_50 {
      %mul3A_51 = arith.constant 624 : i32
      %mul3A_52 = arith.muli %arg1, %mul3A_51 : i32
      "tpu.region"() ({
        %run_scoped3A = tpu.sem_alloc : memref<!tpu.dma_semaphore, #tpu.memory_space<semaphore_mem>>
        %dma_start3A = arith.constant 0 : i32
        %dma_start3A_53 = tpu.memref_slice %arg7[%arg0, %mul3A_52, %dma_start3A] : memref<2x10000x128xf32, #tpu.memory_space<hbm>> -> memref<1x640x128xf32, #tpu.memory_space<hbm>>
        %dma_start3A_54 = tpu.memref_squeeze %dma_start3A_53 : memref<1x640x128xf32, #tpu.memory_space<hbm>> -> memref<640x128xf32, #tpu.memory_space<hbm>>
        %dma_start3A_55 = arith.constant 0 : i32
        %dma_start3A_56 = tpu.memref_slice %arg10[%mul3A_52, %dma_start3A_55] : memref<10000x128xf32, #tpu.memory_space<vmem_shared>> -> memref<640x128xf32, #tpu.memory_space<vmem_shared>>
        tpu.enqueue_dma source(%dma_start3A_56 : memref<640x128xf32, #tpu.memory_space<vmem_shared>>) target(%dma_start3A_54 : memref<640x128xf32, #tpu.memory_space<hbm>>) target_semaphore(%run_scoped3A : memref<!tpu.dma_semaphore, #tpu.memory_space<semaphore_mem>>)
        %dma_wait3A = arith.constant 0 : i32
        %dma_wait3A_57 = tpu.memref_slice %arg7[%arg0, %mul3A_52, %dma_wait3A] : memref<2x10000x128xf32, #tpu.memory_space<hbm>> -> memref<1x640x128xf32, #tpu.memory_space<hbm>>
        %dma_wait3A_58 = tpu.memref_squeeze %dma_wait3A_57 : memref<1x640x128xf32, #tpu.memory_space<hbm>> -> memref<640x128xf32, #tpu.memory_space<hbm>>
        %dma_wait3A_59 = arith.constant 0 : i32
        %dma_wait3A_60 = tpu.memref_slice %arg10[%mul3A_52, %dma_wait3A_59] : memref<10000x128xf32, #tpu.memory_space<vmem_shared>> -> memref<640x128xf32, #tpu.memory_space<vmem_shared>>
        tpu.wait_dma2 semaphore(%run_scoped3A : memref<!tpu.dma_semaphore, #tpu.memory_space<semaphore_mem>>) src(%dma_wait3A_60 : memref<640x128xf32, #tpu.memory_space<vmem_shared>>) dst(%dma_wait3A_58 : memref<640x128xf32, #tpu.memory_space<hbm>>)
        tpu.yield
      }) : () -> ()
    } else {
    }
    return
  }
}

#map = affine_map<(d0, d1) -> (0, 0)>
#map1 = affine_map<(d0, d1) -> (0)>
#map2 = affine_map<(d0, d1) -> (0, 0, 0)>
module attributes {stable_mosaic.version = 14 : i64} {
  func.func @scatter_k(%arg0: i32, %arg1: i32, %arg2: memref<160000x128xf32, #tpu.memory_space<hbm>>, %arg3: memref<160000x128xf32, #tpu.memory_space<hbm>>, %arg4: memref<160000xi32, #tpu.memory_space<hbm>>, %arg5: memref<640x128xf32, #tpu.memory_space<hbm>>, %arg6: memref<2x10000x128xf32, #tpu.memory_space<hbm>>, %arg7: memref<2x10000x128xf32, #tpu.memory_space<hbm>>, %arg8: memref<128xi32, #tpu.memory_space<vmem>>, %arg9: memref<128x128xf32, #tpu.memory_space<vmem>>, %arg10: memref<10000x128xf32, #tpu.memory_space<vmem_shared>>, %arg11: memref<!tpu.dma_semaphore, #tpu.memory_space<semaphore_mem>>) attributes {dimension_semantics = [#tpu.dimension_semantics<core_parallel>, #tpu.dimension_semantics<subcore_parallel>], iteration_bounds = array<i64: 2, 16>, scalar_prefetch = 0 : i64, scratch_operands = 4 : i64, tpu.core_type = #tpu.core_type<sc_vector_subcore>, window_params = [{transform_indices = #map}, {transform_indices = #map}, {transform_indices = #map1}, {transform_indices = #map}, {transform_indices = #map2}, {transform_indices = #map2}]} {
    %mul3A = arith.constant 2 : i32
    %mul3A_0 = arith.muli %arg1, %mul3A : i32
    %add3A = arith.addi %mul3A_0, %arg0 : i32
    %lt3A = arith.constant 15 : i32
    %lt3A_1 = arith.cmpi slt, %arg1, %lt3A : i32
    %convert_element_type3A = arith.extui %lt3A_1 : i1 to i32
    %cond3A = arith.constant 0 : i32
    %cond3A_2 = arith.cmpi ne, %convert_element_type3A, %cond3A : i32
    scf.if %cond3A_2 {
      %mul3A_51 = arith.constant 624 : i32
      %mul3A_52 = arith.muli %arg1, %mul3A_51 : i32
      "tpu.region"() ({
        %run_scoped3A = tpu.sem_alloc : memref<!tpu.dma_semaphore, #tpu.memory_space<semaphore_mem>>
        %dma_start3A = arith.constant 0 : i32
        %dma_start3A_53 = tpu.memref_slice %arg10[%mul3A_52, %dma_start3A] : memref<10000x128xf32, #tpu.memory_space<vmem_shared>> -> memref<624x128xf32, #tpu.memory_space<vmem_shared>>
        %dma_start3A_54 = arith.constant 0 : i32
        %dma_start3A_55 = arith.constant 0 : i32
        %dma_start3A_56 = tpu.memref_slice %arg5[%dma_start3A_54, %dma_start3A_55] : memref<640x128xf32, #tpu.memory_space<hbm>> -> memref<624x128xf32, #tpu.memory_space<hbm>>
        tpu.enqueue_dma source(%dma_start3A_56 : memref<624x128xf32, #tpu.memory_space<hbm>>) target(%dma_start3A_53 : memref<624x128xf32, #tpu.memory_space<vmem_shared>>) target_semaphore(%run_scoped3A : memref<!tpu.dma_semaphore, #tpu.memory_space<semaphore_mem>>)
        %dma_wait3A = arith.constant 0 : i32
        %dma_wait3A_57 = tpu.memref_slice %arg10[%mul3A_52, %dma_wait3A] : memref<10000x128xf32, #tpu.memory_space<vmem_shared>> -> memref<624x128xf32, #tpu.memory_space<vmem_shared>>
        %dma_wait3A_58 = arith.constant 0 : i32
        %dma_wait3A_59 = arith.constant 0 : i32
        %dma_wait3A_60 = tpu.memref_slice %arg5[%dma_wait3A_58, %dma_wait3A_59] : memref<640x128xf32, #tpu.memory_space<hbm>> -> memref<624x128xf32, #tpu.memory_space<hbm>>
        tpu.wait_dma2 semaphore(%run_scoped3A : memref<!tpu.dma_semaphore, #tpu.memory_space<semaphore_mem>>) src(%dma_wait3A_60 : memref<624x128xf32, #tpu.memory_space<hbm>>) dst(%dma_wait3A_57 : memref<624x128xf32, #tpu.memory_space<vmem_shared>>)
        tpu.yield
      }) : () -> ()
    } else {
    }
    %eq3A = arith.constant 15 : i32
    %eq3A_3 = arith.cmpi eq, %arg1, %eq3A : i32
    %convert_element_type3A_4 = arith.extui %eq3A_3 : i1 to i32
    %cond3A_5 = arith.constant 0 : i32
    %cond3A_6 = arith.cmpi ne, %convert_element_type3A_4, %cond3A_5 : i32
    scf.if %cond3A_6 {
      %mul3A_51 = arith.constant 624 : i32
      %mul3A_52 = arith.muli %arg1, %mul3A_51 : i32
      "tpu.region"() ({
        %run_scoped3A = tpu.sem_alloc : memref<!tpu.dma_semaphore, #tpu.memory_space<semaphore_mem>>
        %dma_start3A = arith.constant 0 : i32
        %dma_start3A_53 = tpu.memref_slice %arg10[%mul3A_52, %dma_start3A] : memref<10000x128xf32, #tpu.memory_space<vmem_shared>> -> memref<640x128xf32, #tpu.memory_space<vmem_shared>>
        %dma_start3A_54 = arith.constant 0 : i32
        %dma_start3A_55 = arith.constant 0 : i32
        %dma_start3A_56 = tpu.memref_slice %arg5[%dma_start3A_54, %dma_start3A_55] : memref<640x128xf32, #tpu.memory_space<hbm>> -> memref<640x128xf32, #tpu.memory_space<hbm>>
        tpu.enqueue_dma source(%dma_start3A_56 : memref<640x128xf32, #tpu.memory_space<hbm>>) target(%dma_start3A_53 : memref<640x128xf32, #tpu.memory_space<vmem_shared>>) target_semaphore(%run_scoped3A : memref<!tpu.dma_semaphore, #tpu.memory_space<semaphore_mem>>)
        %dma_wait3A = arith.constant 0 : i32
        %dma_wait3A_57 = tpu.memref_slice %arg10[%mul3A_52, %dma_wait3A] : memref<10000x128xf32, #tpu.memory_space<vmem_shared>> -> memref<640x128xf32, #tpu.memory_space<vmem_shared>>
        %dma_wait3A_58 = arith.constant 0 : i32
        %dma_wait3A_59 = arith.constant 0 : i32
        %dma_wait3A_60 = tpu.memref_slice %arg5[%dma_wait3A_58, %dma_wait3A_59] : memref<640x128xf32, #tpu.memory_space<hbm>> -> memref<640x128xf32, #tpu.memory_space<hbm>>
        tpu.wait_dma2 semaphore(%run_scoped3A : memref<!tpu.dma_semaphore, #tpu.memory_space<semaphore_mem>>) src(%dma_wait3A_60 : memref<640x128xf32, #tpu.memory_space<hbm>>) dst(%dma_wait3A_57 : memref<640x128xf32, #tpu.memory_space<vmem_shared>>)
        tpu.yield
      }) : () -> ()
    } else {
    }
    %barrier3A = arith.constant 0 : index
    tpu.barrier barrier_id(%barrier3A)
    %scan3A = arith.constant 0 : i32
    %scan3A_7 = arith.constant 0 : i32
    %scan3A_8 = arith.constant 39 : i32
    %scan3A_9 = arith.addi %scan3A_7, %scan3A_8 : i32
    %scan3A_10 = arith.constant 1 : i32
    scf.for %scan3A_51 = %scan3A_7 to %scan3A_9 step %scan3A_10  : i32 {
      %mul3A_52 = arith.constant 32 : i32
      %mul3A_53 = arith.muli %scan3A_51, %mul3A_52 : i32
      %add3A_54 = arith.addi %mul3A_53, %add3A : i32
      %mul3A_55 = arith.constant 128 : i32
      %mul3A_56 = arith.muli %add3A_54, %mul3A_55 : i32
      "tpu.region"() ({
        %run_scoped3A = tpu.sem_alloc : memref<!tpu.dma_semaphore, #tpu.memory_space<semaphore_mem>>
        %dma_start3A = tpu.memref_slice %arg4[%mul3A_56] : memref<160000xi32, #tpu.memory_space<hbm>> -> memref<128xi32, #tpu.memory_space<hbm>>
        %dma_start3A_57 = tpu.memref_slice %arg4[%mul3A_56] : memref<160000xi32, #tpu.memory_space<hbm>> -> memref<128xi32, #tpu.memory_space<hbm>>
        tpu.enqueue_dma source(%dma_start3A_57 : memref<128xi32, #tpu.memory_space<hbm>>) target(%arg8 : memref<128xi32, #tpu.memory_space<vmem>>) target_semaphore(%run_scoped3A : memref<!tpu.dma_semaphore, #tpu.memory_space<semaphore_mem>>)
        %dma_wait3A = tpu.memref_slice %arg4[%mul3A_56] : memref<160000xi32, #tpu.memory_space<hbm>> -> memref<128xi32, #tpu.memory_space<hbm>>
        %dma_wait3A_58 = tpu.memref_slice %arg4[%mul3A_56] : memref<160000xi32, #tpu.memory_space<hbm>> -> memref<128xi32, #tpu.memory_space<hbm>>
        tpu.wait_dma2 semaphore(%run_scoped3A : memref<!tpu.dma_semaphore, #tpu.memory_space<semaphore_mem>>) src(%dma_wait3A_58 : memref<128xi32, #tpu.memory_space<hbm>>) dst(%arg8 : memref<128xi32, #tpu.memory_space<vmem>>)
        tpu.yield
      }) : () -> ()
      "tpu.region"() ({
        %run_scoped3A = tpu.sem_alloc : memref<!tpu.dma_semaphore, #tpu.memory_space<semaphore_mem>>
        %dma_start3A = arith.constant 0 : i32
        %dma_start3A_57 = tpu.memref_slice %arg2[%mul3A_56, %dma_start3A] : memref<160000x128xf32, #tpu.memory_space<hbm>> -> memref<128x128xf32, #tpu.memory_space<hbm>>
        %dma_start3A_58 = arith.constant 0 : i32
        %dma_start3A_59 = tpu.memref_slice %arg2[%mul3A_56, %dma_start3A_58] : memref<160000x128xf32, #tpu.memory_space<hbm>> -> memref<128x128xf32, #tpu.memory_space<hbm>>
        tpu.enqueue_dma source(%dma_start3A_59 : memref<128x128xf32, #tpu.memory_space<hbm>>) target(%arg9 : memref<128x128xf32, #tpu.memory_space<vmem>>) target_semaphore(%run_scoped3A : memref<!tpu.dma_semaphore, #tpu.memory_space<semaphore_mem>>)
        %dma_wait3A = arith.constant 0 : i32
        %dma_wait3A_60 = tpu.memref_slice %arg2[%mul3A_56, %dma_wait3A] : memref<160000x128xf32, #tpu.memory_space<hbm>> -> memref<128x128xf32, #tpu.memory_space<hbm>>
        %dma_wait3A_61 = arith.constant 0 : i32
        %dma_wait3A_62 = tpu.memref_slice %arg2[%mul3A_56, %dma_wait3A_61] : memref<160000x128xf32, #tpu.memory_space<hbm>> -> memref<128x128xf32, #tpu.memory_space<hbm>>
        tpu.wait_dma2 semaphore(%run_scoped3A : memref<!tpu.dma_semaphore, #tpu.memory_space<semaphore_mem>>) src(%dma_wait3A_62 : memref<128x128xf32, #tpu.memory_space<hbm>>) dst(%arg9 : memref<128x128xf32, #tpu.memory_space<vmem>>)
        tpu.yield
      }) : () -> ()
      "tpu.region"() ({
        %run_scoped3A = tpu.sem_alloc : memref<!tpu.dma_semaphore, #tpu.memory_space<semaphore_mem>>
        %dma_start3A = arith.constant 0 : i32
        %dma_start3A_57 = arith.constant 0 : i32
        %dma_start3A_58 = tpu.memref_slice %arg10[%dma_start3A, %dma_start3A_57] : memref<10000x128xf32, #tpu.memory_space<vmem_shared>> -> memref<10000x128xf32, #tpu.memory_space<vmem_shared>>
        tpu.enqueue_indirect_dma source(%arg9 : memref<128x128xf32, #tpu.memory_space<vmem>>) target(%dma_start3A_58 : memref<10000x128xf32, #tpu.memory_space<vmem_shared>>) offsets(%arg8 : memref<128xi32, #tpu.memory_space<vmem>>) semaphore(%run_scoped3A : memref<!tpu.dma_semaphore, #tpu.memory_space<semaphore_mem>>) {add = true}
        %dma_wait3A = arith.constant 0 : i32
        %dma_wait3A_59 = arith.constant 0 : i32
        %dma_wait3A_60 = tpu.memref_slice %arg10[%dma_wait3A, %dma_wait3A_59] : memref<10000x128xf32, #tpu.memory_space<vmem_shared>> -> memref<10000x128xf32, #tpu.memory_space<vmem_shared>>
        tpu.wait_indirect_dma semaphore(%run_scoped3A : memref<!tpu.dma_semaphore, #tpu.memory_space<semaphore_mem>>) src(%arg9 : memref<128x128xf32, #tpu.memory_space<vmem>>) dst(%dma_wait3A_60 : memref<10000x128xf32, #tpu.memory_space<vmem_shared>>)
        tpu.yield
      }) : () -> ()
    }
    %scan3A_11 = arith.constant 39 : i32
    %lt3A_12 = arith.constant 2 : i32
    %lt3A_13 = arith.cmpi slt, %add3A, %lt3A_12 : i32
    %convert_element_type3A_14 = arith.extui %lt3A_13 : i1 to i32
    %cond3A_15 = arith.constant 0 : i32
    %cond3A_16 = arith.cmpi ne, %convert_element_type3A_14, %cond3A_15 : i32
    scf.if %cond3A_16 {
      %add3A_51 = arith.constant 1248 : i32
      %add3A_52 = arith.addi %add3A_51, %add3A : i32
      %mul3A_53 = arith.constant 128 : i32
      %mul3A_54 = arith.muli %add3A_52, %mul3A_53 : i32
      "tpu.region"() ({
        %run_scoped3A = tpu.sem_alloc : memref<!tpu.dma_semaphore, #tpu.memory_space<semaphore_mem>>
        %dma_start3A = tpu.memref_slice %arg4[%mul3A_54] : memref<160000xi32, #tpu.memory_space<hbm>> -> memref<128xi32, #tpu.memory_space<hbm>>
        %dma_start3A_55 = tpu.memref_slice %arg4[%mul3A_54] : memref<160000xi32, #tpu.memory_space<hbm>> -> memref<128xi32, #tpu.memory_space<hbm>>
        tpu.enqueue_dma source(%dma_start3A_55 : memref<128xi32, #tpu.memory_space<hbm>>) target(%arg8 : memref<128xi32, #tpu.memory_space<vmem>>) target_semaphore(%run_scoped3A : memref<!tpu.dma_semaphore, #tpu.memory_space<semaphore_mem>>)
        %dma_wait3A = tpu.memref_slice %arg4[%mul3A_54] : memref<160000xi32, #tpu.memory_space<hbm>> -> memref<128xi32, #tpu.memory_space<hbm>>
        %dma_wait3A_56 = tpu.memref_slice %arg4[%mul3A_54] : memref<160000xi32, #tpu.memory_space<hbm>> -> memref<128xi32, #tpu.memory_space<hbm>>
        tpu.wait_dma2 semaphore(%run_scoped3A : memref<!tpu.dma_semaphore, #tpu.memory_space<semaphore_mem>>) src(%dma_wait3A_56 : memref<128xi32, #tpu.memory_space<hbm>>) dst(%arg8 : memref<128xi32, #tpu.memory_space<vmem>>)
        tpu.yield
      }) : () -> ()
      "tpu.region"() ({
        %run_scoped3A = tpu.sem_alloc : memref<!tpu.dma_semaphore, #tpu.memory_space<semaphore_mem>>
        %dma_start3A = arith.constant 0 : i32
        %dma_start3A_55 = tpu.memref_slice %arg2[%mul3A_54, %dma_start3A] : memref<160000x128xf32, #tpu.memory_space<hbm>> -> memref<128x128xf32, #tpu.memory_space<hbm>>
        %dma_start3A_56 = arith.constant 0 : i32
        %dma_start3A_57 = tpu.memref_slice %arg2[%mul3A_54, %dma_start3A_56] : memref<160000x128xf32, #tpu.memory_space<hbm>> -> memref<128x128xf32, #tpu.memory_space<hbm>>
        tpu.enqueue_dma source(%dma_start3A_57 : memref<128x128xf32, #tpu.memory_space<hbm>>) target(%arg9 : memref<128x128xf32, #tpu.memory_space<vmem>>) target_semaphore(%run_scoped3A : memref<!tpu.dma_semaphore, #tpu.memory_space<semaphore_mem>>)
        %dma_wait3A = arith.constant 0 : i32
        %dma_wait3A_58 = tpu.memref_slice %arg2[%mul3A_54, %dma_wait3A] : memref<160000x128xf32, #tpu.memory_space<hbm>> -> memref<128x128xf32, #tpu.memory_space<hbm>>
        %dma_wait3A_59 = arith.constant 0 : i32
        %dma_wait3A_60 = tpu.memref_slice %arg2[%mul3A_54, %dma_wait3A_59] : memref<160000x128xf32, #tpu.memory_space<hbm>> -> memref<128x128xf32, #tpu.memory_space<hbm>>
        tpu.wait_dma2 semaphore(%run_scoped3A : memref<!tpu.dma_semaphore, #tpu.memory_space<semaphore_mem>>) src(%dma_wait3A_60 : memref<128x128xf32, #tpu.memory_space<hbm>>) dst(%arg9 : memref<128x128xf32, #tpu.memory_space<vmem>>)
        tpu.yield
      }) : () -> ()
      "tpu.region"() ({
        %run_scoped3A = tpu.sem_alloc : memref<!tpu.dma_semaphore, #tpu.memory_space<semaphore_mem>>
        %dma_start3A = arith.constant 0 : i32
        %dma_start3A_55 = arith.constant 0 : i32
        %dma_start3A_56 = tpu.memref_slice %arg10[%dma_start3A, %dma_start3A_55] : memref<10000x128xf32, #tpu.memory_space<vmem_shared>> -> memref<10000x128xf32, #tpu.memory_space<vmem_shared>>
        tpu.enqueue_indirect_dma source(%arg9 : memref<128x128xf32, #tpu.memory_space<vmem>>) target(%dma_start3A_56 : memref<10000x128xf32, #tpu.memory_space<vmem_shared>>) offsets(%arg8 : memref<128xi32, #tpu.memory_space<vmem>>) semaphore(%run_scoped3A : memref<!tpu.dma_semaphore, #tpu.memory_space<semaphore_mem>>) {add = true}
        %dma_wait3A = arith.constant 0 : i32
        %dma_wait3A_57 = arith.constant 0 : i32
        %dma_wait3A_58 = tpu.memref_slice %arg10[%dma_wait3A, %dma_wait3A_57] : memref<10000x128xf32, #tpu.memory_space<vmem_shared>> -> memref<10000x128xf32, #tpu.memory_space<vmem_shared>>
        tpu.wait_indirect_dma semaphore(%run_scoped3A : memref<!tpu.dma_semaphore, #tpu.memory_space<semaphore_mem>>) src(%arg9 : memref<128x128xf32, #tpu.memory_space<vmem>>) dst(%dma_wait3A_58 : memref<10000x128xf32, #tpu.memory_space<vmem_shared>>)
        tpu.yield
      }) : () -> ()
    } else {
    }
    %barrier3A_17 = arith.constant 0 : index
    tpu.barrier barrier_id(%barrier3A_17)
    %lt3A_18 = arith.constant 15 : i32
    %lt3A_19 = arith.cmpi slt, %arg1, %lt3A_18 : i32
    %convert_element_type3A_20 = arith.extui %lt3A_19 : i1 to i32
    %cond3A_21 = arith.constant 0 : i32
    %cond3A_22 = arith.cmpi ne, %convert_element_type3A_20, %cond3A_21 : i32
    scf.if %cond3A_22 {
      %mul3A_51 = arith.constant 624 : i32
      %mul3A_52 = arith.muli %arg1, %mul3A_51 : i32
      "tpu.region"() ({
        %run_scoped3A = tpu.sem_alloc : memref<!tpu.dma_semaphore, #tpu.memory_space<semaphore_mem>>
        %dma_start3A = arith.constant 0 : i32
        %dma_start3A_53 = tpu.memref_slice %arg6[%arg0, %mul3A_52, %dma_start3A] : memref<2x10000x128xf32, #tpu.memory_space<hbm>> -> memref<1x624x128xf32, #tpu.memory_space<hbm>>
        %dma_start3A_54 = tpu.memref_squeeze %dma_start3A_53 : memref<1x624x128xf32, #tpu.memory_space<hbm>> -> memref<624x128xf32, #tpu.memory_space<hbm>>
        %dma_start3A_55 = arith.constant 0 : i32
        %dma_start3A_56 = tpu.memref_slice %arg10[%mul3A_52, %dma_start3A_55] : memref<10000x128xf32, #tpu.memory_space<vmem_shared>> -> memref<624x128xf32, #tpu.memory_space<vmem_shared>>
        tpu.enqueue_dma source(%dma_start3A_56 : memref<624x128xf32, #tpu.memory_space<vmem_shared>>) target(%dma_start3A_54 : memref<624x128xf32, #tpu.memory_space<hbm>>) target_semaphore(%run_scoped3A : memref<!tpu.dma_semaphore, #tpu.memory_space<semaphore_mem>>)
        %dma_wait3A = arith.constant 0 : i32
        %dma_wait3A_57 = tpu.memref_slice %arg6[%arg0, %mul3A_52, %dma_wait3A] : memref<2x10000x128xf32, #tpu.memory_space<hbm>> -> memref<1x624x128xf32, #tpu.memory_space<hbm>>
        %dma_wait3A_58 = tpu.memref_squeeze %dma_wait3A_57 : memref<1x624x128xf32, #tpu.memory_space<hbm>> -> memref<624x128xf32, #tpu.memory_space<hbm>>
        %dma_wait3A_59 = arith.constant 0 : i32
        %dma_wait3A_60 = tpu.memref_slice %arg10[%mul3A_52, %dma_wait3A_59] : memref<10000x128xf32, #tpu.memory_space<vmem_shared>> -> memref<624x128xf32, #tpu.memory_space<vmem_shared>>
        tpu.wait_dma2 semaphore(%run_scoped3A : memref<!tpu.dma_semaphore, #tpu.memory_space<semaphore_mem>>) src(%dma_wait3A_60 : memref<624x128xf32, #tpu.memory_space<vmem_shared>>) dst(%dma_wait3A_58 : memref<624x128xf32, #tpu.memory_space<hbm>>)
        tpu.yield
      }) : () -> ()
      "tpu.region"() ({
        %run_scoped3A = tpu.sem_alloc : memref<!tpu.dma_semaphore, #tpu.memory_space<semaphore_mem>>
        %dma_start3A = arith.constant 0 : i32
        %dma_start3A_53 = tpu.memref_slice %arg10[%mul3A_52, %dma_start3A] : memref<10000x128xf32, #tpu.memory_space<vmem_shared>> -> memref<624x128xf32, #tpu.memory_space<vmem_shared>>
        %dma_start3A_54 = arith.constant 0 : i32
        %dma_start3A_55 = arith.constant 0 : i32
        %dma_start3A_56 = tpu.memref_slice %arg5[%dma_start3A_54, %dma_start3A_55] : memref<640x128xf32, #tpu.memory_space<hbm>> -> memref<624x128xf32, #tpu.memory_space<hbm>>
        tpu.enqueue_dma source(%dma_start3A_56 : memref<624x128xf32, #tpu.memory_space<hbm>>) target(%dma_start3A_53 : memref<624x128xf32, #tpu.memory_space<vmem_shared>>) target_semaphore(%run_scoped3A : memref<!tpu.dma_semaphore, #tpu.memory_space<semaphore_mem>>)
        %dma_wait3A = arith.constant 0 : i32
        %dma_wait3A_57 = tpu.memref_slice %arg10[%mul3A_52, %dma_wait3A] : memref<10000x128xf32, #tpu.memory_space<vmem_shared>> -> memref<624x128xf32, #tpu.memory_space<vmem_shared>>
        %dma_wait3A_58 = arith.constant 0 : i32
        %dma_wait3A_59 = arith.constant 0 : i32
        %dma_wait3A_60 = tpu.memref_slice %arg5[%dma_wait3A_58, %dma_wait3A_59] : memref<640x128xf32, #tpu.memory_space<hbm>> -> memref<624x128xf32, #tpu.memory_space<hbm>>
        tpu.wait_dma2 semaphore(%run_scoped3A : memref<!tpu.dma_semaphore, #tpu.memory_space<semaphore_mem>>) src(%dma_wait3A_60 : memref<624x128xf32, #tpu.memory_space<hbm>>) dst(%dma_wait3A_57 : memref<624x128xf32, #tpu.memory_space<vmem_shared>>)
        tpu.yield
      }) : () -> ()
    } else {
    }
    %eq3A_23 = arith.constant 15 : i32
    %eq3A_24 = arith.cmpi eq, %arg1, %eq3A_23 : i32
    %convert_element_type3A_25 = arith.extui %eq3A_24 : i1 to i32
    %cond3A_26 = arith.constant 0 : i32
    %cond3A_27 = arith.cmpi ne, %convert_element_type3A_25, %cond3A_26 : i32
    scf.if %cond3A_27 {
      %mul3A_51 = arith.constant 624 : i32
      %mul3A_52 = arith.muli %arg1, %mul3A_51 : i32
      "tpu.region"() ({
        %run_scoped3A = tpu.sem_alloc : memref<!tpu.dma_semaphore, #tpu.memory_space<semaphore_mem>>
        %dma_start3A = arith.constant 0 : i32
        %dma_start3A_53 = tpu.memref_slice %arg6[%arg0, %mul3A_52, %dma_start3A] : memref<2x10000x128xf32, #tpu.memory_space<hbm>> -> memref<1x640x128xf32, #tpu.memory_space<hbm>>
        %dma_start3A_54 = tpu.memref_squeeze %dma_start3A_53 : memref<1x640x128xf32, #tpu.memory_space<hbm>> -> memref<640x128xf32, #tpu.memory_space<hbm>>
        %dma_start3A_55 = arith.constant 0 : i32
        %dma_start3A_56 = tpu.memref_slice %arg10[%mul3A_52, %dma_start3A_55] : memref<10000x128xf32, #tpu.memory_space<vmem_shared>> -> memref<640x128xf32, #tpu.memory_space<vmem_shared>>
        tpu.enqueue_dma source(%dma_start3A_56 : memref<640x128xf32, #tpu.memory_space<vmem_shared>>) target(%dma_start3A_54 : memref<640x128xf32, #tpu.memory_space<hbm>>) target_semaphore(%run_scoped3A : memref<!tpu.dma_semaphore, #tpu.memory_space<semaphore_mem>>)
        %dma_wait3A = arith.constant 0 : i32
        %dma_wait3A_57 = tpu.memref_slice %arg6[%arg0, %mul3A_52, %dma_wait3A] : memref<2x10000x128xf32, #tpu.memory_space<hbm>> -> memref<1x640x128xf32, #tpu.memory_space<hbm>>
        %dma_wait3A_58 = tpu.memref_squeeze %dma_wait3A_57 : memref<1x640x128xf32, #tpu.memory_space<hbm>> -> memref<640x128xf32, #tpu.memory_space<hbm>>
        %dma_wait3A_59 = arith.constant 0 : i32
        %dma_wait3A_60 = tpu.memref_slice %arg10[%mul3A_52, %dma_wait3A_59] : memref<10000x128xf32, #tpu.memory_space<vmem_shared>> -> memref<640x128xf32, #tpu.memory_space<vmem_shared>>
        tpu.wait_dma2 semaphore(%run_scoped3A : memref<!tpu.dma_semaphore, #tpu.memory_space<semaphore_mem>>) src(%dma_wait3A_60 : memref<640x128xf32, #tpu.memory_space<vmem_shared>>) dst(%dma_wait3A_58 : memref<640x128xf32, #tpu.memory_space<hbm>>)
        tpu.yield
      }) : () -> ()
      "tpu.region"() ({
        %run_scoped3A = tpu.sem_alloc : memref<!tpu.dma_semaphore, #tpu.memory_space<semaphore_mem>>
        %dma_start3A = arith.constant 0 : i32
        %dma_start3A_53 = tpu.memref_slice %arg10[%mul3A_52, %dma_start3A] : memref<10000x128xf32, #tpu.memory_space<vmem_shared>> -> memref<640x128xf32, #tpu.memory_space<vmem_shared>>
        %dma_start3A_54 = arith.constant 0 : i32
        %dma_start3A_55 = arith.constant 0 : i32
        %dma_start3A_56 = tpu.memref_slice %arg5[%dma_start3A_54, %dma_start3A_55] : memref<640x128xf32, #tpu.memory_space<hbm>> -> memref<640x128xf32, #tpu.memory_space<hbm>>
        tpu.enqueue_dma source(%dma_start3A_56 : memref<640x128xf32, #tpu.memory_space<hbm>>) target(%dma_start3A_53 : memref<640x128xf32, #tpu.memory_space<vmem_shared>>) target_semaphore(%run_scoped3A : memref<!tpu.dma_semaphore, #tpu.memory_space<semaphore_mem>>)
        %dma_wait3A = arith.constant 0 : i32
        %dma_wait3A_57 = tpu.memref_slice %arg10[%mul3A_52, %dma_wait3A] : memref<10000x128xf32, #tpu.memory_space<vmem_shared>> -> memref<640x128xf32, #tpu.memory_space<vmem_shared>>
        %dma_wait3A_58 = arith.constant 0 : i32
        %dma_wait3A_59 = arith.constant 0 : i32
        %dma_wait3A_60 = tpu.memref_slice %arg5[%dma_wait3A_58, %dma_wait3A_59] : memref<640x128xf32, #tpu.memory_space<hbm>> -> memref<640x128xf32, #tpu.memory_space<hbm>>
        tpu.wait_dma2 semaphore(%run_scoped3A : memref<!tpu.dma_semaphore, #tpu.memory_space<semaphore_mem>>) src(%dma_wait3A_60 : memref<640x128xf32, #tpu.memory_space<hbm>>) dst(%dma_wait3A_57 : memref<640x128xf32, #tpu.memory_space<vmem_shared>>)
        tpu.yield
      }) : () -> ()
    } else {
    }
    %barrier3A_28 = arith.constant 0 : index
    tpu.barrier barrier_id(%barrier3A_28)
    %scan3A_29 = arith.constant 0 : i32
    %scan3A_30 = arith.constant 0 : i32
    %scan3A_31 = arith.constant 39 : i32
    %scan3A_32 = arith.addi %scan3A_30, %scan3A_31 : i32
    %scan3A_33 = arith.constant 1 : i32
    scf.for %scan3A_51 = %scan3A_30 to %scan3A_32 step %scan3A_33  : i32 {
      %mul3A_52 = arith.constant 32 : i32
      %mul3A_53 = arith.muli %scan3A_51, %mul3A_52 : i32
      %add3A_54 = arith.addi %mul3A_53, %add3A : i32
      %mul3A_55 = arith.constant 128 : i32
      %mul3A_56 = arith.muli %add3A_54, %mul3A_55 : i32
      "tpu.region"() ({
        %run_scoped3A = tpu.sem_alloc : memref<!tpu.dma_semaphore, #tpu.memory_space<semaphore_mem>>
        %dma_start3A = tpu.memref_slice %arg4[%mul3A_56] : memref<160000xi32, #tpu.memory_space<hbm>> -> memref<128xi32, #tpu.memory_space<hbm>>
        %dma_start3A_57 = tpu.memref_slice %arg4[%mul3A_56] : memref<160000xi32, #tpu.memory_space<hbm>> -> memref<128xi32, #tpu.memory_space<hbm>>
        tpu.enqueue_dma source(%dma_start3A_57 : memref<128xi32, #tpu.memory_space<hbm>>) target(%arg8 : memref<128xi32, #tpu.memory_space<vmem>>) target_semaphore(%run_scoped3A : memref<!tpu.dma_semaphore, #tpu.memory_space<semaphore_mem>>)
        %dma_wait3A = tpu.memref_slice %arg4[%mul3A_56] : memref<160000xi32, #tpu.memory_space<hbm>> -> memref<128xi32, #tpu.memory_space<hbm>>
        %dma_wait3A_58 = tpu.memref_slice %arg4[%mul3A_56] : memref<160000xi32, #tpu.memory_space<hbm>> -> memref<128xi32, #tpu.memory_space<hbm>>
        tpu.wait_dma2 semaphore(%run_scoped3A : memref<!tpu.dma_semaphore, #tpu.memory_space<semaphore_mem>>) src(%dma_wait3A_58 : memref<128xi32, #tpu.memory_space<hbm>>) dst(%arg8 : memref<128xi32, #tpu.memory_space<vmem>>)
        tpu.yield
      }) : () -> ()
      "tpu.region"() ({
        %run_scoped3A = tpu.sem_alloc : memref<!tpu.dma_semaphore, #tpu.memory_space<semaphore_mem>>
        %dma_start3A = arith.constant 0 : i32
        %dma_start3A_57 = tpu.memref_slice %arg3[%mul3A_56, %dma_start3A] : memref<160000x128xf32, #tpu.memory_space<hbm>> -> memref<128x128xf32, #tpu.memory_space<hbm>>
        %dma_start3A_58 = arith.constant 0 : i32
        %dma_start3A_59 = tpu.memref_slice %arg3[%mul3A_56, %dma_start3A_58] : memref<160000x128xf32, #tpu.memory_space<hbm>> -> memref<128x128xf32, #tpu.memory_space<hbm>>
        tpu.enqueue_dma source(%dma_start3A_59 : memref<128x128xf32, #tpu.memory_space<hbm>>) target(%arg9 : memref<128x128xf32, #tpu.memory_space<vmem>>) target_semaphore(%run_scoped3A : memref<!tpu.dma_semaphore, #tpu.memory_space<semaphore_mem>>)
        %dma_wait3A = arith.constant 0 : i32
        %dma_wait3A_60 = tpu.memref_slice %arg3[%mul3A_56, %dma_wait3A] : memref<160000x128xf32, #tpu.memory_space<hbm>> -> memref<128x128xf32, #tpu.memory_space<hbm>>
        %dma_wait3A_61 = arith.constant 0 : i32
        %dma_wait3A_62 = tpu.memref_slice %arg3[%mul3A_56, %dma_wait3A_61] : memref<160000x128xf32, #tpu.memory_space<hbm>> -> memref<128x128xf32, #tpu.memory_space<hbm>>
        tpu.wait_dma2 semaphore(%run_scoped3A : memref<!tpu.dma_semaphore, #tpu.memory_space<semaphore_mem>>) src(%dma_wait3A_62 : memref<128x128xf32, #tpu.memory_space<hbm>>) dst(%arg9 : memref<128x128xf32, #tpu.memory_space<vmem>>)
        tpu.yield
      }) : () -> ()
      "tpu.region"() ({
        %run_scoped3A = tpu.sem_alloc : memref<!tpu.dma_semaphore, #tpu.memory_space<semaphore_mem>>
        %dma_start3A = arith.constant 0 : i32
        %dma_start3A_57 = arith.constant 0 : i32
        %dma_start3A_58 = tpu.memref_slice %arg10[%dma_start3A, %dma_start3A_57] : memref<10000x128xf32, #tpu.memory_space<vmem_shared>> -> memref<10000x128xf32, #tpu.memory_space<vmem_shared>>
        tpu.enqueue_indirect_dma source(%arg9 : memref<128x128xf32, #tpu.memory_space<vmem>>) target(%dma_start3A_58 : memref<10000x128xf32, #tpu.memory_space<vmem_shared>>) offsets(%arg8 : memref<128xi32, #tpu.memory_space<vmem>>) semaphore(%run_scoped3A : memref<!tpu.dma_semaphore, #tpu.memory_space<semaphore_mem>>) {add = true}
        %dma_wait3A = arith.constant 0 : i32
        %dma_wait3A_59 = arith.constant 0 : i32
        %dma_wait3A_60 = tpu.memref_slice %arg10[%dma_wait3A, %dma_wait3A_59] : memref<10000x128xf32, #tpu.memory_space<vmem_shared>> -> memref<10000x128xf32, #tpu.memory_space<vmem_shared>>
        tpu.wait_indirect_dma semaphore(%run_scoped3A : memref<!tpu.dma_semaphore, #tpu.memory_space<semaphore_mem>>) src(%arg9 : memref<128x128xf32, #tpu.memory_space<vmem>>) dst(%dma_wait3A_60 : memref<10000x128xf32, #tpu.memory_space<vmem_shared>>)
        tpu.yield
      }) : () -> ()
    }
    %scan3A_34 = arith.constant 39 : i32
    %lt3A_35 = arith.constant 2 : i32
    %lt3A_36 = arith.cmpi slt, %add3A, %lt3A_35 : i32
    %convert_element_type3A_37 = arith.extui %lt3A_36 : i1 to i32
    %cond3A_38 = arith.constant 0 : i32
    %cond3A_39 = arith.cmpi ne, %convert_element_type3A_37, %cond3A_38 : i32
    scf.if %cond3A_39 {
      %add3A_51 = arith.constant 1248 : i32
      %add3A_52 = arith.addi %add3A_51, %add3A : i32
      %mul3A_53 = arith.constant 128 : i32
      %mul3A_54 = arith.muli %add3A_52, %mul3A_53 : i32
      "tpu.region"() ({
        %run_scoped3A = tpu.sem_alloc : memref<!tpu.dma_semaphore, #tpu.memory_space<semaphore_mem>>
        %dma_start3A = tpu.memref_slice %arg4[%mul3A_54] : memref<160000xi32, #tpu.memory_space<hbm>> -> memref<128xi32, #tpu.memory_space<hbm>>
        %dma_start3A_55 = tpu.memref_slice %arg4[%mul3A_54] : memref<160000xi32, #tpu.memory_space<hbm>> -> memref<128xi32, #tpu.memory_space<hbm>>
        tpu.enqueue_dma source(%dma_start3A_55 : memref<128xi32, #tpu.memory_space<hbm>>) target(%arg8 : memref<128xi32, #tpu.memory_space<vmem>>) target_semaphore(%run_scoped3A : memref<!tpu.dma_semaphore, #tpu.memory_space<semaphore_mem>>)
        %dma_wait3A = tpu.memref_slice %arg4[%mul3A_54] : memref<160000xi32, #tpu.memory_space<hbm>> -> memref<128xi32, #tpu.memory_space<hbm>>
        %dma_wait3A_56 = tpu.memref_slice %arg4[%mul3A_54] : memref<160000xi32, #tpu.memory_space<hbm>> -> memref<128xi32, #tpu.memory_space<hbm>>
        tpu.wait_dma2 semaphore(%run_scoped3A : memref<!tpu.dma_semaphore, #tpu.memory_space<semaphore_mem>>) src(%dma_wait3A_56 : memref<128xi32, #tpu.memory_space<hbm>>) dst(%arg8 : memref<128xi32, #tpu.memory_space<vmem>>)
        tpu.yield
      }) : () -> ()
      "tpu.region"() ({
        %run_scoped3A = tpu.sem_alloc : memref<!tpu.dma_semaphore, #tpu.memory_space<semaphore_mem>>
        %dma_start3A = arith.constant 0 : i32
        %dma_start3A_55 = tpu.memref_slice %arg3[%mul3A_54, %dma_start3A] : memref<160000x128xf32, #tpu.memory_space<hbm>> -> memref<128x128xf32, #tpu.memory_space<hbm>>
        %dma_start3A_56 = arith.constant 0 : i32
        %dma_start3A_57 = tpu.memref_slice %arg3[%mul3A_54, %dma_start3A_56] : memref<160000x128xf32, #tpu.memory_space<hbm>> -> memref<128x128xf32, #tpu.memory_space<hbm>>
        tpu.enqueue_dma source(%dma_start3A_57 : memref<128x128xf32, #tpu.memory_space<hbm>>) target(%arg9 : memref<128x128xf32, #tpu.memory_space<vmem>>) target_semaphore(%run_scoped3A : memref<!tpu.dma_semaphore, #tpu.memory_space<semaphore_mem>>)
        %dma_wait3A = arith.constant 0 : i32
        %dma_wait3A_58 = tpu.memref_slice %arg3[%mul3A_54, %dma_wait3A] : memref<160000x128xf32, #tpu.memory_space<hbm>> -> memref<128x128xf32, #tpu.memory_space<hbm>>
        %dma_wait3A_59 = arith.constant 0 : i32
        %dma_wait3A_60 = tpu.memref_slice %arg3[%mul3A_54, %dma_wait3A_59] : memref<160000x128xf32, #tpu.memory_space<hbm>> -> memref<128x128xf32, #tpu.memory_space<hbm>>
        tpu.wait_dma2 semaphore(%run_scoped3A : memref<!tpu.dma_semaphore, #tpu.memory_space<semaphore_mem>>) src(%dma_wait3A_60 : memref<128x128xf32, #tpu.memory_space<hbm>>) dst(%arg9 : memref<128x128xf32, #tpu.memory_space<vmem>>)
        tpu.yield
      }) : () -> ()
      "tpu.region"() ({
        %run_scoped3A = tpu.sem_alloc : memref<!tpu.dma_semaphore, #tpu.memory_space<semaphore_mem>>
        %dma_start3A = arith.constant 0 : i32
        %dma_start3A_55 = arith.constant 0 : i32
        %dma_start3A_56 = tpu.memref_slice %arg10[%dma_start3A, %dma_start3A_55] : memref<10000x128xf32, #tpu.memory_space<vmem_shared>> -> memref<10000x128xf32, #tpu.memory_space<vmem_shared>>
        tpu.enqueue_indirect_dma source(%arg9 : memref<128x128xf32, #tpu.memory_space<vmem>>) target(%dma_start3A_56 : memref<10000x128xf32, #tpu.memory_space<vmem_shared>>) offsets(%arg8 : memref<128xi32, #tpu.memory_space<vmem>>) semaphore(%run_scoped3A : memref<!tpu.dma_semaphore, #tpu.memory_space<semaphore_mem>>) {add = true}
        %dma_wait3A = arith.constant 0 : i32
        %dma_wait3A_57 = arith.constant 0 : i32
        %dma_wait3A_58 = tpu.memref_slice %arg10[%dma_wait3A, %dma_wait3A_57] : memref<10000x128xf32, #tpu.memory_space<vmem_shared>> -> memref<10000x128xf32, #tpu.memory_space<vmem_shared>>
        tpu.wait_indirect_dma semaphore(%run_scoped3A : memref<!tpu.dma_semaphore, #tpu.memory_space<semaphore_mem>>) src(%arg9 : memref<128x128xf32, #tpu.memory_space<vmem>>) dst(%dma_wait3A_58 : memref<10000x128xf32, #tpu.memory_space<vmem_shared>>)
        tpu.yield
      }) : () -> ()
    } else {
    }
    %barrier3A_40 = arith.constant 0 : index
    tpu.barrier barrier_id(%barrier3A_40)
    %lt3A_41 = arith.constant 15 : i32
    %lt3A_42 = arith.cmpi slt, %arg1, %lt3A_41 : i32
    %convert_element_type3A_43 = arith.extui %lt3A_42 : i1 to i32
    %cond3A_44 = arith.constant 0 : i32
    %cond3A_45 = arith.cmpi ne, %convert_element_type3A_43, %cond3A_44 : i32
    scf.if %cond3A_45 {
      %mul3A_51 = arith.constant 624 : i32
      %mul3A_52 = arith.muli %arg1, %mul3A_51 : i32
      "tpu.region"() ({
        %run_scoped3A = tpu.sem_alloc : memref<!tpu.dma_semaphore, #tpu.memory_space<semaphore_mem>>
        %dma_start3A = arith.constant 0 : i32
        %dma_start3A_53 = tpu.memref_slice %arg7[%arg0, %mul3A_52, %dma_start3A] : memref<2x10000x128xf32, #tpu.memory_space<hbm>> -> memref<1x624x128xf32, #tpu.memory_space<hbm>>
        %dma_start3A_54 = tpu.memref_squeeze %dma_start3A_53 : memref<1x624x128xf32, #tpu.memory_space<hbm>> -> memref<624x128xf32, #tpu.memory_space<hbm>>
        %dma_start3A_55 = arith.constant 0 : i32
        %dma_start3A_56 = tpu.memref_slice %arg10[%mul3A_52, %dma_start3A_55] : memref<10000x128xf32, #tpu.memory_space<vmem_shared>> -> memref<624x128xf32, #tpu.memory_space<vmem_shared>>
        tpu.enqueue_dma source(%dma_start3A_56 : memref<624x128xf32, #tpu.memory_space<vmem_shared>>) target(%dma_start3A_54 : memref<624x128xf32, #tpu.memory_space<hbm>>) target_semaphore(%run_scoped3A : memref<!tpu.dma_semaphore, #tpu.memory_space<semaphore_mem>>)
        %dma_wait3A = arith.constant 0 : i32
        %dma_wait3A_57 = tpu.memref_slice %arg7[%arg0, %mul3A_52, %dma_wait3A] : memref<2x10000x128xf32, #tpu.memory_space<hbm>> -> memref<1x624x128xf32, #tpu.memory_space<hbm>>
        %dma_wait3A_58 = tpu.memref_squeeze %dma_wait3A_57 : memref<1x624x128xf32, #tpu.memory_space<hbm>> -> memref<624x128xf32, #tpu.memory_space<hbm>>
        %dma_wait3A_59 = arith.constant 0 : i32
        %dma_wait3A_60 = tpu.memref_slice %arg10[%mul3A_52, %dma_wait3A_59] : memref<10000x128xf32, #tpu.memory_space<vmem_shared>> -> memref<624x128xf32, #tpu.memory_space<vmem_shared>>
        tpu.wait_dma2 semaphore(%run_scoped3A : memref<!tpu.dma_semaphore, #tpu.memory_space<semaphore_mem>>) src(%dma_wait3A_60 : memref<624x128xf32, #tpu.memory_space<vmem_shared>>) dst(%dma_wait3A_58 : memref<624x128xf32, #tpu.memory_space<hbm>>)
        tpu.yield
      }) : () -> ()
    } else {
    }
    %eq3A_46 = arith.constant 15 : i32
    %eq3A_47 = arith.cmpi eq, %arg1, %eq3A_46 : i32
    %convert_element_type3A_48 = arith.extui %eq3A_47 : i1 to i32
    %cond3A_49 = arith.constant 0 : i32
    %cond3A_50 = arith.cmpi ne, %convert_element_type3A_48, %cond3A_49 : i32
    scf.if %cond3A_50 {
      %mul3A_51 = arith.constant 624 : i32
      %mul3A_52 = arith.muli %arg1, %mul3A_51 : i32
      "tpu.region"() ({
        %run_scoped3A = tpu.sem_alloc : memref<!tpu.dma_semaphore, #tpu.memory_space<semaphore_mem>>
        %dma_start3A = arith.constant 0 : i32
        %dma_start3A_53 = tpu.memref_slice %arg7[%arg0, %mul3A_52, %dma_start3A] : memref<2x10000x128xf32, #tpu.memory_space<hbm>> -> memref<1x640x128xf32, #tpu.memory_space<hbm>>
        %dma_start3A_54 = tpu.memref_squeeze %dma_start3A_53 : memref<1x640x128xf32, #tpu.memory_space<hbm>> -> memref<640x128xf32, #tpu.memory_space<hbm>>
        %dma_start3A_55 = arith.constant 0 : i32
        %dma_start3A_56 = tpu.memref_slice %arg10[%mul3A_52, %dma_start3A_55] : memref<10000x128xf32, #tpu.memory_space<vmem_shared>> -> memref<640x128xf32, #tpu.memory_space<vmem_shared>>
        tpu.enqueue_dma source(%dma_start3A_56 : memref<640x128xf32, #tpu.memory_space<vmem_shared>>) target(%dma_start3A_54 : memref<640x128xf32, #tpu.memory_space<hbm>>) target_semaphore(%run_scoped3A : memref<!tpu.dma_semaphore, #tpu.memory_space<semaphore_mem>>)
        %dma_wait3A = arith.constant 0 : i32
        %dma_wait3A_57 = tpu.memref_slice %arg7[%arg0, %mul3A_52, %dma_wait3A] : memref<2x10000x128xf32, #tpu.memory_space<hbm>> -> memref<1x640x128xf32, #tpu.memory_space<hbm>>
        %dma_wait3A_58 = tpu.memref_squeeze %dma_wait3A_57 : memref<1x640x128xf32, #tpu.memory_space<hbm>> -> memref<640x128xf32, #tpu.memory_space<hbm>>
        %dma_wait3A_59 = arith.constant 0 : i32
        %dma_wait3A_60 = tpu.memref_slice %arg10[%mul3A_52, %dma_wait3A_59] : memref<10000x128xf32, #tpu.memory_space<vmem_shared>> -> memref<640x128xf32, #tpu.memory_space<vmem_shared>>
        tpu.wait_dma2 semaphore(%run_scoped3A : memref<!tpu.dma_semaphore, #tpu.memory_space<semaphore_mem>>) src(%dma_wait3A_60 : memref<640x128xf32, #tpu.memory_space<vmem_shared>>) dst(%dma_wait3A_58 : memref<640x128xf32, #tpu.memory_space<hbm>>)
        tpu.yield
      }) : () -> ()
    } else {
    }
    return
  }
}

module attributes {stable_mosaic.version = 14 : i64} {
  func.func @body(%arg0: i32, %arg1: memref<2000x6xf32, #tpu.memory_space<vmem>>, %arg2: memref<2000x9xf32, #tpu.memory_space<vmem>>, %arg3: memref<3x16xf32, #tpu.memory_space<vmem>>, %arg4: memref<6x128xf32, #tpu.memory_space<vmem>>, %arg5: memref<16x128xf32, #tpu.memory_space<vmem>>, %arg6: memref<1x128xf32, #tpu.memory_space<vmem>>, %arg7: memref<16x16xf32, #tpu.memory_space<vmem>>, %arg8: memref<2000x256xf32, #tpu.memory_space<vmem>>) attributes {dimension_semantics = [#tpu.dimension_semantics<arbitrary>], iteration_bounds = array<i64: 5>, scalar_prefetch = 0 : i64, scratch_operands = 0 : i64, tpu.core_type = #tpu.core_type<tc>, window_params = [{transform_indices = @transform_0, window_bounds = array<i64: 2000, 6>}, {transform_indices = @transform_1, window_bounds = array<i64: 2000, 9>}, {pipeline_mode = #tpu.pipeline_mode<synchronous>, transform_indices = @transform_2, window_bounds = array<i64: 3, 16>}, {pipeline_mode = #tpu.pipeline_mode<synchronous>, transform_indices = @transform_3, window_bounds = array<i64: 6, 128>}, {pipeline_mode = #tpu.pipeline_mode<synchronous>, transform_indices = @transform_4, window_bounds = array<i64: 16, 128>}, {pipeline_mode = #tpu.pipeline_mode<synchronous>, transform_indices = @transform_5, window_bounds = array<i64: 1, 128>}, {pipeline_mode = #tpu.pipeline_mode<synchronous>, transform_indices = @transform_6, window_bounds = array<i64: 16, 16>}, {transform_indices = @transform_7, window_bounds = array<i64: 2000, 256>}]} {
    %get3A = arith.constant 0 : index
    %get3A_0 = arith.constant 0 : index
    %get3A_1 = vector.load %arg3[%get3A, %get3A_0] : memref<3x16xf32, #tpu.memory_space<vmem>>, vector<3x16xf32>
    %get3A_2 = arith.constant 0 : index
    %get3A_3 = arith.constant 0 : index
    %get3A_4 = vector.load %arg4[%get3A_2, %get3A_3] : memref<6x128xf32, #tpu.memory_space<vmem>>, vector<6x128xf32>
    %get3A_5 = arith.constant 0 : index
    %get3A_6 = arith.constant 0 : index
    %get3A_7 = vector.load %arg5[%get3A_5, %get3A_6] : memref<16x128xf32, #tpu.memory_space<vmem>>, vector<16x128xf32>
    %get3A_8 = arith.constant 0 : index
    %get3A_9 = arith.constant 0 : index
    %get3A_10 = vector.load %arg6[%get3A_8, %get3A_9] : memref<1x128xf32, #tpu.memory_space<vmem>>, vector<1x128xf32>
    %get3A_11 = arith.constant 0 : index
    %get3A_12 = arith.constant 0 : index
    %get3A_13 = vector.load %arg7[%get3A_11, %get3A_12] : memref<16x16xf32, #tpu.memory_space<vmem>>, vector<16x16xf32>
    %get3A_14 = arith.constant 0 : index
    %get3A_15 = arith.constant 0 : index
    %get3A_16 = vector.load %arg2[%get3A_14, %get3A_15] : memref<2000x9xf32, #tpu.memory_space<vmem>>, vector<2000x3xf32>
    %get3A_17 = arith.constant 0 : index
    %get3A_18 = arith.constant 3 : index
    %get3A_19 = vector.load %arg2[%get3A_17, %get3A_18] : memref<2000x9xf32, #tpu.memory_space<vmem>>, vector<2000x3xf32>
    %get3A_20 = arith.constant 0 : index
    %get3A_21 = arith.constant 6 : index
    %get3A_22 = vector.load %arg2[%get3A_20, %get3A_21] : memref<2000x9xf32, #tpu.memory_space<vmem>>, vector<2000x3xf32>
    %get3A_23 = arith.constant 0 : index
    %get3A_24 = arith.constant 0 : index
    %get3A_25 = vector.load %arg1[%get3A_23, %get3A_24] : memref<2000x6xf32, #tpu.memory_space<vmem>>, vector<2000x6xf32>
    %dot_general3A = arith.constant dense<0.000000e+00> : vector<2000x16xf32>
    %dot_general3A_26 = tpu.matmul %get3A_16, %get3A_1, %dot_general3A {dimension_numbers = #tpu.dot_dimension_numbers<[1], [0], [0], [1], [0, 0, 1, 1], [], []>, transpose_lhs_hint = false} : vector<2000x3xf32>, vector<3x16xf32>, vector<2000x16xf32> -> vector<2000x16xf32>
    %dot_general3A_27 = arith.constant dense<0.000000e+00> : vector<2000x16xf32>
    %dot_general3A_28 = tpu.matmul %get3A_19, %get3A_1, %dot_general3A_27 {dimension_numbers = #tpu.dot_dimension_numbers<[1], [0], [0], [1], [0, 0, 1, 1], [], []>, transpose_lhs_hint = false} : vector<2000x3xf32>, vector<3x16xf32>, vector<2000x16xf32> -> vector<2000x16xf32>
    %dot_general3A_29 = arith.constant dense<0.000000e+00> : vector<2000x16xf32>
    %dot_general3A_30 = tpu.matmul %get3A_22, %get3A_1, %dot_general3A_29 {dimension_numbers = #tpu.dot_dimension_numbers<[1], [0], [0], [1], [0, 0, 1, 1], [], []>, transpose_lhs_hint = false} : vector<2000x3xf32>, vector<3x16xf32>, vector<2000x16xf32> -> vector<2000x16xf32>
    %mul3A = arith.mulf %dot_general3A_26, %dot_general3A_26 : vector<2000x16xf32>
    %mul3A_31 = arith.mulf %dot_general3A_28, %dot_general3A_28 : vector<2000x16xf32>
    %add3A = arith.addf %mul3A, %mul3A_31 : vector<2000x16xf32>
    %mul3A_32 = arith.mulf %dot_general3A_30, %dot_general3A_30 : vector<2000x16xf32>
    %add3A_33 = arith.addf %add3A, %mul3A_32 : vector<2000x16xf32>
    %jit3A = arith.constant 9.99999993E-9 : f32
    %max3A = vector.broadcast %jit3A : f32 to vector<2000x16xf32>
    %max3A_34 = arith.maximumf %max3A, %add3A_33 : vector<2000x16xf32>
    %sqrt3A = math.sqrt %max3A_34 : vector<2000x16xf32>
    %dot_general3A_35 = arith.constant dense<0.000000e+00> : vector<2000x128xf32>
    %dot_general3A_36 = tpu.matmul %get3A_25, %get3A_4, %dot_general3A_35 {dimension_numbers = #tpu.dot_dimension_numbers<[1], [0], [0], [1], [0, 0, 1, 1], [], []>, transpose_lhs_hint = false} : vector<2000x6xf32>, vector<6x128xf32>, vector<2000x128xf32> -> vector<2000x128xf32>
    %dot_general3A_37 = arith.constant dense<0.000000e+00> : vector<2000x128xf32>
    %dot_general3A_38 = tpu.matmul %sqrt3A, %get3A_7, %dot_general3A_37 {dimension_numbers = #tpu.dot_dimension_numbers<[1], [0], [0], [1], [0, 0, 1, 1], [], []>, transpose_lhs_hint = false} : vector<2000x16xf32>, vector<16x128xf32>, vector<2000x128xf32> -> vector<2000x128xf32>
    %add3A_39 = arith.addf %dot_general3A_36, %dot_general3A_38 : vector<2000x128xf32>
    %add3A_40 = vector.broadcast %get3A_10 : vector<1x128xf32> to vector<2000x128xf32>
    %add3A_41 = arith.addf %add3A_39, %add3A_40 : vector<2000x128xf32>
    %max3A_42 = arith.constant 0.000000e+00 : f32
    %max3A_43 = vector.broadcast %max3A_42 : f32 to vector<2000x128xf32>
    %max3A_44 = arith.maximumf %add3A_41, %max3A_43 : vector<2000x128xf32>
    %dot_general3A_45 = arith.constant dense<0.000000e+00> : vector<2000x16xf32>
    %dot_general3A_46 = tpu.matmul %dot_general3A_26, %get3A_13, %dot_general3A_45 {dimension_numbers = #tpu.dot_dimension_numbers<[1], [0], [0], [1], [0, 0, 1, 1], [], []>, transpose_lhs_hint = false} : vector<2000x16xf32>, vector<16x16xf32>, vector<2000x16xf32> -> vector<2000x16xf32>
    %dot_general3A_47 = arith.constant dense<0.000000e+00> : vector<2000x16xf32>
    %dot_general3A_48 = tpu.matmul %dot_general3A_28, %get3A_13, %dot_general3A_47 {dimension_numbers = #tpu.dot_dimension_numbers<[1], [0], [0], [1], [0, 0, 1, 1], [], []>, transpose_lhs_hint = false} : vector<2000x16xf32>, vector<16x16xf32>, vector<2000x16xf32> -> vector<2000x16xf32>
    %dot_general3A_49 = arith.constant dense<0.000000e+00> : vector<2000x16xf32>
    %dot_general3A_50 = tpu.matmul %dot_general3A_30, %get3A_13, %dot_general3A_49 {dimension_numbers = #tpu.dot_dimension_numbers<[1], [0], [0], [1], [0, 0, 1, 1], [], []>, transpose_lhs_hint = false} : vector<2000x16xf32>, vector<16x16xf32>, vector<2000x16xf32> -> vector<2000x16xf32>
    %mul3A_51 = arith.mulf %dot_general3A_46, %dot_general3A_46 : vector<2000x16xf32>
    %mul3A_52 = arith.mulf %dot_general3A_48, %dot_general3A_48 : vector<2000x16xf32>
    %add3A_53 = arith.addf %mul3A_51, %mul3A_52 : vector<2000x16xf32>
    %mul3A_54 = arith.mulf %dot_general3A_50, %dot_general3A_50 : vector<2000x16xf32>
    %add3A_55 = arith.addf %add3A_53, %mul3A_54 : vector<2000x16xf32>
    %jit3A_56 = arith.constant 9.99999993E-9 : f32
    %max3A_57 = vector.broadcast %jit3A_56 : f32 to vector<2000x16xf32>
    %max3A_58 = arith.maximumf %max3A_57, %add3A_55 : vector<2000x16xf32>
    %sqrt3A_59 = math.sqrt %max3A_58 : vector<2000x16xf32>
    %logistic3A = arith.negf %sqrt3A_59 : vector<2000x16xf32>
    %logistic3A_60 = math.exp %logistic3A : vector<2000x16xf32>
    %logistic3A_61 = arith.constant 1.000000e+00 : f32
    %logistic3A_62 = vector.broadcast %logistic3A_61 : f32 to vector<2000x16xf32>
    %logistic3A_63 = arith.addf %logistic3A_62, %logistic3A_60 : vector<2000x16xf32>
    %logistic3A_64 = arith.divf %logistic3A_62, %logistic3A_63 : vector<2000x16xf32>
    %mul3A_65 = arith.mulf %dot_general3A_46, %logistic3A_64 : vector<2000x16xf32>
    %mul3A_66 = arith.mulf %dot_general3A_48, %logistic3A_64 : vector<2000x16xf32>
    %mul3A_67 = arith.mulf %dot_general3A_50, %logistic3A_64 : vector<2000x16xf32>
    %broadcast_in_dim3A = arith.constant 0.000000e+00 : f32
    %broadcast_in_dim3A_68 = vector.broadcast %broadcast_in_dim3A : f32 to vector<2000x80xf32>
    %concatenate3A = tpu.concatenate %max3A_44, %mul3A_65, %mul3A_66, %mul3A_67, %broadcast_in_dim3A_68 in 1 : vector<2000x128xf32>, vector<2000x16xf32>, vector<2000x16xf32>, vector<2000x16xf32>, vector<2000x80xf32> -> vector<2000x256xf32>
    %swap3A = arith.constant 0 : index
    %swap3A_69 = arith.constant 0 : index
    %swap3A_70 = vector.load %arg8[%swap3A, %swap3A_69] : memref<2000x256xf32, #tpu.memory_space<vmem>>, vector<2000x256xf32>
    tpu.vector_store %arg8[%swap3A, %swap3A_69], %concatenate3A {strides = array<i32>} : memref<2000x256xf32, #tpu.memory_space<vmem>>, vector<2000x256xf32>,
    return
  }
  func.func @transform_0(%arg0: i32) -> (i32, i32) {
    %c0_i32 = arith.constant 0 : i32
    %c0_i32_0 = arith.constant 0 : i32
    return %arg0, %c0_i32 : i32, i32
  }
  func.func @transform_1(%arg0: i32) -> (i32, i32) {
    %c0_i32 = arith.constant 0 : i32
    %c0_i32_0 = arith.constant 0 : i32
    return %arg0, %c0_i32 : i32, i32
  }
  func.func @transform_2(%arg0: i32) -> (i32, i32) {
    %c0_i32 = arith.constant 0 : i32
    %c0_i32_0 = arith.constant 0 : i32
    %c0_i32_1 = arith.constant 0 : i32
    return %c0_i32, %c0_i32_0 : i32, i32
  }
  func.func @transform_3(%arg0: i32) -> (i32, i32) {
    %c0_i32 = arith.constant 0 : i32
    %c0_i32_0 = arith.constant 0 : i32
    %c0_i32_1 = arith.constant 0 : i32
    return %c0_i32, %c0_i32_0 : i32, i32
  }
  func.func @transform_4(%arg0: i32) -> (i32, i32) {
    %c0_i32 = arith.constant 0 : i32
    %c0_i32_0 = arith.constant 0 : i32
    %c0_i32_1 = arith.constant 0 : i32
    return %c0_i32, %c0_i32_0 : i32, i32
  }
  func.func @transform_5(%arg0: i32) -> (i32, i32) {
    %c0_i32 = arith.constant 0 : i32
    %c0_i32_0 = arith.constant 0 : i32
    %c0_i32_1 = arith.constant 0 : i32
    return %c0_i32, %c0_i32_0 : i32, i32
  }
  func.func @transform_6(%arg0: i32) -> (i32, i32) {
    %c0_i32 = arith.constant 0 : i32
    %c0_i32_0 = arith.constant 0 : i32
    %c0_i32_1 = arith.constant 0 : i32
    return %c0_i32, %c0_i32_0 : i32, i32
  }
  func.func @transform_7(%arg0: i32) -> (i32, i32) {
    %c0_i32 = arith.constant 0 : i32
    %c0_i32_0 = arith.constant 0 : i32
    return %arg0, %c0_i32 : i32, i32
  }
}

module attributes {stable_mosaic.version = 14 : i64} {
  func.func @body(%arg0: i32, %arg1: memref<640x256xf32, #tpu.memory_space<vmem>>, %arg2: memref<640x256xf32, #tpu.memory_space<vmem>>, %arg3: memref<640x32xf32, #tpu.memory_space<vmem>>, %arg4: memref<640x3xf32, #tpu.memory_space<vmem>>, %arg5: memref<16x33xf32, #tpu.memory_space<vmem>>, %arg6: memref<1x33xf32, #tpu.memory_space<vmem>>, %arg7: memref<16x33xf32, #tpu.memory_space<vmem>>, %arg8: memref<128x128xf32, #tpu.memory_space<vmem>>, %arg9: memref<32x128xf32, #tpu.memory_space<vmem>>, %arg10: memref<128x128xf32, #tpu.memory_space<vmem>>, %arg11: memref<33x128xf32, #tpu.memory_space<vmem>>, %arg12: memref<1x128xf32, #tpu.memory_space<vmem>>, %arg13: memref<33x16xf32, #tpu.memory_space<vmem>>, %arg14: memref<16x16xf32, #tpu.memory_space<vmem>>, %arg15: memref<128x128xf32, #tpu.memory_space<vmem>>, %arg16: memref<16x128xf32, #tpu.memory_space<vmem>>, %arg17: memref<1x128xf32, #tpu.memory_space<vmem>>, %arg18: memref<16x16xf32, #tpu.memory_space<vmem>>, %arg19: memref<16x16xf32, #tpu.memory_space<vmem>>, %arg20: memref<128x128xf32, #tpu.memory_space<vmem>>, %arg21: memref<16x128xf32, #tpu.memory_space<vmem>>, %arg22: memref<1x128xf32, #tpu.memory_space<vmem>>, %arg23: memref<16x16xf32, #tpu.memory_space<vmem>>, %arg24: memref<640x128xf32, #tpu.memory_space<vmem>>, %arg25: memref<640x128xf32, #tpu.memory_space<vmem>>) attributes {dimension_semantics = [#tpu.dimension_semantics<arbitrary>], iteration_bounds = array<i64: 250>, scalar_prefetch = 0 : i64, scratch_operands = 0 : i64, tpu.core_type = #tpu.core_type<tc>, window_params = [{transform_indices = @transform_0, window_bounds = array<i64: 640, 256>}, {transform_indices = @transform_1, window_bounds = array<i64: 640, 256>}, {transform_indices = @transform_2, window_bounds = array<i64: 640, 32>}, {transform_indices = @transform_3, window_bounds = array<i64: 640, 3>}, {pipeline_mode = #tpu.pipeline_mode<synchronous>, transform_indices = @transform_4, window_bounds = array<i64: 16, 33>}, {pipeline_mode = #tpu.pipeline_mode<synchronous>, transform_indices = @transform_5, window_bounds = array<i64: 1, 33>}, {pipeline_mode = #tpu.pipeline_mode<synchronous>, transform_indices = @transform_6, window_bounds = array<i64: 16, 33>}, {pipeline_mode = #tpu.pipeline_mode<synchronous>, transform_indices = @transform_7, window_bounds = array<i64: 128, 128>}, {pipeline_mode = #tpu.pipeline_mode<synchronous>, transform_indices = @transform_8, window_bounds = array<i64: 32, 128>}, {pipeline_mode = #tpu.pipeline_mode<synchronous>, transform_indices = @transform_9, window_bounds = array<i64: 128, 128>}, {pipeline_mode = #tpu.pipeline_mode<synchronous>, transform_indices = @transform_10, window_bounds = array<i64: 33, 128>}, {pipeline_mode = #tpu.pipeline_mode<synchronous>, transform_indices = @transform_11, window_bounds = array<i64: 1, 128>}, {pipeline_mode = #tpu.pipeline_mode<synchronous>, transform_indices = @transform_12, window_bounds = array<i64: 33, 16>}, {pipeline_mode = #tpu.pipeline_mode<synchronous>, transform_indices = @transform_13, window_bounds = array<i64: 16, 16>}, {pipeline_mode = #tpu.pipeline_mode<synchronous>, transform_indices = @transform_14, window_bounds = array<i64: 128, 128>}, {pipeline_mode = #tpu.pipeline_mode<synchronous>, transform_indices = @transform_15, window_bounds = array<i64: 16, 128>}, {pipeline_mode = #tpu.pipeline_mode<synchronous>, transform_indices = @transform_16, window_bounds = array<i64: 1, 128>}, {pipeline_mode = #tpu.pipeline_mode<synchronous>, transform_indices = @transform_17, window_bounds = array<i64: 16, 16>}, {pipeline_mode = #tpu.pipeline_mode<synchronous>, transform_indices = @transform_18, window_bounds = array<i64: 16, 16>}, {pipeline_mode = #tpu.pipeline_mode<synchronous>, transform_indices = @transform_19, window_bounds = array<i64: 128, 128>}, {pipeline_mode = #tpu.pipeline_mode<synchronous>, transform_indices = @transform_20, window_bounds = array<i64: 16, 128>}, {pipeline_mode = #tpu.pipeline_mode<synchronous>, transform_indices = @transform_21, window_bounds = array<i64: 1, 128>}, {pipeline_mode = #tpu.pipeline_mode<synchronous>, transform_indices = @transform_22, window_bounds = array<i64: 16, 16>}, {transform_indices = @transform_23, window_bounds = array<i64: 640, 128>}, {transform_indices = @transform_24, window_bounds = array<i64: 640, 128>}]} {
    %get3A = arith.constant 0 : index
    %get3A_0 = arith.constant 0 : index
    %get3A_1 = vector.load %arg5[%get3A, %get3A_0] : memref<16x33xf32, #tpu.memory_space<vmem>>, vector<16x33xf32>
    %get3A_2 = arith.constant 0 : index
    %get3A_3 = arith.constant 0 : index
    %get3A_4 = vector.load %arg6[%get3A_2, %get3A_3] : memref<1x33xf32, #tpu.memory_space<vmem>>, vector<1x33xf32>
    %get3A_5 = arith.constant 0 : index
    %get3A_6 = arith.constant 0 : index
    %get3A_7 = vector.load %arg7[%get3A_5, %get3A_6] : memref<16x33xf32, #tpu.memory_space<vmem>>, vector<16x33xf32>
    %get3A_8 = arith.constant 0 : index
    %get3A_9 = arith.constant 0 : index
    %get3A_10 = vector.load %arg8[%get3A_8, %get3A_9] : memref<128x128xf32, #tpu.memory_space<vmem>>, vector<128x128xf32>
    %get3A_11 = arith.constant 0 : index
    %get3A_12 = arith.constant 0 : index
    %get3A_13 = vector.load %arg9[%get3A_11, %get3A_12] : memref<32x128xf32, #tpu.memory_space<vmem>>, vector<32x128xf32>
    %get3A_14 = arith.constant 0 : index
    %get3A_15 = arith.constant 0 : index
    %get3A_16 = vector.load %arg10[%get3A_14, %get3A_15] : memref<128x128xf32, #tpu.memory_space<vmem>>, vector<128x128xf32>
    %get3A_17 = arith.constant 0 : index
    %get3A_18 = arith.constant 0 : index
    %get3A_19 = vector.load %arg11[%get3A_17, %get3A_18] : memref<33x128xf32, #tpu.memory_space<vmem>>, vector<33x128xf32>
    %get3A_20 = arith.constant 0 : index
    %get3A_21 = arith.constant 0 : index
    %get3A_22 = vector.load %arg12[%get3A_20, %get3A_21] : memref<1x128xf32, #tpu.memory_space<vmem>>, vector<1x128xf32>
    %get3A_23 = arith.constant 0 : index
    %get3A_24 = arith.constant 0 : index
    %get3A_25 = vector.load %arg13[%get3A_23, %get3A_24] : memref<33x16xf32, #tpu.memory_space<vmem>>, vector<33x16xf32>
    %get3A_26 = arith.constant 0 : index
    %get3A_27 = arith.constant 0 : index
    %get3A_28 = vector.load %arg14[%get3A_26, %get3A_27] : memref<16x16xf32, #tpu.memory_space<vmem>>, vector<16x16xf32>
    %get3A_29 = arith.constant 0 : index
    %get3A_30 = arith.constant 0 : index
    %get3A_31 = vector.load %arg15[%get3A_29, %get3A_30] : memref<128x128xf32, #tpu.memory_space<vmem>>, vector<128x128xf32>
    %get3A_32 = arith.constant 0 : index
    %get3A_33 = arith.constant 0 : index
    %get3A_34 = vector.load %arg16[%get3A_32, %get3A_33] : memref<16x128xf32, #tpu.memory_space<vmem>>, vector<16x128xf32>
    %get3A_35 = arith.constant 0 : index
    %get3A_36 = arith.constant 0 : index
    %get3A_37 = vector.load %arg17[%get3A_35, %get3A_36] : memref<1x128xf32, #tpu.memory_space<vmem>>, vector<1x128xf32>
    %get3A_38 = arith.constant 0 : index
    %get3A_39 = arith.constant 0 : index
    %get3A_40 = vector.load %arg18[%get3A_38, %get3A_39] : memref<16x16xf32, #tpu.memory_space<vmem>>, vector<16x16xf32>
    %get3A_41 = arith.constant 0 : index
    %get3A_42 = arith.constant 0 : index
    %get3A_43 = vector.load %arg19[%get3A_41, %get3A_42] : memref<16x16xf32, #tpu.memory_space<vmem>>, vector<16x16xf32>
    %get3A_44 = arith.constant 0 : index
    %get3A_45 = arith.constant 0 : index
    %get3A_46 = vector.load %arg20[%get3A_44, %get3A_45] : memref<128x128xf32, #tpu.memory_space<vmem>>, vector<128x128xf32>
    %get3A_47 = arith.constant 0 : index
    %get3A_48 = arith.constant 0 : index
    %get3A_49 = vector.load %arg21[%get3A_47, %get3A_48] : memref<16x128xf32, #tpu.memory_space<vmem>>, vector<16x128xf32>
    %get3A_50 = arith.constant 0 : index
    %get3A_51 = arith.constant 0 : index
    %get3A_52 = vector.load %arg22[%get3A_50, %get3A_51] : memref<1x128xf32, #tpu.memory_space<vmem>>, vector<1x128xf32>
    %get3A_53 = arith.constant 0 : index
    %get3A_54 = arith.constant 0 : index
    %get3A_55 = vector.load %arg23[%get3A_53, %get3A_54] : memref<16x16xf32, #tpu.memory_space<vmem>>, vector<16x16xf32>
    %get3A_56 = arith.constant 0 : index
    %get3A_57 = arith.constant 0 : index
    %get3A_58 = vector.load %arg1[%get3A_56, %get3A_57] : memref<640x256xf32, #tpu.memory_space<vmem>>, vector<640x128xf32>
    %get3A_59 = arith.constant 0 : index
    %get3A_60 = arith.constant 0 : index
    %get3A_61 = vector.load %arg2[%get3A_59, %get3A_60] : memref<640x256xf32, #tpu.memory_space<vmem>>, vector<640x128xf32>
    %get3A_62 = arith.constant 0 : index
    %get3A_63 = arith.constant 128 : index
    %get3A_64 = vector.load %arg1[%get3A_62, %get3A_63] : memref<640x256xf32, #tpu.memory_space<vmem>>, vector<640x16xf32>
    %get3A_65 = arith.constant 0 : index
    %get3A_66 = arith.constant 144 : index
    %get3A_67 = vector.load %arg1[%get3A_65, %get3A_66] : memref<640x256xf32, #tpu.memory_space<vmem>>, vector<640x16xf32>
    %get3A_68 = arith.constant 0 : index
    %get3A_69 = arith.constant 160 : index
    %get3A_70 = vector.load %arg1[%get3A_68, %get3A_69] : memref<640x256xf32, #tpu.memory_space<vmem>>, vector<640x16xf32>
    %get3A_71 = arith.constant 0 : index
    %get3A_72 = arith.constant 128 : index
    %get3A_73 = vector.load %arg2[%get3A_71, %get3A_72] : memref<640x256xf32, #tpu.memory_space<vmem>>, vector<640x16xf32>
    %get3A_74 = arith.constant 0 : index
    %get3A_75 = arith.constant 144 : index
    %get3A_76 = vector.load %arg2[%get3A_74, %get3A_75] : memref<640x256xf32, #tpu.memory_space<vmem>>, vector<640x16xf32>
    %get3A_77 = arith.constant 0 : index
    %get3A_78 = arith.constant 160 : index
    %get3A_79 = vector.load %arg2[%get3A_77, %get3A_78] : memref<640x256xf32, #tpu.memory_space<vmem>>, vector<640x16xf32>
    %get3A_80 = arith.constant 0 : index
    %get3A_81 = arith.constant 0 : index
    %get3A_82 = vector.load %arg4[%get3A_80, %get3A_81] : memref<640x3xf32, #tpu.memory_space<vmem>>, vector<640x1xf32>
    %get3A_83 = arith.constant 0 : index
    %get3A_84 = arith.constant 1 : index
    %get3A_85 = vector.load %arg4[%get3A_83, %get3A_84] : memref<640x3xf32, #tpu.memory_space<vmem>>, vector<640x1xf32>
    %get3A_86 = arith.constant 0 : index
    %get3A_87 = arith.constant 2 : index
    %get3A_88 = vector.load %arg4[%get3A_86, %get3A_87] : memref<640x3xf32, #tpu.memory_space<vmem>>, vector<640x1xf32>
    %get3A_89 = arith.constant 0 : index
    %get3A_90 = arith.constant 0 : index
    %get3A_91 = vector.load %arg3[%get3A_89, %get3A_90] : memref<640x32xf32, #tpu.memory_space<vmem>>, vector<640x32xf32>
    %dot_general3A = arith.constant dense<0.000000e+00> : vector<640x33xf32>
    %dot_general3A_92 = tpu.matmul %get3A_64, %get3A_1, %dot_general3A {dimension_numbers = #tpu.dot_dimension_numbers<[1], [0], [0], [1], [0, 0, 1, 1], [], []>, transpose_lhs_hint = false} : vector<640x16xf32>, vector<16x33xf32>, vector<640x33xf32> -> vector<640x33xf32>
    %mul3A = vector.broadcast %get3A_82 : vector<640x1xf32> to vector<640x33xf32>
    %mul3A_93 = vector.broadcast %get3A_4 : vector<1x33xf32> to vector<640x33xf32>
    %mul3A_94 = arith.mulf %mul3A, %mul3A_93 : vector<640x33xf32>
    %add3A = arith.addf %dot_general3A_92, %mul3A_94 : vector<640x33xf32>
    %dot_general3A_95 = arith.constant dense<0.000000e+00> : vector<640x33xf32>
    %dot_general3A_96 = tpu.matmul %get3A_73, %get3A_7, %dot_general3A_95 {dimension_numbers = #tpu.dot_dimension_numbers<[1], [0], [0], [1], [0, 0, 1, 1], [], []>, transpose_lhs_hint = false} : vector<640x16xf32>, vector<16x33xf32>, vector<640x33xf32> -> vector<640x33xf32>
    %add3A_97 = arith.addf %add3A, %dot_general3A_96 : vector<640x33xf32>
    %dot_general3A_98 = arith.constant dense<0.000000e+00> : vector<640x33xf32>
    %dot_general3A_99 = tpu.matmul %get3A_67, %get3A_1, %dot_general3A_98 {dimension_numbers = #tpu.dot_dimension_numbers<[1], [0], [0], [1], [0, 0, 1, 1], [], []>, transpose_lhs_hint = false} : vector<640x16xf32>, vector<16x33xf32>, vector<640x33xf32> -> vector<640x33xf32>
    %mul3A_100 = vector.broadcast %get3A_85 : vector<640x1xf32> to vector<640x33xf32>
    %mul3A_101 = vector.broadcast %get3A_4 : vector<1x33xf32> to vector<640x33xf32>
    %mul3A_102 = arith.mulf %mul3A_100, %mul3A_101 : vector<640x33xf32>
    %add3A_103 = arith.addf %dot_general3A_99, %mul3A_102 : vector<640x33xf32>
    %dot_general3A_104 = arith.constant dense<0.000000e+00> : vector<640x33xf32>
    %dot_general3A_105 = tpu.matmul %get3A_76, %get3A_7, %dot_general3A_104 {dimension_numbers = #tpu.dot_dimension_numbers<[1], [0], [0], [1], [0, 0, 1, 1], [], []>, transpose_lhs_hint = false} : vector<640x16xf32>, vector<16x33xf32>, vector<640x33xf32> -> vector<640x33xf32>
    %add3A_106 = arith.addf %add3A_103, %dot_general3A_105 : vector<640x33xf32>
    %dot_general3A_107 = arith.constant dense<0.000000e+00> : vector<640x33xf32>
    %dot_general3A_108 = tpu.matmul %get3A_70, %get3A_1, %dot_general3A_107 {dimension_numbers = #tpu.dot_dimension_numbers<[1], [0], [0], [1], [0, 0, 1, 1], [], []>, transpose_lhs_hint = false} : vector<640x16xf32>, vector<16x33xf32>, vector<640x33xf32> -> vector<640x33xf32>
    %mul3A_109 = vector.broadcast %get3A_88 : vector<640x1xf32> to vector<640x33xf32>
    %mul3A_110 = vector.broadcast %get3A_4 : vector<1x33xf32> to vector<640x33xf32>
    %mul3A_111 = arith.mulf %mul3A_109, %mul3A_110 : vector<640x33xf32>
    %add3A_112 = arith.addf %dot_general3A_108, %mul3A_111 : vector<640x33xf32>
    %dot_general3A_113 = arith.constant dense<0.000000e+00> : vector<640x33xf32>
    %dot_general3A_114 = tpu.matmul %get3A_79, %get3A_7, %dot_general3A_113 {dimension_numbers = #tpu.dot_dimension_numbers<[1], [0], [0], [1], [0, 0, 1, 1], [], []>, transpose_lhs_hint = false} : vector<640x16xf32>, vector<16x33xf32>, vector<640x33xf32> -> vector<640x33xf32>
    %add3A_115 = arith.addf %add3A_112, %dot_general3A_114 : vector<640x33xf32>
    %mul3A_116 = arith.mulf %add3A_97, %add3A_97 : vector<640x33xf32>
    %mul3A_117 = arith.mulf %add3A_106, %add3A_106 : vector<640x33xf32>
    %add3A_118 = arith.addf %mul3A_116, %mul3A_117 : vector<640x33xf32>
    %mul3A_119 = arith.mulf %add3A_115, %add3A_115 : vector<640x33xf32>
    %add3A_120 = arith.addf %add3A_118, %mul3A_119 : vector<640x33xf32>
    %jit3A = arith.constant 9.99999993E-9 : f32
    %max3A = vector.broadcast %jit3A : f32 to vector<640x33xf32>
    %max3A_121 = arith.maximumf %max3A, %add3A_120 : vector<640x33xf32>
    %sqrt3A = math.sqrt %max3A_121 : vector<640x33xf32>
    %dot_general3A_122 = arith.constant dense<0.000000e+00> : vector<640x128xf32>
    %dot_general3A_123 = tpu.matmul %get3A_58, %get3A_10, %dot_general3A_122 {dimension_numbers = #tpu.dot_dimension_numbers<[1], [0], [0], [1], [0, 0, 1, 1], [], []>, transpose_lhs_hint = false} : vector<640x128xf32>, vector<128x128xf32>, vector<640x128xf32> -> vector<640x128xf32>
    %dot_general3A_124 = arith.constant dense<0.000000e+00> : vector<640x128xf32>
    %dot_general3A_125 = tpu.matmul %get3A_91, %get3A_13, %dot_general3A_124 {dimension_numbers = #tpu.dot_dimension_numbers<[1], [0], [0], [1], [0, 0, 1, 1], [], []>, transpose_lhs_hint = false} : vector<640x32xf32>, vector<32x128xf32>, vector<640x128xf32> -> vector<640x128xf32>
    %add3A_126 = arith.addf %dot_general3A_123, %dot_general3A_125 : vector<640x128xf32>
    %dot_general3A_127 = arith.constant dense<0.000000e+00> : vector<640x128xf32>
    %dot_general3A_128 = tpu.matmul %get3A_61, %get3A_16, %dot_general3A_127 {dimension_numbers = #tpu.dot_dimension_numbers<[1], [0], [0], [1], [0, 0, 1, 1], [], []>, transpose_lhs_hint = false} : vector<640x128xf32>, vector<128x128xf32>, vector<640x128xf32> -> vector<640x128xf32>
    %add3A_129 = arith.addf %add3A_126, %dot_general3A_128 : vector<640x128xf32>
    %dot_general3A_130 = arith.constant dense<0.000000e+00> : vector<640x128xf32>
    %dot_general3A_131 = tpu.matmul %sqrt3A, %get3A_19, %dot_general3A_130 {dimension_numbers = #tpu.dot_dimension_numbers<[1], [0], [0], [1], [0, 0, 1, 1], [], []>, transpose_lhs_hint = false} : vector<640x33xf32>, vector<33x128xf32>, vector<640x128xf32> -> vector<640x128xf32>
    %add3A_132 = arith.addf %add3A_129, %dot_general3A_131 : vector<640x128xf32>
    %add3A_133 = vector.broadcast %get3A_22 : vector<1x128xf32> to vector<640x128xf32>
    %add3A_134 = arith.addf %add3A_132, %add3A_133 : vector<640x128xf32>
    %max3A_135 = arith.constant 0.000000e+00 : f32
    %max3A_136 = vector.broadcast %max3A_135 : f32 to vector<640x128xf32>
    %max3A_137 = arith.maximumf %add3A_134, %max3A_136 : vector<640x128xf32>
    %dot_general3A_138 = arith.constant dense<0.000000e+00> : vector<640x16xf32>
    %dot_general3A_139 = tpu.matmul %add3A_97, %get3A_25, %dot_general3A_138 {dimension_numbers = #tpu.dot_dimension_numbers<[1], [0], [0], [1], [0, 0, 1, 1], [], []>, transpose_lhs_hint = false} : vector<640x33xf32>, vector<33x16xf32>, vector<640x16xf32> -> vector<640x16xf32>
    %dot_general3A_140 = arith.constant dense<0.000000e+00> : vector<640x16xf32>
    %dot_general3A_141 = tpu.matmul %add3A_106, %get3A_25, %dot_general3A_140 {dimension_numbers = #tpu.dot_dimension_numbers<[1], [0], [0], [1], [0, 0, 1, 1], [], []>, transpose_lhs_hint = false} : vector<640x33xf32>, vector<33x16xf32>, vector<640x16xf32> -> vector<640x16xf32>
    %dot_general3A_142 = arith.constant dense<0.000000e+00> : vector<640x16xf32>
    %dot_general3A_143 = tpu.matmul %add3A_115, %get3A_25, %dot_general3A_142 {dimension_numbers = #tpu.dot_dimension_numbers<[1], [0], [0], [1], [0, 0, 1, 1], [], []>, transpose_lhs_hint = false} : vector<640x33xf32>, vector<33x16xf32>, vector<640x16xf32> -> vector<640x16xf32>
    %mul3A_144 = arith.mulf %dot_general3A_139, %dot_general3A_139 : vector<640x16xf32>
    %mul3A_145 = arith.mulf %dot_general3A_141, %dot_general3A_141 : vector<640x16xf32>
    %add3A_146 = arith.addf %mul3A_144, %mul3A_145 : vector<640x16xf32>
    %mul3A_147 = arith.mulf %dot_general3A_143, %dot_general3A_143 : vector<640x16xf32>
    %add3A_148 = arith.addf %add3A_146, %mul3A_147 : vector<640x16xf32>
    %jit3A_149 = arith.constant 9.99999993E-9 : f32
    %max3A_150 = vector.broadcast %jit3A_149 : f32 to vector<640x16xf32>
    %max3A_151 = arith.maximumf %max3A_150, %add3A_148 : vector<640x16xf32>
    %sqrt3A_152 = math.sqrt %max3A_151 : vector<640x16xf32>
    %logistic3A = arith.negf %sqrt3A_152 : vector<640x16xf32>
    %logistic3A_153 = math.exp %logistic3A : vector<640x16xf32>
    %logistic3A_154 = arith.constant 1.000000e+00 : f32
    %logistic3A_155 = vector.broadcast %logistic3A_154 : f32 to vector<640x16xf32>
    %logistic3A_156 = arith.addf %logistic3A_155, %logistic3A_153 : vector<640x16xf32>
    %logistic3A_157 = arith.divf %logistic3A_155, %logistic3A_156 : vector<640x16xf32>
    %mul3A_158 = arith.mulf %dot_general3A_139, %logistic3A_157 : vector<640x16xf32>
    %mul3A_159 = arith.mulf %dot_general3A_141, %logistic3A_157 : vector<640x16xf32>
    %mul3A_160 = arith.mulf %dot_general3A_143, %logistic3A_157 : vector<640x16xf32>
    %dot_general3A_161 = arith.constant dense<0.000000e+00> : vector<640x16xf32>
    %dot_general3A_162 = tpu.matmul %mul3A_158, %get3A_28, %dot_general3A_161 {dimension_numbers = #tpu.dot_dimension_numbers<[1], [0], [0], [1], [0, 0, 1, 1], [], []>, transpose_lhs_hint = false} : vector<640x16xf32>, vector<16x16xf32>, vector<640x16xf32> -> vector<640x16xf32>
    %dot_general3A_163 = arith.constant dense<0.000000e+00> : vector<640x16xf32>
    %dot_general3A_164 = tpu.matmul %mul3A_159, %get3A_28, %dot_general3A_163 {dimension_numbers = #tpu.dot_dimension_numbers<[1], [0], [0], [1], [0, 0, 1, 1], [], []>, transpose_lhs_hint = false} : vector<640x16xf32>, vector<16x16xf32>, vector<640x16xf32> -> vector<640x16xf32>
    %dot_general3A_165 = arith.constant dense<0.000000e+00> : vector<640x16xf32>
    %dot_general3A_166 = tpu.matmul %mul3A_160, %get3A_28, %dot_general3A_165 {dimension_numbers = #tpu.dot_dimension_numbers<[1], [0], [0], [1], [0, 0, 1, 1], [], []>, transpose_lhs_hint = false} : vector<640x16xf32>, vector<16x16xf32>, vector<640x16xf32> -> vector<640x16xf32>
    %mul3A_167 = arith.mulf %dot_general3A_162, %dot_general3A_162 : vector<640x16xf32>
    %mul3A_168 = arith.mulf %dot_general3A_164, %dot_general3A_164 : vector<640x16xf32>
    %add3A_169 = arith.addf %mul3A_167, %mul3A_168 : vector<640x16xf32>
    %mul3A_170 = arith.mulf %dot_general3A_166, %dot_general3A_166 : vector<640x16xf32>
    %add3A_171 = arith.addf %add3A_169, %mul3A_170 : vector<640x16xf32>
    %jit3A_172 = arith.constant 9.99999993E-9 : f32
    %max3A_173 = vector.broadcast %jit3A_172 : f32 to vector<640x16xf32>
    %max3A_174 = arith.maximumf %max3A_173, %add3A_171 : vector<640x16xf32>
    %sqrt3A_175 = math.sqrt %max3A_174 : vector<640x16xf32>
    %dot_general3A_176 = arith.constant dense<0.000000e+00> : vector<640x128xf32>
    %dot_general3A_177 = tpu.matmul %max3A_137, %get3A_31, %dot_general3A_176 {dimension_numbers = #tpu.dot_dimension_numbers<[1], [0], [0], [1], [0, 0, 1, 1], [], []>, transpose_lhs_hint = false} : vector<640x128xf32>, vector<128x128xf32>, vector<640x128xf32> -> vector<640x128xf32>
    %dot_general3A_178 = arith.constant dense<0.000000e+00> : vector<640x128xf32>
    %dot_general3A_179 = tpu.matmul %sqrt3A_175, %get3A_34, %dot_general3A_178 {dimension_numbers = #tpu.dot_dimension_numbers<[1], [0], [0], [1], [0, 0, 1, 1], [], []>, transpose_lhs_hint = false} : vector<640x16xf32>, vector<16x128xf32>, vector<640x128xf32> -> vector<640x128xf32>
    %add3A_180 = arith.addf %dot_general3A_177, %dot_general3A_179 : vector<640x128xf32>
    %add3A_181 = vector.broadcast %get3A_37 : vector<1x128xf32> to vector<640x128xf32>
    %add3A_182 = arith.addf %add3A_180, %add3A_181 : vector<640x128xf32>
    %max3A_183 = arith.constant 0.000000e+00 : f32
    %max3A_184 = vector.broadcast %max3A_183 : f32 to vector<640x128xf32>
    %max3A_185 = arith.maximumf %add3A_182, %max3A_184 : vector<640x128xf32>
    %dot_general3A_186 = arith.constant dense<0.000000e+00> : vector<640x16xf32>
    %dot_general3A_187 = tpu.matmul %dot_general3A_162, %get3A_40, %dot_general3A_186 {dimension_numbers = #tpu.dot_dimension_numbers<[1], [0], [0], [1], [0, 0, 1, 1], [], []>, transpose_lhs_hint = false} : vector<640x16xf32>, vector<16x16xf32>, vector<640x16xf32> -> vector<640x16xf32>
    %dot_general3A_188 = arith.constant dense<0.000000e+00> : vector<640x16xf32>
    %dot_general3A_189 = tpu.matmul %dot_general3A_164, %get3A_40, %dot_general3A_188 {dimension_numbers = #tpu.dot_dimension_numbers<[1], [0], [0], [1], [0, 0, 1, 1], [], []>, transpose_lhs_hint = false} : vector<640x16xf32>, vector<16x16xf32>, vector<640x16xf32> -> vector<640x16xf32>
    %dot_general3A_190 = arith.constant dense<0.000000e+00> : vector<640x16xf32>
    %dot_general3A_191 = tpu.matmul %dot_general3A_166, %get3A_40, %dot_general3A_190 {dimension_numbers = #tpu.dot_dimension_numbers<[1], [0], [0], [1], [0, 0, 1, 1], [], []>, transpose_lhs_hint = false} : vector<640x16xf32>, vector<16x16xf32>, vector<640x16xf32> -> vector<640x16xf32>
    %mul3A_192 = arith.mulf %dot_general3A_187, %dot_general3A_187 : vector<640x16xf32>
    %mul3A_193 = arith.mulf %dot_general3A_189, %dot_general3A_189 : vector<640x16xf32>
    %add3A_194 = arith.addf %mul3A_192, %mul3A_193 : vector<640x16xf32>
    %mul3A_195 = arith.mulf %dot_general3A_191, %dot_general3A_191 : vector<640x16xf32>
    %add3A_196 = arith.addf %add3A_194, %mul3A_195 : vector<640x16xf32>
    %jit3A_197 = arith.constant 9.99999993E-9 : f32
    %max3A_198 = vector.broadcast %jit3A_197 : f32 to vector<640x16xf32>
    %max3A_199 = arith.maximumf %max3A_198, %add3A_196 : vector<640x16xf32>
    %sqrt3A_200 = math.sqrt %max3A_199 : vector<640x16xf32>
    %logistic3A_201 = arith.negf %sqrt3A_200 : vector<640x16xf32>
    %logistic3A_202 = math.exp %logistic3A_201 : vector<640x16xf32>
    %logistic3A_203 = arith.constant 1.000000e+00 : f32
    %logistic3A_204 = vector.broadcast %logistic3A_203 : f32 to vector<640x16xf32>
    %logistic3A_205 = arith.addf %logistic3A_204, %logistic3A_202 : vector<640x16xf32>
    %logistic3A_206 = arith.divf %logistic3A_204, %logistic3A_205 : vector<640x16xf32>
    %mul3A_207 = arith.mulf %dot_general3A_187, %logistic3A_206 : vector<640x16xf32>
    %mul3A_208 = arith.mulf %dot_general3A_189, %logistic3A_206 : vector<640x16xf32>
    %mul3A_209 = arith.mulf %dot_general3A_191, %logistic3A_206 : vector<640x16xf32>
    %dot_general3A_210 = arith.constant dense<0.000000e+00> : vector<640x16xf32>
    %dot_general3A_211 = tpu.matmul %mul3A_207, %get3A_43, %dot_general3A_210 {dimension_numbers = #tpu.dot_dimension_numbers<[1], [0], [0], [1], [0, 0, 1, 1], [], []>, transpose_lhs_hint = false} : vector<640x16xf32>, vector<16x16xf32>, vector<640x16xf32> -> vector<640x16xf32>
    %dot_general3A_212 = arith.constant dense<0.000000e+00> : vector<640x16xf32>
    %dot_general3A_213 = tpu.matmul %mul3A_208, %get3A_43, %dot_general3A_212 {dimension_numbers = #tpu.dot_dimension_numbers<[1], [0], [0], [1], [0, 0, 1, 1], [], []>, transpose_lhs_hint = false} : vector<640x16xf32>, vector<16x16xf32>, vector<640x16xf32> -> vector<640x16xf32>
    %dot_general3A_214 = arith.constant dense<0.000000e+00> : vector<640x16xf32>
    %dot_general3A_215 = tpu.matmul %mul3A_209, %get3A_43, %dot_general3A_214 {dimension_numbers = #tpu.dot_dimension_numbers<[1], [0], [0], [1], [0, 0, 1, 1], [], []>, transpose_lhs_hint = false} : vector<640x16xf32>, vector<16x16xf32>, vector<640x16xf32> -> vector<640x16xf32>
    %mul3A_216 = arith.mulf %dot_general3A_211, %dot_general3A_211 : vector<640x16xf32>
    %mul3A_217 = arith.mulf %dot_general3A_213, %dot_general3A_213 : vector<640x16xf32>
    %add3A_218 = arith.addf %mul3A_216, %mul3A_217 : vector<640x16xf32>
    %mul3A_219 = arith.mulf %dot_general3A_215, %dot_general3A_215 : vector<640x16xf32>
    %add3A_220 = arith.addf %add3A_218, %mul3A_219 : vector<640x16xf32>
    %jit3A_221 = arith.constant 9.99999993E-9 : f32
    %max3A_222 = vector.broadcast %jit3A_221 : f32 to vector<640x16xf32>
    %max3A_223 = arith.maximumf %max3A_222, %add3A_220 : vector<640x16xf32>
    %sqrt3A_224 = math.sqrt %max3A_223 : vector<640x16xf32>
    %dot_general3A_225 = arith.constant dense<0.000000e+00> : vector<640x128xf32>
    %dot_general3A_226 = tpu.matmul %max3A_185, %get3A_46, %dot_general3A_225 {dimension_numbers = #tpu.dot_dimension_numbers<[1], [0], [0], [1], [0, 0, 1, 1], [], []>, transpose_lhs_hint = false} : vector<640x128xf32>, vector<128x128xf32>, vector<640x128xf32> -> vector<640x128xf32>
    %dot_general3A_227 = arith.constant dense<0.000000e+00> : vector<640x128xf32>
    %dot_general3A_228 = tpu.matmul %sqrt3A_224, %get3A_49, %dot_general3A_227 {dimension_numbers = #tpu.dot_dimension_numbers<[1], [0], [0], [1], [0, 0, 1, 1], [], []>, transpose_lhs_hint = false} : vector<640x16xf32>, vector<16x128xf32>, vector<640x128xf32> -> vector<640x128xf32>
    %add3A_229 = arith.addf %dot_general3A_226, %dot_general3A_228 : vector<640x128xf32>
    %add3A_230 = vector.broadcast %get3A_52 : vector<1x128xf32> to vector<640x128xf32>
    %add3A_231 = arith.addf %add3A_229, %add3A_230 : vector<640x128xf32>
    %dot_general3A_232 = arith.constant dense<0.000000e+00> : vector<640x16xf32>
    %dot_general3A_233 = tpu.matmul %dot_general3A_211, %get3A_55, %dot_general3A_232 {dimension_numbers = #tpu.dot_dimension_numbers<[1], [0], [0], [1], [0, 0, 1, 1], [], []>, transpose_lhs_hint = false} : vector<640x16xf32>, vector<16x16xf32>, vector<640x16xf32> -> vector<640x16xf32>
    %dot_general3A_234 = arith.constant dense<0.000000e+00> : vector<640x16xf32>
    %dot_general3A_235 = tpu.matmul %dot_general3A_213, %get3A_55, %dot_general3A_234 {dimension_numbers = #tpu.dot_dimension_numbers<[1], [0], [0], [1], [0, 0, 1, 1], [], []>, transpose_lhs_hint = false} : vector<640x16xf32>, vector<16x16xf32>, vector<640x16xf32> -> vector<640x16xf32>
    %dot_general3A_236 = arith.constant dense<0.000000e+00> : vector<640x16xf32>
    %dot_general3A_237 = tpu.matmul %dot_general3A_215, %get3A_55, %dot_general3A_236 {dimension_numbers = #tpu.dot_dimension_numbers<[1], [0], [0], [1], [0, 0, 1, 1], [], []>, transpose_lhs_hint = false} : vector<640x16xf32>, vector<16x16xf32>, vector<640x16xf32> -> vector<640x16xf32>
    %broadcast_in_dim3A = arith.constant 1.000000e+00 : f32
    %broadcast_in_dim3A_238 = vector.broadcast %broadcast_in_dim3A : f32 to vector<640x1xf32>
    %broadcast_in_dim3A_239 = arith.constant 0.000000e+00 : f32
    %broadcast_in_dim3A_240 = vector.broadcast %broadcast_in_dim3A_239 : f32 to vector<640x79xf32>
    %swap3A = arith.constant 0 : index
    %swap3A_241 = arith.constant 0 : index
    %swap3A_242 = vector.load %arg24[%swap3A, %swap3A_241] : memref<640x128xf32, #tpu.memory_space<vmem>>, vector<640x128xf32>
    tpu.vector_store %arg24[%swap3A, %swap3A_241], %add3A_231 {strides = array<i32>} : memref<640x128xf32, #tpu.memory_space<vmem>>, vector<640x128xf32>,
    %concatenate3A = tpu.concatenate %dot_general3A_233, %dot_general3A_235, %dot_general3A_237, %broadcast_in_dim3A_238, %broadcast_in_dim3A_240 in 1 : vector<640x16xf32>, vector<640x16xf32>, vector<640x16xf32>, vector<640x1xf32>, vector<640x79xf32> -> vector<640x128xf32>
    %swap3A_243 = arith.constant 0 : index
    %swap3A_244 = arith.constant 0 : index
    %swap3A_245 = vector.load %arg25[%swap3A_243, %swap3A_244] : memref<640x128xf32, #tpu.memory_space<vmem>>, vector<640x128xf32>
    tpu.vector_store %arg25[%swap3A_243, %swap3A_244], %concatenate3A {strides = array<i32>} : memref<640x128xf32, #tpu.memory_space<vmem>>, vector<640x128xf32>,
    return
  }
  func.func @transform_0(%arg0: i32) -> (i32, i32) {
    %c0_i32 = arith.constant 0 : i32
    %c0_i32_0 = arith.constant 0 : i32
    return %arg0, %c0_i32 : i32, i32
  }
  func.func @transform_1(%arg0: i32) -> (i32, i32) {
    %c0_i32 = arith.constant 0 : i32
    %c0_i32_0 = arith.constant 0 : i32
    return %arg0, %c0_i32 : i32, i32
  }
  func.func @transform_2(%arg0: i32) -> (i32, i32) {
    %c0_i32 = arith.constant 0 : i32
    %c0_i32_0 = arith.constant 0 : i32
    return %arg0, %c0_i32 : i32, i32
  }
  func.func @transform_3(%arg0: i32) -> (i32, i32) {
    %c0_i32 = arith.constant 0 : i32
    %c0_i32_0 = arith.constant 0 : i32
    return %arg0, %c0_i32 : i32, i32
  }
  func.func @transform_4(%arg0: i32) -> (i32, i32) {
    %c0_i32 = arith.constant 0 : i32
    %c0_i32_0 = arith.constant 0 : i32
    %c0_i32_1 = arith.constant 0 : i32
    return %c0_i32, %c0_i32_0 : i32, i32
  }
  func.func @transform_5(%arg0: i32) -> (i32, i32) {
    %c0_i32 = arith.constant 0 : i32
    %c0_i32_0 = arith.constant 0 : i32
    %c0_i32_1 = arith.constant 0 : i32
    return %c0_i32, %c0_i32_0 : i32, i32
  }
  func.func @transform_6(%arg0: i32) -> (i32, i32) {
    %c0_i32 = arith.constant 0 : i32
    %c0_i32_0 = arith.constant 0 : i32
    %c0_i32_1 = arith.constant 0 : i32
    return %c0_i32, %c0_i32_0 : i32, i32
  }
  func.func @transform_7(%arg0: i32) -> (i32, i32) {
    %c0_i32 = arith.constant 0 : i32
    %c0_i32_0 = arith.constant 0 : i32
    %c0_i32_1 = arith.constant 0 : i32
    return %c0_i32, %c0_i32_0 : i32, i32
  }
  func.func @transform_8(%arg0: i32) -> (i32, i32) {
    %c0_i32 = arith.constant 0 : i32
    %c0_i32_0 = arith.constant 0 : i32
    %c0_i32_1 = arith.constant 0 : i32
    return %c0_i32, %c0_i32_0 : i32, i32
  }
  func.func @transform_9(%arg0: i32) -> (i32, i32) {
    %c0_i32 = arith.constant 0 : i32
    %c0_i32_0 = arith.constant 0 : i32
    %c0_i32_1 = arith.constant 0 : i32
    return %c0_i32, %c0_i32_0 : i32, i32
  }
  func.func @transform_10(%arg0: i32) -> (i32, i32) {
    %c0_i32 = arith.constant 0 : i32
    %c0_i32_0 = arith.constant 0 : i32
    %c0_i32_1 = arith.constant 0 : i32
    return %c0_i32, %c0_i32_0 : i32, i32
  }
  func.func @transform_11(%arg0: i32) -> (i32, i32) {
    %c0_i32 = arith.constant 0 : i32
    %c0_i32_0 = arith.constant 0 : i32
    %c0_i32_1 = arith.constant 0 : i32
    return %c0_i32, %c0_i32_0 : i32, i32
  }
  func.func @transform_12(%arg0: i32) -> (i32, i32) {
    %c0_i32 = arith.constant 0 : i32
    %c0_i32_0 = arith.constant 0 : i32
    %c0_i32_1 = arith.constant 0 : i32
    return %c0_i32, %c0_i32_0 : i32, i32
  }
  func.func @transform_13(%arg0: i32) -> (i32, i32) {
    %c0_i32 = arith.constant 0 : i32
    %c0_i32_0 = arith.constant 0 : i32
    %c0_i32_1 = arith.constant 0 : i32
    return %c0_i32, %c0_i32_0 : i32, i32
  }
  func.func @transform_14(%arg0: i32) -> (i32, i32) {
    %c0_i32 = arith.constant 0 : i32
    %c0_i32_0 = arith.constant 0 : i32
    %c0_i32_1 = arith.constant 0 : i32
    return %c0_i32, %c0_i32_0 : i32, i32
  }
  func.func @transform_15(%arg0: i32) -> (i32, i32) {
    %c0_i32 = arith.constant 0 : i32
    %c0_i32_0 = arith.constant 0 : i32
    %c0_i32_1 = arith.constant 0 : i32
    return %c0_i32, %c0_i32_0 : i32, i32
  }
  func.func @transform_16(%arg0: i32) -> (i32, i32) {
    %c0_i32 = arith.constant 0 : i32
    %c0_i32_0 = arith.constant 0 : i32
    %c0_i32_1 = arith.constant 0 : i32
    return %c0_i32, %c0_i32_0 : i32, i32
  }
  func.func @transform_17(%arg0: i32) -> (i32, i32) {
    %c0_i32 = arith.constant 0 : i32
    %c0_i32_0 = arith.constant 0 : i32
    %c0_i32_1 = arith.constant 0 : i32
    return %c0_i32, %c0_i32_0 : i32, i32
  }
  func.func @transform_18(%arg0: i32) -> (i32, i32) {
    %c0_i32 = arith.constant 0 : i32
    %c0_i32_0 = arith.constant 0 : i32
    %c0_i32_1 = arith.constant 0 : i32
    return %c0_i32, %c0_i32_0 : i32, i32
  }
  func.func @transform_19(%arg0: i32) -> (i32, i32) {
    %c0_i32 = arith.constant 0 : i32
    %c0_i32_0 = arith.constant 0 : i32
    %c0_i32_1 = arith.constant 0 : i32
    return %c0_i32, %c0_i32_0 : i32, i32
  }
  func.func @transform_20(%arg0: i32) -> (i32, i32) {
    %c0_i32 = arith.constant 0 : i32
    %c0_i32_0 = arith.constant 0 : i32
    %c0_i32_1 = arith.constant 0 : i32
    return %c0_i32, %c0_i32_0 : i32, i32
  }
  func.func @transform_21(%arg0: i32) -> (i32, i32) {
    %c0_i32 = arith.constant 0 : i32
    %c0_i32_0 = arith.constant 0 : i32
    %c0_i32_1 = arith.constant 0 : i32
    return %c0_i32, %c0_i32_0 : i32, i32
  }
  func.func @transform_22(%arg0: i32) -> (i32, i32) {
    %c0_i32 = arith.constant 0 : i32
    %c0_i32_0 = arith.constant 0 : i32
    %c0_i32_1 = arith.constant 0 : i32
    return %c0_i32, %c0_i32_0 : i32, i32
  }
  func.func @transform_23(%arg0: i32) -> (i32, i32) {
    %c0_i32 = arith.constant 0 : i32
    %c0_i32_0 = arith.constant 0 : i32
    return %arg0, %c0_i32 : i32, i32
  }
  func.func @transform_24(%arg0: i32) -> (i32, i32) {
    %c0_i32 = arith.constant 0 : i32
    %c0_i32_0 = arith.constant 0 : i32
    return %arg0, %c0_i32 : i32, i32
  }
}

module attributes {stable_mosaic.version = 14 : i64} {
  func.func @body(%arg0: i32, %arg1: memref<2000x256xf32, #tpu.memory_space<vmem>>, %arg2: memref<2x2000x128xf32, #tpu.memory_space<vmem>>, %arg3: memref<2x2000x128xf32, #tpu.memory_space<vmem>>, %arg4: memref<1x128xf32, #tpu.memory_space<vmem>>, %arg5: memref<1x128xf32, #tpu.memory_space<vmem>>, %arg6: memref<16x32xf32, #tpu.memory_space<vmem>>, %arg7: memref<128x512xf32, #tpu.memory_space<vmem>>, %arg8: memref<32x512xf32, #tpu.memory_space<vmem>>, %arg9: memref<1x512xf32, #tpu.memory_space<vmem>>, %arg10: memref<32x32xf32, #tpu.memory_space<vmem>>, %arg11: memref<32x32xf32, #tpu.memory_space<vmem>>, %arg12: memref<512x128xf32, #tpu.memory_space<vmem>>, %arg13: memref<32x128xf32, #tpu.memory_space<vmem>>, %arg14: memref<1x128xf32, #tpu.memory_space<vmem>>, %arg15: memref<32x16xf32, #tpu.memory_space<vmem>>, %arg16: memref<1x128xf32, #tpu.memory_space<vmem>>, %arg17: memref<1x128xf32, #tpu.memory_space<vmem>>, %arg18: memref<2000x256xf32, #tpu.memory_space<vmem>>) attributes {dimension_semantics = [#tpu.dimension_semantics<arbitrary>], iteration_bounds = array<i64: 5>, scalar_prefetch = 0 : i64, scratch_operands = 0 : i64, tpu.core_type = #tpu.core_type<tc>, window_params = [{transform_indices = @transform_0, window_bounds = array<i64: 2000, 256>}, {transform_indices = @transform_1, window_bounds = array<i64: 2, 2000, 128>}, {transform_indices = @transform_2, window_bounds = array<i64: 2, 2000, 128>}, {pipeline_mode = #tpu.pipeline_mode<synchronous>, transform_indices = @transform_3, window_bounds = array<i64: 1, 128>}, {pipeline_mode = #tpu.pipeline_mode<synchronous>, transform_indices = @transform_4, window_bounds = array<i64: 1, 128>}, {pipeline_mode = #tpu.pipeline_mode<synchronous>, transform_indices = @transform_5, window_bounds = array<i64: 16, 32>}, {pipeline_mode = #tpu.pipeline_mode<synchronous>, transform_indices = @transform_6, window_bounds = array<i64: 128, 512>}, {pipeline_mode = #tpu.pipeline_mode<synchronous>, transform_indices = @transform_7, window_bounds = array<i64: 32, 512>}, {pipeline_mode = #tpu.pipeline_mode<synchronous>, transform_indices = @transform_8, window_bounds = array<i64: 1, 512>}, {pipeline_mode = #tpu.pipeline_mode<synchronous>, transform_indices = @transform_9, window_bounds = array<i64: 32, 32>}, {pipeline_mode = #tpu.pipeline_mode<synchronous>, transform_indices = @transform_10, window_bounds = array<i64: 32, 32>}, {pipeline_mode = #tpu.pipeline_mode<synchronous>, transform_indices = @transform_11, window_bounds = array<i64: 512, 128>}, {pipeline_mode = #tpu.pipeline_mode<synchronous>, transform_indices = @transform_12, window_bounds = array<i64: 32, 128>}, {pipeline_mode = #tpu.pipeline_mode<synchronous>, transform_indices = @transform_13, window_bounds = array<i64: 1, 128>}, {pipeline_mode = #tpu.pipeline_mode<synchronous>, transform_indices = @transform_14, window_bounds = array<i64: 32, 16>}, {pipeline_mode = #tpu.pipeline_mode<synchronous>, transform_indices = @transform_15, window_bounds = array<i64: 1, 128>}, {pipeline_mode = #tpu.pipeline_mode<synchronous>, transform_indices = @transform_16, window_bounds = array<i64: 1, 128>}, {transform_indices = @transform_17, window_bounds = array<i64: 2000, 256>}]} {
    %get3A = arith.constant 0 : index
    %get3A_0 = arith.constant 0 : index
    %get3A_1 = vector.load %arg4[%get3A, %get3A_0] : memref<1x128xf32, #tpu.memory_space<vmem>>, vector<1x128xf32>
    %get3A_2 = arith.constant 0 : index
    %get3A_3 = arith.constant 0 : index
    %get3A_4 = vector.load %arg5[%get3A_2, %get3A_3] : memref<1x128xf32, #tpu.memory_space<vmem>>, vector<1x128xf32>
    %get3A_5 = arith.constant 0 : index
    %get3A_6 = arith.constant 0 : index
    %get3A_7 = vector.load %arg6[%get3A_5, %get3A_6] : memref<16x32xf32, #tpu.memory_space<vmem>>, vector<16x32xf32>
    %get3A_8 = arith.constant 0 : index
    %get3A_9 = arith.constant 0 : index
    %get3A_10 = vector.load %arg7[%get3A_8, %get3A_9] : memref<128x512xf32, #tpu.memory_space<vmem>>, vector<128x512xf32>
    %get3A_11 = arith.constant 0 : index
    %get3A_12 = arith.constant 0 : index
    %get3A_13 = vector.load %arg8[%get3A_11, %get3A_12] : memref<32x512xf32, #tpu.memory_space<vmem>>, vector<32x512xf32>
    %get3A_14 = arith.constant 0 : index
    %get3A_15 = arith.constant 0 : index
    %get3A_16 = vector.load %arg9[%get3A_14, %get3A_15] : memref<1x512xf32, #tpu.memory_space<vmem>>, vector<1x512xf32>
    %get3A_17 = arith.constant 0 : index
    %get3A_18 = arith.constant 0 : index
    %get3A_19 = vector.load %arg10[%get3A_17, %get3A_18] : memref<32x32xf32, #tpu.memory_space<vmem>>, vector<32x32xf32>
    %get3A_20 = arith.constant 0 : index
    %get3A_21 = arith.constant 0 : index
    %get3A_22 = vector.load %arg11[%get3A_20, %get3A_21] : memref<32x32xf32, #tpu.memory_space<vmem>>, vector<32x32xf32>
    %get3A_23 = arith.constant 0 : index
    %get3A_24 = arith.constant 0 : index
    %get3A_25 = vector.load %arg12[%get3A_23, %get3A_24] : memref<512x128xf32, #tpu.memory_space<vmem>>, vector<512x128xf32>
    %get3A_26 = arith.constant 0 : index
    %get3A_27 = arith.constant 0 : index
    %get3A_28 = vector.load %arg13[%get3A_26, %get3A_27] : memref<32x128xf32, #tpu.memory_space<vmem>>, vector<32x128xf32>
    %get3A_29 = arith.constant 0 : index
    %get3A_30 = arith.constant 0 : index
    %get3A_31 = vector.load %arg14[%get3A_29, %get3A_30] : memref<1x128xf32, #tpu.memory_space<vmem>>, vector<1x128xf32>
    %get3A_32 = arith.constant 0 : index
    %get3A_33 = arith.constant 0 : index
    %get3A_34 = vector.load %arg15[%get3A_32, %get3A_33] : memref<32x16xf32, #tpu.memory_space<vmem>>, vector<32x16xf32>
    %get3A_35 = arith.constant 0 : index
    %get3A_36 = arith.constant 0 : index
    %get3A_37 = vector.load %arg16[%get3A_35, %get3A_36] : memref<1x128xf32, #tpu.memory_space<vmem>>, vector<1x128xf32>
    %get3A_38 = arith.constant 0 : index
    %get3A_39 = arith.constant 0 : index
    %get3A_40 = vector.load %arg17[%get3A_38, %get3A_39] : memref<1x128xf32, #tpu.memory_space<vmem>>, vector<1x128xf32>
    %get3A_41 = arith.constant 0 : index
    %get3A_42 = arith.constant 0 : index
    %get3A_43 = vector.load %arg1[%get3A_41, %get3A_42] : memref<2000x256xf32, #tpu.memory_space<vmem>>, vector<2000x128xf32>
    %get3A_44 = arith.constant 0 : index
    %get3A_45 = arith.constant 128 : index
    %get3A_46 = vector.load %arg1[%get3A_44, %get3A_45] : memref<2000x256xf32, #tpu.memory_space<vmem>>, vector<2000x16xf32>
    %get3A_47 = arith.constant 0 : index
    %get3A_48 = arith.constant 144 : index
    %get3A_49 = vector.load %arg1[%get3A_47, %get3A_48] : memref<2000x256xf32, #tpu.memory_space<vmem>>, vector<2000x16xf32>
    %get3A_50 = arith.constant 0 : index
    %get3A_51 = arith.constant 160 : index
    %get3A_52 = vector.load %arg1[%get3A_50, %get3A_51] : memref<2000x256xf32, #tpu.memory_space<vmem>>, vector<2000x16xf32>
    %get3A_53 = arith.constant 0 : index
    %get3A_54 = arith.constant 0 : index
    %get3A_55 = arith.constant 0 : index
    %get3A_56 = vector.load %arg2[%get3A_53, %get3A_54, %get3A_55] : memref<2x2000x128xf32, #tpu.memory_space<vmem>>, vector<1x2000x128xf32>
    %get3A_57 = vector.shape_cast %get3A_56 : vector<1x2000x128xf32> to vector<2000x128xf32>
    %get3A_58 = arith.constant 1 : index
    %get3A_59 = arith.constant 0 : index
    %get3A_60 = arith.constant 0 : index
    %get3A_61 = vector.load %arg2[%get3A_58, %get3A_59, %get3A_60] : memref<2x2000x128xf32, #tpu.memory_space<vmem>>, vector<1x2000x128xf32>
    %get3A_62 = vector.shape_cast %get3A_61 : vector<1x2000x128xf32> to vector<2000x128xf32>
    %add3A = arith.addf %get3A_57, %get3A_62 : vector<2000x128xf32>
    %get3A_63 = arith.constant 0 : index
    %get3A_64 = arith.constant 0 : index
    %get3A_65 = arith.constant 0 : index
    %get3A_66 = vector.load %arg3[%get3A_63, %get3A_64, %get3A_65] : memref<2x2000x128xf32, #tpu.memory_space<vmem>>, vector<1x2000x128xf32>
    %get3A_67 = vector.shape_cast %get3A_66 : vector<1x2000x128xf32> to vector<2000x128xf32>
    %get3A_68 = arith.constant 1 : index
    %get3A_69 = arith.constant 0 : index
    %get3A_70 = arith.constant 0 : index
    %get3A_71 = vector.load %arg3[%get3A_68, %get3A_69, %get3A_70] : memref<2x2000x128xf32, #tpu.memory_space<vmem>>, vector<1x2000x128xf32>
    %get3A_72 = vector.shape_cast %get3A_71 : vector<1x2000x128xf32> to vector<2000x128xf32>
    %add3A_73 = arith.addf %get3A_67, %get3A_72 : vector<2000x128xf32>
    %slice3A = vector.extract_strided_slice %add3A_73 {offsets = [0, 48], sizes = [2000, 1], strides = [1, 1]} : vector<2000x128xf32> to vector<2000x1xf32>
    %max3A = arith.constant 1.000000e+00 : f32
    %max3A_74 = vector.broadcast %max3A : f32 to vector<2000x1xf32>
    %max3A_75 = arith.maximumf %slice3A, %max3A_74 : vector<2000x1xf32>
    %div3A = vector.broadcast %max3A_75 : vector<2000x1xf32> to vector<2000x128xf32>
    %div3A_76 = arith.divf %add3A, %div3A : vector<2000x128xf32>
    %add3A_77 = arith.addf %get3A_43, %div3A_76 : vector<2000x128xf32>
    %slice3A_78 = vector.extract_strided_slice %add3A_73 {offsets = [0, 0], sizes = [2000, 16], strides = [1, 1]} : vector<2000x128xf32> to vector<2000x16xf32>
    %div3A_79 = vector.broadcast %max3A_75 : vector<2000x1xf32> to vector<2000x16xf32>
    %div3A_80 = arith.divf %slice3A_78, %div3A_79 : vector<2000x16xf32>
    %add3A_81 = arith.addf %get3A_46, %div3A_80 : vector<2000x16xf32>
    %slice3A_82 = vector.extract_strided_slice %add3A_73 {offsets = [0, 16], sizes = [2000, 16], strides = [1, 1]} : vector<2000x128xf32> to vector<2000x16xf32>
    %div3A_83 = vector.broadcast %max3A_75 : vector<2000x1xf32> to vector<2000x16xf32>
    %div3A_84 = arith.divf %slice3A_82, %div3A_83 : vector<2000x16xf32>
    %add3A_85 = arith.addf %get3A_49, %div3A_84 : vector<2000x16xf32>
    %slice3A_86 = vector.extract_strided_slice %add3A_73 {offsets = [0, 32], sizes = [2000, 16], strides = [1, 1]} : vector<2000x128xf32> to vector<2000x16xf32>
    %div3A_87 = vector.broadcast %max3A_75 : vector<2000x1xf32> to vector<2000x16xf32>
    %div3A_88 = arith.divf %slice3A_86, %div3A_87 : vector<2000x16xf32>
    %add3A_89 = arith.addf %get3A_52, %div3A_88 : vector<2000x16xf32>
    %reduce_sum3A = arith.constant dense<0.000000e+00> : vector<2000xf32>
    %reduce_sum3A_90 = vector.multi_reduction <add>, %add3A_77, %reduce_sum3A [1] : vector<2000x128xf32> to vector<2000xf32>
    %broadcast_in_dim3A = vector.shape_cast %reduce_sum3A_90 : vector<2000xf32> to vector<2000x1xf32>
    %div3A_91 = arith.constant 1.280000e+02 : f32
    %div3A_92 = vector.broadcast %div3A_91 : f32 to vector<2000x1xf32>
    %div3A_93 = arith.divf %broadcast_in_dim3A, %div3A_92 : vector<2000x1xf32>
    %sub3A = vector.broadcast %div3A_93 : vector<2000x1xf32> to vector<2000x128xf32>
    %sub3A_94 = arith.subf %add3A_77, %sub3A : vector<2000x128xf32>
    %sub3A_95 = vector.broadcast %div3A_93 : vector<2000x1xf32> to vector<2000x128xf32>
    %sub3A_96 = arith.subf %add3A_77, %sub3A_95 : vector<2000x128xf32>
    %mul3A = arith.mulf %sub3A_94, %sub3A_96 : vector<2000x128xf32>
    %reduce_sum3A_97 = arith.constant dense<0.000000e+00> : vector<2000xf32>
    %reduce_sum3A_98 = vector.multi_reduction <add>, %mul3A, %reduce_sum3A_97 [1] : vector<2000x128xf32> to vector<2000xf32>
    %broadcast_in_dim3A_99 = vector.shape_cast %reduce_sum3A_98 : vector<2000xf32> to vector<2000x1xf32>
    %div3A_100 = arith.constant 1.280000e+02 : f32
    %div3A_101 = vector.broadcast %div3A_100 : f32 to vector<2000x1xf32>
    %div3A_102 = arith.divf %broadcast_in_dim3A_99, %div3A_101 : vector<2000x1xf32>
    %sub3A_103 = vector.broadcast %div3A_93 : vector<2000x1xf32> to vector<2000x128xf32>
    %sub3A_104 = arith.subf %add3A_77, %sub3A_103 : vector<2000x128xf32>
    %add3A_105 = arith.constant 9.99999974E-6 : f32
    %add3A_106 = vector.broadcast %add3A_105 : f32 to vector<2000x1xf32>
    %add3A_107 = arith.addf %div3A_102, %add3A_106 : vector<2000x1xf32>
    %sqrt3A = math.sqrt %add3A_107 : vector<2000x1xf32>
    %div3A_108 = vector.broadcast %sqrt3A : vector<2000x1xf32> to vector<2000x128xf32>
    %div3A_109 = arith.divf %sub3A_104, %div3A_108 : vector<2000x128xf32>
    %mul3A_110 = vector.broadcast %get3A_1 : vector<1x128xf32> to vector<2000x128xf32>
    %mul3A_111 = arith.mulf %div3A_109, %mul3A_110 : vector<2000x128xf32>
    %add3A_112 = vector.broadcast %get3A_4 : vector<1x128xf32> to vector<2000x128xf32>
    %add3A_113 = arith.addf %mul3A_111, %add3A_112 : vector<2000x128xf32>
    %mul3A_114 = arith.mulf %add3A_81, %add3A_81 : vector<2000x16xf32>
    %mul3A_115 = arith.mulf %add3A_85, %add3A_85 : vector<2000x16xf32>
    %add3A_116 = arith.addf %mul3A_114, %mul3A_115 : vector<2000x16xf32>
    %mul3A_117 = arith.mulf %add3A_89, %add3A_89 : vector<2000x16xf32>
    %add3A_118 = arith.addf %add3A_116, %mul3A_117 : vector<2000x16xf32>
    %jit3A = arith.constant 9.99999993E-9 : f32
    %max3A_119 = vector.broadcast %jit3A : f32 to vector<2000x16xf32>
    %max3A_120 = arith.maximumf %max3A_119, %add3A_118 : vector<2000x16xf32>
    %reduce_sum3A_121 = arith.constant dense<0.000000e+00> : vector<2000xf32>
    %reduce_sum3A_122 = vector.multi_reduction <add>, %max3A_120, %reduce_sum3A_121 [1] : vector<2000x16xf32> to vector<2000xf32>
    %broadcast_in_dim3A_123 = vector.shape_cast %reduce_sum3A_122 : vector<2000xf32> to vector<2000x1xf32>
    %div3A_124 = arith.constant 1.600000e+01 : f32
    %div3A_125 = vector.broadcast %div3A_124 : f32 to vector<2000x1xf32>
    %div3A_126 = arith.divf %broadcast_in_dim3A_123, %div3A_125 : vector<2000x1xf32>
    %sqrt3A_127 = math.sqrt %div3A_126 : vector<2000x1xf32>
    %div3A_128 = vector.broadcast %sqrt3A_127 : vector<2000x1xf32> to vector<2000x16xf32>
    %div3A_129 = arith.divf %add3A_81, %div3A_128 : vector<2000x16xf32>
    %div3A_130 = vector.broadcast %sqrt3A_127 : vector<2000x1xf32> to vector<2000x16xf32>
    %div3A_131 = arith.divf %add3A_85, %div3A_130 : vector<2000x16xf32>
    %div3A_132 = vector.broadcast %sqrt3A_127 : vector<2000x1xf32> to vector<2000x16xf32>
    %div3A_133 = arith.divf %add3A_89, %div3A_132 : vector<2000x16xf32>
    %dot_general3A = arith.constant dense<0.000000e+00> : vector<2000x32xf32>
    %dot_general3A_134 = tpu.matmul %div3A_129, %get3A_7, %dot_general3A {dimension_numbers = #tpu.dot_dimension_numbers<[1], [0], [0], [1], [0, 0, 1, 1], [], []>, transpose_lhs_hint = false} : vector<2000x16xf32>, vector<16x32xf32>, vector<2000x32xf32> -> vector<2000x32xf32>
    %dot_general3A_135 = arith.constant dense<0.000000e+00> : vector<2000x32xf32>
    %dot_general3A_136 = tpu.matmul %div3A_131, %get3A_7, %dot_general3A_135 {dimension_numbers = #tpu.dot_dimension_numbers<[1], [0], [0], [1], [0, 0, 1, 1], [], []>, transpose_lhs_hint = false} : vector<2000x16xf32>, vector<16x32xf32>, vector<2000x32xf32> -> vector<2000x32xf32>
    %dot_general3A_137 = arith.constant dense<0.000000e+00> : vector<2000x32xf32>
    %dot_general3A_138 = tpu.matmul %div3A_133, %get3A_7, %dot_general3A_137 {dimension_numbers = #tpu.dot_dimension_numbers<[1], [0], [0], [1], [0, 0, 1, 1], [], []>, transpose_lhs_hint = false} : vector<2000x16xf32>, vector<16x32xf32>, vector<2000x32xf32> -> vector<2000x32xf32>
    %mul3A_139 = arith.mulf %dot_general3A_134, %dot_general3A_134 : vector<2000x32xf32>
    %mul3A_140 = arith.mulf %dot_general3A_136, %dot_general3A_136 : vector<2000x32xf32>
    %add3A_141 = arith.addf %mul3A_139, %mul3A_140 : vector<2000x32xf32>
    %mul3A_142 = arith.mulf %dot_general3A_138, %dot_general3A_138 : vector<2000x32xf32>
    %add3A_143 = arith.addf %add3A_141, %mul3A_142 : vector<2000x32xf32>
    %jit3A_144 = arith.constant 9.99999993E-9 : f32
    %max3A_145 = vector.broadcast %jit3A_144 : f32 to vector<2000x32xf32>
    %max3A_146 = arith.maximumf %max3A_145, %add3A_143 : vector<2000x32xf32>
    %sqrt3A_147 = math.sqrt %max3A_146 : vector<2000x32xf32>
    %dot_general3A_148 = arith.constant dense<0.000000e+00> : vector<2000x512xf32>
    %dot_general3A_149 = tpu.matmul %add3A_113, %get3A_10, %dot_general3A_148 {dimension_numbers = #tpu.dot_dimension_numbers<[1], [0], [0], [1], [0, 0, 1, 1], [], []>, transpose_lhs_hint = false} : vector<2000x128xf32>, vector<128x512xf32>, vector<2000x512xf32> -> vector<2000x512xf32>
    %dot_general3A_150 = arith.constant dense<0.000000e+00> : vector<2000x512xf32>
    %dot_general3A_151 = tpu.matmul %sqrt3A_147, %get3A_13, %dot_general3A_150 {dimension_numbers = #tpu.dot_dimension_numbers<[1], [0], [0], [1], [0, 0, 1, 1], [], []>, transpose_lhs_hint = false} : vector<2000x32xf32>, vector<32x512xf32>, vector<2000x512xf32> -> vector<2000x512xf32>
    %add3A_152 = arith.addf %dot_general3A_149, %dot_general3A_151 : vector<2000x512xf32>
    %add3A_153 = vector.broadcast %get3A_16 : vector<1x512xf32> to vector<2000x512xf32>
    %add3A_154 = arith.addf %add3A_152, %add3A_153 : vector<2000x512xf32>
    %max3A_155 = arith.constant 0.000000e+00 : f32
    %max3A_156 = vector.broadcast %max3A_155 : f32 to vector<2000x512xf32>
    %max3A_157 = arith.maximumf %add3A_154, %max3A_156 : vector<2000x512xf32>
    %dot_general3A_158 = arith.constant dense<0.000000e+00> : vector<2000x32xf32>
    %dot_general3A_159 = tpu.matmul %dot_general3A_134, %get3A_19, %dot_general3A_158 {dimension_numbers = #tpu.dot_dimension_numbers<[1], [0], [0], [1], [0, 0, 1, 1], [], []>, transpose_lhs_hint = false} : vector<2000x32xf32>, vector<32x32xf32>, vector<2000x32xf32> -> vector<2000x32xf32>
    %dot_general3A_160 = arith.constant dense<0.000000e+00> : vector<2000x32xf32>
    %dot_general3A_161 = tpu.matmul %dot_general3A_136, %get3A_19, %dot_general3A_160 {dimension_numbers = #tpu.dot_dimension_numbers<[1], [0], [0], [1], [0, 0, 1, 1], [], []>, transpose_lhs_hint = false} : vector<2000x32xf32>, vector<32x32xf32>, vector<2000x32xf32> -> vector<2000x32xf32>
    %dot_general3A_162 = arith.constant dense<0.000000e+00> : vector<2000x32xf32>
    %dot_general3A_163 = tpu.matmul %dot_general3A_138, %get3A_19, %dot_general3A_162 {dimension_numbers = #tpu.dot_dimension_numbers<[1], [0], [0], [1], [0, 0, 1, 1], [], []>, transpose_lhs_hint = false} : vector<2000x32xf32>, vector<32x32xf32>, vector<2000x32xf32> -> vector<2000x32xf32>
    %mul3A_164 = arith.mulf %dot_general3A_159, %dot_general3A_159 : vector<2000x32xf32>
    %mul3A_165 = arith.mulf %dot_general3A_161, %dot_general3A_161 : vector<2000x32xf32>
    %add3A_166 = arith.addf %mul3A_164, %mul3A_165 : vector<2000x32xf32>
    %mul3A_167 = arith.mulf %dot_general3A_163, %dot_general3A_163 : vector<2000x32xf32>
    %add3A_168 = arith.addf %add3A_166, %mul3A_167 : vector<2000x32xf32>
    %jit3A_169 = arith.constant 9.99999993E-9 : f32
    %max3A_170 = vector.broadcast %jit3A_169 : f32 to vector<2000x32xf32>
    %max3A_171 = arith.maximumf %max3A_170, %add3A_168 : vector<2000x32xf32>
    %sqrt3A_172 = math.sqrt %max3A_171 : vector<2000x32xf32>
    %logistic3A = arith.negf %sqrt3A_172 : vector<2000x32xf32>
    %logistic3A_173 = math.exp %logistic3A : vector<2000x32xf32>
    %logistic3A_174 = arith.constant 1.000000e+00 : f32
    %logistic3A_175 = vector.broadcast %logistic3A_174 : f32 to vector<2000x32xf32>
    %logistic3A_176 = arith.addf %logistic3A_175, %logistic3A_173 : vector<2000x32xf32>
    %logistic3A_177 = arith.divf %logistic3A_175, %logistic3A_176 : vector<2000x32xf32>
    %mul3A_178 = arith.mulf %dot_general3A_159, %logistic3A_177 : vector<2000x32xf32>
    %mul3A_179 = arith.mulf %dot_general3A_161, %logistic3A_177 : vector<2000x32xf32>
    %mul3A_180 = arith.mulf %dot_general3A_163, %logistic3A_177 : vector<2000x32xf32>
    %dot_general3A_181 = arith.constant dense<0.000000e+00> : vector<2000x32xf32>
    %dot_general3A_182 = tpu.matmul %mul3A_178, %get3A_22, %dot_general3A_181 {dimension_numbers = #tpu.dot_dimension_numbers<[1], [0], [0], [1], [0, 0, 1, 1], [], []>, transpose_lhs_hint = false} : vector<2000x32xf32>, vector<32x32xf32>, vector<2000x32xf32> -> vector<2000x32xf32>
    %dot_general3A_183 = arith.constant dense<0.000000e+00> : vector<2000x32xf32>
    %dot_general3A_184 = tpu.matmul %mul3A_179, %get3A_22, %dot_general3A_183 {dimension_numbers = #tpu.dot_dimension_numbers<[1], [0], [0], [1], [0, 0, 1, 1], [], []>, transpose_lhs_hint = false} : vector<2000x32xf32>, vector<32x32xf32>, vector<2000x32xf32> -> vector<2000x32xf32>
    %dot_general3A_185 = arith.constant dense<0.000000e+00> : vector<2000x32xf32>
    %dot_general3A_186 = tpu.matmul %mul3A_180, %get3A_22, %dot_general3A_185 {dimension_numbers = #tpu.dot_dimension_numbers<[1], [0], [0], [1], [0, 0, 1, 1], [], []>, transpose_lhs_hint = false} : vector<2000x32xf32>, vector<32x32xf32>, vector<2000x32xf32> -> vector<2000x32xf32>
    %mul3A_187 = arith.mulf %dot_general3A_182, %dot_general3A_182 : vector<2000x32xf32>
    %mul3A_188 = arith.mulf %dot_general3A_184, %dot_general3A_184 : vector<2000x32xf32>
    %add3A_189 = arith.addf %mul3A_187, %mul3A_188 : vector<2000x32xf32>
    %mul3A_190 = arith.mulf %dot_general3A_186, %dot_general3A_186 : vector<2000x32xf32>
    %add3A_191 = arith.addf %add3A_189, %mul3A_190 : vector<2000x32xf32>
    %jit3A_192 = arith.constant 9.99999993E-9 : f32
    %max3A_193 = vector.broadcast %jit3A_192 : f32 to vector<2000x32xf32>
    %max3A_194 = arith.maximumf %max3A_193, %add3A_191 : vector<2000x32xf32>
    %sqrt3A_195 = math.sqrt %max3A_194 : vector<2000x32xf32>
    %dot_general3A_196 = arith.constant dense<0.000000e+00> : vector<2000x128xf32>
    %dot_general3A_197 = tpu.matmul %max3A_157, %get3A_25, %dot_general3A_196 {dimension_numbers = #tpu.dot_dimension_numbers<[1], [0], [0], [1], [0, 0, 1, 1], [], []>, transpose_lhs_hint = false} : vector<2000x512xf32>, vector<512x128xf32>, vector<2000x128xf32> -> vector<2000x128xf32>
    %dot_general3A_198 = arith.constant dense<0.000000e+00> : vector<2000x128xf32>
    %dot_general3A_199 = tpu.matmul %sqrt3A_195, %get3A_28, %dot_general3A_198 {dimension_numbers = #tpu.dot_dimension_numbers<[1], [0], [0], [1], [0, 0, 1, 1], [], []>, transpose_lhs_hint = false} : vector<2000x32xf32>, vector<32x128xf32>, vector<2000x128xf32> -> vector<2000x128xf32>
    %add3A_200 = arith.addf %dot_general3A_197, %dot_general3A_199 : vector<2000x128xf32>
    %add3A_201 = vector.broadcast %get3A_31 : vector<1x128xf32> to vector<2000x128xf32>
    %add3A_202 = arith.addf %add3A_200, %add3A_201 : vector<2000x128xf32>
    %dot_general3A_203 = arith.constant dense<0.000000e+00> : vector<2000x16xf32>
    %dot_general3A_204 = tpu.matmul %dot_general3A_182, %get3A_34, %dot_general3A_203 {dimension_numbers = #tpu.dot_dimension_numbers<[1], [0], [0], [1], [0, 0, 1, 1], [], []>, transpose_lhs_hint = false} : vector<2000x32xf32>, vector<32x16xf32>, vector<2000x16xf32> -> vector<2000x16xf32>
    %dot_general3A_205 = arith.constant dense<0.000000e+00> : vector<2000x16xf32>
    %dot_general3A_206 = tpu.matmul %dot_general3A_184, %get3A_34, %dot_general3A_205 {dimension_numbers = #tpu.dot_dimension_numbers<[1], [0], [0], [1], [0, 0, 1, 1], [], []>, transpose_lhs_hint = false} : vector<2000x32xf32>, vector<32x16xf32>, vector<2000x16xf32> -> vector<2000x16xf32>
    %dot_general3A_207 = arith.constant dense<0.000000e+00> : vector<2000x16xf32>
    %dot_general3A_208 = tpu.matmul %dot_general3A_186, %get3A_34, %dot_general3A_207 {dimension_numbers = #tpu.dot_dimension_numbers<[1], [0], [0], [1], [0, 0, 1, 1], [], []>, transpose_lhs_hint = false} : vector<2000x32xf32>, vector<32x16xf32>, vector<2000x16xf32> -> vector<2000x16xf32>
    %add3A_209 = arith.addf %add3A_113, %add3A_202 : vector<2000x128xf32>
    %add3A_210 = arith.addf %div3A_129, %dot_general3A_204 : vector<2000x16xf32>
    %add3A_211 = arith.addf %div3A_131, %dot_general3A_206 : vector<2000x16xf32>
    %add3A_212 = arith.addf %div3A_133, %dot_general3A_208 : vector<2000x16xf32>
    %reduce_sum3A_213 = arith.constant dense<0.000000e+00> : vector<2000xf32>
    %reduce_sum3A_214 = vector.multi_reduction <add>, %add3A_209, %reduce_sum3A_213 [1] : vector<2000x128xf32> to vector<2000xf32>
    %broadcast_in_dim3A_215 = vector.shape_cast %reduce_sum3A_214 : vector<2000xf32> to vector<2000x1xf32>
    %div3A_216 = arith.constant 1.280000e+02 : f32
    %div3A_217 = vector.broadcast %div3A_216 : f32 to vector<2000x1xf32>
    %div3A_218 = arith.divf %broadcast_in_dim3A_215, %div3A_217 : vector<2000x1xf32>
    %sub3A_219 = vector.broadcast %div3A_218 : vector<2000x1xf32> to vector<2000x128xf32>
    %sub3A_220 = arith.subf %add3A_209, %sub3A_219 : vector<2000x128xf32>
    %sub3A_221 = vector.broadcast %div3A_218 : vector<2000x1xf32> to vector<2000x128xf32>
    %sub3A_222 = arith.subf %add3A_209, %sub3A_221 : vector<2000x128xf32>
    %mul3A_223 = arith.mulf %sub3A_220, %sub3A_222 : vector<2000x128xf32>
    %reduce_sum3A_224 = arith.constant dense<0.000000e+00> : vector<2000xf32>
    %reduce_sum3A_225 = vector.multi_reduction <add>, %mul3A_223, %reduce_sum3A_224 [1] : vector<2000x128xf32> to vector<2000xf32>
    %broadcast_in_dim3A_226 = vector.shape_cast %reduce_sum3A_225 : vector<2000xf32> to vector<2000x1xf32>
    %div3A_227 = arith.constant 1.280000e+02 : f32
    %div3A_228 = vector.broadcast %div3A_227 : f32 to vector<2000x1xf32>
    %div3A_229 = arith.divf %broadcast_in_dim3A_226, %div3A_228 : vector<2000x1xf32>
    %sub3A_230 = vector.broadcast %div3A_218 : vector<2000x1xf32> to vector<2000x128xf32>
    %sub3A_231 = arith.subf %add3A_209, %sub3A_230 : vector<2000x128xf32>
    %add3A_232 = arith.constant 9.99999974E-6 : f32
    %add3A_233 = vector.broadcast %add3A_232 : f32 to vector<2000x1xf32>
    %add3A_234 = arith.addf %div3A_229, %add3A_233 : vector<2000x1xf32>
    %sqrt3A_235 = math.sqrt %add3A_234 : vector<2000x1xf32>
    %div3A_236 = vector.broadcast %sqrt3A_235 : vector<2000x1xf32> to vector<2000x128xf32>
    %div3A_237 = arith.divf %sub3A_231, %div3A_236 : vector<2000x128xf32>
    %mul3A_238 = vector.broadcast %get3A_37 : vector<1x128xf32> to vector<2000x128xf32>
    %mul3A_239 = arith.mulf %div3A_237, %mul3A_238 : vector<2000x128xf32>
    %add3A_240 = vector.broadcast %get3A_40 : vector<1x128xf32> to vector<2000x128xf32>
    %add3A_241 = arith.addf %mul3A_239, %add3A_240 : vector<2000x128xf32>
    %mul3A_242 = arith.mulf %add3A_210, %add3A_210 : vector<2000x16xf32>
    %mul3A_243 = arith.mulf %add3A_211, %add3A_211 : vector<2000x16xf32>
    %add3A_244 = arith.addf %mul3A_242, %mul3A_243 : vector<2000x16xf32>
    %mul3A_245 = arith.mulf %add3A_212, %add3A_212 : vector<2000x16xf32>
    %add3A_246 = arith.addf %add3A_244, %mul3A_245 : vector<2000x16xf32>
    %jit3A_247 = arith.constant 9.99999993E-9 : f32
    %max3A_248 = vector.broadcast %jit3A_247 : f32 to vector<2000x16xf32>
    %max3A_249 = arith.maximumf %max3A_248, %add3A_246 : vector<2000x16xf32>
    %reduce_sum3A_250 = arith.constant dense<0.000000e+00> : vector<2000xf32>
    %reduce_sum3A_251 = vector.multi_reduction <add>, %max3A_249, %reduce_sum3A_250 [1] : vector<2000x16xf32> to vector<2000xf32>
    %broadcast_in_dim3A_252 = vector.shape_cast %reduce_sum3A_251 : vector<2000xf32> to vector<2000x1xf32>
    %div3A_253 = arith.constant 1.600000e+01 : f32
    %div3A_254 = vector.broadcast %div3A_253 : f32 to vector<2000x1xf32>
    %div3A_255 = arith.divf %broadcast_in_dim3A_252, %div3A_254 : vector<2000x1xf32>
    %sqrt3A_256 = math.sqrt %div3A_255 : vector<2000x1xf32>
    %div3A_257 = vector.broadcast %sqrt3A_256 : vector<2000x1xf32> to vector<2000x16xf32>
    %div3A_258 = arith.divf %add3A_210, %div3A_257 : vector<2000x16xf32>
    %div3A_259 = vector.broadcast %sqrt3A_256 : vector<2000x1xf32> to vector<2000x16xf32>
    %div3A_260 = arith.divf %add3A_211, %div3A_259 : vector<2000x16xf32>
    %div3A_261 = vector.broadcast %sqrt3A_256 : vector<2000x1xf32> to vector<2000x16xf32>
    %div3A_262 = arith.divf %add3A_212, %div3A_261 : vector<2000x16xf32>
    %broadcast_in_dim3A_263 = arith.constant 0.000000e+00 : f32
    %broadcast_in_dim3A_264 = vector.broadcast %broadcast_in_dim3A_263 : f32 to vector<2000x80xf32>
    %concatenate3A = tpu.concatenate %add3A_241, %div3A_258, %div3A_260, %div3A_262, %broadcast_in_dim3A_264 in 1 : vector<2000x128xf32>, vector<2000x16xf32>, vector<2000x16xf32>, vector<2000x16xf32>, vector<2000x80xf32> -> vector<2000x256xf32>
    %swap3A = arith.constant 0 : index
    %swap3A_265 = arith.constant 0 : index
    %swap3A_266 = vector.load %arg18[%swap3A, %swap3A_265] : memref<2000x256xf32, #tpu.memory_space<vmem>>, vector<2000x256xf32>
    tpu.vector_store %arg18[%swap3A, %swap3A_265], %concatenate3A {strides = array<i32>} : memref<2000x256xf32, #tpu.memory_space<vmem>>, vector<2000x256xf32>,
    return
  }
  func.func @transform_0(%arg0: i32) -> (i32, i32) {
    %c0_i32 = arith.constant 0 : i32
    %c0_i32_0 = arith.constant 0 : i32
    return %arg0, %c0_i32 : i32, i32
  }
  func.func @transform_1(%arg0: i32) -> (i32, i32, i32) {
    %c0_i32 = arith.constant 0 : i32
    %c0_i32_0 = arith.constant 0 : i32
    %c0_i32_1 = arith.constant 0 : i32
    return %c0_i32, %arg0, %c0_i32_0 : i32, i32, i32
  }
  func.func @transform_2(%arg0: i32) -> (i32, i32, i32) {
    %c0_i32 = arith.constant 0 : i32
    %c0_i32_0 = arith.constant 0 : i32
    %c0_i32_1 = arith.constant 0 : i32
    return %c0_i32, %arg0, %c0_i32_0 : i32, i32, i32
  }
  func.func @transform_3(%arg0: i32) -> (i32, i32) {
    %c0_i32 = arith.constant 0 : i32
    %c0_i32_0 = arith.constant 0 : i32
    %c0_i32_1 = arith.constant 0 : i32
    return %c0_i32, %c0_i32_0 : i32, i32
  }
  func.func @transform_4(%arg0: i32) -> (i32, i32) {
    %c0_i32 = arith.constant 0 : i32
    %c0_i32_0 = arith.constant 0 : i32
    %c0_i32_1 = arith.constant 0 : i32
    return %c0_i32, %c0_i32_0 : i32, i32
  }
  func.func @transform_5(%arg0: i32) -> (i32, i32) {
    %c0_i32 = arith.constant 0 : i32
    %c0_i32_0 = arith.constant 0 : i32
    %c0_i32_1 = arith.constant 0 : i32
    return %c0_i32, %c0_i32_0 : i32, i32
  }
  func.func @transform_6(%arg0: i32) -> (i32, i32) {
    %c0_i32 = arith.constant 0 : i32
    %c0_i32_0 = arith.constant 0 : i32
    %c0_i32_1 = arith.constant 0 : i32
    return %c0_i32, %c0_i32_0 : i32, i32
  }
  func.func @transform_7(%arg0: i32) -> (i32, i32) {
    %c0_i32 = arith.constant 0 : i32
    %c0_i32_0 = arith.constant 0 : i32
    %c0_i32_1 = arith.constant 0 : i32
    return %c0_i32, %c0_i32_0 : i32, i32
  }
  func.func @transform_8(%arg0: i32) -> (i32, i32) {
    %c0_i32 = arith.constant 0 : i32
    %c0_i32_0 = arith.constant 0 : i32
    %c0_i32_1 = arith.constant 0 : i32
    return %c0_i32, %c0_i32_0 : i32, i32
  }
  func.func @transform_9(%arg0: i32) -> (i32, i32) {
    %c0_i32 = arith.constant 0 : i32
    %c0_i32_0 = arith.constant 0 : i32
    %c0_i32_1 = arith.constant 0 : i32
    return %c0_i32, %c0_i32_0 : i32, i32
  }
  func.func @transform_10(%arg0: i32) -> (i32, i32) {
    %c0_i32 = arith.constant 0 : i32
    %c0_i32_0 = arith.constant 0 : i32
    %c0_i32_1 = arith.constant 0 : i32
    return %c0_i32, %c0_i32_0 : i32, i32
  }
  func.func @transform_11(%arg0: i32) -> (i32, i32) {
    %c0_i32 = arith.constant 0 : i32
    %c0_i32_0 = arith.constant 0 : i32
    %c0_i32_1 = arith.constant 0 : i32
    return %c0_i32, %c0_i32_0 : i32, i32
  }
  func.func @transform_12(%arg0: i32) -> (i32, i32) {
    %c0_i32 = arith.constant 0 : i32
    %c0_i32_0 = arith.constant 0 : i32
    %c0_i32_1 = arith.constant 0 : i32
    return %c0_i32, %c0_i32_0 : i32, i32
  }
  func.func @transform_13(%arg0: i32) -> (i32, i32) {
    %c0_i32 = arith.constant 0 : i32
    %c0_i32_0 = arith.constant 0 : i32
    %c0_i32_1 = arith.constant 0 : i32
    return %c0_i32, %c0_i32_0 : i32, i32
  }
  func.func @transform_14(%arg0: i32) -> (i32, i32) {
    %c0_i32 = arith.constant 0 : i32
    %c0_i32_0 = arith.constant 0 : i32
    %c0_i32_1 = arith.constant 0 : i32
    return %c0_i32, %c0_i32_0 : i32, i32
  }
  func.func @transform_15(%arg0: i32) -> (i32, i32) {
    %c0_i32 = arith.constant 0 : i32
    %c0_i32_0 = arith.constant 0 : i32
    %c0_i32_1 = arith.constant 0 : i32
    return %c0_i32, %c0_i32_0 : i32, i32
  }
  func.func @transform_16(%arg0: i32) -> (i32, i32) {
    %c0_i32 = arith.constant 0 : i32
    %c0_i32_0 = arith.constant 0 : i32
    %c0_i32_1 = arith.constant 0 : i32
    return %c0_i32, %c0_i32_0 : i32, i32
  }
  func.func @transform_17(%arg0: i32) -> (i32, i32) {
    %c0_i32 = arith.constant 0 : i32
    %c0_i32_0 = arith.constant 0 : i32
    return %arg0, %c0_i32 : i32, i32
  }
}

module attributes {stable_mosaic.version = 14 : i64} {
  func.func @body(%arg0: i32, %arg1: memref<2000x256xf32, #tpu.memory_space<vmem>>, %arg2: memref<2x2000x128xf32, #tpu.memory_space<vmem>>, %arg3: memref<2x2000x128xf32, #tpu.memory_space<vmem>>, %arg4: memref<1x128xf32, #tpu.memory_space<vmem>>, %arg5: memref<1x128xf32, #tpu.memory_space<vmem>>, %arg6: memref<16x32xf32, #tpu.memory_space<vmem>>, %arg7: memref<128x512xf32, #tpu.memory_space<vmem>>, %arg8: memref<32x512xf32, #tpu.memory_space<vmem>>, %arg9: memref<1x512xf32, #tpu.memory_space<vmem>>, %arg10: memref<32x32xf32, #tpu.memory_space<vmem>>, %arg11: memref<32x32xf32, #tpu.memory_space<vmem>>, %arg12: memref<512x128xf32, #tpu.memory_space<vmem>>, %arg13: memref<32x128xf32, #tpu.memory_space<vmem>>, %arg14: memref<1x128xf32, #tpu.memory_space<vmem>>, %arg15: memref<32x16xf32, #tpu.memory_space<vmem>>, %arg16: memref<1x128xf32, #tpu.memory_space<vmem>>, %arg17: memref<1x128xf32, #tpu.memory_space<vmem>>, %arg18: memref<1x128xf32, #tpu.memory_space<vmem>>, %arg19: memref<1x128xf32, #tpu.memory_space<vmem>>, %arg20: memref<2000x256xf32, #tpu.memory_space<vmem>>) attributes {dimension_semantics = [#tpu.dimension_semantics<arbitrary>], iteration_bounds = array<i64: 5>, scalar_prefetch = 0 : i64, scratch_operands = 0 : i64, tpu.core_type = #tpu.core_type<tc>, window_params = [{transform_indices = @transform_0, window_bounds = array<i64: 2000, 256>}, {transform_indices = @transform_1, window_bounds = array<i64: 2, 2000, 128>}, {transform_indices = @transform_2, window_bounds = array<i64: 2, 2000, 128>}, {pipeline_mode = #tpu.pipeline_mode<synchronous>, transform_indices = @transform_3, window_bounds = array<i64: 1, 128>}, {pipeline_mode = #tpu.pipeline_mode<synchronous>, transform_indices = @transform_4, window_bounds = array<i64: 1, 128>}, {pipeline_mode = #tpu.pipeline_mode<synchronous>, transform_indices = @transform_5, window_bounds = array<i64: 16, 32>}, {pipeline_mode = #tpu.pipeline_mode<synchronous>, transform_indices = @transform_6, window_bounds = array<i64: 128, 512>}, {pipeline_mode = #tpu.pipeline_mode<synchronous>, transform_indices = @transform_7, window_bounds = array<i64: 32, 512>}, {pipeline_mode = #tpu.pipeline_mode<synchronous>, transform_indices = @transform_8, window_bounds = array<i64: 1, 512>}, {pipeline_mode = #tpu.pipeline_mode<synchronous>, transform_indices = @transform_9, window_bounds = array<i64: 32, 32>}, {pipeline_mode = #tpu.pipeline_mode<synchronous>, transform_indices = @transform_10, window_bounds = array<i64: 32, 32>}, {pipeline_mode = #tpu.pipeline_mode<synchronous>, transform_indices = @transform_11, window_bounds = array<i64: 512, 128>}, {pipeline_mode = #tpu.pipeline_mode<synchronous>, transform_indices = @transform_12, window_bounds = array<i64: 32, 128>}, {pipeline_mode = #tpu.pipeline_mode<synchronous>, transform_indices = @transform_13, window_bounds = array<i64: 1, 128>}, {pipeline_mode = #tpu.pipeline_mode<synchronous>, transform_indices = @transform_14, window_bounds = array<i64: 32, 16>}, {pipeline_mode = #tpu.pipeline_mode<synchronous>, transform_indices = @transform_15, window_bounds = array<i64: 1, 128>}, {pipeline_mode = #tpu.pipeline_mode<synchronous>, transform_indices = @transform_16, window_bounds = array<i64: 1, 128>}, {pipeline_mode = #tpu.pipeline_mode<synchronous>, transform_indices = @transform_17, window_bounds = array<i64: 1, 128>}, {pipeline_mode = #tpu.pipeline_mode<synchronous>, transform_indices = @transform_18, window_bounds = array<i64: 1, 128>}, {transform_indices = @transform_19, window_bounds = array<i64: 2000, 256>}]} {
    %get3A = arith.constant 0 : index
    %get3A_0 = arith.constant 0 : index
    %get3A_1 = vector.load %arg4[%get3A, %get3A_0] : memref<1x128xf32, #tpu.memory_space<vmem>>, vector<1x128xf32>
    %get3A_2 = arith.constant 0 : index
    %get3A_3 = arith.constant 0 : index
    %get3A_4 = vector.load %arg5[%get3A_2, %get3A_3] : memref<1x128xf32, #tpu.memory_space<vmem>>, vector<1x128xf32>
    %get3A_5 = arith.constant 0 : index
    %get3A_6 = arith.constant 0 : index
    %get3A_7 = vector.load %arg6[%get3A_5, %get3A_6] : memref<16x32xf32, #tpu.memory_space<vmem>>, vector<16x32xf32>
    %get3A_8 = arith.constant 0 : index
    %get3A_9 = arith.constant 0 : index
    %get3A_10 = vector.load %arg7[%get3A_8, %get3A_9] : memref<128x512xf32, #tpu.memory_space<vmem>>, vector<128x512xf32>
    %get3A_11 = arith.constant 0 : index
    %get3A_12 = arith.constant 0 : index
    %get3A_13 = vector.load %arg8[%get3A_11, %get3A_12] : memref<32x512xf32, #tpu.memory_space<vmem>>, vector<32x512xf32>
    %get3A_14 = arith.constant 0 : index
    %get3A_15 = arith.constant 0 : index
    %get3A_16 = vector.load %arg9[%get3A_14, %get3A_15] : memref<1x512xf32, #tpu.memory_space<vmem>>, vector<1x512xf32>
    %get3A_17 = arith.constant 0 : index
    %get3A_18 = arith.constant 0 : index
    %get3A_19 = vector.load %arg10[%get3A_17, %get3A_18] : memref<32x32xf32, #tpu.memory_space<vmem>>, vector<32x32xf32>
    %get3A_20 = arith.constant 0 : index
    %get3A_21 = arith.constant 0 : index
    %get3A_22 = vector.load %arg11[%get3A_20, %get3A_21] : memref<32x32xf32, #tpu.memory_space<vmem>>, vector<32x32xf32>
    %get3A_23 = arith.constant 0 : index
    %get3A_24 = arith.constant 0 : index
    %get3A_25 = vector.load %arg12[%get3A_23, %get3A_24] : memref<512x128xf32, #tpu.memory_space<vmem>>, vector<512x128xf32>
    %get3A_26 = arith.constant 0 : index
    %get3A_27 = arith.constant 0 : index
    %get3A_28 = vector.load %arg13[%get3A_26, %get3A_27] : memref<32x128xf32, #tpu.memory_space<vmem>>, vector<32x128xf32>
    %get3A_29 = arith.constant 0 : index
    %get3A_30 = arith.constant 0 : index
    %get3A_31 = vector.load %arg14[%get3A_29, %get3A_30] : memref<1x128xf32, #tpu.memory_space<vmem>>, vector<1x128xf32>
    %get3A_32 = arith.constant 0 : index
    %get3A_33 = arith.constant 0 : index
    %get3A_34 = vector.load %arg15[%get3A_32, %get3A_33] : memref<32x16xf32, #tpu.memory_space<vmem>>, vector<32x16xf32>
    %get3A_35 = arith.constant 0 : index
    %get3A_36 = arith.constant 0 : index
    %get3A_37 = vector.load %arg16[%get3A_35, %get3A_36] : memref<1x128xf32, #tpu.memory_space<vmem>>, vector<1x128xf32>
    %get3A_38 = arith.constant 0 : index
    %get3A_39 = arith.constant 0 : index
    %get3A_40 = vector.load %arg17[%get3A_38, %get3A_39] : memref<1x128xf32, #tpu.memory_space<vmem>>, vector<1x128xf32>
    %get3A_41 = arith.constant 0 : index
    %get3A_42 = arith.constant 0 : index
    %get3A_43 = vector.load %arg18[%get3A_41, %get3A_42] : memref<1x128xf32, #tpu.memory_space<vmem>>, vector<1x128xf32>
    %get3A_44 = arith.constant 0 : index
    %get3A_45 = arith.constant 0 : index
    %get3A_46 = vector.load %arg19[%get3A_44, %get3A_45] : memref<1x128xf32, #tpu.memory_space<vmem>>, vector<1x128xf32>
    %get3A_47 = arith.constant 0 : index
    %get3A_48 = arith.constant 0 : index
    %get3A_49 = vector.load %arg1[%get3A_47, %get3A_48] : memref<2000x256xf32, #tpu.memory_space<vmem>>, vector<2000x128xf32>
    %get3A_50 = arith.constant 0 : index
    %get3A_51 = arith.constant 128 : index
    %get3A_52 = vector.load %arg1[%get3A_50, %get3A_51] : memref<2000x256xf32, #tpu.memory_space<vmem>>, vector<2000x16xf32>
    %get3A_53 = arith.constant 0 : index
    %get3A_54 = arith.constant 144 : index
    %get3A_55 = vector.load %arg1[%get3A_53, %get3A_54] : memref<2000x256xf32, #tpu.memory_space<vmem>>, vector<2000x16xf32>
    %get3A_56 = arith.constant 0 : index
    %get3A_57 = arith.constant 160 : index
    %get3A_58 = vector.load %arg1[%get3A_56, %get3A_57] : memref<2000x256xf32, #tpu.memory_space<vmem>>, vector<2000x16xf32>
    %get3A_59 = arith.constant 0 : index
    %get3A_60 = arith.constant 0 : index
    %get3A_61 = arith.constant 0 : index
    %get3A_62 = vector.load %arg2[%get3A_59, %get3A_60, %get3A_61] : memref<2x2000x128xf32, #tpu.memory_space<vmem>>, vector<1x2000x128xf32>
    %get3A_63 = vector.shape_cast %get3A_62 : vector<1x2000x128xf32> to vector<2000x128xf32>
    %get3A_64 = arith.constant 1 : index
    %get3A_65 = arith.constant 0 : index
    %get3A_66 = arith.constant 0 : index
    %get3A_67 = vector.load %arg2[%get3A_64, %get3A_65, %get3A_66] : memref<2x2000x128xf32, #tpu.memory_space<vmem>>, vector<1x2000x128xf32>
    %get3A_68 = vector.shape_cast %get3A_67 : vector<1x2000x128xf32> to vector<2000x128xf32>
    %add3A = arith.addf %get3A_63, %get3A_68 : vector<2000x128xf32>
    %get3A_69 = arith.constant 0 : index
    %get3A_70 = arith.constant 0 : index
    %get3A_71 = arith.constant 0 : index
    %get3A_72 = vector.load %arg3[%get3A_69, %get3A_70, %get3A_71] : memref<2x2000x128xf32, #tpu.memory_space<vmem>>, vector<1x2000x128xf32>
    %get3A_73 = vector.shape_cast %get3A_72 : vector<1x2000x128xf32> to vector<2000x128xf32>
    %get3A_74 = arith.constant 1 : index
    %get3A_75 = arith.constant 0 : index
    %get3A_76 = arith.constant 0 : index
    %get3A_77 = vector.load %arg3[%get3A_74, %get3A_75, %get3A_76] : memref<2x2000x128xf32, #tpu.memory_space<vmem>>, vector<1x2000x128xf32>
    %get3A_78 = vector.shape_cast %get3A_77 : vector<1x2000x128xf32> to vector<2000x128xf32>
    %add3A_79 = arith.addf %get3A_73, %get3A_78 : vector<2000x128xf32>
    %slice3A = vector.extract_strided_slice %add3A_79 {offsets = [0, 48], sizes = [2000, 1], strides = [1, 1]} : vector<2000x128xf32> to vector<2000x1xf32>
    %max3A = arith.constant 1.000000e+00 : f32
    %max3A_80 = vector.broadcast %max3A : f32 to vector<2000x1xf32>
    %max3A_81 = arith.maximumf %slice3A, %max3A_80 : vector<2000x1xf32>
    %div3A = vector.broadcast %max3A_81 : vector<2000x1xf32> to vector<2000x128xf32>
    %div3A_82 = arith.divf %add3A, %div3A : vector<2000x128xf32>
    %add3A_83 = arith.addf %get3A_49, %div3A_82 : vector<2000x128xf32>
    %slice3A_84 = vector.extract_strided_slice %add3A_79 {offsets = [0, 0], sizes = [2000, 16], strides = [1, 1]} : vector<2000x128xf32> to vector<2000x16xf32>
    %div3A_85 = vector.broadcast %max3A_81 : vector<2000x1xf32> to vector<2000x16xf32>
    %div3A_86 = arith.divf %slice3A_84, %div3A_85 : vector<2000x16xf32>
    %add3A_87 = arith.addf %get3A_52, %div3A_86 : vector<2000x16xf32>
    %slice3A_88 = vector.extract_strided_slice %add3A_79 {offsets = [0, 16], sizes = [2000, 16], strides = [1, 1]} : vector<2000x128xf32> to vector<2000x16xf32>
    %div3A_89 = vector.broadcast %max3A_81 : vector<2000x1xf32> to vector<2000x16xf32>
    %div3A_90 = arith.divf %slice3A_88, %div3A_89 : vector<2000x16xf32>
    %add3A_91 = arith.addf %get3A_55, %div3A_90 : vector<2000x16xf32>
    %slice3A_92 = vector.extract_strided_slice %add3A_79 {offsets = [0, 32], sizes = [2000, 16], strides = [1, 1]} : vector<2000x128xf32> to vector<2000x16xf32>
    %div3A_93 = vector.broadcast %max3A_81 : vector<2000x1xf32> to vector<2000x16xf32>
    %div3A_94 = arith.divf %slice3A_92, %div3A_93 : vector<2000x16xf32>
    %add3A_95 = arith.addf %get3A_58, %div3A_94 : vector<2000x16xf32>
    %reduce_sum3A = arith.constant dense<0.000000e+00> : vector<2000xf32>
    %reduce_sum3A_96 = vector.multi_reduction <add>, %add3A_83, %reduce_sum3A [1] : vector<2000x128xf32> to vector<2000xf32>
    %broadcast_in_dim3A = vector.shape_cast %reduce_sum3A_96 : vector<2000xf32> to vector<2000x1xf32>
    %div3A_97 = arith.constant 1.280000e+02 : f32
    %div3A_98 = vector.broadcast %div3A_97 : f32 to vector<2000x1xf32>
    %div3A_99 = arith.divf %broadcast_in_dim3A, %div3A_98 : vector<2000x1xf32>
    %sub3A = vector.broadcast %div3A_99 : vector<2000x1xf32> to vector<2000x128xf32>
    %sub3A_100 = arith.subf %add3A_83, %sub3A : vector<2000x128xf32>
    %sub3A_101 = vector.broadcast %div3A_99 : vector<2000x1xf32> to vector<2000x128xf32>
    %sub3A_102 = arith.subf %add3A_83, %sub3A_101 : vector<2000x128xf32>
    %mul3A = arith.mulf %sub3A_100, %sub3A_102 : vector<2000x128xf32>
    %reduce_sum3A_103 = arith.constant dense<0.000000e+00> : vector<2000xf32>
    %reduce_sum3A_104 = vector.multi_reduction <add>, %mul3A, %reduce_sum3A_103 [1] : vector<2000x128xf32> to vector<2000xf32>
    %broadcast_in_dim3A_105 = vector.shape_cast %reduce_sum3A_104 : vector<2000xf32> to vector<2000x1xf32>
    %div3A_106 = arith.constant 1.280000e+02 : f32
    %div3A_107 = vector.broadcast %div3A_106 : f32 to vector<2000x1xf32>
    %div3A_108 = arith.divf %broadcast_in_dim3A_105, %div3A_107 : vector<2000x1xf32>
    %sub3A_109 = vector.broadcast %div3A_99 : vector<2000x1xf32> to vector<2000x128xf32>
    %sub3A_110 = arith.subf %add3A_83, %sub3A_109 : vector<2000x128xf32>
    %add3A_111 = arith.constant 9.99999974E-6 : f32
    %add3A_112 = vector.broadcast %add3A_111 : f32 to vector<2000x1xf32>
    %add3A_113 = arith.addf %div3A_108, %add3A_112 : vector<2000x1xf32>
    %sqrt3A = math.sqrt %add3A_113 : vector<2000x1xf32>
    %div3A_114 = vector.broadcast %sqrt3A : vector<2000x1xf32> to vector<2000x128xf32>
    %div3A_115 = arith.divf %sub3A_110, %div3A_114 : vector<2000x128xf32>
    %mul3A_116 = vector.broadcast %get3A_1 : vector<1x128xf32> to vector<2000x128xf32>
    %mul3A_117 = arith.mulf %div3A_115, %mul3A_116 : vector<2000x128xf32>
    %add3A_118 = vector.broadcast %get3A_4 : vector<1x128xf32> to vector<2000x128xf32>
    %add3A_119 = arith.addf %mul3A_117, %add3A_118 : vector<2000x128xf32>
    %mul3A_120 = arith.mulf %add3A_87, %add3A_87 : vector<2000x16xf32>
    %mul3A_121 = arith.mulf %add3A_91, %add3A_91 : vector<2000x16xf32>
    %add3A_122 = arith.addf %mul3A_120, %mul3A_121 : vector<2000x16xf32>
    %mul3A_123 = arith.mulf %add3A_95, %add3A_95 : vector<2000x16xf32>
    %add3A_124 = arith.addf %add3A_122, %mul3A_123 : vector<2000x16xf32>
    %jit3A = arith.constant 9.99999993E-9 : f32
    %max3A_125 = vector.broadcast %jit3A : f32 to vector<2000x16xf32>
    %max3A_126 = arith.maximumf %max3A_125, %add3A_124 : vector<2000x16xf32>
    %reduce_sum3A_127 = arith.constant dense<0.000000e+00> : vector<2000xf32>
    %reduce_sum3A_128 = vector.multi_reduction <add>, %max3A_126, %reduce_sum3A_127 [1] : vector<2000x16xf32> to vector<2000xf32>
    %broadcast_in_dim3A_129 = vector.shape_cast %reduce_sum3A_128 : vector<2000xf32> to vector<2000x1xf32>
    %div3A_130 = arith.constant 1.600000e+01 : f32
    %div3A_131 = vector.broadcast %div3A_130 : f32 to vector<2000x1xf32>
    %div3A_132 = arith.divf %broadcast_in_dim3A_129, %div3A_131 : vector<2000x1xf32>
    %sqrt3A_133 = math.sqrt %div3A_132 : vector<2000x1xf32>
    %div3A_134 = vector.broadcast %sqrt3A_133 : vector<2000x1xf32> to vector<2000x16xf32>
    %div3A_135 = arith.divf %add3A_87, %div3A_134 : vector<2000x16xf32>
    %div3A_136 = vector.broadcast %sqrt3A_133 : vector<2000x1xf32> to vector<2000x16xf32>
    %div3A_137 = arith.divf %add3A_91, %div3A_136 : vector<2000x16xf32>
    %div3A_138 = vector.broadcast %sqrt3A_133 : vector<2000x1xf32> to vector<2000x16xf32>
    %div3A_139 = arith.divf %add3A_95, %div3A_138 : vector<2000x16xf32>
    %dot_general3A = arith.constant dense<0.000000e+00> : vector<2000x32xf32>
    %dot_general3A_140 = tpu.matmul %div3A_135, %get3A_7, %dot_general3A {dimension_numbers = #tpu.dot_dimension_numbers<[1], [0], [0], [1], [0, 0, 1, 1], [], []>, transpose_lhs_hint = false} : vector<2000x16xf32>, vector<16x32xf32>, vector<2000x32xf32> -> vector<2000x32xf32>
    %dot_general3A_141 = arith.constant dense<0.000000e+00> : vector<2000x32xf32>
    %dot_general3A_142 = tpu.matmul %div3A_137, %get3A_7, %dot_general3A_141 {dimension_numbers = #tpu.dot_dimension_numbers<[1], [0], [0], [1], [0, 0, 1, 1], [], []>, transpose_lhs_hint = false} : vector<2000x16xf32>, vector<16x32xf32>, vector<2000x32xf32> -> vector<2000x32xf32>
    %dot_general3A_143 = arith.constant dense<0.000000e+00> : vector<2000x32xf32>
    %dot_general3A_144 = tpu.matmul %div3A_139, %get3A_7, %dot_general3A_143 {dimension_numbers = #tpu.dot_dimension_numbers<[1], [0], [0], [1], [0, 0, 1, 1], [], []>, transpose_lhs_hint = false} : vector<2000x16xf32>, vector<16x32xf32>, vector<2000x32xf32> -> vector<2000x32xf32>
    %mul3A_145 = arith.mulf %dot_general3A_140, %dot_general3A_140 : vector<2000x32xf32>
    %mul3A_146 = arith.mulf %dot_general3A_142, %dot_general3A_142 : vector<2000x32xf32>
    %add3A_147 = arith.addf %mul3A_145, %mul3A_146 : vector<2000x32xf32>
    %mul3A_148 = arith.mulf %dot_general3A_144, %dot_general3A_144 : vector<2000x32xf32>
    %add3A_149 = arith.addf %add3A_147, %mul3A_148 : vector<2000x32xf32>
    %jit3A_150 = arith.constant 9.99999993E-9 : f32
    %max3A_151 = vector.broadcast %jit3A_150 : f32 to vector<2000x32xf32>
    %max3A_152 = arith.maximumf %max3A_151, %add3A_149 : vector<2000x32xf32>
    %sqrt3A_153 = math.sqrt %max3A_152 : vector<2000x32xf32>
    %dot_general3A_154 = arith.constant dense<0.000000e+00> : vector<2000x512xf32>
    %dot_general3A_155 = tpu.matmul %add3A_119, %get3A_10, %dot_general3A_154 {dimension_numbers = #tpu.dot_dimension_numbers<[1], [0], [0], [1], [0, 0, 1, 1], [], []>, transpose_lhs_hint = false} : vector<2000x128xf32>, vector<128x512xf32>, vector<2000x512xf32> -> vector<2000x512xf32>
    %dot_general3A_156 = arith.constant dense<0.000000e+00> : vector<2000x512xf32>
    %dot_general3A_157 = tpu.matmul %sqrt3A_153, %get3A_13, %dot_general3A_156 {dimension_numbers = #tpu.dot_dimension_numbers<[1], [0], [0], [1], [0, 0, 1, 1], [], []>, transpose_lhs_hint = false} : vector<2000x32xf32>, vector<32x512xf32>, vector<2000x512xf32> -> vector<2000x512xf32>
    %add3A_158 = arith.addf %dot_general3A_155, %dot_general3A_157 : vector<2000x512xf32>
    %add3A_159 = vector.broadcast %get3A_16 : vector<1x512xf32> to vector<2000x512xf32>
    %add3A_160 = arith.addf %add3A_158, %add3A_159 : vector<2000x512xf32>
    %max3A_161 = arith.constant 0.000000e+00 : f32
    %max3A_162 = vector.broadcast %max3A_161 : f32 to vector<2000x512xf32>
    %max3A_163 = arith.maximumf %add3A_160, %max3A_162 : vector<2000x512xf32>
    %dot_general3A_164 = arith.constant dense<0.000000e+00> : vector<2000x32xf32>
    %dot_general3A_165 = tpu.matmul %dot_general3A_140, %get3A_19, %dot_general3A_164 {dimension_numbers = #tpu.dot_dimension_numbers<[1], [0], [0], [1], [0, 0, 1, 1], [], []>, transpose_lhs_hint = false} : vector<2000x32xf32>, vector<32x32xf32>, vector<2000x32xf32> -> vector<2000x32xf32>
    %dot_general3A_166 = arith.constant dense<0.000000e+00> : vector<2000x32xf32>
    %dot_general3A_167 = tpu.matmul %dot_general3A_142, %get3A_19, %dot_general3A_166 {dimension_numbers = #tpu.dot_dimension_numbers<[1], [0], [0], [1], [0, 0, 1, 1], [], []>, transpose_lhs_hint = false} : vector<2000x32xf32>, vector<32x32xf32>, vector<2000x32xf32> -> vector<2000x32xf32>
    %dot_general3A_168 = arith.constant dense<0.000000e+00> : vector<2000x32xf32>
    %dot_general3A_169 = tpu.matmul %dot_general3A_144, %get3A_19, %dot_general3A_168 {dimension_numbers = #tpu.dot_dimension_numbers<[1], [0], [0], [1], [0, 0, 1, 1], [], []>, transpose_lhs_hint = false} : vector<2000x32xf32>, vector<32x32xf32>, vector<2000x32xf32> -> vector<2000x32xf32>
    %mul3A_170 = arith.mulf %dot_general3A_165, %dot_general3A_165 : vector<2000x32xf32>
    %mul3A_171 = arith.mulf %dot_general3A_167, %dot_general3A_167 : vector<2000x32xf32>
    %add3A_172 = arith.addf %mul3A_170, %mul3A_171 : vector<2000x32xf32>
    %mul3A_173 = arith.mulf %dot_general3A_169, %dot_general3A_169 : vector<2000x32xf32>
    %add3A_174 = arith.addf %add3A_172, %mul3A_173 : vector<2000x32xf32>
    %jit3A_175 = arith.constant 9.99999993E-9 : f32
    %max3A_176 = vector.broadcast %jit3A_175 : f32 to vector<2000x32xf32>
    %max3A_177 = arith.maximumf %max3A_176, %add3A_174 : vector<2000x32xf32>
    %sqrt3A_178 = math.sqrt %max3A_177 : vector<2000x32xf32>
    %logistic3A = arith.negf %sqrt3A_178 : vector<2000x32xf32>
    %logistic3A_179 = math.exp %logistic3A : vector<2000x32xf32>
    %logistic3A_180 = arith.constant 1.000000e+00 : f32
    %logistic3A_181 = vector.broadcast %logistic3A_180 : f32 to vector<2000x32xf32>
    %logistic3A_182 = arith.addf %logistic3A_181, %logistic3A_179 : vector<2000x32xf32>
    %logistic3A_183 = arith.divf %logistic3A_181, %logistic3A_182 : vector<2000x32xf32>
    %mul3A_184 = arith.mulf %dot_general3A_165, %logistic3A_183 : vector<2000x32xf32>
    %mul3A_185 = arith.mulf %dot_general3A_167, %logistic3A_183 : vector<2000x32xf32>
    %mul3A_186 = arith.mulf %dot_general3A_169, %logistic3A_183 : vector<2000x32xf32>
    %dot_general3A_187 = arith.constant dense<0.000000e+00> : vector<2000x32xf32>
    %dot_general3A_188 = tpu.matmul %mul3A_184, %get3A_22, %dot_general3A_187 {dimension_numbers = #tpu.dot_dimension_numbers<[1], [0], [0], [1], [0, 0, 1, 1], [], []>, transpose_lhs_hint = false} : vector<2000x32xf32>, vector<32x32xf32>, vector<2000x32xf32> -> vector<2000x32xf32>
    %dot_general3A_189 = arith.constant dense<0.000000e+00> : vector<2000x32xf32>
    %dot_general3A_190 = tpu.matmul %mul3A_185, %get3A_22, %dot_general3A_189 {dimension_numbers = #tpu.dot_dimension_numbers<[1], [0], [0], [1], [0, 0, 1, 1], [], []>, transpose_lhs_hint = false} : vector<2000x32xf32>, vector<32x32xf32>, vector<2000x32xf32> -> vector<2000x32xf32>
    %dot_general3A_191 = arith.constant dense<0.000000e+00> : vector<2000x32xf32>
    %dot_general3A_192 = tpu.matmul %mul3A_186, %get3A_22, %dot_general3A_191 {dimension_numbers = #tpu.dot_dimension_numbers<[1], [0], [0], [1], [0, 0, 1, 1], [], []>, transpose_lhs_hint = false} : vector<2000x32xf32>, vector<32x32xf32>, vector<2000x32xf32> -> vector<2000x32xf32>
    %mul3A_193 = arith.mulf %dot_general3A_188, %dot_general3A_188 : vector<2000x32xf32>
    %mul3A_194 = arith.mulf %dot_general3A_190, %dot_general3A_190 : vector<2000x32xf32>
    %add3A_195 = arith.addf %mul3A_193, %mul3A_194 : vector<2000x32xf32>
    %mul3A_196 = arith.mulf %dot_general3A_192, %dot_general3A_192 : vector<2000x32xf32>
    %add3A_197 = arith.addf %add3A_195, %mul3A_196 : vector<2000x32xf32>
    %jit3A_198 = arith.constant 9.99999993E-9 : f32
    %max3A_199 = vector.broadcast %jit3A_198 : f32 to vector<2000x32xf32>
    %max3A_200 = arith.maximumf %max3A_199, %add3A_197 : vector<2000x32xf32>
    %sqrt3A_201 = math.sqrt %max3A_200 : vector<2000x32xf32>
    %dot_general3A_202 = arith.constant dense<0.000000e+00> : vector<2000x128xf32>
    %dot_general3A_203 = tpu.matmul %max3A_163, %get3A_25, %dot_general3A_202 {dimension_numbers = #tpu.dot_dimension_numbers<[1], [0], [0], [1], [0, 0, 1, 1], [], []>, transpose_lhs_hint = false} : vector<2000x512xf32>, vector<512x128xf32>, vector<2000x128xf32> -> vector<2000x128xf32>
    %dot_general3A_204 = arith.constant dense<0.000000e+00> : vector<2000x128xf32>
    %dot_general3A_205 = tpu.matmul %sqrt3A_201, %get3A_28, %dot_general3A_204 {dimension_numbers = #tpu.dot_dimension_numbers<[1], [0], [0], [1], [0, 0, 1, 1], [], []>, transpose_lhs_hint = false} : vector<2000x32xf32>, vector<32x128xf32>, vector<2000x128xf32> -> vector<2000x128xf32>
    %add3A_206 = arith.addf %dot_general3A_203, %dot_general3A_205 : vector<2000x128xf32>
    %add3A_207 = vector.broadcast %get3A_31 : vector<1x128xf32> to vector<2000x128xf32>
    %add3A_208 = arith.addf %add3A_206, %add3A_207 : vector<2000x128xf32>
    %dot_general3A_209 = arith.constant dense<0.000000e+00> : vector<2000x16xf32>
    %dot_general3A_210 = tpu.matmul %dot_general3A_188, %get3A_34, %dot_general3A_209 {dimension_numbers = #tpu.dot_dimension_numbers<[1], [0], [0], [1], [0, 0, 1, 1], [], []>, transpose_lhs_hint = false} : vector<2000x32xf32>, vector<32x16xf32>, vector<2000x16xf32> -> vector<2000x16xf32>
    %dot_general3A_211 = arith.constant dense<0.000000e+00> : vector<2000x16xf32>
    %dot_general3A_212 = tpu.matmul %dot_general3A_190, %get3A_34, %dot_general3A_211 {dimension_numbers = #tpu.dot_dimension_numbers<[1], [0], [0], [1], [0, 0, 1, 1], [], []>, transpose_lhs_hint = false} : vector<2000x32xf32>, vector<32x16xf32>, vector<2000x16xf32> -> vector<2000x16xf32>
    %dot_general3A_213 = arith.constant dense<0.000000e+00> : vector<2000x16xf32>
    %dot_general3A_214 = tpu.matmul %dot_general3A_192, %get3A_34, %dot_general3A_213 {dimension_numbers = #tpu.dot_dimension_numbers<[1], [0], [0], [1], [0, 0, 1, 1], [], []>, transpose_lhs_hint = false} : vector<2000x32xf32>, vector<32x16xf32>, vector<2000x16xf32> -> vector<2000x16xf32>
    %add3A_215 = arith.addf %add3A_119, %add3A_208 : vector<2000x128xf32>
    %add3A_216 = arith.addf %div3A_135, %dot_general3A_210 : vector<2000x16xf32>
    %add3A_217 = arith.addf %div3A_137, %dot_general3A_212 : vector<2000x16xf32>
    %add3A_218 = arith.addf %div3A_139, %dot_general3A_214 : vector<2000x16xf32>
    %reduce_sum3A_219 = arith.constant dense<0.000000e+00> : vector<2000xf32>
    %reduce_sum3A_220 = vector.multi_reduction <add>, %add3A_215, %reduce_sum3A_219 [1] : vector<2000x128xf32> to vector<2000xf32>
    %broadcast_in_dim3A_221 = vector.shape_cast %reduce_sum3A_220 : vector<2000xf32> to vector<2000x1xf32>
    %div3A_222 = arith.constant 1.280000e+02 : f32
    %div3A_223 = vector.broadcast %div3A_222 : f32 to vector<2000x1xf32>
    %div3A_224 = arith.divf %broadcast_in_dim3A_221, %div3A_223 : vector<2000x1xf32>
    %sub3A_225 = vector.broadcast %div3A_224 : vector<2000x1xf32> to vector<2000x128xf32>
    %sub3A_226 = arith.subf %add3A_215, %sub3A_225 : vector<2000x128xf32>
    %sub3A_227 = vector.broadcast %div3A_224 : vector<2000x1xf32> to vector<2000x128xf32>
    %sub3A_228 = arith.subf %add3A_215, %sub3A_227 : vector<2000x128xf32>
    %mul3A_229 = arith.mulf %sub3A_226, %sub3A_228 : vector<2000x128xf32>
    %reduce_sum3A_230 = arith.constant dense<0.000000e+00> : vector<2000xf32>
    %reduce_sum3A_231 = vector.multi_reduction <add>, %mul3A_229, %reduce_sum3A_230 [1] : vector<2000x128xf32> to vector<2000xf32>
    %broadcast_in_dim3A_232 = vector.shape_cast %reduce_sum3A_231 : vector<2000xf32> to vector<2000x1xf32>
    %div3A_233 = arith.constant 1.280000e+02 : f32
    %div3A_234 = vector.broadcast %div3A_233 : f32 to vector<2000x1xf32>
    %div3A_235 = arith.divf %broadcast_in_dim3A_232, %div3A_234 : vector<2000x1xf32>
    %sub3A_236 = vector.broadcast %div3A_224 : vector<2000x1xf32> to vector<2000x128xf32>
    %sub3A_237 = arith.subf %add3A_215, %sub3A_236 : vector<2000x128xf32>
    %add3A_238 = arith.constant 9.99999974E-6 : f32
    %add3A_239 = vector.broadcast %add3A_238 : f32 to vector<2000x1xf32>
    %add3A_240 = arith.addf %div3A_235, %add3A_239 : vector<2000x1xf32>
    %sqrt3A_241 = math.sqrt %add3A_240 : vector<2000x1xf32>
    %div3A_242 = vector.broadcast %sqrt3A_241 : vector<2000x1xf32> to vector<2000x128xf32>
    %div3A_243 = arith.divf %sub3A_237, %div3A_242 : vector<2000x128xf32>
    %mul3A_244 = vector.broadcast %get3A_37 : vector<1x128xf32> to vector<2000x128xf32>
    %mul3A_245 = arith.mulf %div3A_243, %mul3A_244 : vector<2000x128xf32>
    %add3A_246 = vector.broadcast %get3A_40 : vector<1x128xf32> to vector<2000x128xf32>
    %add3A_247 = arith.addf %mul3A_245, %add3A_246 : vector<2000x128xf32>
    %mul3A_248 = arith.mulf %add3A_216, %add3A_216 : vector<2000x16xf32>
    %mul3A_249 = arith.mulf %add3A_217, %add3A_217 : vector<2000x16xf32>
    %add3A_250 = arith.addf %mul3A_248, %mul3A_249 : vector<2000x16xf32>
    %mul3A_251 = arith.mulf %add3A_218, %add3A_218 : vector<2000x16xf32>
    %add3A_252 = arith.addf %add3A_250, %mul3A_251 : vector<2000x16xf32>
    %jit3A_253 = arith.constant 9.99999993E-9 : f32
    %max3A_254 = vector.broadcast %jit3A_253 : f32 to vector<2000x16xf32>
    %max3A_255 = arith.maximumf %max3A_254, %add3A_252 : vector<2000x16xf32>
    %reduce_sum3A_256 = arith.constant dense<0.000000e+00> : vector<2000xf32>
    %reduce_sum3A_257 = vector.multi_reduction <add>, %max3A_255, %reduce_sum3A_256 [1] : vector<2000x16xf32> to vector<2000xf32>
    %broadcast_in_dim3A_258 = vector.shape_cast %reduce_sum3A_257 : vector<2000xf32> to vector<2000x1xf32>
    %div3A_259 = arith.constant 1.600000e+01 : f32
    %div3A_260 = vector.broadcast %div3A_259 : f32 to vector<2000x1xf32>
    %div3A_261 = arith.divf %broadcast_in_dim3A_258, %div3A_260 : vector<2000x1xf32>
    %sqrt3A_262 = math.sqrt %div3A_261 : vector<2000x1xf32>
    %div3A_263 = vector.broadcast %sqrt3A_262 : vector<2000x1xf32> to vector<2000x16xf32>
    %div3A_264 = arith.divf %add3A_216, %div3A_263 : vector<2000x16xf32>
    %div3A_265 = vector.broadcast %sqrt3A_262 : vector<2000x1xf32> to vector<2000x16xf32>
    %div3A_266 = arith.divf %add3A_217, %div3A_265 : vector<2000x16xf32>
    %div3A_267 = vector.broadcast %sqrt3A_262 : vector<2000x1xf32> to vector<2000x16xf32>
    %div3A_268 = arith.divf %add3A_218, %div3A_267 : vector<2000x16xf32>
    %reduce_sum3A_269 = arith.constant dense<0.000000e+00> : vector<2000xf32>
    %reduce_sum3A_270 = vector.multi_reduction <add>, %add3A_247, %reduce_sum3A_269 [1] : vector<2000x128xf32> to vector<2000xf32>
    %broadcast_in_dim3A_271 = vector.shape_cast %reduce_sum3A_270 : vector<2000xf32> to vector<2000x1xf32>
    %div3A_272 = arith.constant 1.280000e+02 : f32
    %div3A_273 = vector.broadcast %div3A_272 : f32 to vector<2000x1xf32>
    %div3A_274 = arith.divf %broadcast_in_dim3A_271, %div3A_273 : vector<2000x1xf32>
    %sub3A_275 = vector.broadcast %div3A_274 : vector<2000x1xf32> to vector<2000x128xf32>
    %sub3A_276 = arith.subf %add3A_247, %sub3A_275 : vector<2000x128xf32>
    %sub3A_277 = vector.broadcast %div3A_274 : vector<2000x1xf32> to vector<2000x128xf32>
    %sub3A_278 = arith.subf %add3A_247, %sub3A_277 : vector<2000x128xf32>
    %mul3A_279 = arith.mulf %sub3A_276, %sub3A_278 : vector<2000x128xf32>
    %reduce_sum3A_280 = arith.constant dense<0.000000e+00> : vector<2000xf32>
    %reduce_sum3A_281 = vector.multi_reduction <add>, %mul3A_279, %reduce_sum3A_280 [1] : vector<2000x128xf32> to vector<2000xf32>
    %broadcast_in_dim3A_282 = vector.shape_cast %reduce_sum3A_281 : vector<2000xf32> to vector<2000x1xf32>
    %div3A_283 = arith.constant 1.280000e+02 : f32
    %div3A_284 = vector.broadcast %div3A_283 : f32 to vector<2000x1xf32>
    %div3A_285 = arith.divf %broadcast_in_dim3A_282, %div3A_284 : vector<2000x1xf32>
    %sub3A_286 = vector.broadcast %div3A_274 : vector<2000x1xf32> to vector<2000x128xf32>
    %sub3A_287 = arith.subf %add3A_247, %sub3A_286 : vector<2000x128xf32>
    %add3A_288 = arith.constant 9.99999974E-6 : f32
    %add3A_289 = vector.broadcast %add3A_288 : f32 to vector<2000x1xf32>
    %add3A_290 = arith.addf %div3A_285, %add3A_289 : vector<2000x1xf32>
    %sqrt3A_291 = math.sqrt %add3A_290 : vector<2000x1xf32>
    %div3A_292 = vector.broadcast %sqrt3A_291 : vector<2000x1xf32> to vector<2000x128xf32>
    %div3A_293 = arith.divf %sub3A_287, %div3A_292 : vector<2000x128xf32>
    %mul3A_294 = vector.broadcast %get3A_43 : vector<1x128xf32> to vector<2000x128xf32>
    %mul3A_295 = arith.mulf %div3A_293, %mul3A_294 : vector<2000x128xf32>
    %add3A_296 = vector.broadcast %get3A_46 : vector<1x128xf32> to vector<2000x128xf32>
    %add3A_297 = arith.addf %mul3A_295, %add3A_296 : vector<2000x128xf32>
    %mul3A_298 = arith.mulf %div3A_264, %div3A_264 : vector<2000x16xf32>
    %mul3A_299 = arith.mulf %div3A_266, %div3A_266 : vector<2000x16xf32>
    %add3A_300 = arith.addf %mul3A_298, %mul3A_299 : vector<2000x16xf32>
    %mul3A_301 = arith.mulf %div3A_268, %div3A_268 : vector<2000x16xf32>
    %add3A_302 = arith.addf %add3A_300, %mul3A_301 : vector<2000x16xf32>
    %jit3A_303 = arith.constant 9.99999993E-9 : f32
    %max3A_304 = vector.broadcast %jit3A_303 : f32 to vector<2000x16xf32>
    %max3A_305 = arith.maximumf %max3A_304, %add3A_302 : vector<2000x16xf32>
    %reduce_sum3A_306 = arith.constant dense<0.000000e+00> : vector<2000xf32>
    %reduce_sum3A_307 = vector.multi_reduction <add>, %max3A_305, %reduce_sum3A_306 [1] : vector<2000x16xf32> to vector<2000xf32>
    %broadcast_in_dim3A_308 = vector.shape_cast %reduce_sum3A_307 : vector<2000xf32> to vector<2000x1xf32>
    %div3A_309 = arith.constant 1.600000e+01 : f32
    %div3A_310 = vector.broadcast %div3A_309 : f32 to vector<2000x1xf32>
    %div3A_311 = arith.divf %broadcast_in_dim3A_308, %div3A_310 : vector<2000x1xf32>
    %sqrt3A_312 = math.sqrt %div3A_311 : vector<2000x1xf32>
    %div3A_313 = vector.broadcast %sqrt3A_312 : vector<2000x1xf32> to vector<2000x16xf32>
    %div3A_314 = arith.divf %div3A_264, %div3A_313 : vector<2000x16xf32>
    %div3A_315 = vector.broadcast %sqrt3A_312 : vector<2000x1xf32> to vector<2000x16xf32>
    %div3A_316 = arith.divf %div3A_266, %div3A_315 : vector<2000x16xf32>
    %div3A_317 = vector.broadcast %sqrt3A_312 : vector<2000x1xf32> to vector<2000x16xf32>
    %div3A_318 = arith.divf %div3A_268, %div3A_317 : vector<2000x16xf32>
    %broadcast_in_dim3A_319 = arith.constant 0.000000e+00 : f32
    %broadcast_in_dim3A_320 = vector.broadcast %broadcast_in_dim3A_319 : f32 to vector<2000x80xf32>
    %concatenate3A = tpu.concatenate %add3A_297, %div3A_314, %div3A_316, %div3A_318, %broadcast_in_dim3A_320 in 1 : vector<2000x128xf32>, vector<2000x16xf32>, vector<2000x16xf32>, vector<2000x16xf32>, vector<2000x80xf32> -> vector<2000x256xf32>
    %swap3A = arith.constant 0 : index
    %swap3A_321 = arith.constant 0 : index
    %swap3A_322 = vector.load %arg20[%swap3A, %swap3A_321] : memref<2000x256xf32, #tpu.memory_space<vmem>>, vector<2000x256xf32>
    tpu.vector_store %arg20[%swap3A, %swap3A_321], %concatenate3A {strides = array<i32>} : memref<2000x256xf32, #tpu.memory_space<vmem>>, vector<2000x256xf32>,
    return
  }
  func.func @transform_0(%arg0: i32) -> (i32, i32) {
    %c0_i32 = arith.constant 0 : i32
    %c0_i32_0 = arith.constant 0 : i32
    return %arg0, %c0_i32 : i32, i32
  }
  func.func @transform_1(%arg0: i32) -> (i32, i32, i32) {
    %c0_i32 = arith.constant 0 : i32
    %c0_i32_0 = arith.constant 0 : i32
    %c0_i32_1 = arith.constant 0 : i32
    return %c0_i32, %arg0, %c0_i32_0 : i32, i32, i32
  }
  func.func @transform_2(%arg0: i32) -> (i32, i32, i32) {
    %c0_i32 = arith.constant 0 : i32
    %c0_i32_0 = arith.constant 0 : i32
    %c0_i32_1 = arith.constant 0 : i32
    return %c0_i32, %arg0, %c0_i32_0 : i32, i32, i32
  }
  func.func @transform_3(%arg0: i32) -> (i32, i32) {
    %c0_i32 = arith.constant 0 : i32
    %c0_i32_0 = arith.constant 0 : i32
    %c0_i32_1 = arith.constant 0 : i32
    return %c0_i32, %c0_i32_0 : i32, i32
  }
  func.func @transform_4(%arg0: i32) -> (i32, i32) {
    %c0_i32 = arith.constant 0 : i32
    %c0_i32_0 = arith.constant 0 : i32
    %c0_i32_1 = arith.constant 0 : i32
    return %c0_i32, %c0_i32_0 : i32, i32
  }
  func.func @transform_5(%arg0: i32) -> (i32, i32) {
    %c0_i32 = arith.constant 0 : i32
    %c0_i32_0 = arith.constant 0 : i32
    %c0_i32_1 = arith.constant 0 : i32
    return %c0_i32, %c0_i32_0 : i32, i32
  }
  func.func @transform_6(%arg0: i32) -> (i32, i32) {
    %c0_i32 = arith.constant 0 : i32
    %c0_i32_0 = arith.constant 0 : i32
    %c0_i32_1 = arith.constant 0 : i32
    return %c0_i32, %c0_i32_0 : i32, i32
  }
  func.func @transform_7(%arg0: i32) -> (i32, i32) {
    %c0_i32 = arith.constant 0 : i32
    %c0_i32_0 = arith.constant 0 : i32
    %c0_i32_1 = arith.constant 0 : i32
    return %c0_i32, %c0_i32_0 : i32, i32
  }
  func.func @transform_8(%arg0: i32) -> (i32, i32) {
    %c0_i32 = arith.constant 0 : i32
    %c0_i32_0 = arith.constant 0 : i32
    %c0_i32_1 = arith.constant 0 : i32
    return %c0_i32, %c0_i32_0 : i32, i32
  }
  func.func @transform_9(%arg0: i32) -> (i32, i32) {
    %c0_i32 = arith.constant 0 : i32
    %c0_i32_0 = arith.constant 0 : i32
    %c0_i32_1 = arith.constant 0 : i32
    return %c0_i32, %c0_i32_0 : i32, i32
  }
  func.func @transform_10(%arg0: i32) -> (i32, i32) {
    %c0_i32 = arith.constant 0 : i32
    %c0_i32_0 = arith.constant 0 : i32
    %c0_i32_1 = arith.constant 0 : i32
    return %c0_i32, %c0_i32_0 : i32, i32
  }
  func.func @transform_11(%arg0: i32) -> (i32, i32) {
    %c0_i32 = arith.constant 0 : i32
    %c0_i32_0 = arith.constant 0 : i32
    %c0_i32_1 = arith.constant 0 : i32
    return %c0_i32, %c0_i32_0 : i32, i32
  }
  func.func @transform_12(%arg0: i32) -> (i32, i32) {
    %c0_i32 = arith.constant 0 : i32
    %c0_i32_0 = arith.constant 0 : i32
    %c0_i32_1 = arith.constant 0 : i32
    return %c0_i32, %c0_i32_0 : i32, i32
  }
  func.func @transform_13(%arg0: i32) -> (i32, i32) {
    %c0_i32 = arith.constant 0 : i32
    %c0_i32_0 = arith.constant 0 : i32
    %c0_i32_1 = arith.constant 0 : i32
    return %c0_i32, %c0_i32_0 : i32, i32
  }
  func.func @transform_14(%arg0: i32) -> (i32, i32) {
    %c0_i32 = arith.constant 0 : i32
    %c0_i32_0 = arith.constant 0 : i32
    %c0_i32_1 = arith.constant 0 : i32
    return %c0_i32, %c0_i32_0 : i32, i32
  }
  func.func @transform_15(%arg0: i32) -> (i32, i32) {
    %c0_i32 = arith.constant 0 : i32
    %c0_i32_0 = arith.constant 0 : i32
    %c0_i32_1 = arith.constant 0 : i32
    return %c0_i32, %c0_i32_0 : i32, i32
  }
  func.func @transform_16(%arg0: i32) -> (i32, i32) {
    %c0_i32 = arith.constant 0 : i32
    %c0_i32_0 = arith.constant 0 : i32
    %c0_i32_1 = arith.constant 0 : i32
    return %c0_i32, %c0_i32_0 : i32, i32
  }
  func.func @transform_17(%arg0: i32) -> (i32, i32) {
    %c0_i32 = arith.constant 0 : i32
    %c0_i32_0 = arith.constant 0 : i32
    %c0_i32_1 = arith.constant 0 : i32
    return %c0_i32, %c0_i32_0 : i32, i32
  }
  func.func @transform_18(%arg0: i32) -> (i32, i32) {
    %c0_i32 = arith.constant 0 : i32
    %c0_i32_0 = arith.constant 0 : i32
    %c0_i32_1 = arith.constant 0 : i32
    return %c0_i32, %c0_i32_0 : i32, i32
  }
  func.func @transform_19(%arg0: i32) -> (i32, i32) {
    %c0_i32 = arith.constant 0 : i32
    %c0_i32_0 = arith.constant 0 : i32
    return %arg0, %c0_i32 : i32, i32
  }
}

</mosaic_0001>

<sc_bundles>
// kernel: kernel.11.cloned.1.call-start
scs
__scs_entry_jumppad:
0x0: {  	(pc) =	sbr.rel $0x88, $3  }
0x1: {  	(tag) =	ssettag $0x0;
	lr =	simm.s32 $0x1  }
0x2: {  	[smem:$0x3F66] =	sst lr;
	_ =	strace $0xD0000000  }
0x3: {  	_ = 	snop  }
0x4: {  	_ = 	snop  }
0x5: {  	_ = 	snop  }
0x6: {  	_ = 	snop  }
0x7: {  	_ = 	snop  }
__scs_overlays_trampoline_lowered:
0x8: {  	[smem:$0x3F75] =	sst s0  }
0x9: {  	[smem:$0x3F76] =	sst s1  }
0xa: {  	[smem:$0x3F77] =	sst s2  }
0xb: {  	[smem:$0x3F78] =	sst s3  }
0xc: {  	[smem:$0x3F79] =	sst s4  }
0xd: {  	[smem:$0x3F7A] =	sst s5  }
0xe: {  	[smem:$0x3F7B] =	sst s6  }
0xf: {  	[smem:$0x3F7C] =	sst s7  }
0x10: {  	[smem:$0x3F7D] =	sst s8  }
0x11: {  	[smem:$0x3F7E] =	sst s9;
	s0 =	simm.s32 @!p0 $0x0  }
0x12: {  	s1 =	sld [smem:$0x3F64];
	s0 =	simm.s32 @p0 $0x1  }
0x13: {  	[smem:$0x3F7F] =	sst s0;
	s0 =	simm.s32 @!p1 $0x0  }
0x14: {  	s2 =	sld [smem:$0x3F63];
	s0 =	simm.s32 @p1 $0x1  }
0x15: {  	[smem:$0x3F80] =	sst s0;
	s0 =	simm.s32 @!p2 $0x0  }
0x16: {  	s3 =	sld [smem:$0x3FDB];
	s0 =	simm.s32 @p2 $0x1  }
0x17: {  	s4 =	simm.s32 $0x1BF5;
	[smem:$0x3F82] =	sst s0  }
0x18: {  	s0 =	sld [smem:$0x3F65];
	_ =	swait.ge [sflag:s4], $0x0  }
0x19: {  	s7 =	sld [smem:$0x3F66]  }
0x1a: {  	s8 =	sadd.s32 $0xFFFFE003, lr  }
0x1b: {  	s9 =	sadd.s32 $0xFFFFFEF7, lr;
	s5 =	simm.s32 $0xFFFFFFFF;
	p2 =	slt.u32 s8, $0xFFFFF086  }
0x1c: {  	p1 =	slt.u32 s9, $0xF7A;
	s5 =	simm.s32 @!p2 $0x0  }
0x1d: {  	s5 =	simm.s32 @p1 $0x1;
	p0 =	seq.s32 s7, s2  }
0x1e: {  	s7 =	smul.u32 @!p0 $0xF7A, s2;
	p2 =	seq.s32 @!p0 s5, $0x0  }
0x1f: {  	s9 =	smul.u32 $0xF7A, s1;
	s8 =	simm.s32 @!p0 $0x1BF5;
	p2 =	por !p2, p0  }
0x20: {  	[sflag:s8] =	ssyncset.s32 @!p0 $0xFFFFF086;
	s6 =	sadd.s32 @!p0 s3, s7;
	s7 =	simm.s32 @!p0 $0x108  }
0x21: {  	s3 =	sadd.s32 s3, s9;
	s6 =	sadd.s32 @!p0 $0x88, s6;
	s7 =	simm.s32 @p2 $0x1082  }
0x22: {  	[simem:s7], [sflag:s8] =	dma.local @!p0 [hbm:s6], $0xF7A  }
0x23: {  	s9 =	sor.u32 $0xD0000000, s2;
	s6 =	simm.s32 $0x108;
	_ =	swait.ge @!p0 [sflag:s8], $0x0  }
0x24: {  	s3 =	sadd.s32 $0x88, s3;
	s6 =	simm.s32 @!p1 $0x1082;
	[sflag:s4] =	ssyncset.s32 $0xFFFFF086  }
0x25: {  	[simem:s6], [sflag:s4] =	dma.local [hbm:s3], $0xF7A  }
0x26: {  	[smem:$0x3F66] =	sst s1;
	(tag) =	ssettag s2;
	_ =	strace s9  }
0x27: {  	s1 =	sld [smem:$0x3F76]  }
0x28: {  	s2 =	sld [smem:$0x3F77]  }
0x29: {  	s4 =	sld [smem:$0x3F79]  }
0x2a: {  	p0 =	seq.s32 s5, $0x0;
	s5 =	sld [smem:$0x3F7A]  }
0x2b: {  	s6 =	sld [smem:$0x3F7B]  }
0x2c: {  	s7 =	sld [smem:$0x3F7C]  }
0x2d: {  	s3 =	simm.s32 $0x108;
	s8 =	sld [smem:$0x3F7D]  }
0x2e: {  	s3 =	simm.s32 @!p0 $0x1082;
	s9 =	sld [smem:$0x3F7E]  }
0x2f: {  	lr =	sadd.s32 s0, s3;
	s0 =	sld [smem:$0x3F75]  }
0x30: {  	s3 =	sld [smem:$0x3F78]  }
0x31: {  	[smem:$0x3F81] =	sst s10  }
0x32: {  	s10 =	sld [smem:$0x3F7F];
	_ =	sdelay $0x3  }
0x33: {  	p0 =	seq.s32 s10, $0x1;
	s10 =	sld [smem:$0x3F81];
	_ =	sdelay $0x3  }
0x34: {  	[smem:$0x3F81] =	sst s10  }
0x35: {  	s10 =	sld [smem:$0x3F80];
	_ =	sdelay $0x3  }
0x36: {  	p1 =	seq.s32 s10, $0x1;
	s10 =	sld [smem:$0x3F81];
	_ =	sdelay $0x3  }
0x37: {  	[smem:$0x3F81] =	sst s10  }
0x38: {  	s10 =	sld [smem:$0x3F82]  }
0x39: {  	_ = 	snop;
	(pc) =	sbr.ind lr, $3  }
0x3a: {  	_ = 	snop  }
0x3b: {  	_ = 	snop  }
0x3c: {  	p2 =	seq.s32 s10, $0x1;
	s10 =	sld [smem:$0x3F81]  }
0x3d: {  	_ =	shalt  }
0x3e: {  	_ =	shalt  }
0x3f: {  	_ =	shalt  }
0x40: {  	_ =	shalt  }
0x41: {  	_ =	shalt  }
0x42: {  	_ =	shalt  }
0x43: {  	_ =	shalt  }
0x44: {  	_ =	shalt  }
0x45: {  	_ =	shalt  }
0x46: {  	_ =	shalt  }
0x47: {  	_ =	shalt  }
0x48: {  	_ =	shalt  }
0x49: {  	_ =	shalt  }
0x4a: {  	_ =	shalt  }
0x4b: {  	_ =	shalt  }
0x4c: {  	_ =	shalt  }
0x4d: {  	_ =	shalt  }
0x4e: {  	_ =	shalt  }
0x4f: {  	_ =	shalt  }
0x50: {  	_ =	shalt  }
0x51: {  	_ =	shalt  }
0x52: {  	_ =	shalt  }
0x53: {  	_ =	shalt  }
0x54: {  	_ =	shalt  }
0x55: {  	_ =	shalt  }
0x56: {  	_ =	shalt  }
0x57: {  	_ =	shalt  }
0x58: {  	_ =	shalt  }
0x59: {  	_ =	shalt  }
0x5a: {  	_ =	shalt  }
0x5b: {  	_ =	shalt  }
0x5c: {  	_ =	shalt  }
0x5d: {  	_ =	shalt  }
0x5e: {  	_ =	shalt  }
0x5f: {  	_ =	shalt  }
0x60: {  	_ =	shalt  }
0x61: {  	_ =	shalt  }
0x62: {  	_ =	shalt  }
0x63: {  	_ =	shalt  }
0x64: {  	_ =	shalt  }
0x65: {  	_ =	shalt  }
0x66: {  	_ =	shalt  }
0x67: {  	_ =	shalt  }
0x68: {  	_ =	shalt  }
0x69: {  	_ =	shalt  }
0x6a: {  	_ =	shalt  }
0x6b: {  	_ =	shalt  }
0x6c: {  	_ =	shalt  }
0x6d: {  	_ =	shalt  }
0x6e: {  	_ =	shalt  }
0x6f: {  	_ =	shalt  }
0x70: {  	_ =	shalt  }
0x71: {  	_ =	shalt  }
0x72: {  	_ =	shalt  }
0x73: {  	_ =	shalt  }
0x74: {  	_ =	shalt  }
0x75: {  	_ =	shalt  }
0x76: {  	_ =	shalt  }
0x77: {  	_ =	shalt  }
0x78: {  	_ =	shalt  }
0x79: {  	_ =	shalt  }
0x7a: {  	_ =	shalt  }
0x7b: {  	_ =	shalt  }
0x7c: {  	_ =	shalt  }
0x7d: {  	_ =	shalt  }
0x7e: {  	_ =	shalt  }
0x7f: {  	_ =	shalt  }
0x80: {  	_ =	shalt  }
0x81: {  	_ =	shalt  }
0x82: {  	_ =	shalt  }
0x83: {  	_ =	shalt  }
0x84: {  	_ =	shalt  }
0x85: {  	_ =	shalt  }
0x86: {  	_ =	shalt  }
0x87: {  	_ =	shalt  }
.Lfunc_end0:
.L_simem_size_0:
called_computation_lowered:
.L_overlay_start_0:
0x88: {  	s2 =	sld [smem:$0x3FD9]  }
0x89: {  	s3 =	sld [smem:$0x3FFE];
	_ =	sdelay $0x1  }
0x8a: {  	s1 =	srdreg.scid  }
0x8b: {  	s0 =	sand.u32 $0x1, s1  }
0x8c: {  	s14 =	sshll.u32 s0, $0xA;
	s2 =	sadd.s32 s3, s2  }
0x8d: {  	s2 =	sadd.s32 s2, s14  }
0x8e: {  	[smem:$0x3F8D] =	sst s2  }
0x8f: {  	_ = 	snop  }
0x90: {  	s2 =	sld [smem:$0x3FD0];
	_ =	sdelay $0x2  }
0x91: {  	s15 =	simm.s32 $0xA;
	s4 =	simm.s32 $0x10  }
0x92: {  	[smem:s4], [sflag:s15] =	dma.local [hbm:s2], $0x1  }
0x93: {  	_ =	swait.eq [sflag:s15], $0x1  }
0x94: {  	[sflag:s15] =	ssyncset.done $0x0  }
0x95: {  	s16 =	sld [smem:$0x10];
	[sflag:s15] =	ssyncadd.s32 $0xFFFFFFFF  }
0x96: {  	s17 =	sld [smem:$0x11];
	(tm) =	ssettm $0x1  }
0x97: {  	s18 =	sld [smem:$0x3FFB];
	_ =	sdelay $0x3  }
0x98: {  	_ =	strace s18  }
0x99: {  	s4 =	sld [smem:$0x3FFC];
	_ =	sdelay $0x3  }
0x9a: {  	_ =	strace s4  }
0x9b: {  	s4 =	sld [smem:$0x3FFD];
	_ =	sdelay $0x3  }
0x9c: {  	_ =	strace s4  }
0x9d: {  	_ =	strace $0x8FFFFFFF  }
0x9e: {  	s19 =	sld [smem:$0x3FDB];
	_ =	sdelay $0x1  }
0x9f: {  	s5 =	simm.s32 $_scs_section_size  }
0xa0: {  	s6 =	simm.s32 $_size__tile_overlayer_lowered;
	s7 =	simm.s32 $_tile_overlayer_lowered  }
0xa1: {  	s22 =	simm.s32 $0x1BFF;
	s21 =	sshll.u32 s7, $0x1;
	s4 =	sadd.s32 s5, s19  }
0xa2: {  	s8 =	simm.s32 $0x0;
	s20 =	sshll.u32 s6, $0x1;
	s6 =	sadd.s32 s21, s4  }
0xa3: {  	[timem:s8], [sflag:s22] =	dma.local [hbm:s6], s20  }
0xa4: {  	_ =	swait.ge [sflag:s22], s20  }
0xa5: {  	s5 =	ssub.s32 $0x0, s20;
	[sflag:s22] =	ssyncset.done $0x0  }
0xa6: {  	[sflag:s22] =	ssyncadd.s32 s5;
	_ =	sdelay $0x1  }
0xa7: {  	s23 =	simm.s32 $0x1B8B  }
0xa8: {  	_ =	swait.ge [sflag:s23], $0x1  }
0xa9: {  	[sflag:s23] =	ssyncset.done $0x0  }
0xaa: {  	s25 =	simm.s32 $0x1B8E;
	s24 =	sld [smem:$0x3FFE];
	[sflag:s23] =	ssyncadd.s32 $0xFFFFFFFF  }
0xab: {  	s26 =	simm.s32 $execute0_lowered;
	[smem:$0x3FD2] =	sst s25  }
0xac: {  	s6 =	sshll.u32 s26, $0x1;
	_ =	strace $0x80000046;
	[dreg:$0x1] =	wrdreg $0xFFFFFFFF  }
0xad: {  	s28 =	simm.s32 $_size_execute0_lowered;
	s4 =	sadd.s32 s4, s6;
	[dreg:$0x0] =	wrdreg $0x0  }
0xae: {  	s6 =	sshll.u32 s28, $0x1;
	[dreg:$0x2] =	wrdreg s4  }
0xaf: {  	[dreg:$0x3] =	wrdreg s6  }
0xb0: {  	[dreg:$0x4] =	wrdreg $0xC0  }
0xb1: {  	_ =	task [dreg:s8], $0x5FFFF  }
0xb2: {  	[dreg:$0x1] =	wrdreg $0xFFFFFFFF  }
0xb3: {  	[dreg:$0x0] =	wrdreg $0x60  }
0xb4: {  	[dreg:$0x2] =	wrdreg s24  }
0xb5: {  	[dreg:$0x3] =	wrdreg s16  }
0xb6: {  	[dreg:$0x4] =	wrdreg s17  }
0xb7: {  	[dreg:$0x5] =	wrdreg $0x9  }
0xb8: {  	_ =	task.clear_ibuf [dreg:s8], $0x6FFFF;
	_ =	strace $0x90000046  }
0xb9: {  	s29 =	simm.s32 $0x9;
	_ =	strace $0x80000048  }
0xba: {  	_ =	swait.ge [sflag:s29], $0x1  }
0xbb: {  	[sflag:s29] =	ssyncadd.s32 $0xFFFFFFFF  }
0xbc: {  	_ =	strace $0x90000048  }
0xbd: {  	_ =	sfence  }
0xbe: {  	s30 =	sld [smem:$0x0];
	_ =	sdelay $0x2  }
0xbf: {  	s31 =	sshll.u32 s1, $0xD;
	s1 =	sshrl.u32 s1, $0x2  }
0xc0: {  	s3 =	sand.u32 $0x4000, s31;
	s1 =	sadd.s32 s1, s30  }
0xc1: {  	s0 =	sor.u32 s3, s0;
	s1 =	sshll.u32 s1, $0x11  }
0xc2: {  	s0 =	sor.u32 s1, s0  }
0xc3: {  	s0 =	sadd.s32 $0x8F2B, s0  }
0xc4: {  	[sflag:s0] =	ssyncadd.remote.s32 $0x1  }
0xc5: {  	_ =	sfence.sel $0xFFFF  }
0xc6: {  	[dreg:$0x0] =	wrdreg $0xFFFFFFFF;
	(pc) =	sbr.abs _section_cstart, $3  }
0xc7: {  	[dreg:$0x1] =	wrdreg $0xFFFFFFFF  }
0xc8: {  	_ =	task.clear_ibuf [dreg:s8], $0x2FFFF;
	_ =	strace $0x9FFFFFFF  }
0xc9: {  	(tm) =	ssettm $0x7FFFFFFF  }
tec
execute0_lowered:
.L_overlay_start_1:
0x0: {  	(tag) =	ssettag $0x1  }
0x1: {  	s0 =	rddreg [dreg:$0x0]  }
0x2: {  	s3 =	rddreg [dreg:$0x1]  }
0x3: {  	s4 =	rddreg [dreg:$0x2];
	s1 =	simm.s32 $0x0  }
0x4: {  	s2 =	srdreg.scid;
	s11 =	stileid.u32;
	s17 =	simm.s32 $0x1  }
0x5: {  	[smem:$0x7FF] =	sst s1;
	s5 =	sand.u32 $0x1, s2;
	s2 =	sadd.s32 $0xAC00, s0  }
0x6: {  	s6 =	sadd.s32 $0x58E00, s0;
	s0 =	sadd.s32 $0x53AE00, s0;
	s9 =	sshll.u32 s5, $0x7  }
0x7: {  	s10 =	sshll.u32 s11, $0x8;
	s7 =	ssub.s32 $0x2, s5;
	s28 =	sor.u32 $0x27000, s9  }
0x8: {  	s30 =	sshll.u32 s11, $0xD;
	s8 =	sshrl.u32 s7, $0x1;
	s12 =	sshrl.u32 s28, $0x3  }
0x9: {  	_ =	strace $0x80000047;
	s7 =	ssub.s32 s7, s8;
	s13 =	sadd.s32 s3, s12  }
0xa: {  	s8 =	sshll.u32 s28, $0x5;
	s12 =	sadd.s32 s4, s12;
	[dreg:$0x6] =	wrdreg s13  }
0xb: {  	s5 =	sshll.u32 s5, $0xC;
	s29 =	sadd.s32 s6, s8;
	[dreg:$0x7] =	wrdreg s12  }
0xc: {  	s9 =	sor.u32 s9, s10;
	s8 =	sadd.s32 s0, s8;
	[dreg:$0x8] =	wrdreg s29  }
0xd: {  	s9 =	sshrl.u32 s9, $0x3;
	s7 =	smax.u32 s7, $0x1;
	[dreg:$0x9] =	wrdreg s8  }
.Ltmp0:
0xe: {  	s4 =	sadd.s32 s9, s4;
	[dreg:$0xa] =	wrdreg s7;
	(pc) =	sbr.rel .LBB2_1-.Ltmp0, $4  }
0xf: {  	s6 =	sadd.s32 s30, s6;
	s3 =	sadd.s32 s9, s3;
	[dreg:$0x4] =	wrdreg s4  }
0x10: {  	v2 =	vlaneseq.u32;
	s0 =	sadd.s32 s30, s0;
	s6 =	sadd.s32 s5, s6;
	[dreg:$0x5] =	wrdreg s3  }
0x11: {  	vm0 =	vmmov $0xffff;
	s31 =	simm.s32 $0x0;
	v1 =	vshrl.u32 v2, $0x3;
	s0 =	sadd.s32 s5, s0;
	[dreg:$0xb] =	wrdreg s6  }
0x12: {  	p0 =	sne.s32 s11, $0x0;
	v0 =	vand.u32 $0x7, v2;
	v2 =	vor.u32 $0x8, v2;
	v1 =	vmul.u32 $0x8, v1;
	s10 =	simm.s32 $0x2;
	[dreg:$0xc] =	wrdreg s0  }
.LBB2_5:
0x13: {  	s31 =	sadd.s32 $0x1, s31;
	s18 =	rddreg [dreg:$0xa]  }
0x14: {  	p1 =	sne.s32 s31, s18  }
.Ltmp1:
0x15: {  	_ = 	snop;
	(pc) =	sbr.rel @!p1 .LBB2_6-.Ltmp1, $1  }
0x16: {  	_ =	sdelay $0x3  }
.LBB2_1:
0x17: {  	[dreg:$0xd] =	wrdreg s31  }
0x18: {  	s18 =	rddreg [dreg:$0xc]  }
0x19: {  	s19 =	rddreg [dreg:$0xb];
	s4 =	simm.s32 $0x5900  }
0x1a: {  	s5 =	simm.s32 $0x6100;
	s6 =	simm.s32 $0x6900;
	s7 =	simm.s32 $0x7100  }
0x1b: {  	s8 =	simm.s32 $0x7900;
	s9 =	simm.s32 $0x8900;
	s11 =	simm.s32 $0x9100  }
0x1c: {  	s13 =	simm.s32 $0x9900;
	s14 =	simm.s32 $0xA100;
	s15 =	simm.s32 $0xA900  }
0x1d: {  	s16 =	simm.s32 $0xB100;
	s12 =	simm.s32 $0xB900;
	s29 =	simm.s32 $0x100  }
0x1e: {  	s25 =	simm.s32 $0x8100;
	s20 =	simm.s32 $0x0;
	s23 =	simm.s32 $0xC900  }
0x1f: {  	s28 =	simm.s32 $0xD100;
	s31 =	simm.s32 $0xD900;
	s26 =	simm.s32 $0xE100  }
0x20: {  	s24 =	simm.s32 $0xE900;
	s30 =	simm.s32 $0xF100;
	s0 =	simm.s32 $0xF900  }
.LBB2_2:
0x21: {  	s21 =	rddreg [dreg:$0x5]  }
0x22: {  	s21 =	sadd.s32 s20, s21  }
0x23: {  	[tilespmem:s1], [sflag:$0x2] =	stream.linear.gather [hbm4b:s21+s1], $0x80, $0x38;
	[tilespmem:$0x10100] =	vst v63  }
0x24: {  	_ =	swait.ge [sflag:s10], $0x80  }
0x25: {  	s3 =	rddreg [dreg:$0x4];
	[sflag:s10] =	ssyncset.done $0x0  }
0x26: {  	s22 =	simm.s32 $0x80;
	[sflag:s10] =	ssyncadd.s32 $0xFFFFFF80;
	s21 =	sadd.s32 s20, s3  }
0x27: {  	[tilespmem:s22], [sflag:$0x2] =	stream.linear.gather [hbm4b:s21+s1], $0x80, $0x38;
	[tilespmem:$0x10100] =	vst v63  }
0x28: {  	_ =	swait.ge [sflag:s10], $0x80  }
0x29: {  	[sflag:s10] =	ssyncset.done $0x0  }
0x2a: {  	[sflag:s10] =	ssyncadd.s32 $0xFFFFFF80  }
0x2b: {  	v3 =	vld [tilespmem:$0x0];
	_ =	sdelay $0x4  }
0x2c: {  	v4 =	vshll.u32 v3, $0x1  }
0x2d: {  	v3 =	vand.u32 $0x7, v3;
	v4 =	vand.u32 $0xFFFFFFF0, v4  }
0x2e: {  	v3 =	vor.u32 v3, v4  }
0x2f: {  	v4 =	vperm.xlane v3, v0;
	_ =	sdelay $0x1  }
0x30: {  	v3 =	vperm.xlane v3, v2;
	v4 =	vadd.s32 v1, v4;
	_ =	sdelay $0x1  }
0x31: {  	v3 =	vadd.s32 v1, v3;
	_ =	sdelay $0x2  }
0x32: {  	[tilespmem:s29], [sflag:$0x1] =	stream.indirect_vreg.gather [hbm4b:s2+s1], $0x80, v4, vm0, $0xb8;
	[tilespmem:$0x10100] =	vst v63  }
0x33: {  	s22 =	simm.s32 $0x900  }
0x34: {  	[tilespmem:s22], [sflag:$0x1] =	stream.indirect_vreg.gather [hbm4b:s2+s1], $0x80, v3, vm0, $0xb8;
	[tilespmem:$0x10100] =	vst v63  }
0x35: {  	v3 =	vld [tilespmem:$0x10];
	_ =	sdelay $0x4  }
0x36: {  	v49 =	vshll.u32 v3, $0x1  }
0x37: {  	v3 =	vand.u32 $0x7, v3;
	v4 =	vand.u32 $0xFFFFFFF0, v49  }
0x38: {  	v3 =	vor.u32 v3, v4  }
0x39: {  	v4 =	vperm.xlane v3, v0;
	_ =	sdelay $0x1  }
0x3a: {  	v3 =	vperm.xlane v3, v2;
	v4 =	vadd.s32 v1, v4;
	_ =	sdelay $0x1  }
0x3b: {  	v3 =	vadd.s32 v1, v3;
	_ =	sdelay $0x1  }
0x3c: {  	s3 =	simm.s32 $0x1100  }
0x3d: {  	[tilespmem:s3], [sflag:$0x1] =	stream.indirect_vreg.gather [hbm4b:s2+s1], $0x80, v4, vm0, $0xb8;
	[tilespmem:$0x10100] =	vst v63  }
0x3e: {  	s3 =	simm.s32 $0x1900  }
0x3f: {  	[tilespmem:s3], [sflag:$0x1] =	stream.indirect_vreg.gather [hbm4b:s2+s1], $0x80, v3, vm0, $0xb8;
	[tilespmem:$0x10100] =	vst v63  }
0x40: {  	v3 =	vld [tilespmem:$0x20];
	_ =	sdelay $0x4  }
0x41: {  	v50 =	vshll.u32 v3, $0x1  }
0x42: {  	v3 =	vand.u32 $0x7, v3;
	v4 =	vand.u32 $0xFFFFFFF0, v50  }
0x43: {  	v3 =	vor.u32 v3, v4  }
0x44: {  	v4 =	vperm.xlane v3, v0;
	_ =	sdelay $0x1  }
0x45: {  	v3 =	vperm.xlane v3, v2;
	v4 =	vadd.s32 v1, v4;
	_ =	sdelay $0x1  }
0x46: {  	v3 =	vadd.s32 v1, v3;
	_ =	sdelay $0x1  }
0x47: {  	s3 =	simm.s32 $0x2100  }
0x48: {  	[tilespmem:s3], [sflag:$0x1] =	stream.indirect_vreg.gather [hbm4b:s2+s1], $0x80, v4, vm0, $0xb8;
	[tilespmem:$0x10100] =	vst v63  }
0x49: {  	s3 =	simm.s32 $0x2900  }
0x4a: {  	[tilespmem:s3], [sflag:$0x1] =	stream.indirect_vreg.gather [hbm4b:s2+s1], $0x80, v3, vm0, $0xb8;
	[tilespmem:$0x10100] =	vst v63  }
0x4b: {  	v3 =	vld [tilespmem:$0x30];
	_ =	sdelay $0x4  }
0x4c: {  	v51 =	vshll.u32 v3, $0x1  }
0x4d: {  	v3 =	vand.u32 $0x7, v3;
	v4 =	vand.u32 $0xFFFFFFF0, v51  }
0x4e: {  	v3 =	vor.u32 v3, v4  }
0x4f: {  	v4 =	vperm.xlane v3, v0;
	_ =	sdelay $0x1  }
0x50: {  	v3 =	vperm.xlane v3, v2;
	v4 =	vadd.s32 v1, v4;
	_ =	sdelay $0x1  }
0x51: {  	v3 =	vadd.s32 v1, v3;
	_ =	sdelay $0x1  }
0x52: {  	s3 =	simm.s32 $0x3100  }
0x53: {  	[tilespmem:s3], [sflag:$0x1] =	stream.indirect_vreg.gather [hbm4b:s2+s1], $0x80, v4, vm0, $0xb8;
	[tilespmem:$0x10100] =	vst v63  }
0x54: {  	s3 =	simm.s32 $0x3900  }
0x55: {  	[tilespmem:s3], [sflag:$0x1] =	stream.indirect_vreg.gather [hbm4b:s2+s1], $0x80, v3, vm0, $0xb8;
	[tilespmem:$0x10100] =	vst v63  }
0x56: {  	v3 =	vld [tilespmem:$0x40];
	_ =	sdelay $0x4  }
0x57: {  	v52 =	vshll.u32 v3, $0x1  }
0x58: {  	v3 =	vand.u32 $0x7, v3;
	v4 =	vand.u32 $0xFFFFFFF0, v52  }
0x59: {  	v3 =	vor.u32 v3, v4  }
0x5a: {  	v4 =	vperm.xlane v3, v0;
	_ =	sdelay $0x1  }
0x5b: {  	v3 =	vperm.xlane v3, v2;
	v4 =	vadd.s32 v1, v4;
	_ =	sdelay $0x1  }
0x5c: {  	v3 =	vadd.s32 v1, v3;
	_ =	sdelay $0x1  }
0x5d: {  	s3 =	simm.s32 $0x4100  }
0x5e: {  	[tilespmem:s3], [sflag:$0x1] =	stream.indirect_vreg.gather [hbm4b:s2+s1], $0x80, v4, vm0, $0xb8;
	[tilespmem:$0x10100] =	vst v63  }
0x5f: {  	s3 =	simm.s32 $0x4900  }
0x60: {  	[tilespmem:s3], [sflag:$0x1] =	stream.indirect_vreg.gather [hbm4b:s2+s1], $0x80, v3, vm0, $0xb8;
	[tilespmem:$0x10100] =	vst v63  }
0x61: {  	v3 =	vld [tilespmem:$0x50];
	_ =	sdelay $0x4  }
0x62: {  	v53 =	vshll.u32 v3, $0x1  }
0x63: {  	v3 =	vand.u32 $0x7, v3;
	v4 =	vand.u32 $0xFFFFFFF0, v53  }
0x64: {  	v3 =	vor.u32 v3, v4  }
0x65: {  	v4 =	vperm.xlane v3, v0;
	_ =	sdelay $0x1  }
0x66: {  	v3 =	vperm.xlane v3, v2;
	v4 =	vadd.s32 v1, v4;
	_ =	sdelay $0x1  }
0x67: {  	v3 =	vadd.s32 v1, v3;
	_ =	sdelay $0x1  }
0x68: {  	s3 =	simm.s32 $0x5100  }
0x69: {  	[tilespmem:s3], [sflag:$0x1] =	stream.indirect_vreg.gather [hbm4b:s2+s1], $0x80, v4, vm0, $0xb8;
	[tilespmem:$0x10100] =	vst v63  }
0x6a: {  	_ = 	snop  }
0x6b: {  	[tilespmem:s4], [sflag:$0x1] =	stream.indirect_vreg.gather [hbm4b:s2+s1], $0x80, v3, vm0, $0xb8;
	[tilespmem:$0x10100] =	vst v63  }
0x6c: {  	v3 =	vld [tilespmem:$0x60];
	_ =	sdelay $0x4  }
0x6d: {  	v54 =	vshll.u32 v3, $0x1  }
0x6e: {  	v3 =	vand.u32 $0x7, v3;
	v4 =	vand.u32 $0xFFFFFFF0, v54  }
0x6f: {  	v3 =	vor.u32 v3, v4  }
0x70: {  	v4 =	vperm.xlane v3, v0;
	_ =	sdelay $0x1  }
0x71: {  	v3 =	vperm.xlane v3, v2;
	v4 =	vadd.s32 v1, v4;
	_ =	sdelay $0x1  }
0x72: {  	v3 =	vadd.s32 v1, v3;
	_ =	sdelay $0x2  }
0x73: {  	[tilespmem:s5], [sflag:$0x1] =	stream.indirect_vreg.gather [hbm4b:s2+s1], $0x80, v4, vm0, $0xb8;
	[tilespmem:$0x10100] =	vst v63  }
0x74: {  	_ = 	snop  }
0x75: {  	[tilespmem:s6], [sflag:$0x1] =	stream.indirect_vreg.gather [hbm4b:s2+s1], $0x80, v3, vm0, $0xb8;
	[tilespmem:$0x10100] =	vst v63  }
0x76: {  	v3 =	vld [tilespmem:$0x70];
	_ =	sdelay $0x4  }
0x77: {  	v55 =	vshll.u32 v3, $0x1  }
0x78: {  	v3 =	vand.u32 $0x7, v3;
	v4 =	vand.u32 $0xFFFFFFF0, v55  }
0x79: {  	v3 =	vor.u32 v3, v4  }
0x7a: {  	v4 =	vperm.xlane v3, v0;
	_ =	sdelay $0x1  }
0x7b: {  	v3 =	vperm.xlane v3, v2;
	v4 =	vadd.s32 v1, v4;
	_ =	sdelay $0x1  }
0x7c: {  	v3 =	vadd.s32 v1, v3;
	_ =	sdelay $0x2  }
0x7d: {  	[tilespmem:s7], [sflag:$0x1] =	stream.indirect_vreg.gather [hbm4b:s2+s1], $0x80, v4, vm0, $0xb8;
	[tilespmem:$0x10100] =	vst v63  }
0x7e: {  	_ = 	snop  }
0x7f: {  	[tilespmem:s8], [sflag:$0x1] =	stream.indirect_vreg.gather [hbm4b:s2+s1], $0x80, v3, vm0, $0xb8;
	[tilespmem:$0x10100] =	vst v63  }
0x80: {  	v3 =	vld [tilespmem:$0x80];
	_ =	sdelay $0x4  }
0x81: {  	v56 =	vshll.u32 v3, $0x1  }
0x82: {  	v3 =	vand.u32 $0x7, v3;
	v4 =	vand.u32 $0xFFFFFFF0, v56  }
0x83: {  	v3 =	vor.u32 v3, v4  }
0x84: {  	v4 =	vperm.xlane v3, v0;
	_ =	sdelay $0x1  }
0x85: {  	v3 =	vperm.xlane v3, v2;
	v4 =	vadd.s32 v1, v4;
	_ =	sdelay $0x1  }
0x86: {  	v3 =	vadd.s32 v1, v3;
	_ =	sdelay $0x2  }
0x87: {  	[tilespmem:s25], [sflag:$0x1] =	stream.indirect_vreg.gather [hbm4b:s2+s1], $0x80, v4, vm0, $0xb8;
	[tilespmem:$0x10100] =	vst v63  }
0x88: {  	_ = 	snop  }
0x89: {  	[tilespmem:s9], [sflag:$0x1] =	stream.indirect_vreg.gather [hbm4b:s2+s1], $0x80, v3, vm0, $0xb8;
	[tilespmem:$0x10100] =	vst v63  }
0x8a: {  	v3 =	vld [tilespmem:$0x90];
	_ =	sdelay $0x4  }
0x8b: {  	v57 =	vshll.u32 v3, $0x1  }
0x8c: {  	v3 =	vand.u32 $0x7, v3;
	v4 =	vand.u32 $0xFFFFFFF0, v57  }
0x8d: {  	v3 =	vor.u32 v3, v4  }
0x8e: {  	v4 =	vperm.xlane v3, v0;
	_ =	sdelay $0x1  }
0x8f: {  	v3 =	vperm.xlane v3, v2;
	v4 =	vadd.s32 v1, v4;
	_ =	sdelay $0x1  }
0x90: {  	v3 =	vadd.s32 v1, v3;
	_ =	sdelay $0x2  }
0x91: {  	[tilespmem:s11], [sflag:$0x1] =	stream.indirect_vreg.gather [hbm4b:s2+s1], $0x80, v4, vm0, $0xb8;
	[tilespmem:$0x10100] =	vst v63  }
0x92: {  	_ = 	snop  }
0x93: {  	[tilespmem:s13], [sflag:$0x1] =	stream.indirect_vreg.gather [hbm4b:s2+s1], $0x80, v3, vm0, $0xb8;
	[tilespmem:$0x10100] =	vst v63  }
0x94: {  	v3 =	vld [tilespmem:$0xA0];
	_ =	sdelay $0x4  }
0x95: {  	v58 =	vshll.u32 v3, $0x1  }
0x96: {  	v3 =	vand.u32 $0x7, v3;
	v4 =	vand.u32 $0xFFFFFFF0, v58  }
0x97: {  	v3 =	vor.u32 v3, v4  }
0x98: {  	v4 =	vperm.xlane v3, v0;
	_ =	sdelay $0x1  }
0x99: {  	v3 =	vperm.xlane v3, v2;
	v4 =	vadd.s32 v1, v4;
	_ =	sdelay $0x1  }
0x9a: {  	v3 =	vadd.s32 v1, v3;
	_ =	sdelay $0x2  }
0x9b: {  	[tilespmem:s14], [sflag:$0x1] =	stream.indirect_vreg.gather [hbm4b:s2+s1], $0x80, v4, vm0, $0xb8;
	[tilespmem:$0x10100] =	vst v63  }
0x9c: {  	_ = 	snop  }
0x9d: {  	[tilespmem:s15], [sflag:$0x1] =	stream.indirect_vreg.gather [hbm4b:s2+s1], $0x80, v3, vm0, $0xb8;
	[tilespmem:$0x10100] =	vst v63  }
0x9e: {  	v3 =	vld [tilespmem:$0xB0];
	_ =	sdelay $0x4  }
0x9f: {  	v59 =	vshll.u32 v3, $0x1  }
0xa0: {  	v3 =	vand.u32 $0x7, v3;
	v4 =	vand.u32 $0xFFFFFFF0, v59  }
0xa1: {  	v3 =	vor.u32 v3, v4  }
0xa2: {  	v4 =	vperm.xlane v3, v0;
	_ =	sdelay $0x1  }
0xa3: {  	v3 =	vperm.xlane v3, v2;
	v4 =	vadd.s32 v1, v4;
	_ =	sdelay $0x1  }
0xa4: {  	v3 =	vadd.s32 v1, v3;
	_ =	sdelay $0x2  }
0xa5: {  	[tilespmem:s16], [sflag:$0x1] =	stream.indirect_vreg.gather [hbm4b:s2+s1], $0x80, v4, vm0, $0xb8;
	[tilespmem:$0x10100] =	vst v63  }
0xa6: {  	_ = 	snop  }
0xa7: {  	[tilespmem:s12], [sflag:$0x1] =	stream.indirect_vreg.gather [hbm4b:s2+s1], $0x80, v3, vm0, $0xb8;
	[tilespmem:$0x10100] =	vst v63  }
0xa8: {  	v3 =	vld [tilespmem:$0xC0];
	_ =	sdelay $0x4  }
0xa9: {  	v60 =	vshll.u32 v3, $0x1  }
0xaa: {  	v3 =	vand.u32 $0x7, v3;
	v4 =	vand.u32 $0xFFFFFFF0, v60  }
0xab: {  	v3 =	vor.u32 v3, v4  }
0xac: {  	v4 =	vperm.xlane v3, v0;
	_ =	sdelay $0x1  }
0xad: {  	v3 =	vperm.xlane v3, v2;
	v4 =	vadd.s32 v1, v4;
	_ =	sdelay $0x1  }
0xae: {  	v3 =	vadd.s32 v1, v3;
	_ =	sdelay $0x1  }
0xaf: {  	s3 =	simm.s32 $0xC100  }
0xb0: {  	[tilespmem:s3], [sflag:$0x1] =	stream.indirect_vreg.gather [hbm4b:s2+s1], $0x80, v4, vm0, $0xb8;
	[tilespmem:$0x10100] =	vst v63  }
0xb1: {  	_ = 	snop  }
0xb2: {  	[tilespmem:s23], [sflag:$0x1] =	stream.indirect_vreg.gather [hbm4b:s2+s1], $0x80, v3, vm0, $0xb8;
	[tilespmem:$0x10100] =	vst v63  }
0xb3: {  	v3 =	vld [tilespmem:$0xD0];
	_ =	sdelay $0x4  }
0xb4: {  	v61 =	vshll.u32 v3, $0x1  }
0xb5: {  	v3 =	vand.u32 $0x7, v3;
	v4 =	vand.u32 $0xFFFFFFF0, v61  }
0xb6: {  	v3 =	vor.u32 v3, v4  }
0xb7: {  	v4 =	vperm.xlane v3, v0;
	_ =	sdelay $0x1  }
0xb8: {  	v3 =	vperm.xlane v3, v2;
	v4 =	vadd.s32 v1, v4;
	_ =	sdelay $0x1  }
0xb9: {  	v3 =	vadd.s32 v1, v3;
	_ =	sdelay $0x2  }
0xba: {  	[tilespmem:s28], [sflag:$0x1] =	stream.indirect_vreg.gather [hbm4b:s2+s1], $0x80, v4, vm0, $0xb8;
	[tilespmem:$0x10100] =	vst v63  }
0xbb: {  	_ = 	snop  }
0xbc: {  	[tilespmem:s31], [sflag:$0x1] =	stream.indirect_vreg.gather [hbm4b:s2+s1], $0x80, v3, vm0, $0xb8;
	[tilespmem:$0x10100] =	vst v63  }
0xbd: {  	v3 =	vld [tilespmem:$0xE0];
	_ =	sdelay $0x4  }
0xbe: {  	v62 =	vshll.u32 v3, $0x1  }
0xbf: {  	v3 =	vand.u32 $0x7, v3;
	v4 =	vand.u32 $0xFFFFFFF0, v62  }
0xc0: {  	v3 =	vor.u32 v3, v4  }
0xc1: {  	v4 =	vperm.xlane v3, v0;
	_ =	sdelay $0x1  }
0xc2: {  	v3 =	vperm.xlane v3, v2;
	v4 =	vadd.s32 v1, v4;
	_ =	sdelay $0x1  }
0xc3: {  	v3 =	vadd.s32 v1, v3;
	_ =	sdelay $0x2  }
0xc4: {  	[tilespmem:s26], [sflag:$0x1] =	stream.indirect_vreg.gather [hbm4b:s2+s1], $0x80, v4, vm0, $0xb8;
	[tilespmem:$0x10100] =	vst v63  }
0xc5: {  	_ = 	snop  }
0xc6: {  	[tilespmem:s24], [sflag:$0x1] =	stream.indirect_vreg.gather [hbm4b:s2+s1], $0x80, v3, vm0, $0xb8;
	[tilespmem:$0x10100] =	vst v63  }
0xc7: {  	v3 =	vld [tilespmem:$0xF0];
	_ =	sdelay $0x4  }
0xc8: {  	v63 =	vshll.u32 v3, $0x1  }
0xc9: {  	v3 =	vand.u32 $0x7, v3;
	v4 =	vand.u32 $0xFFFFFFF0, v63  }
0xca: {  	v3 =	vor.u32 v3, v4  }
0xcb: {  	v4 =	vperm.xlane v3, v0;
	_ =	sdelay $0x1  }
0xcc: {  	v3 =	vperm.xlane v3, v2;
	v4 =	vadd.s32 v1, v4;
	_ =	sdelay $0x1  }
0xcd: {  	v3 =	vadd.s32 v1, v3;
	_ =	sdelay $0x2  }
0xce: {  	[tilespmem:s30], [sflag:$0x1] =	stream.indirect_vreg.gather [hbm4b:s2+s1], $0x80, v4, vm0, $0xb8;
	[tilespmem:$0x10100] =	vst v63  }
0xcf: {  	_ = 	snop  }
0xd0: {  	[tilespmem:s0], [sflag:$0x1] =	stream.indirect_vreg.gather [hbm4b:s2+s1], $0x80, v3, vm0, $0xb8;
	[tilespmem:$0x10100] =	vst v63  }
0xd1: {  	_ =	swait.ge [sflag:s17], $0x8000  }
0xd2: {  	[sflag:s17] =	ssyncset.done $0x0  }
0xd3: {  	[sflag:s17] =	ssyncadd.s32 $0xFFFF8000  }
0xd4: {  	_ =	swait.ge [sflag:s17], $0x8000  }
0xd5: {  	[sflag:s17] =	ssyncset.done $0x0  }
0xd6: {  	[sflag:s17] =	ssyncadd.s32 $0xFFFF8000  }
0xd7: {  	[hbm4b:s19+s1] =	stream.linear.scatter [tilespmem:s29], [sflag:$0x2], $0x8000, $0x38;
	[tilespmem:$0x10100] =	vst v63  }
0xd8: {  	_ =	swait.ge [sflag:s10], $0x8000  }
0xd9: {  	p1 =	sne.s32 s20, $0x4C00;
	[sflag:s10] =	ssyncset.done $0x0  }
.Ltmp2:
0xda: {  	[sflag:s10] =	ssyncadd.s32 $0xFFFF8000;
	(pc) =	sbr.rel @p1 .LBB2_2-.Ltmp2, $4  }
0xdb: {  	[hbm4b:s18+s1] =	stream.linear.scatter [tilespmem:s25], [sflag:$0x2], $0x8000, $0x38;
	[tilespmem:$0x10100] =	vst v63  }
0xdc: {  	_ =	swait.ge [sflag:s10], $0x8000  }
0xdd: {  	s20 =	sadd.s32 $0x200, s20;
	s21 =	simm.s32 $0x80;
	[sflag:s10] =	ssyncset.done $0x0  }
0xde: {  	s19 =	sadd.s32 $0x20000, s19;
	s18 =	sadd.s32 $0x20000, s18;
	[sflag:s10] =	ssyncadd.s32 $0xFFFF8000  }
0xdf: {  	s19 =	simm.s32 $0x1100  }
0xe0: {  	s20 =	simm.s32 $0x1900;
	s23 =	simm.s32 $0x2100;
	s24 =	simm.s32 $0x2900  }
0xe1: {  	s25 =	simm.s32 $0x3100;
	s26 =	simm.s32 $0x3900;
	s28 =	simm.s32 $0x4100  }
0xe2: {  	s0 =	simm.s32 $0x4900;
	s3 =	simm.s32 $0x5100;
	s4 =	simm.s32 $0x5900  }
.Ltmp3:
0xe3: {  	s5 =	simm.s32 $0x6100;
	s6 =	simm.s32 $0x6900;
	(pc) =	sbr.rel @p0 .LBB2_5-.Ltmp3, $4  }
0xe4: {  	s7 =	simm.s32 $0x7100;
	s8 =	simm.s32 $0x7900;
	s9 =	simm.s32 $0x8900  }
0xe5: {  	s11 =	simm.s32 $0x9100;
	s13 =	simm.s32 $0x9900;
	s14 =	simm.s32 $0xA100  }
0xe6: {  	s15 =	simm.s32 $0xA900;
	s16 =	simm.s32 $0xB100;
	s12 =	simm.s32 $0xB900  }
0xe7: {  	s29 =	simm.s32 $0x100;
	s30 =	simm.s32 $0x8100;
	s31 =	rddreg [dreg:$0xd]  }
0xe8: {  	s18 =	rddreg [dreg:$0x6]  }
0xe9: {  	[tilespmem:s1], [sflag:$0x2] =	stream.linear.gather [hbm4b:s18+s1], $0x80, $0x38;
	[tilespmem:$0x10100] =	vst v63  }
0xea: {  	_ =	swait.ge [sflag:s10], $0x80  }
0xeb: {  	[sflag:s10] =	ssyncset.done $0x0  }
0xec: {  	s18 =	rddreg [dreg:$0x7];
	[sflag:s10] =	ssyncadd.s32 $0xFFFFFF80  }
0xed: {  	[tilespmem:s21], [sflag:$0x2] =	stream.linear.gather [hbm4b:s18+s1], $0x80, $0x38;
	[tilespmem:$0x10100] =	vst v63  }
0xee: {  	_ =	swait.ge [sflag:s10], $0x80  }
0xef: {  	[sflag:s10] =	ssyncset.done $0x0  }
0xf0: {  	[sflag:s10] =	ssyncadd.s32 $0xFFFFFF80  }
0xf1: {  	v3 =	vld [tilespmem:$0x0];
	_ =	sdelay $0x4  }
0xf2: {  	v4 =	vshll.u32 v3, $0x1  }
0xf3: {  	v3 =	vand.u32 $0x7, v3;
	v4 =	vand.u32 $0xFFFFFFF0, v4  }
0xf4: {  	v3 =	vor.u32 v3, v4  }
0xf5: {  	v4 =	vperm.xlane v3, v0;
	_ =	sdelay $0x1  }
0xf6: {  	v3 =	vperm.xlane v3, v2;
	v4 =	vadd.s32 v1, v4;
	_ =	sdelay $0x1  }
0xf7: {  	v3 =	vadd.s32 v1, v3;
	_ =	sdelay $0x2  }
0xf8: {  	[tilespmem:s29], [sflag:$0x1] =	stream.indirect_vreg.gather [hbm4b:s2+s1], $0x80, v4, vm0, $0xb8;
	[tilespmem:$0x10100] =	vst v63  }
0xf9: {  	_ = 	snop  }
0xfa: {  	[tilespmem:s22], [sflag:$0x1] =	stream.indirect_vreg.gather [hbm4b:s2+s1], $0x80, v3, vm0, $0xb8;
	[tilespmem:$0x10100] =	vst v63  }
0xfb: {  	v3 =	vld [tilespmem:$0x10];
	_ =	sdelay $0x4  }
0xfc: {  	v49 =	vshll.u32 v3, $0x1  }
0xfd: {  	v3 =	vand.u32 $0x7, v3;
	v4 =	vand.u32 $0xFFFFFFF0, v49  }
0xfe: {  	v3 =	vor.u32 v3, v4  }
0xff: {  	v4 =	vperm.xlane v3, v0;
	_ =	sdelay $0x1  }
0x100: {  	v3 =	vperm.xlane v3, v2;
	v4 =	vadd.s32 v1, v4;
	_ =	sdelay $0x1  }
0x101: {  	v3 =	vadd.s32 v1, v3;
	_ =	sdelay $0x2  }
0x102: {  	[tilespmem:s19], [sflag:$0x1] =	stream.indirect_vreg.gather [hbm4b:s2+s1], $0x80, v4, vm0, $0xb8;
	[tilespmem:$0x10100] =	vst v63  }
0x103: {  	_ = 	snop  }
0x104: {  	[tilespmem:s20], [sflag:$0x1] =	stream.indirect_vreg.gather [hbm4b:s2+s1], $0x80, v3, vm0, $0xb8;
	[tilespmem:$0x10100] =	vst v63  }
0x105: {  	v3 =	vld [tilespmem:$0x20];
	_ =	sdelay $0x4  }
0x106: {  	v50 =	vshll.u32 v3, $0x1  }
0x107: {  	v3 =	vand.u32 $0x7, v3;
	v4 =	vand.u32 $0xFFFFFFF0, v50  }
0x108: {  	v3 =	vor.u32 v3, v4  }
0x109: {  	v4 =	vperm.xlane v3, v0;
	_ =	sdelay $0x1  }
0x10a: {  	v3 =	vperm.xlane v3, v2;
	v4 =	vadd.s32 v1, v4;
	_ =	sdelay $0x1  }
0x10b: {  	v3 =	vadd.s32 v1, v3;
	_ =	sdelay $0x2  }
0x10c: {  	[tilespmem:s23], [sflag:$0x1] =	stream.indirect_vreg.gather [hbm4b:s2+s1], $0x80, v4, vm0, $0xb8;
	[tilespmem:$0x10100] =	vst v63  }
0x10d: {  	_ = 	snop  }
0x10e: {  	[tilespmem:s24], [sflag:$0x1] =	stream.indirect_vreg.gather [hbm4b:s2+s1], $0x80, v3, vm0, $0xb8;
	[tilespmem:$0x10100] =	vst v63  }
0x10f: {  	v3 =	vld [tilespmem:$0x30];
	_ =	sdelay $0x4  }
0x110: {  	v51 =	vshll.u32 v3, $0x1  }
0x111: {  	v3 =	vand.u32 $0x7, v3;
	v4 =	vand.u32 $0xFFFFFFF0, v51  }
0x112: {  	v3 =	vor.u32 v3, v4  }
0x113: {  	v4 =	vperm.xlane v3, v0;
	_ =	sdelay $0x1  }
0x114: {  	v3 =	vperm.xlane v3, v2;
	v4 =	vadd.s32 v1, v4;
	_ =	sdelay $0x1  }
0x115: {  	v3 =	vadd.s32 v1, v3;
	_ =	sdelay $0x2  }
0x116: {  	[tilespmem:s25], [sflag:$0x1] =	stream.indirect_vreg.gather [hbm4b:s2+s1], $0x80, v4, vm0, $0xb8;
	[tilespmem:$0x10100] =	vst v63  }
0x117: {  	_ = 	snop  }
0x118: {  	[tilespmem:s26], [sflag:$0x1] =	stream.indirect_vreg.gather [hbm4b:s2+s1], $0x80, v3, vm0, $0xb8;
	[tilespmem:$0x10100] =	vst v63  }
0x119: {  	v3 =	vld [tilespmem:$0x40];
	_ =	sdelay $0x4  }
0x11a: {  	v52 =	vshll.u32 v3, $0x1  }
0x11b: {  	v3 =	vand.u32 $0x7, v3;
	v4 =	vand.u32 $0xFFFFFFF0, v52  }
0x11c: {  	v3 =	vor.u32 v3, v4  }
0x11d: {  	v4 =	vperm.xlane v3, v0;
	_ =	sdelay $0x1  }
0x11e: {  	v3 =	vperm.xlane v3, v2;
	v4 =	vadd.s32 v1, v4;
	_ =	sdelay $0x1  }
0x11f: {  	v3 =	vadd.s32 v1, v3;
	_ =	sdelay $0x2  }
0x120: {  	[tilespmem:s28], [sflag:$0x1] =	stream.indirect_vreg.gather [hbm4b:s2+s1], $0x80, v4, vm0, $0xb8;
	[tilespmem:$0x10100] =	vst v63  }
0x121: {  	_ = 	snop  }
0x122: {  	[tilespmem:s0], [sflag:$0x1] =	stream.indirect_vreg.gather [hbm4b:s2+s1], $0x80, v3, vm0, $0xb8;
	[tilespmem:$0x10100] =	vst v63  }
0x123: {  	v3 =	vld [tilespmem:$0x50];
	_ =	sdelay $0x4  }
0x124: {  	v53 =	vshll.u32 v3, $0x1  }
0x125: {  	v3 =	vand.u32 $0x7, v3;
	v4 =	vand.u32 $0xFFFFFFF0, v53  }
0x126: {  	v3 =	vor.u32 v3, v4  }
0x127: {  	v4 =	vperm.xlane v3, v0;
	_ =	sdelay $0x1  }
0x128: {  	v3 =	vperm.xlane v3, v2;
	v4 =	vadd.s32 v1, v4;
	_ =	sdelay $0x1  }
0x129: {  	v3 =	vadd.s32 v1, v3;
	_ =	sdelay $0x2  }
0x12a: {  	[tilespmem:s3], [sflag:$0x1] =	stream.indirect_vreg.gather [hbm4b:s2+s1], $0x80, v4, vm0, $0xb8;
	[tilespmem:$0x10100] =	vst v63  }
0x12b: {  	_ = 	snop  }
0x12c: {  	[tilespmem:s4], [sflag:$0x1] =	stream.indirect_vreg.gather [hbm4b:s2+s1], $0x80, v3, vm0, $0xb8;
	[tilespmem:$0x10100] =	vst v63  }
0x12d: {  	v3 =	vld [tilespmem:$0x60];
	_ =	sdelay $0x4  }
0x12e: {  	v54 =	vshll.u32 v3, $0x1  }
0x12f: {  	v3 =	vand.u32 $0x7, v3;
	v4 =	vand.u32 $0xFFFFFFF0, v54  }
0x130: {  	v3 =	vor.u32 v3, v4  }
0x131: {  	v4 =	vperm.xlane v3, v0;
	_ =	sdelay $0x1  }
0x132: {  	v3 =	vperm.xlane v3, v2;
	v4 =	vadd.s32 v1, v4;
	_ =	sdelay $0x1  }
0x133: {  	v3 =	vadd.s32 v1, v3;
	_ =	sdelay $0x2  }
0x134: {  	[tilespmem:s5], [sflag:$0x1] =	stream.indirect_vreg.gather [hbm4b:s2+s1], $0x80, v4, vm0, $0xb8;
	[tilespmem:$0x10100] =	vst v63  }
0x135: {  	_ = 	snop  }
0x136: {  	[tilespmem:s6], [sflag:$0x1] =	stream.indirect_vreg.gather [hbm4b:s2+s1], $0x80, v3, vm0, $0xb8;
	[tilespmem:$0x10100] =	vst v63  }
0x137: {  	v3 =	vld [tilespmem:$0x70];
	_ =	sdelay $0x4  }
0x138: {  	v55 =	vshll.u32 v3, $0x1  }
0x139: {  	v3 =	vand.u32 $0x7, v3;
	v4 =	vand.u32 $0xFFFFFFF0, v55  }
0x13a: {  	v3 =	vor.u32 v3, v4  }
0x13b: {  	v4 =	vperm.xlane v3, v0;
	_ =	sdelay $0x1  }
0x13c: {  	v3 =	vperm.xlane v3, v2;
	v4 =	vadd.s32 v1, v4;
	_ =	sdelay $0x1  }
0x13d: {  	v3 =	vadd.s32 v1, v3;
	_ =	sdelay $0x2  }
0x13e: {  	[tilespmem:s7], [sflag:$0x1] =	stream.indirect_vreg.gather [hbm4b:s2+s1], $0x80, v4, vm0, $0xb8;
	[tilespmem:$0x10100] =	vst v63  }
0x13f: {  	_ = 	snop  }
0x140: {  	[tilespmem:s8], [sflag:$0x1] =	stream.indirect_vreg.gather [hbm4b:s2+s1], $0x80, v3, vm0, $0xb8;
	[tilespmem:$0x10100] =	vst v63  }
0x141: {  	v3 =	vld [tilespmem:$0x80];
	_ =	sdelay $0x4  }
0x142: {  	v56 =	vshll.u32 v3, $0x1  }
0x143: {  	v3 =	vand.u32 $0x7, v3;
	v4 =	vand.u32 $0xFFFFFFF0, v56  }
0x144: {  	v3 =	vor.u32 v3, v4  }
0x145: {  	v4 =	vperm.xlane v3, v0;
	_ =	sdelay $0x1  }
0x146: {  	v3 =	vperm.xlane v3, v2;
	v4 =	vadd.s32 v1, v4;
	_ =	sdelay $0x1  }
0x147: {  	v3 =	vadd.s32 v1, v3;
	_ =	sdelay $0x2  }
0x148: {  	[tilespmem:s30], [sflag:$0x1] =	stream.indirect_vreg.gather [hbm4b:s2+s1], $0x80, v4, vm0, $0xb8;
	[tilespmem:$0x10100] =	vst v63  }
0x149: {  	_ = 	snop  }
0x14a: {  	[tilespmem:s9], [sflag:$0x1] =	stream.indirect_vreg.gather [hbm4b:s2+s1], $0x80, v3, vm0, $0xb8;
	[tilespmem:$0x10100] =	vst v63  }
0x14b: {  	v3 =	vld [tilespmem:$0x90];
	_ =	sdelay $0x4  }
0x14c: {  	v57 =	vshll.u32 v3, $0x1  }
0x14d: {  	v3 =	vand.u32 $0x7, v3;
	v4 =	vand.u32 $0xFFFFFFF0, v57  }
0x14e: {  	v3 =	vor.u32 v3, v4  }
0x14f: {  	v4 =	vperm.xlane v3, v0;
	_ =	sdelay $0x1  }
0x150: {  	v3 =	vperm.xlane v3, v2;
	v4 =	vadd.s32 v1, v4;
	_ =	sdelay $0x1  }
0x151: {  	v3 =	vadd.s32 v1, v3;
	_ =	sdelay $0x2  }
0x152: {  	[tilespmem:s11], [sflag:$0x1] =	stream.indirect_vreg.gather [hbm4b:s2+s1], $0x80, v4, vm0, $0xb8;
	[tilespmem:$0x10100] =	vst v63  }
0x153: {  	_ = 	snop  }
0x154: {  	[tilespmem:s13], [sflag:$0x1] =	stream.indirect_vreg.gather [hbm4b:s2+s1], $0x80, v3, vm0, $0xb8;
	[tilespmem:$0x10100] =	vst v63  }
0x155: {  	v3 =	vld [tilespmem:$0xA0];
	_ =	sdelay $0x4  }
0x156: {  	v58 =	vshll.u32 v3, $0x1  }
0x157: {  	v3 =	vand.u32 $0x7, v3;
	v4 =	vand.u32 $0xFFFFFFF0, v58  }
0x158: {  	v3 =	vor.u32 v3, v4  }
0x159: {  	v4 =	vperm.xlane v3, v0;
	_ =	sdelay $0x1  }
0x15a: {  	v3 =	vperm.xlane v3, v2;
	v4 =	vadd.s32 v1, v4;
	_ =	sdelay $0x1  }
0x15b: {  	v3 =	vadd.s32 v1, v3;
	_ =	sdelay $0x2  }
0x15c: {  	[tilespmem:s14], [sflag:$0x1] =	stream.indirect_vreg.gather [hbm4b:s2+s1], $0x80, v4, vm0, $0xb8;
	[tilespmem:$0x10100] =	vst v63  }
0x15d: {  	_ = 	snop  }
0x15e: {  	[tilespmem:s15], [sflag:$0x1] =	stream.indirect_vreg.gather [hbm4b:s2+s1], $0x80, v3, vm0, $0xb8;
	[tilespmem:$0x10100] =	vst v63  }
0x15f: {  	v3 =	vld [tilespmem:$0xB0];
	_ =	sdelay $0x4  }
0x160: {  	v59 =	vshll.u32 v3, $0x1  }
0x161: {  	v3 =	vand.u32 $0x7, v3;
	v4 =	vand.u32 $0xFFFFFFF0, v59  }
0x162: {  	v3 =	vor.u32 v3, v4  }
0x163: {  	v4 =	vperm.xlane v3, v0;
	_ =	sdelay $0x1  }
0x164: {  	v3 =	vperm.xlane v3, v2;
	v4 =	vadd.s32 v1, v4;
	_ =	sdelay $0x1  }
0x165: {  	v3 =	vadd.s32 v1, v3;
	_ =	sdelay $0x2  }
0x166: {  	[tilespmem:s16], [sflag:$0x1] =	stream.indirect_vreg.gather [hbm4b:s2+s1], $0x80, v4, vm0, $0xb8;
	[tilespmem:$0x10100] =	vst v63  }
0x167: {  	_ = 	snop  }
0x168: {  	[tilespmem:s12], [sflag:$0x1] =	stream.indirect_vreg.gather [hbm4b:s2+s1], $0x80, v3, vm0, $0xb8;
	[tilespmem:$0x10100] =	vst v63  }
0x169: {  	v3 =	vld [tilespmem:$0xC0];
	_ =	sdelay $0x4  }
0x16a: {  	v60 =	vshll.u32 v3, $0x1  }
0x16b: {  	v3 =	vand.u32 $0x7, v3;
	v4 =	vand.u32 $0xFFFFFFF0, v60  }
0x16c: {  	v3 =	vor.u32 v3, v4  }
0x16d: {  	v4 =	vperm.xlane v3, v0;
	_ =	sdelay $0x1  }
0x16e: {  	v3 =	vperm.xlane v3, v2;
	v4 =	vadd.s32 v1, v4;
	_ =	sdelay $0x1  }
0x16f: {  	v3 =	vadd.s32 v1, v3;
	_ =	sdelay $0x1  }
0x170: {  	s19 =	simm.s32 $0xC100  }
0x171: {  	[tilespmem:s19], [sflag:$0x1] =	stream.indirect_vreg.gather [hbm4b:s2+s1], $0x80, v4, vm0, $0xb8;
	[tilespmem:$0x10100] =	vst v63  }
0x172: {  	s20 =	simm.s32 $0xC900  }
0x173: {  	[tilespmem:s20], [sflag:$0x1] =	stream.indirect_vreg.gather [hbm4b:s2+s1], $0x80, v3, vm0, $0xb8;
	[tilespmem:$0x10100] =	vst v63  }
0x174: {  	v3 =	vld [tilespmem:$0xD0];
	_ =	sdelay $0x4  }
0x175: {  	v61 =	vshll.u32 v3, $0x1  }
0x176: {  	v3 =	vand.u32 $0x7, v3;
	v4 =	vand.u32 $0xFFFFFFF0, v61  }
0x177: {  	v3 =	vor.u32 v3, v4  }
0x178: {  	v4 =	vperm.xlane v3, v0;
	_ =	sdelay $0x1  }
0x179: {  	v3 =	vperm.xlane v3, v2;
	v4 =	vadd.s32 v1, v4;
	_ =	sdelay $0x1  }
0x17a: {  	v3 =	vadd.s32 v1, v3;
	_ =	sdelay $0x1  }
0x17b: {  	s21 =	simm.s32 $0xD100  }
0x17c: {  	[tilespmem:s21], [sflag:$0x1] =	stream.indirect_vreg.gather [hbm4b:s2+s1], $0x80, v4, vm0, $0xb8;
	[tilespmem:$0x10100] =	vst v63  }
0x17d: {  	s22 =	simm.s32 $0xD900  }
0x17e: {  	[tilespmem:s22], [sflag:$0x1] =	stream.indirect_vreg.gather [hbm4b:s2+s1], $0x80, v3, vm0, $0xb8;
	[tilespmem:$0x10100] =	vst v63  }
0x17f: {  	v3 =	vld [tilespmem:$0xE0];
	_ =	sdelay $0x4  }
0x180: {  	v62 =	vshll.u32 v3, $0x1  }
0x181: {  	v3 =	vand.u32 $0x7, v3;
	v4 =	vand.u32 $0xFFFFFFF0, v62  }
0x182: {  	v3 =	vor.u32 v3, v4  }
0x183: {  	v4 =	vperm.xlane v3, v0;
	_ =	sdelay $0x1  }
0x184: {  	v3 =	vperm.xlane v3, v2;
	v4 =	vadd.s32 v1, v4;
	_ =	sdelay $0x1  }
0x185: {  	v3 =	vadd.s32 v1, v3;
	_ =	sdelay $0x1  }
0x186: {  	s23 =	simm.s32 $0xE100  }
0x187: {  	[tilespmem:s23], [sflag:$0x1] =	stream.indirect_vreg.gather [hbm4b:s2+s1], $0x80, v4, vm0, $0xb8;
	[tilespmem:$0x10100] =	vst v63  }
0x188: {  	s24 =	simm.s32 $0xE900  }
0x189: {  	[tilespmem:s24], [sflag:$0x1] =	stream.indirect_vreg.gather [hbm4b:s2+s1], $0x80, v3, vm0, $0xb8;
	[tilespmem:$0x10100] =	vst v63  }
0x18a: {  	v3 =	vld [tilespmem:$0xF0];
	_ =	sdelay $0x4  }
0x18b: {  	v63 =	vshll.u32 v3, $0x1  }
0x18c: {  	v3 =	vand.u32 $0x7, v3;
	v4 =	vand.u32 $0xFFFFFFF0, v63  }
0x18d: {  	v3 =	vor.u32 v3, v4  }
0x18e: {  	v4 =	vperm.xlane v3, v0;
	_ =	sdelay $0x1  }
0x18f: {  	v3 =	vperm.xlane v3, v2;
	v4 =	vadd.s32 v1, v4;
	_ =	sdelay $0x1  }
0x190: {  	v3 =	vadd.s32 v1, v3;
	_ =	sdelay $0x1  }
0x191: {  	s25 =	simm.s32 $0xF100  }
0x192: {  	[tilespmem:s25], [sflag:$0x1] =	stream.indirect_vreg.gather [hbm4b:s2+s1], $0x80, v4, vm0, $0xb8;
	[tilespmem:$0x10100] =	vst v63  }
0x193: {  	s26 =	simm.s32 $0xF900  }
0x194: {  	[tilespmem:s26], [sflag:$0x1] =	stream.indirect_vreg.gather [hbm4b:s2+s1], $0x80, v3, vm0, $0xb8;
	[tilespmem:$0x10100] =	vst v63  }
0x195: {  	_ =	swait.ge [sflag:s17], $0x8000  }
0x196: {  	[sflag:s17] =	ssyncset.done $0x0  }
0x197: {  	[sflag:s17] =	ssyncadd.s32 $0xFFFF8000  }
0x198: {  	_ =	swait.ge [sflag:s17], $0x8000  }
0x199: {  	[sflag:s17] =	ssyncset.done $0x0  }
0x19a: {  	s28 =	rddreg [dreg:$0x8];
	[sflag:s17] =	ssyncadd.s32 $0xFFFF8000  }
0x19b: {  	[hbm4b:s28+s1] =	stream.linear.scatter [tilespmem:s29], [sflag:$0x2], $0x8000, $0x38;
	[tilespmem:$0x10100] =	vst v63  }
0x19c: {  	_ =	swait.ge [sflag:s10], $0x8000  }
0x19d: {  	[sflag:s10] =	ssyncset.done $0x0  }
.Ltmp4:
0x19e: {  	s29 =	rddreg [dreg:$0x9];
	[sflag:s10] =	ssyncadd.s32 $0xFFFF8000;
	(pc) =	sbr.rel .LBB2_5-.Ltmp4, $4  }
0x19f: {  	[hbm4b:s29+s1] =	stream.linear.scatter [tilespmem:s30], [sflag:$0x2], $0x8000, $0x38;
	[tilespmem:$0x10100] =	vst v63  }
0x1a0: {  	_ =	swait.ge [sflag:s10], $0x8000  }
0x1a1: {  	[sflag:s10] =	ssyncset.done $0x0  }
0x1a2: {  	[sflag:s10] =	ssyncadd.s32 $0xFFFF8000  }
.LBB2_6:
0x1a3: {  	_ =	sfence.sel $0x180000  }
0x1a4: {  	[bflag:$0x0] =	sbarrier.arrive $0xFFFF  }
0x1a5: {  	_ =	strace $0x90000047  }
0x1a6: {  	[bflag:$0x2] =	sbarrier.arrive $0xFFFF  }
0x1a7: {  	s0 =	rddreg [dreg:$0x3]  }
0x1a8: {  	s0 =	sadd.s32 @!p0 $0x100000, s0  }
0x1a9: {  	[sflag:s0] =	ssyncadd.tile.s32 @!p0 $0x1;
	_ =	shalt  }
.Lfunc_end2:
_tile_overlayer_lowered:
.L_overlay_start_2:
0x1aa: {  	(tag) =	ssettag $0x2  }
0x1ab: {  	s0 =	rddreg [dreg:$0x0];
	s2 =	stileid.u32  }
0x1ac: {  	s1 =	rddreg [dreg:$0x1];
	p0 =	sne.s32 s2, $0x0  }
0x1ad: {  	s3 =	rddreg [dreg:$0x2];
	[bflag:$0x3] =	sbarrier.arrive $0xFFFF;
	s2 =	simm.s32 @!p0 $0x1C02  }
0x1ae: {  	[timem:s3], [sflag:s2] =	dma.local @!p0 [hbm:s0], s1  }
0x1af: {  	s0 =	simm.s32 @!p0 $0x2  }
0x1b0: {  	_ =	swait.ge @!p0 [sflag:s0], s1  }
0x1b1: {  	s1 =	ssub.s32 @!p0 $0x0, s1;
	[sflag:s0] =	ssyncset.done @!p0 $0x0  }
0x1b2: {  	[sflag:s0] =	ssyncadd.s32 @!p0 s1  }
0x1b3: {  	[bflag:$0x3] =	sbarrier.arrive $0xFFFF  }
0x1b4: {  	_ =	shalt  }

// kernel: kernel.14.cloned.1.call-start
scs
__scs_entry_jumppad:
0x0: {  	(pc) =	sbr.rel $0x88, $3  }
0x1: {  	(tag) =	ssettag $0x0;
	lr =	simm.s32 $0x1  }
0x2: {  	[smem:$0x3F66] =	sst lr;
	_ =	strace $0xD0000000  }
0x3: {  	_ = 	snop  }
0x4: {  	_ = 	snop  }
0x5: {  	_ = 	snop  }
0x6: {  	_ = 	snop  }
0x7: {  	_ = 	snop  }
__scs_overlays_trampoline_lowered:
0x8: {  	[smem:$0x3F75] =	sst s0  }
0x9: {  	[smem:$0x3F76] =	sst s1  }
0xa: {  	[smem:$0x3F77] =	sst s2  }
0xb: {  	[smem:$0x3F78] =	sst s3  }
0xc: {  	[smem:$0x3F79] =	sst s4  }
0xd: {  	[smem:$0x3F7A] =	sst s5  }
0xe: {  	[smem:$0x3F7B] =	sst s6  }
0xf: {  	[smem:$0x3F7C] =	sst s7  }
0x10: {  	[smem:$0x3F7D] =	sst s8  }
0x11: {  	[smem:$0x3F7E] =	sst s9;
	s0 =	simm.s32 @!p0 $0x0  }
0x12: {  	s1 =	sld [smem:$0x3F64];
	s0 =	simm.s32 @p0 $0x1  }
0x13: {  	[smem:$0x3F7F] =	sst s0;
	s0 =	simm.s32 @!p1 $0x0  }
0x14: {  	s2 =	sld [smem:$0x3F63];
	s0 =	simm.s32 @p1 $0x1  }
0x15: {  	[smem:$0x3F80] =	sst s0;
	s0 =	simm.s32 @!p2 $0x0  }
0x16: {  	s3 =	sld [smem:$0x3FDB];
	s0 =	simm.s32 @p2 $0x1  }
0x17: {  	s4 =	simm.s32 $0x1BF5;
	[smem:$0x3F82] =	sst s0  }
0x18: {  	s0 =	sld [smem:$0x3F65];
	_ =	swait.ge [sflag:s4], $0x0  }
0x19: {  	s7 =	sld [smem:$0x3F66]  }
0x1a: {  	s8 =	sadd.s32 $0xFFFFE003, lr  }
0x1b: {  	s9 =	sadd.s32 $0xFFFFFEF7, lr;
	s5 =	simm.s32 $0xFFFFFFFF;
	p2 =	slt.u32 s8, $0xFFFFF086  }
0x1c: {  	p1 =	slt.u32 s9, $0xF7A;
	s5 =	simm.s32 @!p2 $0x0  }
0x1d: {  	s5 =	simm.s32 @p1 $0x1;
	p0 =	seq.s32 s7, s2  }
0x1e: {  	s7 =	smul.u32 @!p0 $0xF7A, s2;
	p2 =	seq.s32 @!p0 s5, $0x0  }
0x1f: {  	s9 =	smul.u32 $0xF7A, s1;
	s8 =	simm.s32 @!p0 $0x1BF5;
	p2 =	por !p2, p0  }
0x20: {  	[sflag:s8] =	ssyncset.s32 @!p0 $0xFFFFF086;
	s6 =	sadd.s32 @!p0 s3, s7;
	s7 =	simm.s32 @!p0 $0x108  }
0x21: {  	s3 =	sadd.s32 s3, s9;
	s6 =	sadd.s32 @!p0 $0x88, s6;
	s7 =	simm.s32 @p2 $0x1082  }
0x22: {  	[simem:s7], [sflag:s8] =	dma.local @!p0 [hbm:s6], $0xF7A  }
0x23: {  	s9 =	sor.u32 $0xD0000000, s2;
	s6 =	simm.s32 $0x108;
	_ =	swait.ge @!p0 [sflag:s8], $0x0  }
0x24: {  	s3 =	sadd.s32 $0x88, s3;
	s6 =	simm.s32 @!p1 $0x1082;
	[sflag:s4] =	ssyncset.s32 $0xFFFFF086  }
0x25: {  	[simem:s6], [sflag:s4] =	dma.local [hbm:s3], $0xF7A  }
0x26: {  	[smem:$0x3F66] =	sst s1;
	(tag) =	ssettag s2;
	_ =	strace s9  }
0x27: {  	s1 =	sld [smem:$0x3F76]  }
0x28: {  	s2 =	sld [smem:$0x3F77]  }
0x29: {  	s4 =	sld [smem:$0x3F79]  }
0x2a: {  	p0 =	seq.s32 s5, $0x0;
	s5 =	sld [smem:$0x3F7A]  }
0x2b: {  	s6 =	sld [smem:$0x3F7B]  }
0x2c: {  	s7 =	sld [smem:$0x3F7C]  }
0x2d: {  	s3 =	simm.s32 $0x108;
	s8 =	sld [smem:$0x3F7D]  }
0x2e: {  	s3 =	simm.s32 @!p0 $0x1082;
	s9 =	sld [smem:$0x3F7E]  }
0x2f: {  	lr =	sadd.s32 s0, s3;
	s0 =	sld [smem:$0x3F75]  }
0x30: {  	s3 =	sld [smem:$0x3F78]  }
0x31: {  	[smem:$0x3F81] =	sst s10  }
0x32: {  	s10 =	sld [smem:$0x3F7F];
	_ =	sdelay $0x3  }
0x33: {  	p0 =	seq.s32 s10, $0x1;
	s10 =	sld [smem:$0x3F81];
	_ =	sdelay $0x3  }
0x34: {  	[smem:$0x3F81] =	sst s10  }
0x35: {  	s10 =	sld [smem:$0x3F80];
	_ =	sdelay $0x3  }
0x36: {  	p1 =	seq.s32 s10, $0x1;
	s10 =	sld [smem:$0x3F81];
	_ =	sdelay $0x3  }
0x37: {  	[smem:$0x3F81] =	sst s10  }
0x38: {  	s10 =	sld [smem:$0x3F82]  }
0x39: {  	_ = 	snop;
	(pc) =	sbr.ind lr, $3  }
0x3a: {  	_ = 	snop  }
0x3b: {  	_ = 	snop  }
0x3c: {  	p2 =	seq.s32 s10, $0x1;
	s10 =	sld [smem:$0x3F81]  }
0x3d: {  	_ =	shalt  }
0x3e: {  	_ =	shalt  }
0x3f: {  	_ =	shalt  }
0x40: {  	_ =	shalt  }
0x41: {  	_ =	shalt  }
0x42: {  	_ =	shalt  }
0x43: {  	_ =	shalt  }
0x44: {  	_ =	shalt  }
0x45: {  	_ =	shalt  }
0x46: {  	_ =	shalt  }
0x47: {  	_ =	shalt  }
0x48: {  	_ =	shalt  }
0x49: {  	_ =	shalt  }
0x4a: {  	_ =	shalt  }
0x4b: {  	_ =	shalt  }
0x4c: {  	_ =	shalt  }
0x4d: {  	_ =	shalt  }
0x4e: {  	_ =	shalt  }
0x4f: {  	_ =	shalt  }
0x50: {  	_ =	shalt  }
0x51: {  	_ =	shalt  }
0x52: {  	_ =	shalt  }
0x53: {  	_ =	shalt  }
0x54: {  	_ =	shalt  }
0x55: {  	_ =	shalt  }
0x56: {  	_ =	shalt  }
0x57: {  	_ =	shalt  }
0x58: {  	_ =	shalt  }
0x59: {  	_ =	shalt  }
0x5a: {  	_ =	shalt  }
0x5b: {  	_ =	shalt  }
0x5c: {  	_ =	shalt  }
0x5d: {  	_ =	shalt  }
0x5e: {  	_ =	shalt  }
0x5f: {  	_ =	shalt  }
0x60: {  	_ =	shalt  }
0x61: {  	_ =	shalt  }
0x62: {  	_ =	shalt  }
0x63: {  	_ =	shalt  }
0x64: {  	_ =	shalt  }
0x65: {  	_ =	shalt  }
0x66: {  	_ =	shalt  }
0x67: {  	_ =	shalt  }
0x68: {  	_ =	shalt  }
0x69: {  	_ =	shalt  }
0x6a: {  	_ =	shalt  }
0x6b: {  	_ =	shalt  }
0x6c: {  	_ =	shalt  }
0x6d: {  	_ =	shalt  }
0x6e: {  	_ =	shalt  }
0x6f: {  	_ =	shalt  }
0x70: {  	_ =	shalt  }
0x71: {  	_ =	shalt  }
0x72: {  	_ =	shalt  }
0x73: {  	_ =	shalt  }
0x74: {  	_ =	shalt  }
0x75: {  	_ =	shalt  }
0x76: {  	_ =	shalt  }
0x77: {  	_ =	shalt  }
0x78: {  	_ =	shalt  }
0x79: {  	_ =	shalt  }
0x7a: {  	_ =	shalt  }
0x7b: {  	_ =	shalt  }
0x7c: {  	_ =	shalt  }
0x7d: {  	_ =	shalt  }
0x7e: {  	_ =	shalt  }
0x7f: {  	_ =	shalt  }
0x80: {  	_ =	shalt  }
0x81: {  	_ =	shalt  }
0x82: {  	_ =	shalt  }
0x83: {  	_ =	shalt  }
0x84: {  	_ =	shalt  }
0x85: {  	_ =	shalt  }
0x86: {  	_ =	shalt  }
0x87: {  	_ =	shalt  }
.Lfunc_end0:
.L_simem_size_0:
called_computation.1_lowered:
.L_overlay_start_0:
0x88: {  	s2 =	sld [smem:$0x3FD9]  }
0x89: {  	s3 =	sld [smem:$0x3FFE];
	_ =	sdelay $0x1  }
0x8a: {  	s1 =	srdreg.scid  }
0x8b: {  	s0 =	sand.u32 $0x1, s1  }
0x8c: {  	s14 =	sshll.u32 s0, $0xA;
	s2 =	sadd.s32 s3, s2  }
0x8d: {  	s2 =	sadd.s32 s2, s14  }
0x8e: {  	[smem:$0x3F8D] =	sst s2  }
0x8f: {  	_ = 	snop  }
0x90: {  	s2 =	sld [smem:$0x3FD0];
	_ =	sdelay $0x2  }
0x91: {  	s15 =	simm.s32 $0xA;
	s4 =	simm.s32 $0x10  }
0x92: {  	[smem:s4], [sflag:s15] =	dma.local [hbm:s2], $0x1  }
0x93: {  	_ =	swait.eq [sflag:s15], $0x1  }
0x94: {  	[sflag:s15] =	ssyncset.done $0x0  }
0x95: {  	[sflag:s15] =	ssyncadd.s32 $0xFFFFFFFF  }
0x96: {  	s16 =	sld [smem:$0x11];
	(tm) =	ssettm $0x1  }
0x97: {  	s17 =	sld [smem:$0x3FFB];
	_ =	sdelay $0x3  }
0x98: {  	_ =	strace s17  }
0x99: {  	s3 =	sld [smem:$0x3FFC];
	_ =	sdelay $0x3  }
0x9a: {  	_ =	strace s3  }
0x9b: {  	s3 =	sld [smem:$0x3FFD];
	_ =	sdelay $0x3  }
0x9c: {  	_ =	strace s3  }
0x9d: {  	_ =	strace $0x8FFFFFFF  }
0x9e: {  	s18 =	sld [smem:$0x3FDB];
	_ =	sdelay $0x1  }
0x9f: {  	s19 =	simm.s32 $_scs_section_size  }
0xa0: {  	s5 =	simm.s32 $_size__tile_overlayer_lowered;
	s6 =	simm.s32 $_tile_overlayer_lowered  }
0xa1: {  	s22 =	simm.s32 $0x1BFF;
	s21 =	sshll.u32 s6, $0x1;
	s3 =	sadd.s32 s19, s18  }
0xa2: {  	s7 =	simm.s32 $0x0;
	s20 =	sshll.u32 s5, $0x1;
	s5 =	sadd.s32 s21, s3  }
0xa3: {  	[timem:s7], [sflag:s22] =	dma.local [hbm:s5], s20  }
0xa4: {  	_ =	swait.ge [sflag:s22], s20  }
0xa5: {  	s4 =	ssub.s32 $0x0, s20;
	[sflag:s22] =	ssyncset.done $0x0  }
0xa6: {  	[sflag:s22] =	ssyncadd.s32 s4;
	_ =	sdelay $0x1  }
0xa7: {  	s23 =	simm.s32 $0x1B8B  }
0xa8: {  	_ =	swait.ge [sflag:s23], $0x1  }
0xa9: {  	[sflag:s23] =	ssyncset.done $0x0  }
0xaa: {  	s25 =	simm.s32 $0x1B8E;
	s24 =	sld [smem:$0x3FFE];
	[sflag:s23] =	ssyncadd.s32 $0xFFFFFFFF  }
0xab: {  	s26 =	simm.s32 $execute0_lowered;
	[smem:$0x3FD2] =	sst s25  }
0xac: {  	s5 =	sshll.u32 s26, $0x1;
	_ =	strace $0x80000049;
	[dreg:$0x1] =	wrdreg $0xFFFFFFFF  }
0xad: {  	s28 =	simm.s32 $_size_execute0_lowered;
	s3 =	sadd.s32 s3, s5;
	[dreg:$0x0] =	wrdreg $0x0  }
0xae: {  	s5 =	sshll.u32 s28, $0x1;
	[dreg:$0x2] =	wrdreg s3  }
0xaf: {  	[dreg:$0x3] =	wrdreg s5  }
0xb0: {  	[dreg:$0x4] =	wrdreg $0xC0  }
0xb1: {  	_ =	task [dreg:s7], $0x5FFFF  }
0xb2: {  	[dreg:$0x1] =	wrdreg $0xFFFFFFFF  }
0xb3: {  	[dreg:$0x0] =	wrdreg $0x60  }
0xb4: {  	[dreg:$0x2] =	wrdreg s24  }
0xb5: {  	[dreg:$0x3] =	wrdreg s16  }
0xb6: {  	[dreg:$0x4] =	wrdreg $0x40800  }
0xb7: {  	[dreg:$0x5] =	wrdreg $0x9  }
0xb8: {  	_ =	task.clear_ibuf [dreg:s7], $0x6FFFF;
	_ =	strace $0x90000049  }
0xb9: {  	s29 =	simm.s32 $0x9;
	_ =	strace $0x8000004B  }
0xba: {  	_ =	swait.ge [sflag:s29], $0x1  }
0xbb: {  	[sflag:s29] =	ssyncadd.s32 $0xFFFFFFFF  }
0xbc: {  	_ =	strace $0x9000004B  }
0xbd: {  	_ =	sfence  }
0xbe: {  	s30 =	sld [smem:$0x0];
	_ =	sdelay $0x2  }
0xbf: {  	s31 =	sshll.u32 s1, $0xD;
	s1 =	sshrl.u32 s1, $0x2  }
0xc0: {  	s3 =	sand.u32 $0x4000, s31;
	s1 =	sadd.s32 s1, s30  }
0xc1: {  	s0 =	sor.u32 s3, s0;
	s1 =	sshll.u32 s1, $0x11  }
0xc2: {  	s0 =	sor.u32 s1, s0  }
0xc3: {  	s0 =	sadd.s32 $0x8F2B, s0  }
0xc4: {  	[sflag:s0] =	ssyncadd.remote.s32 $0x1  }
0xc5: {  	_ =	sfence.sel $0xFFFF  }
0xc6: {  	[dreg:$0x0] =	wrdreg $0xFFFFFFFF;
	(pc) =	sbr.abs _section_cstart, $3  }
0xc7: {  	[dreg:$0x1] =	wrdreg $0xFFFFFFFF  }
0xc8: {  	_ =	task.clear_ibuf [dreg:s7], $0x2FFFF;
	_ =	strace $0x9FFFFFFF  }
0xc9: {  	(tm) =	ssettm $0x7FFFFFFF  }
tec
execute0_lowered:
.L_overlay_start_1:
0x0: {  	(tag) =	ssettag $0x1  }
0x1: {  	s5 =	rddreg [dreg:$0x0]  }
0x2: {  	s16 =	rddreg [dreg:$0x1]  }
0x3: {  	s1 =	rddreg [dreg:$0x2]  }
0x4: {  	s0 =	rddreg [dreg:$0x3];
	s2 =	simm.s32 $0x0;
	s6 =	srdreg.scid  }
0x5: {  	s3 =	stileid.u32;
	[smem:$0x7FF] =	sst s2;
	s15 =	sadd.s32 $0xEFEE00, s5  }
0x6: {  	s17 =	sadd.s32 $0x116FE00, s5;
	s4 =	sadd.s32 $0x58E00, s5;
	s18 =	sand.u32 $0x1, s6  }
0x7: {  	s26 =	smul.u32 $0x4E000, s3;
	s10 =	sadd.s32 $0x5B600, s5;
	s13 =	sadd.s32 $0xA9800, s5  }
0x8: {  	s9 =	smul.u32 $0x13800, s3;
	s20 =	sshll.u32 s3, $0x8;
	s31 =	sshll.u32 s3, $0xC  }
0x9: {  	p1 =	seq.s32 s3, $0xF;
	p0 =	sne.s32 s3, $0x0;
	_ =	strace $0x8000004A  }
0xa: {  	s28 =	ssub.s32 $0x2, s18;
	s8 =	smul.u32 $0x138800, s18;
	s19 =	sshll.u32 s18, $0x7  }
0xb: {  	s18 =	sshll.u32 s18, $0xB;
	s7 =	sshrl.u32 s28, $0x1;
	s6 =	sshrl.u32 s26, $0x2  }
0xc: {  	s12 =	sor.u32 $0x27000, s19;
	s19 =	sor.u32 s19, s20;
	s20 =	simm.s32 $0x1FC1  }
0xd: {  	s14 =	ssub.s32 s28, s7;
	s5 =	sadd.s32 s6, s1;
	s6 =	sadd.s32 $0x124800, s1  }
0xe: {  	s29 =	sshrl.u32 s8, $0x3;
	s21 =	sshrl.u32 s12, $0x3;
	s9 =	sadd.s32 s9, s8  }
0xf: {  	s12 =	sshll.u32 s12, $0x4;
	s19 =	sshrl.u32 s19, $0x3;
	s11 =	sadd.s32 $0x24900, s29  }
0x10: {  	s8 =	sadd.s32 s16, s21;
	s30 =	sshrl.u32 s9, $0x3;
	s9 =	sadd.s32 s15, s12  }
.Ltmp0:
0x11: {  	s12 =	sadd.s32 s17, s12;
	s14 =	smax.u32 s14, $0x1;
	(pc) =	sbr.rel .LBB2_1-.Ltmp0, $4  }
0x12: {  	s15 =	sadd.s32 s31, s15;
	s17 =	sadd.s32 s31, s17;
	s16 =	sadd.s32 s19, s16  }
0x13: {  	s19 =	simm.s32 $0x80;
	s21 =	simm.s32 $0x0;
	s7 =	sadd.s32 s10, s11  }
0x14: {  	s10 =	sadd.s32 s10, s30;
	s11 =	sadd.s32 s13, s11;
	s13 =	sadd.s32 s13, s30  }
0x15: {  	s15 =	sadd.s32 s18, s15;
	s17 =	sadd.s32 s18, s17;
	s18 =	simm.s32 $0x1  }
.LBB2_14:
0x16: {  	s22 =	sshrl.u32 s6, $0x3  }
0x17: {  	[hbm:s11], [sflag:s20] =	dma.local [spmem:s22], $0x2800  }
0x18: {  	_ =	swait.ge [sflag:s18], $0x2800  }
0x19: {  	[sflag:s18] =	ssyncset.done $0x0  }
0x1a: {  	[sflag:s18] =	ssyncadd.s32 $0xFFFFD800  }
.LBB2_15:
0x1b: {  	s21 =	sadd.s32 $0x1, s21  }
0x1c: {  	p2 =	sne.s32 s21, s14  }
.Ltmp1:
0x1d: {  	_ = 	snop;
	(pc) =	sbr.rel @!p2 .LBB2_16-.Ltmp1, $1  }
0x1e: {  	_ =	sdelay $0x3  }
.LBB2_1:
0x1f: {  	s22 =	sshrl.u32 @p1 s6, $0x3;
	s23 =	simm.s32 @p1 $0x1FC1  }
0x20: {  	[spmem:s22], [sflag:s23] =	dma.local @p1 [hbm:s4], $0x2800  }
0x21: {  	s22 =	simm.s32 @p1 $0x1  }
0x22: {  	_ =	swait.ge @p1 [sflag:s22], $0x2800  }
0x23: {  	s23 =	sshll.u32 @!p1 s3, $0x6;
	[sflag:s22] =	ssyncset.done @p1 $0x0  }
0x24: {  	[sflag:s22] =	ssyncadd.s32 @p1 $0xFFFFD800;
	s22 =	sor.u32 @!p1 $0x1C01, s23;
	s23 =	sshrl.u32 @!p1 s5, $0x3  }
0x25: {  	[spmem:s23], [sflag:s22] =	dma.local @!p1 [hbm:s4], $0x2700  }
0x26: {  	s22 =	simm.s32 @!p1 $0x1  }
0x27: {  	_ =	swait.ge @!p1 [sflag:s22], $0x2700  }
0x28: {  	[sflag:s22] =	ssyncset.done @!p1 $0x0  }
0x29: {  	[sflag:s22] =	ssyncadd.s32 @!p1 $0xFFFFD900  }
0x2a: {  	s31 =	sadd.s32 $0x0, s16;
	[bflag:$0x0] =	sbarrier.arrive $0xFFFF  }
0x2b: {  	[tilespmem:s2], [sflag:$0x1] =	stream.linear.gather [hbm4b:s31+s2], $0x80, $0x38;
	[tilespmem:$0x17900] =	vst v63  }
0x2c: {  	_ =	swait.ge [sflag:s18], $0x80  }
0x2d: {  	[sflag:s18] =	ssyncset.done $0x0  }
0x2e: {  	[sflag:s18] =	ssyncadd.s32 $0xFFFFFF80  }
0x2f: {  	[tilespmem:s19], [sflag:$0x1] =	stream.linear.gather [hbm4b:s15+s2], $0x4000, $0x38;
	[tilespmem:$0x17900] =	vst v63  }
0x30: {  	_ =	swait.ge [sflag:s18], $0x4000  }
0x31: {  	[sflag:s18] =	ssyncset.done $0x0  }
0x32: {  	[sflag:s18] =	ssyncadd.s32 $0xFFFFC000  }
0x33: {  	[spmem:s1] =	stream.indirect.scatter.add.f32 [tilespmem:s19], [sflag:$0x1], $0x80, s2, s19, $0xb8;
	[tilespmem:$0x17900] =	vst v63  }
0x34: {  	s24 =	simm.s32 $0x400;
	_ =	swait.ge [sflag:s18], $0x4000  }
0x35: {  	s23 =	simm.s32 $0x200;
	s22 =	sadd.s32 $0x10000, s15;
	[sflag:s18] =	ssyncset.done $0x0  }
.LBB2_2:
0x36: {  	s25 =	sadd.s32 s23, s16  }
0x37: {  	[sflag:s18] =	ssyncadd.s32 $0xFFFFC000;
	s23 =	smov.u32 s24;
	s26 =	sadd.s32 $0x200, s24  }
0x38: {  	[tilespmem:s2], [sflag:$0x1] =	stream.linear.gather [hbm4b:s25+s2], $0x80, $0x38;
	[tilespmem:$0x17900] =	vst v63  }
0x39: {  	p2 =	sne.s32 s24, $0x4C00;
	_ =	swait.ge [sflag:s18], $0x80  }
0x3a: {  	[sflag:s18] =	ssyncset.done $0x0  }
0x3b: {  	[sflag:s18] =	ssyncadd.s32 $0xFFFFFF80  }
0x3c: {  	[tilespmem:s19], [sflag:$0x1] =	stream.linear.gather [hbm4b:s22+s2], $0x4000, $0x38;
	[tilespmem:$0x17900] =	vst v63  }
0x3d: {  	_ =	swait.ge [sflag:s18], $0x4000  }
.Ltmp2:
0x3e: {  	[sflag:s18] =	ssyncset.done $0x0;
	(pc) =	sbr.rel @p2 .LBB2_2-.Ltmp2, $4  }
0x3f: {  	[sflag:s18] =	ssyncadd.s32 $0xFFFFC000  }
0x40: {  	[spmem:s1] =	stream.indirect.scatter.add.f32 [tilespmem:s19], [sflag:$0x1], $0x80, s2, s19, $0xb8;
	[tilespmem:$0x17900] =	vst v63  }
0x41: {  	_ =	swait.ge [sflag:s18], $0x4000  }
0x42: {  	s24 =	smov.u32 s26;
	s22 =	sadd.s32 $0x10000, s22;
	[sflag:s18] =	ssyncset.done $0x0  }
0x43: {  	s23 =	sadd.s32 s23, s16;
	[sflag:s18] =	ssyncadd.s32 $0xFFFFC000  }
0x44: {  	[tilespmem:s2], [sflag:$0x1] =	stream.linear.gather [hbm4b:s23+s2], $0x80, $0x38;
	[tilespmem:$0x17900] =	vst v63  }
0x45: {  	_ =	swait.ge [sflag:s18], $0x80  }
0x46: {  	[sflag:s18] =	ssyncset.done $0x0  }
0x47: {  	[sflag:s18] =	ssyncadd.s32 $0xFFFFFF80  }
0x48: {  	[tilespmem:s19], [sflag:$0x1] =	stream.linear.gather [hbm4b:s22+s2], $0x4000, $0x38;
	[tilespmem:$0x17900] =	vst v63  }
0x49: {  	_ =	swait.ge [sflag:s18], $0x4000  }
0x4a: {  	[sflag:s18] =	ssyncset.done $0x0  }
.Ltmp3:
0x4b: {  	[sflag:s18] =	ssyncadd.s32 $0xFFFFC000;
	(pc) =	sbr.rel @!p0 .LBB2_4-.Ltmp3, $4  }
0x4c: {  	[spmem:s1] =	stream.indirect.scatter.add.f32 [tilespmem:s19], [sflag:$0x1], $0x80, s2, s19, $0xb8;
	[tilespmem:$0x17900] =	vst v63  }
0x4d: {  	_ =	swait.ge [sflag:s18], $0x4000  }
0x4e: {  	[sflag:s18] =	ssyncset.done $0x0  }
0x4f: {  	[sflag:s18] =	ssyncadd.s32 $0xFFFFC000  }
.Ltmp4:
0x50: {  	(pc) =	sbr.rel @!p1 .LBB2_6-.Ltmp4, $2  }
0x51: {  	_ =	sdelay $0x1  }
0x52: {  	[bflag:$0x0] =	sbarrier.arrive $0xFFFF;
	_ =	sdelay $0x1  }
0x53: {  	s22 =	sshrl.u32 s6, $0x3  }
0x54: {  	[hbm:s7], [sflag:s20] =	dma.local [spmem:s22], $0x2800  }
0x55: {  	_ =	swait.ge [sflag:s18], $0x2800  }
0x56: {  	[sflag:s18] =	ssyncset.done $0x0  }
.Ltmp5:
0x57: {  	[sflag:s18] =	ssyncadd.s32 $0xFFFFD800;
	(pc) =	sbr.rel .LBB2_8-.Ltmp5, $4  }
0x58: {  	[spmem:s22], [sflag:s20] =	dma.local [hbm:s4], $0x2800  }
0x59: {  	_ =	swait.ge [sflag:s18], $0x2800  }
0x5a: {  	[sflag:s18] =	ssyncset.done $0x0  }
0x5b: {  	[sflag:s18] =	ssyncadd.s32 $0xFFFFD800  }
.LBB2_4:
0x5c: {  	[tilespmem:s2], [sflag:$0x1] =	stream.linear.gather [hbm4b:s8+s2], $0x80, $0x38;
	[tilespmem:$0x17900] =	vst v63  }
0x5d: {  	_ =	swait.ge [sflag:s18], $0x80  }
0x5e: {  	[sflag:s18] =	ssyncset.done $0x0  }
0x5f: {  	[sflag:s18] =	ssyncadd.s32 $0xFFFFFF80  }
0x60: {  	[tilespmem:s19], [sflag:$0x1] =	stream.linear.gather [hbm4b:s9+s2], $0x4000, $0x38;
	[tilespmem:$0x17900] =	vst v63  }
0x61: {  	_ =	swait.ge [sflag:s18], $0x4000  }
0x62: {  	[sflag:s18] =	ssyncset.done $0x0  }
0x63: {  	[sflag:s18] =	ssyncadd.s32 $0xFFFFC000  }
0x64: {  	[spmem:s1] =	stream.indirect.scatter.add.f32 [tilespmem:s19], [sflag:$0x1], $0x80, s2, s19, $0xb8;
	[tilespmem:$0x17900] =	vst v63  }
0x65: {  	_ =	swait.ge [sflag:s18], $0x4000  }
0x66: {  	[sflag:s18] =	ssyncset.done $0x0  }
0x67: {  	[sflag:s18] =	ssyncadd.s32 $0xFFFFC000  }
0x68: {  	[bflag:$0x0] =	sbarrier.arrive $0xFFFF  }
.LBB2_6:
0x69: {  	s22 =	sshll.u32 s3, $0x6  }
0x6a: {  	s23 =	sshrl.u32 s5, $0x3;
	s22 =	sor.u32 $0x1C01, s22  }
0x6b: {  	[hbm:s10], [sflag:s22] =	dma.local [spmem:s23], $0x2700  }
0x6c: {  	_ =	swait.ge [sflag:s18], $0x2700  }
0x6d: {  	[sflag:s18] =	ssyncset.done $0x0  }
0x6e: {  	[sflag:s18] =	ssyncadd.s32 $0xFFFFD900  }
0x6f: {  	[spmem:s23], [sflag:s22] =	dma.local [hbm:s4], $0x2700  }
0x70: {  	_ =	swait.ge [sflag:s18], $0x2700  }
0x71: {  	[sflag:s18] =	ssyncset.done $0x0  }
0x72: {  	[sflag:s18] =	ssyncadd.s32 $0xFFFFD900  }
.LBB2_8:
0x73: {  	[bflag:$0x0] =	sbarrier.arrive $0xFFFF;
	s22 =	sadd.s32 $0x0, s16  }
0x74: {  	[tilespmem:s2], [sflag:$0x1] =	stream.linear.gather [hbm4b:s22+s2], $0x80, $0x38;
	[tilespmem:$0x17900] =	vst v63  }
0x75: {  	_ =	swait.ge [sflag:s18], $0x80  }
0x76: {  	[sflag:s18] =	ssyncset.done $0x0  }
0x77: {  	[sflag:s18] =	ssyncadd.s32 $0xFFFFFF80  }
0x78: {  	[tilespmem:s19], [sflag:$0x1] =	stream.linear.gather [hbm4b:s17+s2], $0x4000, $0x38;
	[tilespmem:$0x17900] =	vst v63  }
0x79: {  	_ =	swait.ge [sflag:s18], $0x4000  }
0x7a: {  	[sflag:s18] =	ssyncset.done $0x0  }
0x7b: {  	[sflag:s18] =	ssyncadd.s32 $0xFFFFC000  }
0x7c: {  	[spmem:s1] =	stream.indirect.scatter.add.f32 [tilespmem:s19], [sflag:$0x1], $0x80, s2, s19, $0xb8;
	[tilespmem:$0x17900] =	vst v63  }
0x7d: {  	s23 =	simm.s32 $0x200;
	_ =	swait.ge [sflag:s18], $0x4000  }
0x7e: {  	s24 =	simm.s32 $0x400;
	s22 =	sadd.s32 $0x10000, s17;
	[sflag:s18] =	ssyncset.done $0x0  }
.LBB2_9:
0x7f: {  	s25 =	sadd.s32 s23, s16  }
0x80: {  	[sflag:s18] =	ssyncadd.s32 $0xFFFFC000;
	s23 =	smov.u32 s24;
	s26 =	sadd.s32 $0x200, s24  }
0x81: {  	[tilespmem:s2], [sflag:$0x1] =	stream.linear.gather [hbm4b:s25+s2], $0x80, $0x38;
	[tilespmem:$0x17900] =	vst v63  }
0x82: {  	p2 =	sne.s32 s24, $0x4C00;
	_ =	swait.ge [sflag:s18], $0x80  }
0x83: {  	[sflag:s18] =	ssyncset.done $0x0  }
0x84: {  	[sflag:s18] =	ssyncadd.s32 $0xFFFFFF80  }
0x85: {  	[tilespmem:s19], [sflag:$0x1] =	stream.linear.gather [hbm4b:s22+s2], $0x4000, $0x38;
	[tilespmem:$0x17900] =	vst v63  }
0x86: {  	_ =	swait.ge [sflag:s18], $0x4000  }
.Ltmp6:
0x87: {  	[sflag:s18] =	ssyncset.done $0x0;
	(pc) =	sbr.rel @p2 .LBB2_9-.Ltmp6, $4  }
0x88: {  	[sflag:s18] =	ssyncadd.s32 $0xFFFFC000  }
0x89: {  	[spmem:s1] =	stream.indirect.scatter.add.f32 [tilespmem:s19], [sflag:$0x1], $0x80, s2, s19, $0xb8;
	[tilespmem:$0x17900] =	vst v63  }
0x8a: {  	_ =	swait.ge [sflag:s18], $0x4000  }
0x8b: {  	s24 =	smov.u32 s26;
	s22 =	sadd.s32 $0x10000, s22;
	[sflag:s18] =	ssyncset.done $0x0  }
0x8c: {  	s23 =	sadd.s32 s23, s16;
	[sflag:s18] =	ssyncadd.s32 $0xFFFFC000  }
0x8d: {  	[tilespmem:s2], [sflag:$0x1] =	stream.linear.gather [hbm4b:s23+s2], $0x80, $0x38;
	[tilespmem:$0x17900] =	vst v63  }
0x8e: {  	_ =	swait.ge [sflag:s18], $0x80  }
0x8f: {  	[sflag:s18] =	ssyncset.done $0x0  }
0x90: {  	[sflag:s18] =	ssyncadd.s32 $0xFFFFFF80  }
0x91: {  	[tilespmem:s19], [sflag:$0x1] =	stream.linear.gather [hbm4b:s22+s2], $0x4000, $0x38;
	[tilespmem:$0x17900] =	vst v63  }
0x92: {  	_ =	swait.ge [sflag:s18], $0x4000  }
0x93: {  	[sflag:s18] =	ssyncset.done $0x0  }
.Ltmp7:
0x94: {  	[sflag:s18] =	ssyncadd.s32 $0xFFFFC000;
	(pc) =	sbr.rel @!p0 .LBB2_11-.Ltmp7, $4  }
0x95: {  	[spmem:s1] =	stream.indirect.scatter.add.f32 [tilespmem:s19], [sflag:$0x1], $0x80, s2, s19, $0xb8;
	[tilespmem:$0x17900] =	vst v63  }
0x96: {  	_ =	swait.ge [sflag:s18], $0x4000  }
0x97: {  	[sflag:s18] =	ssyncset.done $0x0  }
0x98: {  	[sflag:s18] =	ssyncadd.s32 $0xFFFFC000  }
.Ltmp8:
0x99: {  	(pc) =	sbr.rel @p1 .LBB2_14-.Ltmp8, $4  }
.Ltmp9:
0x9a: {  	(pc) =	sbr.rel @!p1 .LBB2_13-.Ltmp9, $4  }
0x9b: {  	_ = 	snop  }
0x9c: {  	[bflag:$0x0] =	sbarrier.arrive $0xFFFF  }
0x9d: {  	_ = 	snop  }
0x9e: {  	_ = 	snop  }
.LBB2_11:
0x9f: {  	[tilespmem:s2], [sflag:$0x1] =	stream.linear.gather [hbm4b:s8+s2], $0x80, $0x38;
	[tilespmem:$0x17900] =	vst v63  }
0xa0: {  	_ =	swait.ge [sflag:s18], $0x80  }
0xa1: {  	[sflag:s18] =	ssyncset.done $0x0  }
0xa2: {  	[sflag:s18] =	ssyncadd.s32 $0xFFFFFF80  }
0xa3: {  	[tilespmem:s19], [sflag:$0x1] =	stream.linear.gather [hbm4b:s12+s2], $0x4000, $0x38;
	[tilespmem:$0x17900] =	vst v63  }
0xa4: {  	_ =	swait.ge [sflag:s18], $0x4000  }
0xa5: {  	[sflag:s18] =	ssyncset.done $0x0  }
0xa6: {  	[sflag:s18] =	ssyncadd.s32 $0xFFFFC000  }
0xa7: {  	[spmem:s1] =	stream.indirect.scatter.add.f32 [tilespmem:s19], [sflag:$0x1], $0x80, s2, s19, $0xb8;
	[tilespmem:$0x17900] =	vst v63  }
0xa8: {  	_ =	swait.ge [sflag:s18], $0x4000  }
0xa9: {  	[sflag:s18] =	ssyncset.done $0x0  }
0xaa: {  	[sflag:s18] =	ssyncadd.s32 $0xFFFFC000  }
0xab: {  	[bflag:$0x0] =	sbarrier.arrive $0xFFFF  }
.LBB2_13:
0xac: {  	s22 =	sshll.u32 s3, $0x6  }
.Ltmp10:
0xad: {  	s23 =	sshrl.u32 s5, $0x3;
	s22 =	sor.u32 $0x1C01, s22;
	(pc) =	sbr.rel .LBB2_15-.Ltmp10, $4  }
0xae: {  	[hbm:s13], [sflag:s22] =	dma.local [spmem:s23], $0x2700  }
0xaf: {  	_ =	swait.ge [sflag:s18], $0x2700  }
0xb0: {  	[sflag:s18] =	ssyncset.done $0x0  }
0xb1: {  	[sflag:s18] =	ssyncadd.s32 $0xFFFFD900  }
.LBB2_16:
0xb2: {  	_ =	sfence.sel $0x180000  }
0xb3: {  	[bflag:$0x0] =	sbarrier.arrive $0xFFFF  }
0xb4: {  	_ =	strace $0x9000004A  }
0xb5: {  	s0 =	sadd.s32 @!p0 $0x100000, s0;
	[bflag:$0x2] =	sbarrier.arrive $0xFFFF  }
0xb6: {  	[sflag:s0] =	ssyncadd.tile.s32 @!p0 $0x1;
	_ =	shalt  }
.Lfunc_end2:
_tile_overlayer_lowered:
.L_overlay_start_2:
0xb7: {  	(tag) =	ssettag $0x2  }
0xb8: {  	s0 =	rddreg [dreg:$0x0];
	s2 =	stileid.u32  }
0xb9: {  	s1 =	rddreg [dreg:$0x1];
	p0 =	sne.s32 s2, $0x0  }
0xba: {  	s3 =	rddreg [dreg:$0x2];
	[bflag:$0x3] =	sbarrier.arrive $0xFFFF;
	s2 =	simm.s32 @!p0 $0x1C01  }
0xbb: {  	[timem:s3], [sflag:s2] =	dma.local @!p0 [hbm:s0], s1  }
0xbc: {  	s0 =	simm.s32 @!p0 $0x1  }
0xbd: {  	_ =	swait.ge @!p0 [sflag:s0], s1  }
0xbe: {  	s1 =	ssub.s32 @!p0 $0x0, s1;
	[sflag:s0] =	ssyncset.done @!p0 $0x0  }
0xbf: {  	[sflag:s0] =	ssyncadd.s32 @!p0 s1  }
0xc0: {  	[bflag:$0x3] =	sbarrier.arrive $0xFFFF  }
0xc1: {  	_ =	shalt  }

// kernel: kernel.17.cloned.1.call-start
scs
__scs_entry_jumppad:
0x0: {  	(pc) =	sbr.rel $0x88, $3  }
0x1: {  	(tag) =	ssettag $0x0;
	lr =	simm.s32 $0x1  }
0x2: {  	[smem:$0x3F66] =	sst lr;
	_ =	strace $0xD0000000  }
0x3: {  	_ = 	snop  }
0x4: {  	_ = 	snop  }
0x5: {  	_ = 	snop  }
0x6: {  	_ = 	snop  }
0x7: {  	_ = 	snop  }
__scs_overlays_trampoline_lowered:
0x8: {  	[smem:$0x3F75] =	sst s0  }
0x9: {  	[smem:$0x3F76] =	sst s1  }
0xa: {  	[smem:$0x3F77] =	sst s2  }
0xb: {  	[smem:$0x3F78] =	sst s3  }
0xc: {  	[smem:$0x3F79] =	sst s4  }
0xd: {  	[smem:$0x3F7A] =	sst s5  }
0xe: {  	[smem:$0x3F7B] =	sst s6  }
0xf: {  	[smem:$0x3F7C] =	sst s7  }
0x10: {  	[smem:$0x3F7D] =	sst s8  }
0x11: {  	[smem:$0x3F7E] =	sst s9;
	s0 =	simm.s32 @!p0 $0x0  }
0x12: {  	s1 =	sld [smem:$0x3F64];
	s0 =	simm.s32 @p0 $0x1  }
0x13: {  	[smem:$0x3F7F] =	sst s0;
	s0 =	simm.s32 @!p1 $0x0  }
0x14: {  	s2 =	sld [smem:$0x3F63];
	s0 =	simm.s32 @p1 $0x1  }
0x15: {  	[smem:$0x3F80] =	sst s0;
	s0 =	simm.s32 @!p2 $0x0  }
0x16: {  	s3 =	sld [smem:$0x3FDB];
	s0 =	simm.s32 @p2 $0x1  }
0x17: {  	s4 =	simm.s32 $0x1BF5;
	[smem:$0x3F82] =	sst s0  }
0x18: {  	s0 =	sld [smem:$0x3F65];
	_ =	swait.ge [sflag:s4], $0x0  }
0x19: {  	s7 =	sld [smem:$0x3F66]  }
0x1a: {  	s8 =	sadd.s32 $0xFFFFE003, lr  }
0x1b: {  	s9 =	sadd.s32 $0xFFFFFEF7, lr;
	s5 =	simm.s32 $0xFFFFFFFF;
	p2 =	slt.u32 s8, $0xFFFFF086  }
0x1c: {  	p1 =	slt.u32 s9, $0xF7A;
	s5 =	simm.s32 @!p2 $0x0  }
0x1d: {  	s5 =	simm.s32 @p1 $0x1;
	p0 =	seq.s32 s7, s2  }
0x1e: {  	s7 =	smul.u32 @!p0 $0xF7A, s2;
	p2 =	seq.s32 @!p0 s5, $0x0  }
0x1f: {  	s9 =	smul.u32 $0xF7A, s1;
	s8 =	simm.s32 @!p0 $0x1BF5;
	p2 =	por !p2, p0  }
0x20: {  	[sflag:s8] =	ssyncset.s32 @!p0 $0xFFFFF086;
	s6 =	sadd.s32 @!p0 s3, s7;
	s7 =	simm.s32 @!p0 $0x108  }
0x21: {  	s3 =	sadd.s32 s3, s9;
	s6 =	sadd.s32 @!p0 $0x88, s6;
	s7 =	simm.s32 @p2 $0x1082  }
0x22: {  	[simem:s7], [sflag:s8] =	dma.local @!p0 [hbm:s6], $0xF7A  }
0x23: {  	s9 =	sor.u32 $0xD0000000, s2;
	s6 =	simm.s32 $0x108;
	_ =	swait.ge @!p0 [sflag:s8], $0x0  }
0x24: {  	s3 =	sadd.s32 $0x88, s3;
	s6 =	simm.s32 @!p1 $0x1082;
	[sflag:s4] =	ssyncset.s32 $0xFFFFF086  }
0x25: {  	[simem:s6], [sflag:s4] =	dma.local [hbm:s3], $0xF7A  }
0x26: {  	[smem:$0x3F66] =	sst s1;
	(tag) =	ssettag s2;
	_ =	strace s9  }
0x27: {  	s1 =	sld [smem:$0x3F76]  }
0x28: {  	s2 =	sld [smem:$0x3F77]  }
0x29: {  	s4 =	sld [smem:$0x3F79]  }
0x2a: {  	p0 =	seq.s32 s5, $0x0;
	s5 =	sld [smem:$0x3F7A]  }
0x2b: {  	s6 =	sld [smem:$0x3F7B]  }
0x2c: {  	s7 =	sld [smem:$0x3F7C]  }
0x2d: {  	s3 =	simm.s32 $0x108;
	s8 =	sld [smem:$0x3F7D]  }
0x2e: {  	s3 =	simm.s32 @!p0 $0x1082;
	s9 =	sld [smem:$0x3F7E]  }
0x2f: {  	lr =	sadd.s32 s0, s3;
	s0 =	sld [smem:$0x3F75]  }
0x30: {  	s3 =	sld [smem:$0x3F78]  }
0x31: {  	[smem:$0x3F81] =	sst s10  }
0x32: {  	s10 =	sld [smem:$0x3F7F];
	_ =	sdelay $0x3  }
0x33: {  	p0 =	seq.s32 s10, $0x1;
	s10 =	sld [smem:$0x3F81];
	_ =	sdelay $0x3  }
0x34: {  	[smem:$0x3F81] =	sst s10  }
0x35: {  	s10 =	sld [smem:$0x3F80];
	_ =	sdelay $0x3  }
0x36: {  	p1 =	seq.s32 s10, $0x1;
	s10 =	sld [smem:$0x3F81];
	_ =	sdelay $0x3  }
0x37: {  	[smem:$0x3F81] =	sst s10  }
0x38: {  	s10 =	sld [smem:$0x3F82]  }
0x39: {  	_ = 	snop;
	(pc) =	sbr.ind lr, $3  }
0x3a: {  	_ = 	snop  }
0x3b: {  	_ = 	snop  }
0x3c: {  	p2 =	seq.s32 s10, $0x1;
	s10 =	sld [smem:$0x3F81]  }
0x3d: {  	_ =	shalt  }
0x3e: {  	_ =	shalt  }
0x3f: {  	_ =	shalt  }
0x40: {  	_ =	shalt  }
0x41: {  	_ =	shalt  }
0x42: {  	_ =	shalt  }
0x43: {  	_ =	shalt  }
0x44: {  	_ =	shalt  }
0x45: {  	_ =	shalt  }
0x46: {  	_ =	shalt  }
0x47: {  	_ =	shalt  }
0x48: {  	_ =	shalt  }
0x49: {  	_ =	shalt  }
0x4a: {  	_ =	shalt  }
0x4b: {  	_ =	shalt  }
0x4c: {  	_ =	shalt  }
0x4d: {  	_ =	shalt  }
0x4e: {  	_ =	shalt  }
0x4f: {  	_ =	shalt  }
0x50: {  	_ =	shalt  }
0x51: {  	_ =	shalt  }
0x52: {  	_ =	shalt  }
0x53: {  	_ =	shalt  }
0x54: {  	_ =	shalt  }
0x55: {  	_ =	shalt  }
0x56: {  	_ =	shalt  }
0x57: {  	_ =	shalt  }
0x58: {  	_ =	shalt  }
0x59: {  	_ =	shalt  }
0x5a: {  	_ =	shalt  }
0x5b: {  	_ =	shalt  }
0x5c: {  	_ =	shalt  }
0x5d: {  	_ =	shalt  }
0x5e: {  	_ =	shalt  }
0x5f: {  	_ =	shalt  }
0x60: {  	_ =	shalt  }
0x61: {  	_ =	shalt  }
0x62: {  	_ =	shalt  }
0x63: {  	_ =	shalt  }
0x64: {  	_ =	shalt  }
0x65: {  	_ =	shalt  }
0x66: {  	_ =	shalt  }
0x67: {  	_ =	shalt  }
0x68: {  	_ =	shalt  }
0x69: {  	_ =	shalt  }
0x6a: {  	_ =	shalt  }
0x6b: {  	_ =	shalt  }
0x6c: {  	_ =	shalt  }
0x6d: {  	_ =	shalt  }
0x6e: {  	_ =	shalt  }
0x6f: {  	_ =	shalt  }
0x70: {  	_ =	shalt  }
0x71: {  	_ =	shalt  }
0x72: {  	_ =	shalt  }
0x73: {  	_ =	shalt  }
0x74: {  	_ =	shalt  }
0x75: {  	_ =	shalt  }
0x76: {  	_ =	shalt  }
0x77: {  	_ =	shalt  }
0x78: {  	_ =	shalt  }
0x79: {  	_ =	shalt  }
0x7a: {  	_ =	shalt  }
0x7b: {  	_ =	shalt  }
0x7c: {  	_ =	shalt  }
0x7d: {  	_ =	shalt  }
0x7e: {  	_ =	shalt  }
0x7f: {  	_ =	shalt  }
0x80: {  	_ =	shalt  }
0x81: {  	_ =	shalt  }
0x82: {  	_ =	shalt  }
0x83: {  	_ =	shalt  }
0x84: {  	_ =	shalt  }
0x85: {  	_ =	shalt  }
0x86: {  	_ =	shalt  }
0x87: {  	_ =	shalt  }
.Lfunc_end0:
.L_simem_size_0:
called_computation.2_lowered:
.L_overlay_start_0:
0x88: {  	s2 =	sld [smem:$0x3FD9]  }
0x89: {  	s3 =	sld [smem:$0x3FFE];
	_ =	sdelay $0x1  }
0x8a: {  	s1 =	srdreg.scid  }
0x8b: {  	s0 =	sand.u32 $0x1, s1  }
0x8c: {  	s14 =	sshll.u32 s0, $0xA;
	s2 =	sadd.s32 s3, s2  }
0x8d: {  	s2 =	sadd.s32 s2, s14  }
0x8e: {  	[smem:$0x3F8D] =	sst s2  }
0x8f: {  	_ = 	snop  }
0x90: {  	s2 =	sld [smem:$0x3FD0];
	_ =	sdelay $0x2  }
0x91: {  	s15 =	simm.s32 $0xA;
	s4 =	simm.s32 $0x10  }
0x92: {  	[smem:s4], [sflag:s15] =	dma.local [hbm:s2], $0x1  }
0x93: {  	_ =	swait.eq [sflag:s15], $0x1  }
0x94: {  	[sflag:s15] =	ssyncset.done $0x0  }
0x95: {  	s16 =	sld [smem:$0x10];
	[sflag:s15] =	ssyncadd.s32 $0xFFFFFFFF  }
0x96: {  	s17 =	sld [smem:$0x11];
	(tm) =	ssettm $0x1  }
0x97: {  	s18 =	sld [smem:$0x3FFB];
	_ =	sdelay $0x3  }
0x98: {  	_ =	strace s18  }
0x99: {  	s4 =	sld [smem:$0x3FFC];
	_ =	sdelay $0x3  }
0x9a: {  	_ =	strace s4  }
0x9b: {  	s4 =	sld [smem:$0x3FFD];
	_ =	sdelay $0x3  }
0x9c: {  	_ =	strace s4  }
0x9d: {  	_ =	strace $0x8FFFFFFF  }
0x9e: {  	s19 =	sld [smem:$0x3FDB];
	_ =	sdelay $0x1  }
0x9f: {  	s5 =	simm.s32 $_scs_section_size  }
0xa0: {  	s6 =	simm.s32 $_size__tile_overlayer_lowered;
	s7 =	simm.s32 $_tile_overlayer_lowered  }
0xa1: {  	s22 =	simm.s32 $0x1BFF;
	s21 =	sshll.u32 s7, $0x1;
	s4 =	sadd.s32 s5, s19  }
0xa2: {  	s8 =	simm.s32 $0x0;
	s20 =	sshll.u32 s6, $0x1;
	s6 =	sadd.s32 s21, s4  }
0xa3: {  	[timem:s8], [sflag:s22] =	dma.local [hbm:s6], s20  }
0xa4: {  	_ =	swait.ge [sflag:s22], s20  }
0xa5: {  	s5 =	ssub.s32 $0x0, s20;
	[sflag:s22] =	ssyncset.done $0x0  }
0xa6: {  	[sflag:s22] =	ssyncadd.s32 s5;
	_ =	sdelay $0x1  }
0xa7: {  	s23 =	simm.s32 $0x1B8B  }
0xa8: {  	_ =	swait.ge [sflag:s23], $0x1  }
0xa9: {  	[sflag:s23] =	ssyncset.done $0x0  }
0xaa: {  	s25 =	simm.s32 $0x1B8E;
	s24 =	sld [smem:$0x3FFE];
	[sflag:s23] =	ssyncadd.s32 $0xFFFFFFFF  }
0xab: {  	s26 =	simm.s32 $execute0_lowered;
	[smem:$0x3FD2] =	sst s25  }
0xac: {  	s6 =	sshll.u32 s26, $0x1;
	_ =	strace $0x8000004C;
	[dreg:$0x1] =	wrdreg $0xFFFFFFFF  }
0xad: {  	s28 =	simm.s32 $_size_execute0_lowered;
	s4 =	sadd.s32 s4, s6;
	[dreg:$0x0] =	wrdreg $0x0  }
0xae: {  	s6 =	sshll.u32 s28, $0x1;
	[dreg:$0x2] =	wrdreg s4  }
0xaf: {  	[dreg:$0x3] =	wrdreg s6  }
0xb0: {  	[dreg:$0x4] =	wrdreg $0xC0  }
0xb1: {  	_ =	task [dreg:s8], $0x5FFFF  }
0xb2: {  	[dreg:$0x1] =	wrdreg $0xFFFFFFFF  }
0xb3: {  	[dreg:$0x0] =	wrdreg $0x60  }
0xb4: {  	[dreg:$0x2] =	wrdreg s24  }
0xb5: {  	[dreg:$0x3] =	wrdreg s16  }
0xb6: {  	[dreg:$0x4] =	wrdreg s17  }
0xb7: {  	[dreg:$0x5] =	wrdreg $0x9  }
0xb8: {  	_ =	task.clear_ibuf [dreg:s8], $0x6FFFF;
	_ =	strace $0x9000004C  }
0xb9: {  	s29 =	simm.s32 $0x9;
	_ =	strace $0x8000004E  }
0xba: {  	_ =	swait.ge [sflag:s29], $0x1  }
0xbb: {  	[sflag:s29] =	ssyncadd.s32 $0xFFFFFFFF  }
0xbc: {  	_ =	strace $0x9000004E  }
0xbd: {  	_ =	sfence  }
0xbe: {  	s30 =	sld [smem:$0x0];
	_ =	sdelay $0x2  }
0xbf: {  	s31 =	sshll.u32 s1, $0xD;
	s1 =	sshrl.u32 s1, $0x2  }
0xc0: {  	s3 =	sand.u32 $0x4000, s31;
	s1 =	sadd.s32 s1, s30  }
0xc1: {  	s0 =	sor.u32 s3, s0;
	s1 =	sshll.u32 s1, $0x11  }
0xc2: {  	s0 =	sor.u32 s1, s0  }
0xc3: {  	s0 =	sadd.s32 $0x8F2B, s0  }
0xc4: {  	[sflag:s0] =	ssyncadd.remote.s32 $0x1  }
0xc5: {  	_ =	sfence.sel $0xFFFF  }
0xc6: {  	[dreg:$0x0] =	wrdreg $0xFFFFFFFF;
	(pc) =	sbr.abs _section_cstart, $3  }
0xc7: {  	[dreg:$0x1] =	wrdreg $0xFFFFFFFF  }
0xc8: {  	_ =	task.clear_ibuf [dreg:s8], $0x2FFFF;
	_ =	strace $0x9FFFFFFF  }
0xc9: {  	(tm) =	ssettm $0x7FFFFFFF  }
tec
execute0_lowered:
.L_overlay_start_1:
0x0: {  	(tag) =	ssettag $0x1  }
0x1: {  	s0 =	rddreg [dreg:$0x0]  }
0x2: {  	s3 =	rddreg [dreg:$0x1]  }
0x3: {  	s4 =	rddreg [dreg:$0x2];
	s1 =	simm.s32 $0x0  }
0x4: {  	s2 =	srdreg.scid;
	s11 =	stileid.u32;
	s17 =	simm.s32 $0x1  }
0x5: {  	[smem:$0x7FF] =	sst s1;
	s5 =	sand.u32 $0x1, s2;
	s2 =	sadd.s32 $0xAC00, s0  }
0x6: {  	s6 =	sadd.s32 $0x5B600, s0;
	s0 =	sadd.s32 $0xEFEE00, s0;
	s9 =	sshll.u32 s5, $0x7  }
0x7: {  	s10 =	sshll.u32 s11, $0x8;
	s7 =	ssub.s32 $0x2, s5;
	s28 =	sor.u32 $0x27000, s9  }
0x8: {  	s30 =	sshll.u32 s11, $0xD;
	s8 =	sshrl.u32 s7, $0x1;
	s12 =	sshrl.u32 s28, $0x3  }
0x9: {  	_ =	strace $0x8000004D;
	s7 =	ssub.s32 s7, s8;
	s13 =	sadd.s32 s3, s12  }
0xa: {  	s8 =	sshll.u32 s28, $0x5;
	s12 =	sadd.s32 s4, s12;
	[dreg:$0x6] =	wrdreg s13  }
0xb: {  	s5 =	sshll.u32 s5, $0xC;
	s29 =	sadd.s32 s6, s8;
	[dreg:$0x7] =	wrdreg s12  }
0xc: {  	s9 =	sor.u32 s9, s10;
	s8 =	sadd.s32 s0, s8;
	[dreg:$0x8] =	wrdreg s29  }
0xd: {  	s9 =	sshrl.u32 s9, $0x3;
	s7 =	smax.u32 s7, $0x1;
	[dreg:$0x9] =	wrdreg s8  }
.Ltmp0:
0xe: {  	s4 =	sadd.s32 s9, s4;
	[dreg:$0xa] =	wrdreg s7;
	(pc) =	sbr.rel .LBB2_1-.Ltmp0, $4  }
0xf: {  	s6 =	sadd.s32 s30, s6;
	s3 =	sadd.s32 s9, s3;
	[dreg:$0x4] =	wrdreg s4  }
0x10: {  	v2 =	vlaneseq.u32;
	s0 =	sadd.s32 s30, s0;
	s6 =	sadd.s32 s5, s6;
	[dreg:$0x5] =	wrdreg s3  }
0x11: {  	vm0 =	vmmov $0xffff;
	s31 =	simm.s32 $0x0;
	v1 =	vshrl.u32 v2, $0x3;
	s0 =	sadd.s32 s5, s0;
	[dreg:$0xb] =	wrdreg s6  }
0x12: {  	p0 =	sne.s32 s11, $0x0;
	v0 =	vand.u32 $0x7, v2;
	v2 =	vor.u32 $0x8, v2;
	v1 =	vmul.u32 $0x8, v1;
	s10 =	simm.s32 $0x2;
	[dreg:$0xc] =	wrdreg s0  }
.LBB2_5:
0x13: {  	s31 =	sadd.s32 $0x1, s31;
	s18 =	rddreg [dreg:$0xa]  }
0x14: {  	p1 =	sne.s32 s31, s18  }
.Ltmp1:
0x15: {  	_ = 	snop;
	(pc) =	sbr.rel @!p1 .LBB2_6-.Ltmp1, $1  }
0x16: {  	_ =	sdelay $0x3  }
.LBB2_1:
0x17: {  	[dreg:$0xd] =	wrdreg s31  }
0x18: {  	s18 =	rddreg [dreg:$0xc]  }
0x19: {  	s19 =	rddreg [dreg:$0xb];
	s4 =	simm.s32 $0x5900  }
0x1a: {  	s5 =	simm.s32 $0x6100;
	s6 =	simm.s32 $0x6900;
	s7 =	simm.s32 $0x7100  }
0x1b: {  	s8 =	simm.s32 $0x7900;
	s9 =	simm.s32 $0x8900;
	s11 =	simm.s32 $0x9100  }
0x1c: {  	s13 =	simm.s32 $0x9900;
	s14 =	simm.s32 $0xA100;
	s15 =	simm.s32 $0xA900  }
0x1d: {  	s16 =	simm.s32 $0xB100;
	s12 =	simm.s32 $0xB900;
	s29 =	simm.s32 $0x100  }
0x1e: {  	s25 =	simm.s32 $0x8100;
	s20 =	simm.s32 $0x0;
	s23 =	simm.s32 $0xC900  }
0x1f: {  	s28 =	simm.s32 $0xD100;
	s31 =	simm.s32 $0xD900;
	s26 =	simm.s32 $0xE100  }
0x20: {  	s24 =	simm.s32 $0xE900;
	s30 =	simm.s32 $0xF100;
	s0 =	simm.s32 $0xF900  }
.LBB2_2:
0x21: {  	s21 =	rddreg [dreg:$0x5]  }
0x22: {  	s21 =	sadd.s32 s20, s21  }
0x23: {  	[tilespmem:s1], [sflag:$0x2] =	stream.linear.gather [hbm4b:s21+s1], $0x80, $0x38;
	[tilespmem:$0x10100] =	vst v63  }
0x24: {  	_ =	swait.ge [sflag:s10], $0x80  }
0x25: {  	s3 =	rddreg [dreg:$0x4];
	[sflag:s10] =	ssyncset.done $0x0  }
0x26: {  	s22 =	simm.s32 $0x80;
	[sflag:s10] =	ssyncadd.s32 $0xFFFFFF80;
	s21 =	sadd.s32 s20, s3  }
0x27: {  	[tilespmem:s22], [sflag:$0x2] =	stream.linear.gather [hbm4b:s21+s1], $0x80, $0x38;
	[tilespmem:$0x10100] =	vst v63  }
0x28: {  	_ =	swait.ge [sflag:s10], $0x80  }
0x29: {  	[sflag:s10] =	ssyncset.done $0x0  }
0x2a: {  	[sflag:s10] =	ssyncadd.s32 $0xFFFFFF80  }
0x2b: {  	v3 =	vld [tilespmem:$0x0];
	_ =	sdelay $0x4  }
0x2c: {  	v4 =	vshll.u32 v3, $0x1  }
0x2d: {  	v3 =	vand.u32 $0x7, v3;
	v4 =	vand.u32 $0xFFFFFFF0, v4  }
0x2e: {  	v3 =	vor.u32 v3, v4  }
0x2f: {  	v4 =	vperm.xlane v3, v0;
	_ =	sdelay $0x1  }
0x30: {  	v3 =	vperm.xlane v3, v2;
	v4 =	vadd.s32 v1, v4;
	_ =	sdelay $0x1  }
0x31: {  	v3 =	vadd.s32 v1, v3;
	_ =	sdelay $0x2  }
0x32: {  	[tilespmem:s29], [sflag:$0x1] =	stream.indirect_vreg.gather [hbm4b:s2+s1], $0x80, v4, vm0, $0xb8;
	[tilespmem:$0x10100] =	vst v63  }
0x33: {  	s22 =	simm.s32 $0x900  }
0x34: {  	[tilespmem:s22], [sflag:$0x1] =	stream.indirect_vreg.gather [hbm4b:s2+s1], $0x80, v3, vm0, $0xb8;
	[tilespmem:$0x10100] =	vst v63  }
0x35: {  	v3 =	vld [tilespmem:$0x10];
	_ =	sdelay $0x4  }
0x36: {  	v49 =	vshll.u32 v3, $0x1  }
0x37: {  	v3 =	vand.u32 $0x7, v3;
	v4 =	vand.u32 $0xFFFFFFF0, v49  }
0x38: {  	v3 =	vor.u32 v3, v4  }
0x39: {  	v4 =	vperm.xlane v3, v0;
	_ =	sdelay $0x1  }
0x3a: {  	v3 =	vperm.xlane v3, v2;
	v4 =	vadd.s32 v1, v4;
	_ =	sdelay $0x1  }
0x3b: {  	v3 =	vadd.s32 v1, v3;
	_ =	sdelay $0x1  }
0x3c: {  	s3 =	simm.s32 $0x1100  }
0x3d: {  	[tilespmem:s3], [sflag:$0x1] =	stream.indirect_vreg.gather [hbm4b:s2+s1], $0x80, v4, vm0, $0xb8;
	[tilespmem:$0x10100] =	vst v63  }
0x3e: {  	s3 =	simm.s32 $0x1900  }
0x3f: {  	[tilespmem:s3], [sflag:$0x1] =	stream.indirect_vreg.gather [hbm4b:s2+s1], $0x80, v3, vm0, $0xb8;
	[tilespmem:$0x10100] =	vst v63  }
0x40: {  	v3 =	vld [tilespmem:$0x20];
	_ =	sdelay $0x4  }
0x41: {  	v50 =	vshll.u32 v3, $0x1  }
0x42: {  	v3 =	vand.u32 $0x7, v3;
	v4 =	vand.u32 $0xFFFFFFF0, v50  }
0x43: {  	v3 =	vor.u32 v3, v4  }
0x44: {  	v4 =	vperm.xlane v3, v0;
	_ =	sdelay $0x1  }
0x45: {  	v3 =	vperm.xlane v3, v2;
	v4 =	vadd.s32 v1, v4;
	_ =	sdelay $0x1  }
0x46: {  	v3 =	vadd.s32 v1, v3;
	_ =	sdelay $0x1  }
0x47: {  	s3 =	simm.s32 $0x2100  }
0x48: {  	[tilespmem:s3], [sflag:$0x1] =	stream.indirect_vreg.gather [hbm4b:s2+s1], $0x80, v4, vm0, $0xb8;
	[tilespmem:$0x10100] =	vst v63  }
0x49: {  	s3 =	simm.s32 $0x2900  }
0x4a: {  	[tilespmem:s3], [sflag:$0x1] =	stream.indirect_vreg.gather [hbm4b:s2+s1], $0x80, v3, vm0, $0xb8;
	[tilespmem:$0x10100] =	vst v63  }
0x4b: {  	v3 =	vld [tilespmem:$0x30];
	_ =	sdelay $0x4  }
0x4c: {  	v51 =	vshll.u32 v3, $0x1  }
0x4d: {  	v3 =	vand.u32 $0x7, v3;
	v4 =	vand.u32 $0xFFFFFFF0, v51  }
0x4e: {  	v3 =	vor.u32 v3, v4  }
0x4f: {  	v4 =	vperm.xlane v3, v0;
	_ =	sdelay $0x1  }
0x50: {  	v3 =	vperm.xlane v3, v2;
	v4 =	vadd.s32 v1, v4;
	_ =	sdelay $0x1  }
0x51: {  	v3 =	vadd.s32 v1, v3;
	_ =	sdelay $0x1  }
0x52: {  	s3 =	simm.s32 $0x3100  }
0x53: {  	[tilespmem:s3], [sflag:$0x1] =	stream.indirect_vreg.gather [hbm4b:s2+s1], $0x80, v4, vm0, $0xb8;
	[tilespmem:$0x10100] =	vst v63  }
0x54: {  	s3 =	simm.s32 $0x3900  }
0x55: {  	[tilespmem:s3], [sflag:$0x1] =	stream.indirect_vreg.gather [hbm4b:s2+s1], $0x80, v3, vm0, $0xb8;
	[tilespmem:$0x10100] =	vst v63  }
0x56: {  	v3 =	vld [tilespmem:$0x40];
	_ =	sdelay $0x4  }
0x57: {  	v52 =	vshll.u32 v3, $0x1  }
0x58: {  	v3 =	vand.u32 $0x7, v3;
	v4 =	vand.u32 $0xFFFFFFF0, v52  }
0x59: {  	v3 =	vor.u32 v3, v4  }
0x5a: {  	v4 =	vperm.xlane v3, v0;
	_ =	sdelay $0x1  }
0x5b: {  	v3 =	vperm.xlane v3, v2;
	v4 =	vadd.s32 v1, v4;
	_ =	sdelay $0x1  }
0x5c: {  	v3 =	vadd.s32 v1, v3;
	_ =	sdelay $0x1  }
0x5d: {  	s3 =	simm.s32 $0x4100  }
0x5e: {  	[tilespmem:s3], [sflag:$0x1] =	stream.indirect_vreg.gather [hbm4b:s2+s1], $0x80, v4, vm0, $0xb8;
	[tilespmem:$0x10100] =	vst v63  }
0x5f: {  	s3 =	simm.s32 $0x4900  }
0x60: {  	[tilespmem:s3], [sflag:$0x1] =	stream.indirect_vreg.gather [hbm4b:s2+s1], $0x80, v3, vm0, $0xb8;
	[tilespmem:$0x10100] =	vst v63  }
0x61: {  	v3 =	vld [tilespmem:$0x50];
	_ =	sdelay $0x4  }
0x62: {  	v53 =	vshll.u32 v3, $0x1  }
0x63: {  	v3 =	vand.u32 $0x7, v3;
	v4 =	vand.u32 $0xFFFFFFF0, v53  }
0x64: {  	v3 =	vor.u32 v3, v4  }
0x65: {  	v4 =	vperm.xlane v3, v0;
	_ =	sdelay $0x1  }
0x66: {  	v3 =	vperm.xlane v3, v2;
	v4 =	vadd.s32 v1, v4;
	_ =	sdelay $0x1  }
0x67: {  	v3 =	vadd.s32 v1, v3;
	_ =	sdelay $0x1  }
0x68: {  	s3 =	simm.s32 $0x5100  }
0x69: {  	[tilespmem:s3], [sflag:$0x1] =	stream.indirect_vreg.gather [hbm4b:s2+s1], $0x80, v4, vm0, $0xb8;
	[tilespmem:$0x10100] =	vst v63  }
0x6a: {  	_ = 	snop  }
0x6b: {  	[tilespmem:s4], [sflag:$0x1] =	stream.indirect_vreg.gather [hbm4b:s2+s1], $0x80, v3, vm0, $0xb8;
	[tilespmem:$0x10100] =	vst v63  }
0x6c: {  	v3 =	vld [tilespmem:$0x60];
	_ =	sdelay $0x4  }
0x6d: {  	v54 =	vshll.u32 v3, $0x1  }
0x6e: {  	v3 =	vand.u32 $0x7, v3;
	v4 =	vand.u32 $0xFFFFFFF0, v54  }
0x6f: {  	v3 =	vor.u32 v3, v4  }
0x70: {  	v4 =	vperm.xlane v3, v0;
	_ =	sdelay $0x1  }
0x71: {  	v3 =	vperm.xlane v3, v2;
	v4 =	vadd.s32 v1, v4;
	_ =	sdelay $0x1  }
0x72: {  	v3 =	vadd.s32 v1, v3;
	_ =	sdelay $0x2  }
0x73: {  	[tilespmem:s5], [sflag:$0x1] =	stream.indirect_vreg.gather [hbm4b:s2+s1], $0x80, v4, vm0, $0xb8;
	[tilespmem:$0x10100] =	vst v63  }
0x74: {  	_ = 	snop  }
0x75: {  	[tilespmem:s6], [sflag:$0x1] =	stream.indirect_vreg.gather [hbm4b:s2+s1], $0x80, v3, vm0, $0xb8;
	[tilespmem:$0x10100] =	vst v63  }
0x76: {  	v3 =	vld [tilespmem:$0x70];
	_ =	sdelay $0x4  }
0x77: {  	v55 =	vshll.u32 v3, $0x1  }
0x78: {  	v3 =	vand.u32 $0x7, v3;
	v4 =	vand.u32 $0xFFFFFFF0, v55  }
0x79: {  	v3 =	vor.u32 v3, v4  }
0x7a: {  	v4 =	vperm.xlane v3, v0;
	_ =	sdelay $0x1  }
0x7b: {  	v3 =	vperm.xlane v3, v2;
	v4 =	vadd.s32 v1, v4;
	_ =	sdelay $0x1  }
0x7c: {  	v3 =	vadd.s32 v1, v3;
	_ =	sdelay $0x2  }
0x7d: {  	[tilespmem:s7], [sflag:$0x1] =	stream.indirect_vreg.gather [hbm4b:s2+s1], $0x80, v4, vm0, $0xb8;
	[tilespmem:$0x10100] =	vst v63  }
0x7e: {  	_ = 	snop  }
0x7f: {  	[tilespmem:s8], [sflag:$0x1] =	stream.indirect_vreg.gather [hbm4b:s2+s1], $0x80, v3, vm0, $0xb8;
	[tilespmem:$0x10100] =	vst v63  }
0x80: {  	v3 =	vld [tilespmem:$0x80];
	_ =	sdelay $0x4  }
0x81: {  	v56 =	vshll.u32 v3, $0x1  }
0x82: {  	v3 =	vand.u32 $0x7, v3;
	v4 =	vand.u32 $0xFFFFFFF0, v56  }
0x83: {  	v3 =	vor.u32 v3, v4  }
0x84: {  	v4 =	vperm.xlane v3, v0;
	_ =	sdelay $0x1  }
0x85: {  	v3 =	vperm.xlane v3, v2;
	v4 =	vadd.s32 v1, v4;
	_ =	sdelay $0x1  }
0x86: {  	v3 =	vadd.s32 v1, v3;
	_ =	sdelay $0x2  }
0x87: {  	[tilespmem:s25], [sflag:$0x1] =	stream.indirect_vreg.gather [hbm4b:s2+s1], $0x80, v4, vm0, $0xb8;
	[tilespmem:$0x10100] =	vst v63  }
0x88: {  	_ = 	snop  }
0x89: {  	[tilespmem:s9], [sflag:$0x1] =	stream.indirect_vreg.gather [hbm4b:s2+s1], $0x80, v3, vm0, $0xb8;
	[tilespmem:$0x10100] =	vst v63  }
0x8a: {  	v3 =	vld [tilespmem:$0x90];
	_ =	sdelay $0x4  }
0x8b: {  	v57 =	vshll.u32 v3, $0x1  }
0x8c: {  	v3 =	vand.u32 $0x7, v3;
	v4 =	vand.u32 $0xFFFFFFF0, v57  }
0x8d: {  	v3 =	vor.u32 v3, v4  }
0x8e: {  	v4 =	vperm.xlane v3, v0;
	_ =	sdelay $0x1  }
0x8f: {  	v3 =	vperm.xlane v3, v2;
	v4 =	vadd.s32 v1, v4;
	_ =	sdelay $0x1  }
0x90: {  	v3 =	vadd.s32 v1, v3;
	_ =	sdelay $0x2  }
0x91: {  	[tilespmem:s11], [sflag:$0x1] =	stream.indirect_vreg.gather [hbm4b:s2+s1], $0x80, v4, vm0, $0xb8;
	[tilespmem:$0x10100] =	vst v63  }
0x92: {  	_ = 	snop  }
0x93: {  	[tilespmem:s13], [sflag:$0x1] =	stream.indirect_vreg.gather [hbm4b:s2+s1], $0x80, v3, vm0, $0xb8;
	[tilespmem:$0x10100] =	vst v63  }
0x94: {  	v3 =	vld [tilespmem:$0xA0];
	_ =	sdelay $0x4  }
0x95: {  	v58 =	vshll.u32 v3, $0x1  }
0x96: {  	v3 =	vand.u32 $0x7, v3;
	v4 =	vand.u32 $0xFFFFFFF0, v58  }
0x97: {  	v3 =	vor.u32 v3, v4  }
0x98: {  	v4 =	vperm.xlane v3, v0;
	_ =	sdelay $0x1  }
0x99: {  	v3 =	vperm.xlane v3, v2;
	v4 =	vadd.s32 v1, v4;
	_ =	sdelay $0x1  }
0x9a: {  	v3 =	vadd.s32 v1, v3;
	_ =	sdelay $0x2  }
0x9b: {  	[tilespmem:s14], [sflag:$0x1] =	stream.indirect_vreg.gather [hbm4b:s2+s1], $0x80, v4, vm0, $0xb8;
	[tilespmem:$0x10100] =	vst v63  }
0x9c: {  	_ = 	snop  }
0x9d: {  	[tilespmem:s15], [sflag:$0x1] =	stream.indirect_vreg.gather [hbm4b:s2+s1], $0x80, v3, vm0, $0xb8;
	[tilespmem:$0x10100] =	vst v63  }
0x9e: {  	v3 =	vld [tilespmem:$0xB0];
	_ =	sdelay $0x4  }
0x9f: {  	v59 =	vshll.u32 v3, $0x1  }
0xa0: {  	v3 =	vand.u32 $0x7, v3;
	v4 =	vand.u32 $0xFFFFFFF0, v59  }
0xa1: {  	v3 =	vor.u32 v3, v4  }
0xa2: {  	v4 =	vperm.xlane v3, v0;
	_ =	sdelay $0x1  }
0xa3: {  	v3 =	vperm.xlane v3, v2;
	v4 =	vadd.s32 v1, v4;
	_ =	sdelay $0x1  }
0xa4: {  	v3 =	vadd.s32 v1, v3;
	_ =	sdelay $0x2  }
0xa5: {  	[tilespmem:s16], [sflag:$0x1] =	stream.indirect_vreg.gather [hbm4b:s2+s1], $0x80, v4, vm0, $0xb8;
	[tilespmem:$0x10100] =	vst v63  }
0xa6: {  	_ = 	snop  }
0xa7: {  	[tilespmem:s12], [sflag:$0x1] =	stream.indirect_vreg.gather [hbm4b:s2+s1], $0x80, v3, vm0, $0xb8;
	[tilespmem:$0x10100] =	vst v63  }
0xa8: {  	v3 =	vld [tilespmem:$0xC0];
	_ =	sdelay $0x4  }
0xa9: {  	v60 =	vshll.u32 v3, $0x1  }
0xaa: {  	v3 =	vand.u32 $0x7, v3;
	v4 =	vand.u32 $0xFFFFFFF0, v60  }
0xab: {  	v3 =	vor.u32 v3, v4  }
0xac: {  	v4 =	vperm.xlane v3, v0;
	_ =	sdelay $0x1  }
0xad: {  	v3 =	vperm.xlane v3, v2;
	v4 =	vadd.s32 v1, v4;
	_ =	sdelay $0x1  }
0xae: {  	v3 =	vadd.s32 v1, v3;
	_ =	sdelay $0x1  }
0xaf: {  	s3 =	simm.s32 $0xC100  }
0xb0: {  	[tilespmem:s3], [sflag:$0x1] =	stream.indirect_vreg.gather [hbm4b:s2+s1], $0x80, v4, vm0, $0xb8;
	[tilespmem:$0x10100] =	vst v63  }
0xb1: {  	_ = 	snop  }
0xb2: {  	[tilespmem:s23], [sflag:$0x1] =	stream.indirect_vreg.gather [hbm4b:s2+s1], $0x80, v3, vm0, $0xb8;
	[tilespmem:$0x10100] =	vst v63  }
0xb3: {  	v3 =	vld [tilespmem:$0xD0];
	_ =	sdelay $0x4  }
0xb4: {  	v61 =	vshll.u32 v3, $0x1  }
0xb5: {  	v3 =	vand.u32 $0x7, v3;
	v4 =	vand.u32 $0xFFFFFFF0, v61  }
0xb6: {  	v3 =	vor.u32 v3, v4  }
0xb7: {  	v4 =	vperm.xlane v3, v0;
	_ =	sdelay $0x1  }
0xb8: {  	v3 =	vperm.xlane v3, v2;
	v4 =	vadd.s32 v1, v4;
	_ =	sdelay $0x1  }
0xb9: {  	v3 =	vadd.s32 v1, v3;
	_ =	sdelay $0x2  }
0xba: {  	[tilespmem:s28], [sflag:$0x1] =	stream.indirect_vreg.gather [hbm4b:s2+s1], $0x80, v4, vm0, $0xb8;
	[tilespmem:$0x10100] =	vst v63  }
0xbb: {  	_ = 	snop  }
0xbc: {  	[tilespmem:s31], [sflag:$0x1] =	stream.indirect_vreg.gather [hbm4b:s2+s1], $0x80, v3, vm0, $0xb8;
	[tilespmem:$0x10100] =	vst v63  }
0xbd: {  	v3 =	vld [tilespmem:$0xE0];
	_ =	sdelay $0x4  }
0xbe: {  	v62 =	vshll.u32 v3, $0x1  }
0xbf: {  	v3 =	vand.u32 $0x7, v3;
	v4 =	vand.u32 $0xFFFFFFF0, v62  }
0xc0: {  	v3 =	vor.u32 v3, v4  }
0xc1: {  	v4 =	vperm.xlane v3, v0;
	_ =	sdelay $0x1  }
0xc2: {  	v3 =	vperm.xlane v3, v2;
	v4 =	vadd.s32 v1, v4;
	_ =	sdelay $0x1  }
0xc3: {  	v3 =	vadd.s32 v1, v3;
	_ =	sdelay $0x2  }
0xc4: {  	[tilespmem:s26], [sflag:$0x1] =	stream.indirect_vreg.gather [hbm4b:s2+s1], $0x80, v4, vm0, $0xb8;
	[tilespmem:$0x10100] =	vst v63  }
0xc5: {  	_ = 	snop  }
0xc6: {  	[tilespmem:s24], [sflag:$0x1] =	stream.indirect_vreg.gather [hbm4b:s2+s1], $0x80, v3, vm0, $0xb8;
	[tilespmem:$0x10100] =	vst v63  }
0xc7: {  	v3 =	vld [tilespmem:$0xF0];
	_ =	sdelay $0x4  }
0xc8: {  	v63 =	vshll.u32 v3, $0x1  }
0xc9: {  	v3 =	vand.u32 $0x7, v3;
	v4 =	vand.u32 $0xFFFFFFF0, v63  }
0xca: {  	v3 =	vor.u32 v3, v4  }
0xcb: {  	v4 =	vperm.xlane v3, v0;
	_ =	sdelay $0x1  }
0xcc: {  	v3 =	vperm.xlane v3, v2;
	v4 =	vadd.s32 v1, v4;
	_ =	sdelay $0x1  }
0xcd: {  	v3 =	vadd.s32 v1, v3;
	_ =	sdelay $0x2  }
0xce: {  	[tilespmem:s30], [sflag:$0x1] =	stream.indirect_vreg.gather [hbm4b:s2+s1], $0x80, v4, vm0, $0xb8;
	[tilespmem:$0x10100] =	vst v63  }
0xcf: {  	_ = 	snop  }
0xd0: {  	[tilespmem:s0], [sflag:$0x1] =	stream.indirect_vreg.gather [hbm4b:s2+s1], $0x80, v3, vm0, $0xb8;
	[tilespmem:$0x10100] =	vst v63  }
0xd1: {  	_ =	swait.ge [sflag:s17], $0x8000  }
0xd2: {  	[sflag:s17] =	ssyncset.done $0x0  }
0xd3: {  	[sflag:s17] =	ssyncadd.s32 $0xFFFF8000  }
0xd4: {  	_ =	swait.ge [sflag:s17], $0x8000  }
0xd5: {  	[sflag:s17] =	ssyncset.done $0x0  }
0xd6: {  	[sflag:s17] =	ssyncadd.s32 $0xFFFF8000  }
0xd7: {  	[hbm4b:s19+s1] =	stream.linear.scatter [tilespmem:s29], [sflag:$0x2], $0x8000, $0x38;
	[tilespmem:$0x10100] =	vst v63  }
0xd8: {  	_ =	swait.ge [sflag:s10], $0x8000  }
0xd9: {  	p1 =	sne.s32 s20, $0x4C00;
	[sflag:s10] =	ssyncset.done $0x0  }
.Ltmp2:
0xda: {  	[sflag:s10] =	ssyncadd.s32 $0xFFFF8000;
	(pc) =	sbr.rel @p1 .LBB2_2-.Ltmp2, $4  }
0xdb: {  	[hbm4b:s18+s1] =	stream.linear.scatter [tilespmem:s25], [sflag:$0x2], $0x8000, $0x38;
	[tilespmem:$0x10100] =	vst v63  }
0xdc: {  	_ =	swait.ge [sflag:s10], $0x8000  }
0xdd: {  	s20 =	sadd.s32 $0x200, s20;
	s21 =	simm.s32 $0x80;
	[sflag:s10] =	ssyncset.done $0x0  }
0xde: {  	s19 =	sadd.s32 $0x20000, s19;
	s18 =	sadd.s32 $0x20000, s18;
	[sflag:s10] =	ssyncadd.s32 $0xFFFF8000  }
0xdf: {  	s19 =	simm.s32 $0x1100  }
0xe0: {  	s20 =	simm.s32 $0x1900;
	s23 =	simm.s32 $0x2100;
	s24 =	simm.s32 $0x2900  }
0xe1: {  	s25 =	simm.s32 $0x3100;
	s26 =	simm.s32 $0x3900;
	s28 =	simm.s32 $0x4100  }
0xe2: {  	s0 =	simm.s32 $0x4900;
	s3 =	simm.s32 $0x5100;
	s4 =	simm.s32 $0x5900  }
.Ltmp3:
0xe3: {  	s5 =	simm.s32 $0x6100;
	s6 =	simm.s32 $0x6900;
	(pc) =	sbr.rel @p0 .LBB2_5-.Ltmp3, $4  }
0xe4: {  	s7 =	simm.s32 $0x7100;
	s8 =	simm.s32 $0x7900;
	s9 =	simm.s32 $0x8900  }
0xe5: {  	s11 =	simm.s32 $0x9100;
	s13 =	simm.s32 $0x9900;
	s14 =	simm.s32 $0xA100  }
0xe6: {  	s15 =	simm.s32 $0xA900;
	s16 =	simm.s32 $0xB100;
	s12 =	simm.s32 $0xB900  }
0xe7: {  	s29 =	simm.s32 $0x100;
	s30 =	simm.s32 $0x8100;
	s31 =	rddreg [dreg:$0xd]  }
0xe8: {  	s18 =	rddreg [dreg:$0x6]  }
0xe9: {  	[tilespmem:s1], [sflag:$0x2] =	stream.linear.gather [hbm4b:s18+s1], $0x80, $0x38;
	[tilespmem:$0x10100] =	vst v63  }
0xea: {  	_ =	swait.ge [sflag:s10], $0x80  }
0xeb: {  	[sflag:s10] =	ssyncset.done $0x0  }
0xec: {  	s18 =	rddreg [dreg:$0x7];
	[sflag:s10] =	ssyncadd.s32 $0xFFFFFF80  }
0xed: {  	[tilespmem:s21], [sflag:$0x2] =	stream.linear.gather [hbm4b:s18+s1], $0x80, $0x38;
	[tilespmem:$0x10100] =	vst v63  }
0xee: {  	_ =	swait.ge [sflag:s10], $0x80  }
0xef: {  	[sflag:s10] =	ssyncset.done $0x0  }
0xf0: {  	[sflag:s10] =	ssyncadd.s32 $0xFFFFFF80  }
0xf1: {  	v3 =	vld [tilespmem:$0x0];
	_ =	sdelay $0x4  }
0xf2: {  	v4 =	vshll.u32 v3, $0x1  }
0xf3: {  	v3 =	vand.u32 $0x7, v3;
	v4 =	vand.u32 $0xFFFFFFF0, v4  }
0xf4: {  	v3 =	vor.u32 v3, v4  }
0xf5: {  	v4 =	vperm.xlane v3, v0;
	_ =	sdelay $0x1  }
0xf6: {  	v3 =	vperm.xlane v3, v2;
	v4 =	vadd.s32 v1, v4;
	_ =	sdelay $0x1  }
0xf7: {  	v3 =	vadd.s32 v1, v3;
	_ =	sdelay $0x2  }
0xf8: {  	[tilespmem:s29], [sflag:$0x1] =	stream.indirect_vreg.gather [hbm4b:s2+s1], $0x80, v4, vm0, $0xb8;
	[tilespmem:$0x10100] =	vst v63  }
0xf9: {  	_ = 	snop  }
0xfa: {  	[tilespmem:s22], [sflag:$0x1] =	stream.indirect_vreg.gather [hbm4b:s2+s1], $0x80, v3, vm0, $0xb8;
	[tilespmem:$0x10100] =	vst v63  }
0xfb: {  	v3 =	vld [tilespmem:$0x10];
	_ =	sdelay $0x4  }
0xfc: {  	v49 =	vshll.u32 v3, $0x1  }
0xfd: {  	v3 =	vand.u32 $0x7, v3;
	v4 =	vand.u32 $0xFFFFFFF0, v49  }
0xfe: {  	v3 =	vor.u32 v3, v4  }
0xff: {  	v4 =	vperm.xlane v3, v0;
	_ =	sdelay $0x1  }
0x100: {  	v3 =	vperm.xlane v3, v2;
	v4 =	vadd.s32 v1, v4;
	_ =	sdelay $0x1  }
0x101: {  	v3 =	vadd.s32 v1, v3;
	_ =	sdelay $0x2  }
0x102: {  	[tilespmem:s19], [sflag:$0x1] =	stream.indirect_vreg.gather [hbm4b:s2+s1], $0x80, v4, vm0, $0xb8;
	[tilespmem:$0x10100] =	vst v63  }
0x103: {  	_ = 	snop  }
0x104: {  	[tilespmem:s20], [sflag:$0x1] =	stream.indirect_vreg.gather [hbm4b:s2+s1], $0x80, v3, vm0, $0xb8;
	[tilespmem:$0x10100] =	vst v63  }
0x105: {  	v3 =	vld [tilespmem:$0x20];
	_ =	sdelay $0x4  }
0x106: {  	v50 =	vshll.u32 v3, $0x1  }
0x107: {  	v3 =	vand.u32 $0x7, v3;
	v4 =	vand.u32 $0xFFFFFFF0, v50  }
0x108: {  	v3 =	vor.u32 v3, v4  }
0x109: {  	v4 =	vperm.xlane v3, v0;
	_ =	sdelay $0x1  }
0x10a: {  	v3 =	vperm.xlane v3, v2;
	v4 =	vadd.s32 v1, v4;
	_ =	sdelay $0x1  }
0x10b: {  	v3 =	vadd.s32 v1, v3;
	_ =	sdelay $0x2  }
0x10c: {  	[tilespmem:s23], [sflag:$0x1] =	stream.indirect_vreg.gather [hbm4b:s2+s1], $0x80, v4, vm0, $0xb8;
	[tilespmem:$0x10100] =	vst v63  }
0x10d: {  	_ = 	snop  }
0x10e: {  	[tilespmem:s24], [sflag:$0x1] =	stream.indirect_vreg.gather [hbm4b:s2+s1], $0x80, v3, vm0, $0xb8;
	[tilespmem:$0x10100] =	vst v63  }
0x10f: {  	v3 =	vld [tilespmem:$0x30];
	_ =	sdelay $0x4  }
0x110: {  	v51 =	vshll.u32 v3, $0x1  }
0x111: {  	v3 =	vand.u32 $0x7, v3;
	v4 =	vand.u32 $0xFFFFFFF0, v51  }
0x112: {  	v3 =	vor.u32 v3, v4  }
0x113: {  	v4 =	vperm.xlane v3, v0;
	_ =	sdelay $0x1  }
0x114: {  	v3 =	vperm.xlane v3, v2;
	v4 =	vadd.s32 v1, v4;
	_ =	sdelay $0x1  }
0x115: {  	v3 =	vadd.s32 v1, v3;
	_ =	sdelay $0x2  }
0x116: {  	[tilespmem:s25], [sflag:$0x1] =	stream.indirect_vreg.gather [hbm4b:s2+s1], $0x80, v4, vm0, $0xb8;
	[tilespmem:$0x10100] =	vst v63  }
0x117: {  	_ = 	snop  }
0x118: {  	[tilespmem:s26], [sflag:$0x1] =	stream.indirect_vreg.gather [hbm4b:s2+s1], $0x80, v3, vm0, $0xb8;
	[tilespmem:$0x10100] =	vst v63  }
0x119: {  	v3 =	vld [tilespmem:$0x40];
	_ =	sdelay $0x4  }
0x11a: {  	v52 =	vshll.u32 v3, $0x1  }
0x11b: {  	v3 =	vand.u32 $0x7, v3;
	v4 =	vand.u32 $0xFFFFFFF0, v52  }
0x11c: {  	v3 =	vor.u32 v3, v4  }
0x11d: {  	v4 =	vperm.xlane v3, v0;
	_ =	sdelay $0x1  }
0x11e: {  	v3 =	vperm.xlane v3, v2;
	v4 =	vadd.s32 v1, v4;
	_ =	sdelay $0x1  }
0x11f: {  	v3 =	vadd.s32 v1, v3;
	_ =	sdelay $0x2  }
0x120: {  	[tilespmem:s28], [sflag:$0x1] =	stream.indirect_vreg.gather [hbm4b:s2+s1], $0x80, v4, vm0, $0xb8;
	[tilespmem:$0x10100] =	vst v63  }
0x121: {  	_ = 	snop  }
0x122: {  	[tilespmem:s0], [sflag:$0x1] =	stream.indirect_vreg.gather [hbm4b:s2+s1], $0x80, v3, vm0, $0xb8;
	[tilespmem:$0x10100] =	vst v63  }
0x123: {  	v3 =	vld [tilespmem:$0x50];
	_ =	sdelay $0x4  }
0x124: {  	v53 =	vshll.u32 v3, $0x1  }
0x125: {  	v3 =	vand.u32 $0x7, v3;
	v4 =	vand.u32 $0xFFFFFFF0, v53  }
0x126: {  	v3 =	vor.u32 v3, v4  }
0x127: {  	v4 =	vperm.xlane v3, v0;
	_ =	sdelay $0x1  }
0x128: {  	v3 =	vperm.xlane v3, v2;
	v4 =	vadd.s32 v1, v4;
	_ =	sdelay $0x1  }
0x129: {  	v3 =	vadd.s32 v1, v3;
	_ =	sdelay $0x2  }
0x12a: {  	[tilespmem:s3], [sflag:$0x1] =	stream.indirect_vreg.gather [hbm4b:s2+s1], $0x80, v4, vm0, $0xb8;
	[tilespmem:$0x10100] =	vst v63  }
0x12b: {  	_ = 	snop  }
0x12c: {  	[tilespmem:s4], [sflag:$0x1] =	stream.indirect_vreg.gather [hbm4b:s2+s1], $0x80, v3, vm0, $0xb8;
	[tilespmem:$0x10100] =	vst v63  }
0x12d: {  	v3 =	vld [tilespmem:$0x60];
	_ =	sdelay $0x4  }
0x12e: {  	v54 =	vshll.u32 v3, $0x1  }
0x12f: {  	v3 =	vand.u32 $0x7, v3;
	v4 =	vand.u32 $0xFFFFFFF0, v54  }
0x130: {  	v3 =	vor.u32 v3, v4  }
0x131: {  	v4 =	vperm.xlane v3, v0;
	_ =	sdelay $0x1  }
0x132: {  	v3 =	vperm.xlane v3, v2;
	v4 =	vadd.s32 v1, v4;
	_ =	sdelay $0x1  }
0x133: {  	v3 =	vadd.s32 v1, v3;
	_ =	sdelay $0x2  }
0x134: {  	[tilespmem:s5], [sflag:$0x1] =	stream.indirect_vreg.gather [hbm4b:s2+s1], $0x80, v4, vm0, $0xb8;
	[tilespmem:$0x10100] =	vst v63  }
0x135: {  	_ = 	snop  }
0x136: {  	[tilespmem:s6], [sflag:$0x1] =	stream.indirect_vreg.gather [hbm4b:s2+s1], $0x80, v3, vm0, $0xb8;
	[tilespmem:$0x10100] =	vst v63  }
0x137: {  	v3 =	vld [tilespmem:$0x70];
	_ =	sdelay $0x4  }
0x138: {  	v55 =	vshll.u32 v3, $0x1  }
0x139: {  	v3 =	vand.u32 $0x7, v3;
	v4 =	vand.u32 $0xFFFFFFF0, v55  }
0x13a: {  	v3 =	vor.u32 v3, v4  }
0x13b: {  	v4 =	vperm.xlane v3, v0;
	_ =	sdelay $0x1  }
0x13c: {  	v3 =	vperm.xlane v3, v2;
	v4 =	vadd.s32 v1, v4;
	_ =	sdelay $0x1  }
0x13d: {  	v3 =	vadd.s32 v1, v3;
	_ =	sdelay $0x2  }
0x13e: {  	[tilespmem:s7], [sflag:$0x1] =	stream.indirect_vreg.gather [hbm4b:s2+s1], $0x80, v4, vm0, $0xb8;
	[tilespmem:$0x10100] =	vst v63  }
0x13f: {  	_ = 	snop  }
0x140: {  	[tilespmem:s8], [sflag:$0x1] =	stream.indirect_vreg.gather [hbm4b:s2+s1], $0x80, v3, vm0, $0xb8;
	[tilespmem:$0x10100] =	vst v63  }
0x141: {  	v3 =	vld [tilespmem:$0x80];
	_ =	sdelay $0x4  }
0x142: {  	v56 =	vshll.u32 v3, $0x1  }
0x143: {  	v3 =	vand.u32 $0x7, v3;
	v4 =	vand.u32 $0xFFFFFFF0, v56  }
0x144: {  	v3 =	vor.u32 v3, v4  }
0x145: {  	v4 =	vperm.xlane v3, v0;
	_ =	sdelay $0x1  }
0x146: {  	v3 =	vperm.xlane v3, v2;
	v4 =	vadd.s32 v1, v4;
	_ =	sdelay $0x1  }
0x147: {  	v3 =	vadd.s32 v1, v3;
	_ =	sdelay $0x2  }
0x148: {  	[tilespmem:s30], [sflag:$0x1] =	stream.indirect_vreg.gather [hbm4b:s2+s1], $0x80, v4, vm0, $0xb8;
	[tilespmem:$0x10100] =	vst v63  }
0x149: {  	_ = 	snop  }
0x14a: {  	[tilespmem:s9], [sflag:$0x1] =	stream.indirect_vreg.gather [hbm4b:s2+s1], $0x80, v3, vm0, $0xb8;
	[tilespmem:$0x10100] =	vst v63  }
0x14b: {  	v3 =	vld [tilespmem:$0x90];
	_ =	sdelay $0x4  }
0x14c: {  	v57 =	vshll.u32 v3, $0x1  }
0x14d: {  	v3 =	vand.u32 $0x7, v3;
	v4 =	vand.u32 $0xFFFFFFF0, v57  }
0x14e: {  	v3 =	vor.u32 v3, v4  }
0x14f: {  	v4 =	vperm.xlane v3, v0;
	_ =	sdelay $0x1  }
0x150: {  	v3 =	vperm.xlane v3, v2;
	v4 =	vadd.s32 v1, v4;
	_ =	sdelay $0x1  }
0x151: {  	v3 =	vadd.s32 v1, v3;
	_ =	sdelay $0x2  }
0x152: {  	[tilespmem:s11], [sflag:$0x1] =	stream.indirect_vreg.gather [hbm4b:s2+s1], $0x80, v4, vm0, $0xb8;
	[tilespmem:$0x10100] =	vst v63  }
0x153: {  	_ = 	snop  }
0x154: {  	[tilespmem:s13], [sflag:$0x1] =	stream.indirect_vreg.gather [hbm4b:s2+s1], $0x80, v3, vm0, $0xb8;
	[tilespmem:$0x10100] =	vst v63  }
0x155: {  	v3 =	vld [tilespmem:$0xA0];
	_ =	sdelay $0x4  }
0x156: {  	v58 =	vshll.u32 v3, $0x1  }
0x157: {  	v3 =	vand.u32 $0x7, v3;
	v4 =	vand.u32 $0xFFFFFFF0, v58  }
0x158: {  	v3 =	vor.u32 v3, v4  }
0x159: {  	v4 =	vperm.xlane v3, v0;
	_ =	sdelay $0x1  }
0x15a: {  	v3 =	vperm.xlane v3, v2;
	v4 =	vadd.s32 v1, v4;
	_ =	sdelay $0x1  }
0x15b: {  	v3 =	vadd.s32 v1, v3;
	_ =	sdelay $0x2  }
0x15c: {  	[tilespmem:s14], [sflag:$0x1] =	stream.indirect_vreg.gather [hbm4b:s2+s1], $0x80, v4, vm0, $0xb8;
	[tilespmem:$0x10100] =	vst v63  }
0x15d: {  	_ = 	snop  }
0x15e: {  	[tilespmem:s15], [sflag:$0x1] =	stream.indirect_vreg.gather [hbm4b:s2+s1], $0x80, v3, vm0, $0xb8;
	[tilespmem:$0x10100] =	vst v63  }
0x15f: {  	v3 =	vld [tilespmem:$0xB0];
	_ =	sdelay $0x4  }
0x160: {  	v59 =	vshll.u32 v3, $0x1  }
0x161: {  	v3 =	vand.u32 $0x7, v3;
	v4 =	vand.u32 $0xFFFFFFF0, v59  }
0x162: {  	v3 =	vor.u32 v3, v4  }
0x163: {  	v4 =	vperm.xlane v3, v0;
	_ =	sdelay $0x1  }
0x164: {  	v3 =	vperm.xlane v3, v2;
	v4 =	vadd.s32 v1, v4;
	_ =	sdelay $0x1  }
0x165: {  	v3 =	vadd.s32 v1, v3;
	_ =	sdelay $0x2  }
0x166: {  	[tilespmem:s16], [sflag:$0x1] =	stream.indirect_vreg.gather [hbm4b:s2+s1], $0x80, v4, vm0, $0xb8;
	[tilespmem:$0x10100] =	vst v63  }
0x167: {  	_ = 	snop  }
0x168: {  	[tilespmem:s12], [sflag:$0x1] =	stream.indirect_vreg.gather [hbm4b:s2+s1], $0x80, v3, vm0, $0xb8;
	[tilespmem:$0x10100] =	vst v63  }
0x169: {  	v3 =	vld [tilespmem:$0xC0];
	_ =	sdelay $0x4  }
0x16a: {  	v60 =	vshll.u32 v3, $0x1  }
0x16b: {  	v3 =	vand.u32 $0x7, v3;
	v4 =	vand.u32 $0xFFFFFFF0, v60  }
0x16c: {  	v3 =	vor.u32 v3, v4  }
0x16d: {  	v4 =	vperm.xlane v3, v0;
	_ =	sdelay $0x1  }
0x16e: {  	v3 =	vperm.xlane v3, v2;
	v4 =	vadd.s32 v1, v4;
	_ =	sdelay $0x1  }
0x16f: {  	v3 =	vadd.s32 v1, v3;
	_ =	sdelay $0x1  }
0x170: {  	s19 =	simm.s32 $0xC100  }
0x171: {  	[tilespmem:s19], [sflag:$0x1] =	stream.indirect_vreg.gather [hbm4b:s2+s1], $0x80, v4, vm0, $0xb8;
	[tilespmem:$0x10100] =	vst v63  }
0x172: {  	s20 =	simm.s32 $0xC900  }
0x173: {  	[tilespmem:s20], [sflag:$0x1] =	stream.indirect_vreg.gather [hbm4b:s2+s1], $0x80, v3, vm0, $0xb8;
	[tilespmem:$0x10100] =	vst v63  }
0x174: {  	v3 =	vld [tilespmem:$0xD0];
	_ =	sdelay $0x4  }
0x175: {  	v61 =	vshll.u32 v3, $0x1  }
0x176: {  	v3 =	vand.u32 $0x7, v3;
	v4 =	vand.u32 $0xFFFFFFF0, v61  }
0x177: {  	v3 =	vor.u32 v3, v4  }
0x178: {  	v4 =	vperm.xlane v3, v0;
	_ =	sdelay $0x1  }
0x179: {  	v3 =	vperm.xlane v3, v2;
	v4 =	vadd.s32 v1, v4;
	_ =	sdelay $0x1  }
0x17a: {  	v3 =	vadd.s32 v1, v3;
	_ =	sdelay $0x1  }
0x17b: {  	s21 =	simm.s32 $0xD100  }
0x17c: {  	[tilespmem:s21], [sflag:$0x1] =	stream.indirect_vreg.gather [hbm4b:s2+s1], $0x80, v4, vm0, $0xb8;
	[tilespmem:$0x10100] =	vst v63  }
0x17d: {  	s22 =	simm.s32 $0xD900  }
0x17e: {  	[tilespmem:s22], [sflag:$0x1] =	stream.indirect_vreg.gather [hbm4b:s2+s1], $0x80, v3, vm0, $0xb8;
	[tilespmem:$0x10100] =	vst v63  }
0x17f: {  	v3 =	vld [tilespmem:$0xE0];
	_ =	sdelay $0x4  }
0x180: {  	v62 =	vshll.u32 v3, $0x1  }
0x181: {  	v3 =	vand.u32 $0x7, v3;
	v4 =	vand.u32 $0xFFFFFFF0, v62  }
0x182: {  	v3 =	vor.u32 v3, v4  }
0x183: {  	v4 =	vperm.xlane v3, v0;
	_ =	sdelay $0x1  }
0x184: {  	v3 =	vperm.xlane v3, v2;
	v4 =	vadd.s32 v1, v4;
	_ =	sdelay $0x1  }
0x185: {  	v3 =	vadd.s32 v1, v3;
	_ =	sdelay $0x1  }
0x186: {  	s23 =	simm.s32 $0xE100  }
0x187: {  	[tilespmem:s23], [sflag:$0x1] =	stream.indirect_vreg.gather [hbm4b:s2+s1], $0x80, v4, vm0, $0xb8;
	[tilespmem:$0x10100] =	vst v63  }
0x188: {  	s24 =	simm.s32 $0xE900  }
0x189: {  	[tilespmem:s24], [sflag:$0x1] =	stream.indirect_vreg.gather [hbm4b:s2+s1], $0x80, v3, vm0, $0xb8;
	[tilespmem:$0x10100] =	vst v63  }
0x18a: {  	v3 =	vld [tilespmem:$0xF0];
	_ =	sdelay $0x4  }
0x18b: {  	v63 =	vshll.u32 v3, $0x1  }
0x18c: {  	v3 =	vand.u32 $0x7, v3;
	v4 =	vand.u32 $0xFFFFFFF0, v63  }
0x18d: {  	v3 =	vor.u32 v3, v4  }
0x18e: {  	v4 =	vperm.xlane v3, v0;
	_ =	sdelay $0x1  }
0x18f: {  	v3 =	vperm.xlane v3, v2;
	v4 =	vadd.s32 v1, v4;
	_ =	sdelay $0x1  }
0x190: {  	v3 =	vadd.s32 v1, v3;
	_ =	sdelay $0x1  }
0x191: {  	s25 =	simm.s32 $0xF100  }
0x192: {  	[tilespmem:s25], [sflag:$0x1] =	stream.indirect_vreg.gather [hbm4b:s2+s1], $0x80, v4, vm0, $0xb8;
	[tilespmem:$0x10100] =	vst v63  }
0x193: {  	s26 =	simm.s32 $0xF900  }
0x194: {  	[tilespmem:s26], [sflag:$0x1] =	stream.indirect_vreg.gather [hbm4b:s2+s1], $0x80, v3, vm0, $0xb8;
	[tilespmem:$0x10100] =	vst v63  }
0x195: {  	_ =	swait.ge [sflag:s17], $0x8000  }
0x196: {  	[sflag:s17] =	ssyncset.done $0x0  }
0x197: {  	[sflag:s17] =	ssyncadd.s32 $0xFFFF8000  }
0x198: {  	_ =	swait.ge [sflag:s17], $0x8000  }
0x199: {  	[sflag:s17] =	ssyncset.done $0x0  }
0x19a: {  	s28 =	rddreg [dreg:$0x8];
	[sflag:s17] =	ssyncadd.s32 $0xFFFF8000  }
0x19b: {  	[hbm4b:s28+s1] =	stream.linear.scatter [tilespmem:s29], [sflag:$0x2], $0x8000, $0x38;
	[tilespmem:$0x10100] =	vst v63  }
0x19c: {  	_ =	swait.ge [sflag:s10], $0x8000  }
0x19d: {  	[sflag:s10] =	ssyncset.done $0x0  }
.Ltmp4:
0x19e: {  	s29 =	rddreg [dreg:$0x9];
	[sflag:s10] =	ssyncadd.s32 $0xFFFF8000;
	(pc) =	sbr.rel .LBB2_5-.Ltmp4, $4  }
0x19f: {  	[hbm4b:s29+s1] =	stream.linear.scatter [tilespmem:s30], [sflag:$0x2], $0x8000, $0x38;
	[tilespmem:$0x10100] =	vst v63  }
0x1a0: {  	_ =	swait.ge [sflag:s10], $0x8000  }
0x1a1: {  	[sflag:s10] =	ssyncset.done $0x0  }
0x1a2: {  	[sflag:s10] =	ssyncadd.s32 $0xFFFF8000  }
.LBB2_6:
0x1a3: {  	_ =	sfence.sel $0x180000  }
0x1a4: {  	[bflag:$0x0] =	sbarrier.arrive $0xFFFF  }
0x1a5: {  	_ =	strace $0x9000004D  }
0x1a6: {  	[bflag:$0x2] =	sbarrier.arrive $0xFFFF  }
0x1a7: {  	s0 =	rddreg [dreg:$0x3]  }
0x1a8: {  	s0 =	sadd.s32 @!p0 $0x100000, s0  }
0x1a9: {  	[sflag:s0] =	ssyncadd.tile.s32 @!p0 $0x1;
	_ =	shalt  }
.Lfunc_end2:
_tile_overlayer_lowered:
.L_overlay_start_2:
0x1aa: {  	(tag) =	ssettag $0x2  }
0x1ab: {  	s0 =	rddreg [dreg:$0x0];
	s2 =	stileid.u32  }
0x1ac: {  	s1 =	rddreg [dreg:$0x1];
	p0 =	sne.s32 s2, $0x0  }
0x1ad: {  	s3 =	rddreg [dreg:$0x2];
	[bflag:$0x3] =	sbarrier.arrive $0xFFFF;
	s2 =	simm.s32 @!p0 $0x1C02  }
0x1ae: {  	[timem:s3], [sflag:s2] =	dma.local @!p0 [hbm:s0], s1  }
0x1af: {  	s0 =	simm.s32 @!p0 $0x2  }
0x1b0: {  	_ =	swait.ge @!p0 [sflag:s0], s1  }
0x1b1: {  	s1 =	ssub.s32 @!p0 $0x0, s1;
	[sflag:s0] =	ssyncset.done @!p0 $0x0  }
0x1b2: {  	[sflag:s0] =	ssyncadd.s32 @!p0 s1  }
0x1b3: {  	[bflag:$0x3] =	sbarrier.arrive $0xFFFF  }
0x1b4: {  	_ =	shalt  }

// kernel: kernel.20.cloned.1.call-start
scs
__scs_entry_jumppad:
0x0: {  	(pc) =	sbr.rel $0x88, $3  }
0x1: {  	(tag) =	ssettag $0x0;
	lr =	simm.s32 $0x1  }
0x2: {  	[smem:$0x3F66] =	sst lr;
	_ =	strace $0xD0000000  }
0x3: {  	_ = 	snop  }
0x4: {  	_ = 	snop  }
0x5: {  	_ = 	snop  }
0x6: {  	_ = 	snop  }
0x7: {  	_ = 	snop  }
__scs_overlays_trampoline_lowered:
0x8: {  	[smem:$0x3F75] =	sst s0  }
0x9: {  	[smem:$0x3F76] =	sst s1  }
0xa: {  	[smem:$0x3F77] =	sst s2  }
0xb: {  	[smem:$0x3F78] =	sst s3  }
0xc: {  	[smem:$0x3F79] =	sst s4  }
0xd: {  	[smem:$0x3F7A] =	sst s5  }
0xe: {  	[smem:$0x3F7B] =	sst s6  }
0xf: {  	[smem:$0x3F7C] =	sst s7  }
0x10: {  	[smem:$0x3F7D] =	sst s8  }
0x11: {  	[smem:$0x3F7E] =	sst s9;
	s0 =	simm.s32 @!p0 $0x0  }
0x12: {  	s1 =	sld [smem:$0x3F64];
	s0 =	simm.s32 @p0 $0x1  }
0x13: {  	[smem:$0x3F7F] =	sst s0;
	s0 =	simm.s32 @!p1 $0x0  }
0x14: {  	s2 =	sld [smem:$0x3F63];
	s0 =	simm.s32 @p1 $0x1  }
0x15: {  	[smem:$0x3F80] =	sst s0;
	s0 =	simm.s32 @!p2 $0x0  }
0x16: {  	s3 =	sld [smem:$0x3FDB];
	s0 =	simm.s32 @p2 $0x1  }
0x17: {  	s4 =	simm.s32 $0x1BF5;
	[smem:$0x3F82] =	sst s0  }
0x18: {  	s0 =	sld [smem:$0x3F65];
	_ =	swait.ge [sflag:s4], $0x0  }
0x19: {  	s7 =	sld [smem:$0x3F66]  }
0x1a: {  	s8 =	sadd.s32 $0xFFFFE003, lr  }
0x1b: {  	s9 =	sadd.s32 $0xFFFFFEF7, lr;
	s5 =	simm.s32 $0xFFFFFFFF;
	p2 =	slt.u32 s8, $0xFFFFF086  }
0x1c: {  	p1 =	slt.u32 s9, $0xF7A;
	s5 =	simm.s32 @!p2 $0x0  }
0x1d: {  	s5 =	simm.s32 @p1 $0x1;
	p0 =	seq.s32 s7, s2  }
0x1e: {  	s7 =	smul.u32 @!p0 $0xF7A, s2;
	p2 =	seq.s32 @!p0 s5, $0x0  }
0x1f: {  	s9 =	smul.u32 $0xF7A, s1;
	s8 =	simm.s32 @!p0 $0x1BF5;
	p2 =	por !p2, p0  }
0x20: {  	[sflag:s8] =	ssyncset.s32 @!p0 $0xFFFFF086;
	s6 =	sadd.s32 @!p0 s3, s7;
	s7 =	simm.s32 @!p0 $0x108  }
0x21: {  	s3 =	sadd.s32 s3, s9;
	s6 =	sadd.s32 @!p0 $0x88, s6;
	s7 =	simm.s32 @p2 $0x1082  }
0x22: {  	[simem:s7], [sflag:s8] =	dma.local @!p0 [hbm:s6], $0xF7A  }
0x23: {  	s9 =	sor.u32 $0xD0000000, s2;
	s6 =	simm.s32 $0x108;
	_ =	swait.ge @!p0 [sflag:s8], $0x0  }
0x24: {  	s3 =	sadd.s32 $0x88, s3;
	s6 =	simm.s32 @!p1 $0x1082;
	[sflag:s4] =	ssyncset.s32 $0xFFFFF086  }
0x25: {  	[simem:s6], [sflag:s4] =	dma.local [hbm:s3], $0xF7A  }
0x26: {  	[smem:$0x3F66] =	sst s1;
	(tag) =	ssettag s2;
	_ =	strace s9  }
0x27: {  	s1 =	sld [smem:$0x3F76]  }
0x28: {  	s2 =	sld [smem:$0x3F77]  }
0x29: {  	s4 =	sld [smem:$0x3F79]  }
0x2a: {  	p0 =	seq.s32 s5, $0x0;
	s5 =	sld [smem:$0x3F7A]  }
0x2b: {  	s6 =	sld [smem:$0x3F7B]  }
0x2c: {  	s7 =	sld [smem:$0x3F7C]  }
0x2d: {  	s3 =	simm.s32 $0x108;
	s8 =	sld [smem:$0x3F7D]  }
0x2e: {  	s3 =	simm.s32 @!p0 $0x1082;
	s9 =	sld [smem:$0x3F7E]  }
0x2f: {  	lr =	sadd.s32 s0, s3;
	s0 =	sld [smem:$0x3F75]  }
0x30: {  	s3 =	sld [smem:$0x3F78]  }
0x31: {  	[smem:$0x3F81] =	sst s10  }
0x32: {  	s10 =	sld [smem:$0x3F7F];
	_ =	sdelay $0x3  }
0x33: {  	p0 =	seq.s32 s10, $0x1;
	s10 =	sld [smem:$0x3F81];
	_ =	sdelay $0x3  }
0x34: {  	[smem:$0x3F81] =	sst s10  }
0x35: {  	s10 =	sld [smem:$0x3F80];
	_ =	sdelay $0x3  }
0x36: {  	p1 =	seq.s32 s10, $0x1;
	s10 =	sld [smem:$0x3F81];
	_ =	sdelay $0x3  }
0x37: {  	[smem:$0x3F81] =	sst s10  }
0x38: {  	s10 =	sld [smem:$0x3F82]  }
0x39: {  	_ = 	snop;
	(pc) =	sbr.ind lr, $3  }
0x3a: {  	_ = 	snop  }
0x3b: {  	_ = 	snop  }
0x3c: {  	p2 =	seq.s32 s10, $0x1;
	s10 =	sld [smem:$0x3F81]  }
0x3d: {  	_ =	shalt  }
0x3e: {  	_ =	shalt  }
0x3f: {  	_ =	shalt  }
0x40: {  	_ =	shalt  }
0x41: {  	_ =	shalt  }
0x42: {  	_ =	shalt  }
0x43: {  	_ =	shalt  }
0x44: {  	_ =	shalt  }
0x45: {  	_ =	shalt  }
0x46: {  	_ =	shalt  }
0x47: {  	_ =	shalt  }
0x48: {  	_ =	shalt  }
0x49: {  	_ =	shalt  }
0x4a: {  	_ =	shalt  }
0x4b: {  	_ =	shalt  }
0x4c: {  	_ =	shalt  }
0x4d: {  	_ =	shalt  }
0x4e: {  	_ =	shalt  }
0x4f: {  	_ =	shalt  }
0x50: {  	_ =	shalt  }
0x51: {  	_ =	shalt  }
0x52: {  	_ =	shalt  }
0x53: {  	_ =	shalt  }
0x54: {  	_ =	shalt  }
0x55: {  	_ =	shalt  }
0x56: {  	_ =	shalt  }
0x57: {  	_ =	shalt  }
0x58: {  	_ =	shalt  }
0x59: {  	_ =	shalt  }
0x5a: {  	_ =	shalt  }
0x5b: {  	_ =	shalt  }
0x5c: {  	_ =	shalt  }
0x5d: {  	_ =	shalt  }
0x5e: {  	_ =	shalt  }
0x5f: {  	_ =	shalt  }
0x60: {  	_ =	shalt  }
0x61: {  	_ =	shalt  }
0x62: {  	_ =	shalt  }
0x63: {  	_ =	shalt  }
0x64: {  	_ =	shalt  }
0x65: {  	_ =	shalt  }
0x66: {  	_ =	shalt  }
0x67: {  	_ =	shalt  }
0x68: {  	_ =	shalt  }
0x69: {  	_ =	shalt  }
0x6a: {  	_ =	shalt  }
0x6b: {  	_ =	shalt  }
0x6c: {  	_ =	shalt  }
0x6d: {  	_ =	shalt  }
0x6e: {  	_ =	shalt  }
0x6f: {  	_ =	shalt  }
0x70: {  	_ =	shalt  }
0x71: {  	_ =	shalt  }
0x72: {  	_ =	shalt  }
0x73: {  	_ =	shalt  }
0x74: {  	_ =	shalt  }
0x75: {  	_ =	shalt  }
0x76: {  	_ =	shalt  }
0x77: {  	_ =	shalt  }
0x78: {  	_ =	shalt  }
0x79: {  	_ =	shalt  }
0x7a: {  	_ =	shalt  }
0x7b: {  	_ =	shalt  }
0x7c: {  	_ =	shalt  }
0x7d: {  	_ =	shalt  }
0x7e: {  	_ =	shalt  }
0x7f: {  	_ =	shalt  }
0x80: {  	_ =	shalt  }
0x81: {  	_ =	shalt  }
0x82: {  	_ =	shalt  }
0x83: {  	_ =	shalt  }
0x84: {  	_ =	shalt  }
0x85: {  	_ =	shalt  }
0x86: {  	_ =	shalt  }
0x87: {  	_ =	shalt  }
.Lfunc_end0:
.L_simem_size_0:
called_computation.3_lowered:
.L_overlay_start_0:
0x88: {  	s2 =	sld [smem:$0x3FD9]  }
0x89: {  	s3 =	sld [smem:$0x3FFE];
	_ =	sdelay $0x1  }
0x8a: {  	s1 =	srdreg.scid  }
0x8b: {  	s0 =	sand.u32 $0x1, s1  }
0x8c: {  	s14 =	sshll.u32 s0, $0xA;
	s2 =	sadd.s32 s3, s2  }
0x8d: {  	s2 =	sadd.s32 s2, s14  }
0x8e: {  	[smem:$0x3F8D] =	sst s2  }
0x8f: {  	_ = 	snop  }
0x90: {  	s2 =	sld [smem:$0x3FD0];
	_ =	sdelay $0x2  }
0x91: {  	s15 =	simm.s32 $0xA;
	s4 =	simm.s32 $0x10  }
0x92: {  	[smem:s4], [sflag:s15] =	dma.local [hbm:s2], $0x1  }
0x93: {  	_ =	swait.eq [sflag:s15], $0x1  }
0x94: {  	[sflag:s15] =	ssyncset.done $0x0  }
0x95: {  	[sflag:s15] =	ssyncadd.s32 $0xFFFFFFFF  }
0x96: {  	s16 =	sld [smem:$0x11];
	(tm) =	ssettm $0x1  }
0x97: {  	s17 =	sld [smem:$0x3FFB];
	_ =	sdelay $0x3  }
0x98: {  	_ =	strace s17  }
0x99: {  	s3 =	sld [smem:$0x3FFC];
	_ =	sdelay $0x3  }
0x9a: {  	_ =	strace s3  }
0x9b: {  	s3 =	sld [smem:$0x3FFD];
	_ =	sdelay $0x3  }
0x9c: {  	_ =	strace s3  }
0x9d: {  	_ =	strace $0x8FFFFFFF  }
0x9e: {  	s18 =	sld [smem:$0x3FDB];
	_ =	sdelay $0x1  }
0x9f: {  	s19 =	simm.s32 $_scs_section_size  }
0xa0: {  	s5 =	simm.s32 $_size__tile_overlayer_lowered;
	s6 =	simm.s32 $_tile_overlayer_lowered  }
0xa1: {  	s22 =	simm.s32 $0x1BFF;
	s21 =	sshll.u32 s6, $0x1;
	s3 =	sadd.s32 s19, s18  }
0xa2: {  	s7 =	simm.s32 $0x0;
	s20 =	sshll.u32 s5, $0x1;
	s5 =	sadd.s32 s21, s3  }
0xa3: {  	[timem:s7], [sflag:s22] =	dma.local [hbm:s5], s20  }
0xa4: {  	_ =	swait.ge [sflag:s22], s20  }
0xa5: {  	s4 =	ssub.s32 $0x0, s20;
	[sflag:s22] =	ssyncset.done $0x0  }
0xa6: {  	[sflag:s22] =	ssyncadd.s32 s4;
	_ =	sdelay $0x1  }
0xa7: {  	s23 =	simm.s32 $0x1B8B  }
0xa8: {  	_ =	swait.ge [sflag:s23], $0x1  }
0xa9: {  	[sflag:s23] =	ssyncset.done $0x0  }
0xaa: {  	s25 =	simm.s32 $0x1B8E;
	s24 =	sld [smem:$0x3FFE];
	[sflag:s23] =	ssyncadd.s32 $0xFFFFFFFF  }
0xab: {  	s26 =	simm.s32 $execute0_lowered;
	[smem:$0x3FD2] =	sst s25  }
0xac: {  	s5 =	sshll.u32 s26, $0x1;
	_ =	strace $0x8000004F;
	[dreg:$0x1] =	wrdreg $0xFFFFFFFF  }
0xad: {  	s28 =	simm.s32 $_size_execute0_lowered;
	s3 =	sadd.s32 s3, s5;
	[dreg:$0x0] =	wrdreg $0x0  }
0xae: {  	s5 =	sshll.u32 s28, $0x1;
	[dreg:$0x2] =	wrdreg s3  }
0xaf: {  	[dreg:$0x3] =	wrdreg s5  }
0xb0: {  	[dreg:$0x4] =	wrdreg $0xC0  }
0xb1: {  	_ =	task [dreg:s7], $0x5FFFF  }
0xb2: {  	[dreg:$0x1] =	wrdreg $0xFFFFFFFF  }
0xb3: {  	[dreg:$0x0] =	wrdreg $0x60  }
0xb4: {  	[dreg:$0x2] =	wrdreg s24  }
0xb5: {  	[dreg:$0x3] =	wrdreg s16  }
0xb6: {  	[dreg:$0x4] =	wrdreg $0x40800  }
0xb7: {  	[dreg:$0x5] =	wrdreg $0x9  }
0xb8: {  	_ =	task.clear_ibuf [dreg:s7], $0x6FFFF;
	_ =	strace $0x9000004F  }
0xb9: {  	s29 =	simm.s32 $0x9;
	_ =	strace $0x80000051  }
0xba: {  	_ =	swait.ge [sflag:s29], $0x1  }
0xbb: {  	[sflag:s29] =	ssyncadd.s32 $0xFFFFFFFF  }
0xbc: {  	_ =	strace $0x90000051  }
0xbd: {  	_ =	sfence  }
0xbe: {  	s30 =	sld [smem:$0x0];
	_ =	sdelay $0x2  }
0xbf: {  	s31 =	sshll.u32 s1, $0xD;
	s1 =	sshrl.u32 s1, $0x2  }
0xc0: {  	s3 =	sand.u32 $0x4000, s31;
	s1 =	sadd.s32 s1, s30  }
0xc1: {  	s0 =	sor.u32 s3, s0;
	s1 =	sshll.u32 s1, $0x11  }
0xc2: {  	s0 =	sor.u32 s1, s0  }
0xc3: {  	s0 =	sadd.s32 $0x8F2B, s0  }
0xc4: {  	[sflag:s0] =	ssyncadd.remote.s32 $0x1  }
0xc5: {  	_ =	sfence.sel $0xFFFF  }
0xc6: {  	[dreg:$0x0] =	wrdreg $0xFFFFFFFF;
	(pc) =	sbr.abs _section_cstart, $3  }
0xc7: {  	[dreg:$0x1] =	wrdreg $0xFFFFFFFF  }
0xc8: {  	_ =	task.clear_ibuf [dreg:s7], $0x2FFFF;
	_ =	strace $0x9FFFFFFF  }
0xc9: {  	(tm) =	ssettm $0x7FFFFFFF  }
tec
execute0_lowered:
.L_overlay_start_1:
0x0: {  	(tag) =	ssettag $0x1  }
0x1: {  	s5 =	rddreg [dreg:$0x0]  }
0x2: {  	s16 =	rddreg [dreg:$0x1]  }
0x3: {  	s1 =	rddreg [dreg:$0x2]  }
0x4: {  	s0 =	rddreg [dreg:$0x3];
	s2 =	simm.s32 $0x0;
	s6 =	srdreg.scid  }
0x5: {  	s3 =	stileid.u32;
	[smem:$0x7FF] =	sst s2;
	s15 =	sadd.s32 $0x53D600, s5  }
0x6: {  	s17 =	sadd.s32 $0x13E0E00, s5;
	s4 =	sadd.s32 $0x58E00, s5;
	s18 =	sand.u32 $0x1, s6  }
0x7: {  	s26 =	smul.u32 $0x4E000, s3;
	s10 =	sadd.s32 $0x5B600, s5;
	s13 =	sadd.s32 $0xA9800, s5  }
0x8: {  	s9 =	smul.u32 $0x13800, s3;
	s20 =	sshll.u32 s3, $0x8;
	s31 =	sshll.u32 s3, $0xC  }
0x9: {  	p1 =	seq.s32 s3, $0xF;
	p0 =	sne.s32 s3, $0x0;
	_ =	strace $0x80000050  }
0xa: {  	s28 =	ssub.s32 $0x2, s18;
	s8 =	smul.u32 $0x138800, s18;
	s19 =	sshll.u32 s18, $0x7  }
0xb: {  	s18 =	sshll.u32 s18, $0xB;
	s7 =	sshrl.u32 s28, $0x1;
	s6 =	sshrl.u32 s26, $0x2  }
0xc: {  	s12 =	sor.u32 $0x27000, s19;
	s19 =	sor.u32 s19, s20;
	s20 =	simm.s32 $0x1FC1  }
0xd: {  	s14 =	ssub.s32 s28, s7;
	s5 =	sadd.s32 s6, s1;
	s6 =	sadd.s32 $0x124800, s1  }
0xe: {  	s29 =	sshrl.u32 s8, $0x3;
	s21 =	sshrl.u32 s12, $0x3;
	s9 =	sadd.s32 s9, s8  }
0xf: {  	s12 =	sshll.u32 s12, $0x4;
	s19 =	sshrl.u32 s19, $0x3;
	s11 =	sadd.s32 $0x24900, s29  }
0x10: {  	s8 =	sadd.s32 s16, s21;
	s30 =	sshrl.u32 s9, $0x3;
	s9 =	sadd.s32 s15, s12  }
.Ltmp0:
0x11: {  	s12 =	sadd.s32 s17, s12;
	s14 =	smax.u32 s14, $0x1;
	(pc) =	sbr.rel .LBB2_1-.Ltmp0, $4  }
0x12: {  	s15 =	sadd.s32 s31, s15;
	s17 =	sadd.s32 s31, s17;
	s16 =	sadd.s32 s19, s16  }
0x13: {  	s19 =	simm.s32 $0x80;
	s21 =	simm.s32 $0x0;
	s7 =	sadd.s32 s10, s11  }
0x14: {  	s10 =	sadd.s32 s10, s30;
	s11 =	sadd.s32 s13, s11;
	s13 =	sadd.s32 s13, s30  }
0x15: {  	s15 =	sadd.s32 s18, s15;
	s17 =	sadd.s32 s18, s17;
	s18 =	simm.s32 $0x1  }
.LBB2_14:
0x16: {  	s22 =	sshrl.u32 s6, $0x3  }
0x17: {  	[hbm:s11], [sflag:s20] =	dma.local [spmem:s22], $0x2800  }
0x18: {  	_ =	swait.ge [sflag:s18], $0x2800  }
0x19: {  	[sflag:s18] =	ssyncset.done $0x0  }
0x1a: {  	[sflag:s18] =	ssyncadd.s32 $0xFFFFD800  }
.LBB2_15:
0x1b: {  	s21 =	sadd.s32 $0x1, s21  }
0x1c: {  	p2 =	sne.s32 s21, s14  }
.Ltmp1:
0x1d: {  	_ = 	snop;
	(pc) =	sbr.rel @!p2 .LBB2_16-.Ltmp1, $1  }
0x1e: {  	_ =	sdelay $0x3  }
.LBB2_1:
0x1f: {  	s22 =	sshrl.u32 @p1 s6, $0x3;
	s23 =	simm.s32 @p1 $0x1FC1  }
0x20: {  	[spmem:s22], [sflag:s23] =	dma.local @p1 [hbm:s4], $0x2800  }
0x21: {  	s22 =	simm.s32 @p1 $0x1  }
0x22: {  	_ =	swait.ge @p1 [sflag:s22], $0x2800  }
0x23: {  	s23 =	sshll.u32 @!p1 s3, $0x6;
	[sflag:s22] =	ssyncset.done @p1 $0x0  }
0x24: {  	[sflag:s22] =	ssyncadd.s32 @p1 $0xFFFFD800;
	s22 =	sor.u32 @!p1 $0x1C01, s23;
	s23 =	sshrl.u32 @!p1 s5, $0x3  }
0x25: {  	[spmem:s23], [sflag:s22] =	dma.local @!p1 [hbm:s4], $0x2700  }
0x26: {  	s22 =	simm.s32 @!p1 $0x1  }
0x27: {  	_ =	swait.ge @!p1 [sflag:s22], $0x2700  }
0x28: {  	[sflag:s22] =	ssyncset.done @!p1 $0x0  }
0x29: {  	[sflag:s22] =	ssyncadd.s32 @!p1 $0xFFFFD900  }
0x2a: {  	s31 =	sadd.s32 $0x0, s16;
	[bflag:$0x0] =	sbarrier.arrive $0xFFFF  }
0x2b: {  	[tilespmem:s2], [sflag:$0x1] =	stream.linear.gather [hbm4b:s31+s2], $0x80, $0x38;
	[tilespmem:$0x17900] =	vst v63  }
0x2c: {  	_ =	swait.ge [sflag:s18], $0x80  }
0x2d: {  	[sflag:s18] =	ssyncset.done $0x0  }
0x2e: {  	[sflag:s18] =	ssyncadd.s32 $0xFFFFFF80  }
0x2f: {  	[tilespmem:s19], [sflag:$0x1] =	stream.linear.gather [hbm4b:s15+s2], $0x4000, $0x38;
	[tilespmem:$0x17900] =	vst v63  }
0x30: {  	_ =	swait.ge [sflag:s18], $0x4000  }
0x31: {  	[sflag:s18] =	ssyncset.done $0x0  }
0x32: {  	[sflag:s18] =	ssyncadd.s32 $0xFFFFC000  }
0x33: {  	[spmem:s1] =	stream.indirect.scatter.add.f32 [tilespmem:s19], [sflag:$0x1], $0x80, s2, s19, $0xb8;
	[tilespmem:$0x17900] =	vst v63  }
0x34: {  	s24 =	simm.s32 $0x400;
	_ =	swait.ge [sflag:s18], $0x4000  }
0x35: {  	s23 =	simm.s32 $0x200;
	s22 =	sadd.s32 $0x10000, s15;
	[sflag:s18] =	ssyncset.done $0x0  }
.LBB2_2:
0x36: {  	s25 =	sadd.s32 s23, s16  }
0x37: {  	[sflag:s18] =	ssyncadd.s32 $0xFFFFC000;
	s23 =	smov.u32 s24;
	s26 =	sadd.s32 $0x200, s24  }
0x38: {  	[tilespmem:s2], [sflag:$0x1] =	stream.linear.gather [hbm4b:s25+s2], $0x80, $0x38;
	[tilespmem:$0x17900] =	vst v63  }
0x39: {  	p2 =	sne.s32 s24, $0x4C00;
	_ =	swait.ge [sflag:s18], $0x80  }
0x3a: {  	[sflag:s18] =	ssyncset.done $0x0  }
0x3b: {  	[sflag:s18] =	ssyncadd.s32 $0xFFFFFF80  }
0x3c: {  	[tilespmem:s19], [sflag:$0x1] =	stream.linear.gather [hbm4b:s22+s2], $0x4000, $0x38;
	[tilespmem:$0x17900] =	vst v63  }
0x3d: {  	_ =	swait.ge [sflag:s18], $0x4000  }
.Ltmp2:
0x3e: {  	[sflag:s18] =	ssyncset.done $0x0;
	(pc) =	sbr.rel @p2 .LBB2_2-.Ltmp2, $4  }
0x3f: {  	[sflag:s18] =	ssyncadd.s32 $0xFFFFC000  }
0x40: {  	[spmem:s1] =	stream.indirect.scatter.add.f32 [tilespmem:s19], [sflag:$0x1], $0x80, s2, s19, $0xb8;
	[tilespmem:$0x17900] =	vst v63  }
0x41: {  	_ =	swait.ge [sflag:s18], $0x4000  }
0x42: {  	s24 =	smov.u32 s26;
	s22 =	sadd.s32 $0x10000, s22;
	[sflag:s18] =	ssyncset.done $0x0  }
0x43: {  	s23 =	sadd.s32 s23, s16;
	[sflag:s18] =	ssyncadd.s32 $0xFFFFC000  }
0x44: {  	[tilespmem:s2], [sflag:$0x1] =	stream.linear.gather [hbm4b:s23+s2], $0x80, $0x38;
	[tilespmem:$0x17900] =	vst v63  }
0x45: {  	_ =	swait.ge [sflag:s18], $0x80  }
0x46: {  	[sflag:s18] =	ssyncset.done $0x0  }
0x47: {  	[sflag:s18] =	ssyncadd.s32 $0xFFFFFF80  }
0x48: {  	[tilespmem:s19], [sflag:$0x1] =	stream.linear.gather [hbm4b:s22+s2], $0x4000, $0x38;
	[tilespmem:$0x17900] =	vst v63  }
0x49: {  	_ =	swait.ge [sflag:s18], $0x4000  }
0x4a: {  	[sflag:s18] =	ssyncset.done $0x0  }
.Ltmp3:
0x4b: {  	[sflag:s18] =	ssyncadd.s32 $0xFFFFC000;
	(pc) =	sbr.rel @!p0 .LBB2_4-.Ltmp3, $4  }
0x4c: {  	[spmem:s1] =	stream.indirect.scatter.add.f32 [tilespmem:s19], [sflag:$0x1], $0x80, s2, s19, $0xb8;
	[tilespmem:$0x17900] =	vst v63  }
0x4d: {  	_ =	swait.ge [sflag:s18], $0x4000  }
0x4e: {  	[sflag:s18] =	ssyncset.done $0x0  }
0x4f: {  	[sflag:s18] =	ssyncadd.s32 $0xFFFFC000  }
.Ltmp4:
0x50: {  	(pc) =	sbr.rel @!p1 .LBB2_6-.Ltmp4, $2  }
0x51: {  	_ =	sdelay $0x1  }
0x52: {  	[bflag:$0x0] =	sbarrier.arrive $0xFFFF;
	_ =	sdelay $0x1  }
0x53: {  	s22 =	sshrl.u32 s6, $0x3  }
0x54: {  	[hbm:s7], [sflag:s20] =	dma.local [spmem:s22], $0x2800  }
0x55: {  	_ =	swait.ge [sflag:s18], $0x2800  }
0x56: {  	[sflag:s18] =	ssyncset.done $0x0  }
.Ltmp5:
0x57: {  	[sflag:s18] =	ssyncadd.s32 $0xFFFFD800;
	(pc) =	sbr.rel .LBB2_8-.Ltmp5, $4  }
0x58: {  	[spmem:s22], [sflag:s20] =	dma.local [hbm:s4], $0x2800  }
0x59: {  	_ =	swait.ge [sflag:s18], $0x2800  }
0x5a: {  	[sflag:s18] =	ssyncset.done $0x0  }
0x5b: {  	[sflag:s18] =	ssyncadd.s32 $0xFFFFD800  }
.LBB2_4:
0x5c: {  	[tilespmem:s2], [sflag:$0x1] =	stream.linear.gather [hbm4b:s8+s2], $0x80, $0x38;
	[tilespmem:$0x17900] =	vst v63  }
0x5d: {  	_ =	swait.ge [sflag:s18], $0x80  }
0x5e: {  	[sflag:s18] =	ssyncset.done $0x0  }
0x5f: {  	[sflag:s18] =	ssyncadd.s32 $0xFFFFFF80  }
0x60: {  	[tilespmem:s19], [sflag:$0x1] =	stream.linear.gather [hbm4b:s9+s2], $0x4000, $0x38;
	[tilespmem:$0x17900] =	vst v63  }
0x61: {  	_ =	swait.ge [sflag:s18], $0x4000  }
0x62: {  	[sflag:s18] =	ssyncset.done $0x0  }
0x63: {  	[sflag:s18] =	ssyncadd.s32 $0xFFFFC000  }
0x64: {  	[spmem:s1] =	stream.indirect.scatter.add.f32 [tilespmem:s19], [sflag:$0x1], $0x80, s2, s19, $0xb8;
	[tilespmem:$0x17900] =	vst v63  }
0x65: {  	_ =	swait.ge [sflag:s18], $0x4000  }
0x66: {  	[sflag:s18] =	ssyncset.done $0x0  }
0x67: {  	[sflag:s18] =	ssyncadd.s32 $0xFFFFC000  }
0x68: {  	[bflag:$0x0] =	sbarrier.arrive $0xFFFF  }
.LBB2_6:
0x69: {  	s22 =	sshll.u32 s3, $0x6  }
0x6a: {  	s23 =	sshrl.u32 s5, $0x3;
	s22 =	sor.u32 $0x1C01, s22  }
0x6b: {  	[hbm:s10], [sflag:s22] =	dma.local [spmem:s23], $0x2700  }
0x6c: {  	_ =	swait.ge [sflag:s18], $0x2700  }
0x6d: {  	[sflag:s18] =	ssyncset.done $0x0  }
0x6e: {  	[sflag:s18] =	ssyncadd.s32 $0xFFFFD900  }
0x6f: {  	[spmem:s23], [sflag:s22] =	dma.local [hbm:s4], $0x2700  }
0x70: {  	_ =	swait.ge [sflag:s18], $0x2700  }
0x71: {  	[sflag:s18] =	ssyncset.done $0x0  }
0x72: {  	[sflag:s18] =	ssyncadd.s32 $0xFFFFD900  }
.LBB2_8:
0x73: {  	[bflag:$0x0] =	sbarrier.arrive $0xFFFF;
	s22 =	sadd.s32 $0x0, s16  }
0x74: {  	[tilespmem:s2], [sflag:$0x1] =	stream.linear.gather [hbm4b:s22+s2], $0x80, $0x38;
	[tilespmem:$0x17900] =	vst v63  }
0x75: {  	_ =	swait.ge [sflag:s18], $0x80  }
0x76: {  	[sflag:s18] =	ssyncset.done $0x0  }
0x77: {  	[sflag:s18] =	ssyncadd.s32 $0xFFFFFF80  }
0x78: {  	[tilespmem:s19], [sflag:$0x1] =	stream.linear.gather [hbm4b:s17+s2], $0x4000, $0x38;
	[tilespmem:$0x17900] =	vst v63  }
0x79: {  	_ =	swait.ge [sflag:s18], $0x4000  }
0x7a: {  	[sflag:s18] =	ssyncset.done $0x0  }
0x7b: {  	[sflag:s18] =	ssyncadd.s32 $0xFFFFC000  }
0x7c: {  	[spmem:s1] =	stream.indirect.scatter.add.f32 [tilespmem:s19], [sflag:$0x1], $0x80, s2, s19, $0xb8;
	[tilespmem:$0x17900] =	vst v63  }
0x7d: {  	s23 =	simm.s32 $0x200;
	_ =	swait.ge [sflag:s18], $0x4000  }
0x7e: {  	s24 =	simm.s32 $0x400;
	s22 =	sadd.s32 $0x10000, s17;
	[sflag:s18] =	ssyncset.done $0x0  }
.LBB2_9:
0x7f: {  	s25 =	sadd.s32 s23, s16  }
0x80: {  	[sflag:s18] =	ssyncadd.s32 $0xFFFFC000;
	s23 =	smov.u32 s24;
	s26 =	sadd.s32 $0x200, s24  }
0x81: {  	[tilespmem:s2], [sflag:$0x1] =	stream.linear.gather [hbm4b:s25+s2], $0x80, $0x38;
	[tilespmem:$0x17900] =	vst v63  }
0x82: {  	p2 =	sne.s32 s24, $0x4C00;
	_ =	swait.ge [sflag:s18], $0x80  }
0x83: {  	[sflag:s18] =	ssyncset.done $0x0  }
0x84: {  	[sflag:s18] =	ssyncadd.s32 $0xFFFFFF80  }
0x85: {  	[tilespmem:s19], [sflag:$0x1] =	stream.linear.gather [hbm4b:s22+s2], $0x4000, $0x38;
	[tilespmem:$0x17900] =	vst v63  }
0x86: {  	_ =	swait.ge [sflag:s18], $0x4000  }
.Ltmp6:
0x87: {  	[sflag:s18] =	ssyncset.done $0x0;
	(pc) =	sbr.rel @p2 .LBB2_9-.Ltmp6, $4  }
0x88: {  	[sflag:s18] =	ssyncadd.s32 $0xFFFFC000  }
0x89: {  	[spmem:s1] =	stream.indirect.scatter.add.f32 [tilespmem:s19], [sflag:$0x1], $0x80, s2, s19, $0xb8;
	[tilespmem:$0x17900] =	vst v63  }
0x8a: {  	_ =	swait.ge [sflag:s18], $0x4000  }
0x8b: {  	s24 =	smov.u32 s26;
	s22 =	sadd.s32 $0x10000, s22;
	[sflag:s18] =	ssyncset.done $0x0  }
0x8c: {  	s23 =	sadd.s32 s23, s16;
	[sflag:s18] =	ssyncadd.s32 $0xFFFFC000  }
0x8d: {  	[tilespmem:s2], [sflag:$0x1] =	stream.linear.gather [hbm4b:s23+s2], $0x80, $0x38;
	[tilespmem:$0x17900] =	vst v63  }
0x8e: {  	_ =	swait.ge [sflag:s18], $0x80  }
0x8f: {  	[sflag:s18] =	ssyncset.done $0x0  }
0x90: {  	[sflag:s18] =	ssyncadd.s32 $0xFFFFFF80  }
0x91: {  	[tilespmem:s19], [sflag:$0x1] =	stream.linear.gather [hbm4b:s22+s2], $0x4000, $0x38;
	[tilespmem:$0x17900] =	vst v63  }
0x92: {  	_ =	swait.ge [sflag:s18], $0x4000  }
0x93: {  	[sflag:s18] =	ssyncset.done $0x0  }
.Ltmp7:
0x94: {  	[sflag:s18] =	ssyncadd.s32 $0xFFFFC000;
	(pc) =	sbr.rel @!p0 .LBB2_11-.Ltmp7, $4  }
0x95: {  	[spmem:s1] =	stream.indirect.scatter.add.f32 [tilespmem:s19], [sflag:$0x1], $0x80, s2, s19, $0xb8;
	[tilespmem:$0x17900] =	vst v63  }
0x96: {  	_ =	swait.ge [sflag:s18], $0x4000  }
0x97: {  	[sflag:s18] =	ssyncset.done $0x0  }
0x98: {  	[sflag:s18] =	ssyncadd.s32 $0xFFFFC000  }
.Ltmp8:
0x99: {  	(pc) =	sbr.rel @p1 .LBB2_14-.Ltmp8, $4  }
.Ltmp9:
0x9a: {  	(pc) =	sbr.rel @!p1 .LBB2_13-.Ltmp9, $4  }
0x9b: {  	_ = 	snop  }
0x9c: {  	[bflag:$0x0] =	sbarrier.arrive $0xFFFF  }
0x9d: {  	_ = 	snop  }
0x9e: {  	_ = 	snop  }
.LBB2_11:
0x9f: {  	[tilespmem:s2], [sflag:$0x1] =	stream.linear.gather [hbm4b:s8+s2], $0x80, $0x38;
	[tilespmem:$0x17900] =	vst v63  }
0xa0: {  	_ =	swait.ge [sflag:s18], $0x80  }
0xa1: {  	[sflag:s18] =	ssyncset.done $0x0  }
0xa2: {  	[sflag:s18] =	ssyncadd.s32 $0xFFFFFF80  }
0xa3: {  	[tilespmem:s19], [sflag:$0x1] =	stream.linear.gather [hbm4b:s12+s2], $0x4000, $0x38;
	[tilespmem:$0x17900] =	vst v63  }
0xa4: {  	_ =	swait.ge [sflag:s18], $0x4000  }
0xa5: {  	[sflag:s18] =	ssyncset.done $0x0  }
0xa6: {  	[sflag:s18] =	ssyncadd.s32 $0xFFFFC000  }
0xa7: {  	[spmem:s1] =	stream.indirect.scatter.add.f32 [tilespmem:s19], [sflag:$0x1], $0x80, s2, s19, $0xb8;
	[tilespmem:$0x17900] =	vst v63  }
0xa8: {  	_ =	swait.ge [sflag:s18], $0x4000  }
0xa9: {  	[sflag:s18] =	ssyncset.done $0x0  }
0xaa: {  	[sflag:s18] =	ssyncadd.s32 $0xFFFFC000  }
0xab: {  	[bflag:$0x0] =	sbarrier.arrive $0xFFFF  }
.LBB2_13:
0xac: {  	s22 =	sshll.u32 s3, $0x6  }
.Ltmp10:
0xad: {  	s23 =	sshrl.u32 s5, $0x3;
	s22 =	sor.u32 $0x1C01, s22;
	(pc) =	sbr.rel .LBB2_15-.Ltmp10, $4  }
0xae: {  	[hbm:s13], [sflag:s22] =	dma.local [spmem:s23], $0x2700  }
0xaf: {  	_ =	swait.ge [sflag:s18], $0x2700  }
0xb0: {  	[sflag:s18] =	ssyncset.done $0x0  }
0xb1: {  	[sflag:s18] =	ssyncadd.s32 $0xFFFFD900  }
.LBB2_16:
0xb2: {  	_ =	sfence.sel $0x180000  }
0xb3: {  	[bflag:$0x0] =	sbarrier.arrive $0xFFFF  }
0xb4: {  	_ =	strace $0x90000050  }
0xb5: {  	s0 =	sadd.s32 @!p0 $0x100000, s0;
	[bflag:$0x2] =	sbarrier.arrive $0xFFFF  }
0xb6: {  	[sflag:s0] =	ssyncadd.tile.s32 @!p0 $0x1;
	_ =	shalt  }
.Lfunc_end2:
_tile_overlayer_lowered:
.L_overlay_start_2:
0xb7: {  	(tag) =	ssettag $0x2  }
0xb8: {  	s0 =	rddreg [dreg:$0x0];
	s2 =	stileid.u32  }
0xb9: {  	s1 =	rddreg [dreg:$0x1];
	p0 =	sne.s32 s2, $0x0  }
0xba: {  	s3 =	rddreg [dreg:$0x2];
	[bflag:$0x3] =	sbarrier.arrive $0xFFFF;
	s2 =	simm.s32 @!p0 $0x1C01  }
0xbb: {  	[timem:s3], [sflag:s2] =	dma.local @!p0 [hbm:s0], s1  }
0xbc: {  	s0 =	simm.s32 @!p0 $0x1  }
0xbd: {  	_ =	swait.ge @!p0 [sflag:s0], s1  }
0xbe: {  	s1 =	ssub.s32 @!p0 $0x0, s1;
	[sflag:s0] =	ssyncset.done @!p0 $0x0  }
0xbf: {  	[sflag:s0] =	ssyncadd.s32 @!p0 s1  }
0xc0: {  	[bflag:$0x3] =	sbarrier.arrive $0xFFFF  }
0xc1: {  	_ =	shalt  }

</sc_bundles>
